<compile_context>
chip_gen: v7x
topology: tpu7x:2x2x1
jax: 0.10.2.dev20260603
libtpu: 0.0.44.dev20260713+nightly
codegen_flags: <defaults>
</compile_context>

<pallas_src>
import jax
import jax.numpy as jnp
from jax import lax
from jax.experimental import pallas as pl
from jax.experimental.pallas import tpu as pltpu
from jax.experimental.pallas import tpu_sc as plsc

T = 2048
H = 1024
F = 1024
E = 8
TOP_K = 2
N_GROUP = 4
SF = 2048

A = T * TOP_K
NTILES = 32
CHUNK = A // NTILES
TPW = T // NTILES
BR = 512
NB = A // BR + E
PAD_ROWS = NB * BR
BT = 512



def _router_body(x_ref, gw_ref, tw_ref, te_ref, start_ref, bnd_ref):
    x32 = x_ref[...]
    logits = jnp.dot(x32, gw_ref[...].T, preferred_element_type=jnp.float32)
    s = jax.nn.softmax(logits, axis=-1)
    g = jnp.max(s.reshape(T, N_GROUP, E // N_GROUP), axis=-1)
    jidx = lax.broadcasted_iota(jnp.int32, (T, N_GROUP), 1)
    m1 = jnp.max(g, axis=-1, keepdims=True)
    i1 = jnp.min(jnp.where(g == m1, jidx, N_GROUP), axis=-1, keepdims=True)
    g2 = jnp.where(jidx == i1, -1.0, g)
    m2 = jnp.max(g2, axis=-1, keepdims=True)
    i2 = jnp.min(jnp.where(g2 == m2, jidx, N_GROUP), axis=-1, keepdims=True)
    eidx = lax.broadcasted_iota(jnp.int32, (T, E), 1)
    gid = eidx // (E // N_GROUP)
    keep = (gid == i1) | (gid == i2)
    sm = jnp.where(keep, s, 0.0)
    w1 = jnp.max(sm, axis=-1, keepdims=True)
    e1 = jnp.min(jnp.where(sm == w1, eidx, E), axis=-1, keepdims=True)
    sm2 = jnp.where(eidx == e1, -1.0, sm)
    w2v = jnp.max(sm2, axis=-1, keepdims=True)
    e2 = jnp.min(jnp.where(sm2 == w2v, eidx, E), axis=-1, keepdims=True)
    denom = w1 + w2v + 1e-20
    tw_ref[...] = jnp.concatenate([w1 / denom, w2v / denom], axis=1)
    te_ref[...] = jnp.concatenate([e1, e2], axis=1)

    onehot = ((eidx == e1).astype(jnp.float32)
              + (eidx == e2).astype(jnp.float32))
    r32 = lax.broadcasted_iota(jnp.int32, (NTILES, T), 0)
    c32 = lax.broadcasted_iota(jnp.int32, (NTILES, T), 1)
    sel = (c32 // TPW == r32).astype(jnp.float32)
    hist = jnp.dot(sel, onehot, preferred_element_type=jnp.float32)
    ri = lax.broadcasted_iota(jnp.int32, (NTILES, NTILES), 0)
    ci = lax.broadcasted_iota(jnp.int32, (NTILES, NTILES), 1)
    lt = (ci < ri).astype(jnp.float32)
    excl = jnp.dot(lt, hist, preferred_element_type=jnp.float32)
    counts = jnp.sum(hist, axis=0, keepdims=True)
    padded = jnp.floor((counts + (BR - 1)) / BR) * BR
    r8 = lax.broadcasted_iota(jnp.int32, (E, E), 0)
    c8 = lax.broadcasted_iota(jnp.int32, (E, E), 1)
    m8 = (r8 < c8).astype(jnp.float32)
    po = jnp.dot(padded, m8, preferred_element_type=jnp.float32)
    bnd = po + padded
    start = (excl + po).astype(jnp.int32)
    start_ref[...] = jnp.concatenate(
        [start, jnp.zeros((NTILES, 8), jnp.int32)], axis=1)
    bnd_ref[...] = jnp.broadcast_to(
        jnp.concatenate([bnd.astype(jnp.int32),
                         jnp.full((1, 8), PAD_ROWS, jnp.int32)], axis=1),
        (8, 16))


def _run_router(hidden, gate_w):
    return pl.pallas_call(
        _router_body,
        grid=(1,),
        in_specs=[
            pl.BlockSpec((T, H), lambda i: (0, 0)),
            pl.BlockSpec((E, H), lambda i: (0, 0)),
        ],
        out_specs=[
            pl.BlockSpec((T, 2), lambda i: (0, 0)),
            pl.BlockSpec((T, 2), lambda i: (0, 0)),
            pl.BlockSpec((NTILES, 16), lambda i: (0, 0)),
            pl.BlockSpec((8, 16), lambda i: (0, 0)),
        ],
        out_shape=[
            jax.ShapeDtypeStruct((T, 2), jnp.float32),
            jax.ShapeDtypeStruct((T, 2), jnp.int32),
            jax.ShapeDtypeStruct((NTILES, 16), jnp.int32),
            jax.ShapeDtypeStruct((8, 16), jnp.int32),
        ],
    )(hidden, gate_w)



def _dispatch_body(hid_hbm, te_hbm, start_hbm, bnd_hbm,
                   xs_hbm, da_hbm, db_hbm, bm_hbm,
                   hchunk, ev, dest, da, db, startrow, bndv, bmv,
                   sem, sem2):
    c = lax.axis_index("c")
    s = lax.axis_index("s")
    wid = s * 2 + c
    hload = pltpu.async_copy(hid_hbm.at[pl.ds(wid * TPW, TPW), :],
                             hchunk, sem2)
    pltpu.sync_copy(start_hbm.at[pl.ds(wid * 16, 16)], startrow)
    pltpu.sync_copy(te_hbm.at[pl.ds(wid * CHUNK, CHUNK)], ev)
    lane = lax.iota(jnp.int32, 16)
    cnt = startrow[...]
    for j in range(CHUNK // 16):
        evj = ev[pl.ds(j * 16, 16)]
        dst = jnp.zeros((16,), jnp.int32)
        for e in range(E):
            m = evj == e
            m01 = m.astype(jnp.int32)
            incl = plsc.cumsum(m01)
            cnt_e = jnp.sum(jnp.where(lane == e, cnt, 0))
            tot = jnp.sum(m01)
            dst = jnp.where(m, cnt_e + incl - 1, dst)
            cnt = cnt + jnp.where(lane == e, tot, 0)
        dest[pl.ds(j * 16, 16)] = dst
    for j in range(TPW // 16):
        idx_e = j * 32 + 2 * lane
        da[pl.ds(j * 16, 16)] = plsc.load_gather(dest, [idx_e])
        db[pl.ds(j * 16, 16)] = plsc.load_gather(dest, [idx_e + 1])
    hload.wait()
    cp_a = pltpu.async_copy(hchunk, xs_hbm.at[da], sem)
    cp_b = pltpu.async_copy(hchunk, xs_hbm.at[db], sem2)
    pltpu.sync_copy(da, da_hbm.at[pl.ds(wid * TPW, TPW)])
    pltpu.sync_copy(db, db_hbm.at[pl.ds(wid * TPW, TPW)])
    cp_a.wait()
    cp_b.wait()

    @pl.when(wid == 0)
    def _block_map():
        pltpu.sync_copy(bnd_hbm.at[pl.ds(0, 16)], bndv)
        bvals = bndv[...]
        for v in range(4):
            bvec = (lax.iota(jnp.int32, 16) + v * 16) * BR
            acc = jnp.zeros((16,), jnp.int32)
            for e in range(E):
                bnd_e = jnp.sum(jnp.where(lane == e, bvals, 0))
                acc = acc + (bvec >= bnd_e).astype(jnp.int32)
            bmv[pl.ds(v * 16, 16)] = acc
        pltpu.sync_copy(bmv, bm_hbm)


def _run_dispatch(hidden_bf, te_flat, start_flat, bnd_flat):
    mesh = plsc.VectorSubcoreMesh(core_axis_name="c", subcore_axis_name="s")
    return pl.kernel(
        _dispatch_body,
        out_type=[
            jax.ShapeDtypeStruct((PAD_ROWS, H), jnp.float32),
            jax.ShapeDtypeStruct((T,), jnp.int32),
            jax.ShapeDtypeStruct((T,), jnp.int32),
            jax.ShapeDtypeStruct((64,), jnp.int32),
        ],
        mesh=mesh,
        compiler_params=pltpu.CompilerParams(needs_layout_passes=False),
        scratch_types=[
            pltpu.VMEM((TPW, H), jnp.float32),
            pltpu.VMEM((CHUNK,), jnp.int32),
            pltpu.VMEM((CHUNK,), jnp.int32),
            pltpu.VMEM((TPW,), jnp.int32),
            pltpu.VMEM((TPW,), jnp.int32),
            pltpu.VMEM((16,), jnp.int32),
            pltpu.VMEM((16,), jnp.int32),
            pltpu.VMEM((64,), jnp.int32),
            pltpu.SemaphoreType.DMA,
            pltpu.SemaphoreType.DMA,
        ],
    )(hidden_bf, te_flat, start_flat, bnd_flat)



def _gemm_body(bm_ref, x_ref, w13_ref, w2_ref, out_ref):
    b = pl.program_id(0)

    @pl.when(bm_ref[b] < E)
    def _compute():
        xb = x_ref[...].astype(jnp.bfloat16)
        h1 = jnp.dot(xb, w13_ref[0].T, preferred_element_type=jnp.float32)
        g, u = jnp.split(h1, 2, axis=-1)
        h2 = (jax.nn.sigmoid(g) * g * u).astype(jnp.bfloat16)
        out_ref[...] = jnp.dot(
            h2, w2_ref[0].T, preferred_element_type=jnp.float32)


def _run_gemm(bm, xs, w13_b, w2_b):
    return pl.pallas_call(
        _gemm_body,
        grid_spec=pltpu.PrefetchScalarGridSpec(
            num_scalar_prefetch=1,
            grid=(NB,),
            in_specs=[
                pl.BlockSpec((BR, H), lambda b, bm: (b, 0)),
                pl.BlockSpec((1, 2 * F, H),
                             lambda b, bm: (jnp.minimum(bm[b], E - 1), 0, 0)),
                pl.BlockSpec((1, H, F),
                             lambda b, bm: (jnp.minimum(bm[b], E - 1), 0, 0)),
            ],
            out_specs=pl.BlockSpec((BR, H), lambda b, bm: (b, 0)),
        ),
        out_shape=jax.ShapeDtypeStruct((PAD_ROWS, H), jnp.float32),
        compiler_params=pltpu.CompilerParams(
            dimension_semantics=("arbitrary",),
        ),
    )(bm, xs, w13_b, w2_b)



def _combine_body(os_hbm, da_hbm, db_hbm, ra_hbm, rb_hbm,
                  ia, ib, rows_a, rows_b, sem_a, sem_b):
    c = lax.axis_index("c")
    s = lax.axis_index("s")
    wid = s * 2 + c
    for r in range(2):
        base = wid * TPW + r * 32
        pltpu.sync_copy(da_hbm.at[pl.ds(base, 32)], ia)
        pltpu.sync_copy(db_hbm.at[pl.ds(base, 32)], ib)
        cp_a = pltpu.async_copy(os_hbm.at[ia], rows_a, sem_a)
        cp_b = pltpu.async_copy(os_hbm.at[ib], rows_b, sem_b)
        cp_a.wait()
        pltpu.sync_copy(rows_a, ra_hbm.at[pl.ds(base, 32), :])
        cp_b.wait()
        pltpu.sync_copy(rows_b, rb_hbm.at[pl.ds(base, 32), :])


def _run_combine(os, da, db):
    mesh = plsc.VectorSubcoreMesh(core_axis_name="c", subcore_axis_name="s")
    return pl.kernel(
        _combine_body,
        out_type=[
            jax.ShapeDtypeStruct((T, H), jnp.float32),
            jax.ShapeDtypeStruct((T, H), jnp.float32),
        ],
        mesh=mesh,
        compiler_params=pltpu.CompilerParams(needs_layout_passes=False),
        scratch_types=[
            pltpu.VMEM((32,), jnp.int32),
            pltpu.VMEM((32,), jnp.int32),
            pltpu.VMEM((32, H), jnp.float32),
            pltpu.VMEM((32, H), jnp.float32),
            pltpu.SemaphoreType.DMA,
            pltpu.SemaphoreType.DMA,
        ],
    )(os, da, db)



def _final_body(x_ref, sw13_ref, sw2_ref, ra_ref, rb_ref, tw_ref, out_ref):
    xb = x_ref[...].astype(jnp.bfloat16)
    h1 = jnp.dot(xb, sw13_ref[...].T, preferred_element_type=jnp.float32)
    g, u = jnp.split(h1, 2, axis=-1)
    h2 = (jax.nn.sigmoid(g) * g * u).astype(jnp.bfloat16)
    shared = jnp.dot(h2, sw2_ref[...].T, preferred_element_type=jnp.float32)
    tw = tw_ref[...]
    out_ref[...] = (shared + tw[:, 0:1] * ra_ref[...]
                    + tw[:, 1:2] * rb_ref[...])


def _run_final(hidden, sw13_b, sw2_b, ra, rb, tw):
    return pl.pallas_call(
        _final_body,
        grid=(T // BT,),
        in_specs=[
            pl.BlockSpec((BT, H), lambda t: (t, 0)),
            pl.BlockSpec((2 * SF, H), lambda t: (0, 0)),
            pl.BlockSpec((H, SF), lambda t: (0, 0)),
            pl.BlockSpec((BT, H), lambda t: (t, 0)),
            pl.BlockSpec((BT, H), lambda t: (t, 0)),
            pl.BlockSpec((BT, 2), lambda t: (t, 0)),
        ],
        out_specs=pl.BlockSpec((BT, H), lambda t: (t, 0)),
        out_shape=jax.ShapeDtypeStruct((T, H), jnp.float32),
        compiler_params=pltpu.CompilerParams(
            dimension_semantics=("parallel",),
        ),
    )(hidden, sw13_b, sw2_b, ra, rb, tw)


def kernel(hidden_states, gate_w, w13, w2, shared_w13, shared_w2):
    w13_b = w13.astype(jnp.bfloat16)
    w2_b = w2.astype(jnp.bfloat16)
    sw13_b = shared_w13.astype(jnp.bfloat16)
    sw2_b = shared_w2.astype(jnp.bfloat16)

    tw, te, start, bnd = _run_router(hidden_states, gate_w)
    xs, da, db, bm = _run_dispatch(
        hidden_states, te.reshape(A), start.reshape(NTILES * 16), bnd[0])
    os = _run_gemm(bm, xs, w13_b, w2_b)
    ra, rb = _run_combine(os, da, db)
    return _run_final(hidden_states, sw13_b, sw2_b, ra, rb, tw)

# --- scband reference (transcript-rebuilt; emitter-appended) ---
"""Pipeline reference for scband-deepseek-v2-mo-e-8048768713516 (READ-ONLY COPY).

The authoritative reference and input builder live on the scoring server;
editing this copy changes nothing except your own understanding.
"""

import jax, jax.numpy as jnp
import numpy as np

T = 2048          # tokens (batch 1 x seq 2048)
H = 1024          # hidden_size
F = 1024          # moe_intermediate_size
E = 8             # n_routed_experts
TOP_K = 2         # num_experts_per_tok
N_GROUP = 4
TOPK_GROUP = 2
N_SHARED = 2
SF = F * N_SHARED # shared-experts intermediate size
SCALE = 1.0       # routed_scaling_factor
RENORM = True     # norm_topk_prob


def setup_inputs(seed: int = 0):
    key = jax.random.key(seed)
    ks = jax.random.split(key, 6)
    hidden_states = jax.random.normal(ks[0], (T, H), dtype=jnp.float32)
    gate_w = jax.random.normal(ks[1], (E, H), dtype=jnp.float32) * 0.02
    w13 = jax.random.normal(ks[2], (E, 2 * F, H), dtype=jnp.float32) * 0.02
    w2 = jax.random.normal(ks[3], (E, H, F), dtype=jnp.float32) * 0.02
    shared_w13 = jax.random.normal(ks[4], (2 * SF, H), dtype=jnp.float32) * 0.02
    shared_w2 = jax.random.normal(ks[5], (H, SF), dtype=jnp.float32) * 0.02
    return {"hidden_states": hidden_states, "gate_w": gate_w, "w13": w13,
            "w2": w2, "shared_w13": shared_w13, "shared_w2": shared_w2}


def _silu_and_mul(x):
    g, u = jnp.split(x, 2, axis=-1)
    return jax.nn.silu(g) * u


def _grouped_topk(logits):
    # DeepSeek grouped top-k (group_limited_greedy, softmax scoring, no correction bias)
    scores = jax.nn.softmax(logits, axis=-1)                                   # [T, E]
    group_scores = scores.reshape(T, N_GROUP, E // N_GROUP).max(axis=-1)       # [T, G]
    _, group_idx = jax.lax.top_k(group_scores, TOPK_GROUP)                     # [T, kg]
    group_mask = jnp.zeros((T, N_GROUP), scores.dtype).at[
        jnp.arange(T)[:, None], group_idx].set(1.0)                            # [T, G]
    score_mask = jnp.repeat(group_mask, E // N_GROUP, axis=1)                  # [T, E]
    masked = jnp.where(score_mask > 0, scores, 0.0)
    topk_w, topk_idx = jax.lax.top_k(masked, TOP_K)                            # [T, k]
    if RENORM:
        topk_w = topk_w / (jnp.sum(topk_w, axis=-1, keepdims=True) + 1e-20)
    return topk_w, topk_idx


def reference(hidden_states, gate_w, w13, w2, shared_w13, shared_w2):
    # shared experts (DeepseekV2MLP with intermediate = F * n_shared)
    shared_out = _silu_and_mul(hidden_states @ shared_w13.T) @ shared_w2.T
    # gate (MoEGate): plain linear -> router logits
    router_logits = hidden_states @ gate_w.T
    topk_w, topk_idx = _grouped_topk(router_logits)
    # fused MoE: weighted sum of routed expert FFN outputs
    out = jnp.zeros_like(hidden_states)
    for e in range(E):
        coef = jnp.sum(jnp.where(topk_idx == e, topk_w, 0.0), axis=-1)         # [T]
        h = _silu_and_mul(hidden_states @ w13[e].T) @ w2[e].T                  # [T, H]
        out = out + coef[:, None] * h
    final = out * SCALE + shared_out
    return final

if __name__ == "__main__":
    import jax
    _d = setup_inputs()
    print(jax.jit(kernel)(*tuple(_d.values())))

</pallas_src>

<mosaic_0001>
#map = affine_map<(d0, d1) -> (0, 0)>
#map1 = affine_map<(d0, d1) -> (0)>
module attributes {stable_mosaic.version = 14 : i64} {
  func.func @_combine_body(%arg0: i32, %arg1: i32, %arg2: memref<8192x1024xf32, #tpu.memory_space<hbm>>, %arg3: memref<2048xi32, #tpu.memory_space<hbm>>, %arg4: memref<2048xi32, #tpu.memory_space<hbm>>, %arg5: memref<2048x1024xf32, #tpu.memory_space<hbm>>, %arg6: memref<2048x1024xf32, #tpu.memory_space<hbm>>, %arg7: memref<32xi32, #tpu.memory_space<vmem>>, %arg8: memref<32xi32, #tpu.memory_space<vmem>>, %arg9: memref<32x1024xf32, #tpu.memory_space<vmem>>, %arg10: memref<32x1024xf32, #tpu.memory_space<vmem>>, %arg11: memref<!tpu.dma_semaphore, #tpu.memory_space<semaphore_mem>>, %arg12: memref<!tpu.dma_semaphore, #tpu.memory_space<semaphore_mem>>) attributes {dimension_semantics = [#tpu.dimension_semantics<core_parallel>, #tpu.dimension_semantics<subcore_parallel>], iteration_bounds = array<i64: 2, 16>, scalar_prefetch = 0 : i64, scratch_operands = 6 : i64, tpu.core_type = #tpu.core_type<sc_vector_subcore>, window_params = [{transform_indices = #map}, {transform_indices = #map1}, {transform_indices = #map1}, {transform_indices = #map}, {transform_indices = #map}]} {
    %mul3A = arith.constant 2 : i32
    %mul3A_0 = arith.muli %arg1, %mul3A : i32
    %add3A = arith.addi %mul3A_0, %arg0 : i32
    %mul3A_1 = arith.constant 64 : i32
    %mul3A_2 = arith.muli %add3A, %mul3A_1 : i32
    %add3A_3 = arith.constant 0 : i32
    %add3A_4 = arith.addi %mul3A_2, %add3A_3 : i32
    "tpu.region"() ({
      %run_scoped3A = tpu.sem_alloc : memref<!tpu.dma_semaphore, #tpu.memory_space<semaphore_mem>>
      %dma_start3A_31 = tpu.memref_slice %arg3[%add3A_4] : memref<2048xi32, #tpu.memory_space<hbm>> -> memref<32xi32, #tpu.memory_space<hbm>>
      %dma_start3A_32 = tpu.memref_slice %arg3[%add3A_4] : memref<2048xi32, #tpu.memory_space<hbm>> -> memref<32xi32, #tpu.memory_space<hbm>>
      tpu.enqueue_dma source(%dma_start3A_32 : memref<32xi32, #tpu.memory_space<hbm>>) target(%arg7 : memref<32xi32, #tpu.memory_space<vmem>>) target_semaphore(%run_scoped3A : memref<!tpu.dma_semaphore, #tpu.memory_space<semaphore_mem>>)
      %dma_wait3A_33 = tpu.memref_slice %arg3[%add3A_4] : memref<2048xi32, #tpu.memory_space<hbm>> -> memref<32xi32, #tpu.memory_space<hbm>>
      %dma_wait3A_34 = tpu.memref_slice %arg3[%add3A_4] : memref<2048xi32, #tpu.memory_space<hbm>> -> memref<32xi32, #tpu.memory_space<hbm>>
      tpu.wait_dma2 semaphore(%run_scoped3A : memref<!tpu.dma_semaphore, #tpu.memory_space<semaphore_mem>>) src(%dma_wait3A_34 : memref<32xi32, #tpu.memory_space<hbm>>) dst(%arg7 : memref<32xi32, #tpu.memory_space<vmem>>)
      tpu.yield
    }) : () -> ()
    "tpu.region"() ({
      %run_scoped3A = tpu.sem_alloc : memref<!tpu.dma_semaphore, #tpu.memory_space<semaphore_mem>>
      %dma_start3A_31 = tpu.memref_slice %arg4[%add3A_4] : memref<2048xi32, #tpu.memory_space<hbm>> -> memref<32xi32, #tpu.memory_space<hbm>>
      %dma_start3A_32 = tpu.memref_slice %arg4[%add3A_4] : memref<2048xi32, #tpu.memory_space<hbm>> -> memref<32xi32, #tpu.memory_space<hbm>>
      tpu.enqueue_dma source(%dma_start3A_32 : memref<32xi32, #tpu.memory_space<hbm>>) target(%arg8 : memref<32xi32, #tpu.memory_space<vmem>>) target_semaphore(%run_scoped3A : memref<!tpu.dma_semaphore, #tpu.memory_space<semaphore_mem>>)
      %dma_wait3A_33 = tpu.memref_slice %arg4[%add3A_4] : memref<2048xi32, #tpu.memory_space<hbm>> -> memref<32xi32, #tpu.memory_space<hbm>>
      %dma_wait3A_34 = tpu.memref_slice %arg4[%add3A_4] : memref<2048xi32, #tpu.memory_space<hbm>> -> memref<32xi32, #tpu.memory_space<hbm>>
      tpu.wait_dma2 semaphore(%run_scoped3A : memref<!tpu.dma_semaphore, #tpu.memory_space<semaphore_mem>>) src(%dma_wait3A_34 : memref<32xi32, #tpu.memory_space<hbm>>) dst(%arg8 : memref<32xi32, #tpu.memory_space<vmem>>)
      tpu.yield
    }) : () -> ()
    %dma_start3A = arith.constant 0 : i32
    %dma_start3A_5 = arith.constant 0 : i32
    %dma_start3A_6 = tpu.memref_slice %arg2[%dma_start3A, %dma_start3A_5] : memref<8192x1024xf32, #tpu.memory_space<hbm>> -> memref<8192x1024xf32, #tpu.memory_space<hbm>>
    tpu.enqueue_indirect_dma source(%dma_start3A_6 : memref<8192x1024xf32, #tpu.memory_space<hbm>>) target(%arg9 : memref<32x1024xf32, #tpu.memory_space<vmem>>) offsets(%arg7 : memref<32xi32, #tpu.memory_space<vmem>>) semaphore(%arg11 : memref<!tpu.dma_semaphore, #tpu.memory_space<semaphore_mem>>)
    %dma_start3A_7 = arith.constant 0 : i32
    %dma_start3A_8 = arith.constant 0 : i32
    %dma_start3A_9 = tpu.memref_slice %arg2[%dma_start3A_7, %dma_start3A_8] : memref<8192x1024xf32, #tpu.memory_space<hbm>> -> memref<8192x1024xf32, #tpu.memory_space<hbm>>
    tpu.enqueue_indirect_dma source(%dma_start3A_9 : memref<8192x1024xf32, #tpu.memory_space<hbm>>) target(%arg10 : memref<32x1024xf32, #tpu.memory_space<vmem>>) offsets(%arg8 : memref<32xi32, #tpu.memory_space<vmem>>) semaphore(%arg12 : memref<!tpu.dma_semaphore, #tpu.memory_space<semaphore_mem>>)
    %dma_wait3A = arith.constant 0 : i32
    %dma_wait3A_10 = arith.constant 0 : i32
    %dma_wait3A_11 = tpu.memref_slice %arg2[%dma_wait3A, %dma_wait3A_10] : memref<8192x1024xf32, #tpu.memory_space<hbm>> -> memref<8192x1024xf32, #tpu.memory_space<hbm>>
    tpu.wait_indirect_dma semaphore(%arg11 : memref<!tpu.dma_semaphore, #tpu.memory_space<semaphore_mem>>) src(%dma_wait3A_11 : memref<8192x1024xf32, #tpu.memory_space<hbm>>) dst(%arg9 : memref<32x1024xf32, #tpu.memory_space<vmem>>)
    "tpu.region"() ({
      %run_scoped3A = tpu.sem_alloc : memref<!tpu.dma_semaphore, #tpu.memory_space<semaphore_mem>>
      %dma_start3A_31 = arith.constant 0 : i32
      %dma_start3A_32 = tpu.memref_slice %arg5[%add3A_4, %dma_start3A_31] : memref<2048x1024xf32, #tpu.memory_space<hbm>> -> memref<32x1024xf32, #tpu.memory_space<hbm>>
      %dma_start3A_33 = arith.constant 0 : i32
      %dma_start3A_34 = tpu.memref_slice %arg5[%add3A_4, %dma_start3A_33] : memref<2048x1024xf32, #tpu.memory_space<hbm>> -> memref<32x1024xf32, #tpu.memory_space<hbm>>
      tpu.enqueue_dma source(%arg9 : memref<32x1024xf32, #tpu.memory_space<vmem>>) target(%dma_start3A_34 : memref<32x1024xf32, #tpu.memory_space<hbm>>) target_semaphore(%run_scoped3A : memref<!tpu.dma_semaphore, #tpu.memory_space<semaphore_mem>>)
      %dma_wait3A_35 = arith.constant 0 : i32
      %dma_wait3A_36 = tpu.memref_slice %arg5[%add3A_4, %dma_wait3A_35] : memref<2048x1024xf32, #tpu.memory_space<hbm>> -> memref<32x1024xf32, #tpu.memory_space<hbm>>
      %dma_wait3A_37 = arith.constant 0 : i32
      %dma_wait3A_38 = tpu.memref_slice %arg5[%add3A_4, %dma_wait3A_37] : memref<2048x1024xf32, #tpu.memory_space<hbm>> -> memref<32x1024xf32, #tpu.memory_space<hbm>>
      tpu.wait_dma2 semaphore(%run_scoped3A : memref<!tpu.dma_semaphore, #tpu.memory_space<semaphore_mem>>) src(%arg9 : memref<32x1024xf32, #tpu.memory_space<vmem>>) dst(%dma_wait3A_38 : memref<32x1024xf32, #tpu.memory_space<hbm>>)
      tpu.yield
    }) : () -> ()
    %dma_wait3A_12 = arith.constant 0 : i32
    %dma_wait3A_13 = arith.constant 0 : i32
    %dma_wait3A_14 = tpu.memref_slice %arg2[%dma_wait3A_12, %dma_wait3A_13] : memref<8192x1024xf32, #tpu.memory_space<hbm>> -> memref<8192x1024xf32, #tpu.memory_space<hbm>>
    tpu.wait_indirect_dma semaphore(%arg12 : memref<!tpu.dma_semaphore, #tpu.memory_space<semaphore_mem>>) src(%dma_wait3A_14 : memref<8192x1024xf32, #tpu.memory_space<hbm>>) dst(%arg10 : memref<32x1024xf32, #tpu.memory_space<vmem>>)
    "tpu.region"() ({
      %run_scoped3A = tpu.sem_alloc : memref<!tpu.dma_semaphore, #tpu.memory_space<semaphore_mem>>
      %dma_start3A_31 = arith.constant 0 : i32
      %dma_start3A_32 = tpu.memref_slice %arg6[%add3A_4, %dma_start3A_31] : memref<2048x1024xf32, #tpu.memory_space<hbm>> -> memref<32x1024xf32, #tpu.memory_space<hbm>>
      %dma_start3A_33 = arith.constant 0 : i32
      %dma_start3A_34 = tpu.memref_slice %arg6[%add3A_4, %dma_start3A_33] : memref<2048x1024xf32, #tpu.memory_space<hbm>> -> memref<32x1024xf32, #tpu.memory_space<hbm>>
      tpu.enqueue_dma source(%arg10 : memref<32x1024xf32, #tpu.memory_space<vmem>>) target(%dma_start3A_34 : memref<32x1024xf32, #tpu.memory_space<hbm>>) target_semaphore(%run_scoped3A : memref<!tpu.dma_semaphore, #tpu.memory_space<semaphore_mem>>)
      %dma_wait3A_35 = arith.constant 0 : i32
      %dma_wait3A_36 = tpu.memref_slice %arg6[%add3A_4, %dma_wait3A_35] : memref<2048x1024xf32, #tpu.memory_space<hbm>> -> memref<32x1024xf32, #tpu.memory_space<hbm>>
      %dma_wait3A_37 = arith.constant 0 : i32
      %dma_wait3A_38 = tpu.memref_slice %arg6[%add3A_4, %dma_wait3A_37] : memref<2048x1024xf32, #tpu.memory_space<hbm>> -> memref<32x1024xf32, #tpu.memory_space<hbm>>
      tpu.wait_dma2 semaphore(%run_scoped3A : memref<!tpu.dma_semaphore, #tpu.memory_space<semaphore_mem>>) src(%arg10 : memref<32x1024xf32, #tpu.memory_space<vmem>>) dst(%dma_wait3A_38 : memref<32x1024xf32, #tpu.memory_space<hbm>>)
      tpu.yield
    }) : () -> ()
    %mul3A_15 = arith.constant 64 : i32
    %mul3A_16 = arith.muli %add3A, %mul3A_15 : i32
    %add3A_17 = arith.constant 32 : i32
    %add3A_18 = arith.addi %mul3A_16, %add3A_17 : i32
    "tpu.region"() ({
      %run_scoped3A = tpu.sem_alloc : memref<!tpu.dma_semaphore, #tpu.memory_space<semaphore_mem>>
      %dma_start3A_31 = tpu.memref_slice %arg3[%add3A_18] : memref<2048xi32, #tpu.memory_space<hbm>> -> memref<32xi32, #tpu.memory_space<hbm>>
      %dma_start3A_32 = tpu.memref_slice %arg3[%add3A_18] : memref<2048xi32, #tpu.memory_space<hbm>> -> memref<32xi32, #tpu.memory_space<hbm>>
      tpu.enqueue_dma source(%dma_start3A_32 : memref<32xi32, #tpu.memory_space<hbm>>) target(%arg7 : memref<32xi32, #tpu.memory_space<vmem>>) target_semaphore(%run_scoped3A : memref<!tpu.dma_semaphore, #tpu.memory_space<semaphore_mem>>)
      %dma_wait3A_33 = tpu.memref_slice %arg3[%add3A_18] : memref<2048xi32, #tpu.memory_space<hbm>> -> memref<32xi32, #tpu.memory_space<hbm>>
      %dma_wait3A_34 = tpu.memref_slice %arg3[%add3A_18] : memref<2048xi32, #tpu.memory_space<hbm>> -> memref<32xi32, #tpu.memory_space<hbm>>
      tpu.wait_dma2 semaphore(%run_scoped3A : memref<!tpu.dma_semaphore, #tpu.memory_space<semaphore_mem>>) src(%dma_wait3A_34 : memref<32xi32, #tpu.memory_space<hbm>>) dst(%arg7 : memref<32xi32, #tpu.memory_space<vmem>>)
      tpu.yield
    }) : () -> ()
    "tpu.region"() ({
      %run_scoped3A = tpu.sem_alloc : memref<!tpu.dma_semaphore, #tpu.memory_space<semaphore_mem>>
      %dma_start3A_31 = tpu.memref_slice %arg4[%add3A_18] : memref<2048xi32, #tpu.memory_space<hbm>> -> memref<32xi32, #tpu.memory_space<hbm>>
      %dma_start3A_32 = tpu.memref_slice %arg4[%add3A_18] : memref<2048xi32, #tpu.memory_space<hbm>> -> memref<32xi32, #tpu.memory_space<hbm>>
      tpu.enqueue_dma source(%dma_start3A_32 : memref<32xi32, #tpu.memory_space<hbm>>) target(%arg8 : memref<32xi32, #tpu.memory_space<vmem>>) target_semaphore(%run_scoped3A : memref<!tpu.dma_semaphore, #tpu.memory_space<semaphore_mem>>)
      %dma_wait3A_33 = tpu.memref_slice %arg4[%add3A_18] : memref<2048xi32, #tpu.memory_space<hbm>> -> memref<32xi32, #tpu.memory_space<hbm>>
      %dma_wait3A_34 = tpu.memref_slice %arg4[%add3A_18] : memref<2048xi32, #tpu.memory_space<hbm>> -> memref<32xi32, #tpu.memory_space<hbm>>
      tpu.wait_dma2 semaphore(%run_scoped3A : memref<!tpu.dma_semaphore, #tpu.memory_space<semaphore_mem>>) src(%dma_wait3A_34 : memref<32xi32, #tpu.memory_space<hbm>>) dst(%arg8 : memref<32xi32, #tpu.memory_space<vmem>>)
      tpu.yield
    }) : () -> ()
    %dma_start3A_19 = arith.constant 0 : i32
    %dma_start3A_20 = arith.constant 0 : i32
    %dma_start3A_21 = tpu.memref_slice %arg2[%dma_start3A_19, %dma_start3A_20] : memref<8192x1024xf32, #tpu.memory_space<hbm>> -> memref<8192x1024xf32, #tpu.memory_space<hbm>>
    tpu.enqueue_indirect_dma source(%dma_start3A_21 : memref<8192x1024xf32, #tpu.memory_space<hbm>>) target(%arg9 : memref<32x1024xf32, #tpu.memory_space<vmem>>) offsets(%arg7 : memref<32xi32, #tpu.memory_space<vmem>>) semaphore(%arg11 : memref<!tpu.dma_semaphore, #tpu.memory_space<semaphore_mem>>)
    %dma_start3A_22 = arith.constant 0 : i32
    %dma_start3A_23 = arith.constant 0 : i32
    %dma_start3A_24 = tpu.memref_slice %arg2[%dma_start3A_22, %dma_start3A_23] : memref<8192x1024xf32, #tpu.memory_space<hbm>> -> memref<8192x1024xf32, #tpu.memory_space<hbm>>
    tpu.enqueue_indirect_dma source(%dma_start3A_24 : memref<8192x1024xf32, #tpu.memory_space<hbm>>) target(%arg10 : memref<32x1024xf32, #tpu.memory_space<vmem>>) offsets(%arg8 : memref<32xi32, #tpu.memory_space<vmem>>) semaphore(%arg12 : memref<!tpu.dma_semaphore, #tpu.memory_space<semaphore_mem>>)
    %dma_wait3A_25 = arith.constant 0 : i32
    %dma_wait3A_26 = arith.constant 0 : i32
    %dma_wait3A_27 = tpu.memref_slice %arg2[%dma_wait3A_25, %dma_wait3A_26] : memref<8192x1024xf32, #tpu.memory_space<hbm>> -> memref<8192x1024xf32, #tpu.memory_space<hbm>>
    tpu.wait_indirect_dma semaphore(%arg11 : memref<!tpu.dma_semaphore, #tpu.memory_space<semaphore_mem>>) src(%dma_wait3A_27 : memref<8192x1024xf32, #tpu.memory_space<hbm>>) dst(%arg9 : memref<32x1024xf32, #tpu.memory_space<vmem>>)
    "tpu.region"() ({
      %run_scoped3A = tpu.sem_alloc : memref<!tpu.dma_semaphore, #tpu.memory_space<semaphore_mem>>
      %dma_start3A_31 = arith.constant 0 : i32
      %dma_start3A_32 = tpu.memref_slice %arg5[%add3A_18, %dma_start3A_31] : memref<2048x1024xf32, #tpu.memory_space<hbm>> -> memref<32x1024xf32, #tpu.memory_space<hbm>>
      %dma_start3A_33 = arith.constant 0 : i32
      %dma_start3A_34 = tpu.memref_slice %arg5[%add3A_18, %dma_start3A_33] : memref<2048x1024xf32, #tpu.memory_space<hbm>> -> memref<32x1024xf32, #tpu.memory_space<hbm>>
      tpu.enqueue_dma source(%arg9 : memref<32x1024xf32, #tpu.memory_space<vmem>>) target(%dma_start3A_34 : memref<32x1024xf32, #tpu.memory_space<hbm>>) target_semaphore(%run_scoped3A : memref<!tpu.dma_semaphore, #tpu.memory_space<semaphore_mem>>)
      %dma_wait3A_35 = arith.constant 0 : i32
      %dma_wait3A_36 = tpu.memref_slice %arg5[%add3A_18, %dma_wait3A_35] : memref<2048x1024xf32, #tpu.memory_space<hbm>> -> memref<32x1024xf32, #tpu.memory_space<hbm>>
      %dma_wait3A_37 = arith.constant 0 : i32
      %dma_wait3A_38 = tpu.memref_slice %arg5[%add3A_18, %dma_wait3A_37] : memref<2048x1024xf32, #tpu.memory_space<hbm>> -> memref<32x1024xf32, #tpu.memory_space<hbm>>
      tpu.wait_dma2 semaphore(%run_scoped3A : memref<!tpu.dma_semaphore, #tpu.memory_space<semaphore_mem>>) src(%arg9 : memref<32x1024xf32, #tpu.memory_space<vmem>>) dst(%dma_wait3A_38 : memref<32x1024xf32, #tpu.memory_space<hbm>>)
      tpu.yield
    }) : () -> ()
    %dma_wait3A_28 = arith.constant 0 : i32
    %dma_wait3A_29 = arith.constant 0 : i32
    %dma_wait3A_30 = tpu.memref_slice %arg2[%dma_wait3A_28, %dma_wait3A_29] : memref<8192x1024xf32, #tpu.memory_space<hbm>> -> memref<8192x1024xf32, #tpu.memory_space<hbm>>
    tpu.wait_indirect_dma semaphore(%arg12 : memref<!tpu.dma_semaphore, #tpu.memory_space<semaphore_mem>>) src(%dma_wait3A_30 : memref<8192x1024xf32, #tpu.memory_space<hbm>>) dst(%arg10 : memref<32x1024xf32, #tpu.memory_space<vmem>>)
    "tpu.region"() ({
      %run_scoped3A = tpu.sem_alloc : memref<!tpu.dma_semaphore, #tpu.memory_space<semaphore_mem>>
      %dma_start3A_31 = arith.constant 0 : i32
      %dma_start3A_32 = tpu.memref_slice %arg6[%add3A_18, %dma_start3A_31] : memref<2048x1024xf32, #tpu.memory_space<hbm>> -> memref<32x1024xf32, #tpu.memory_space<hbm>>
      %dma_start3A_33 = arith.constant 0 : i32
      %dma_start3A_34 = tpu.memref_slice %arg6[%add3A_18, %dma_start3A_33] : memref<2048x1024xf32, #tpu.memory_space<hbm>> -> memref<32x1024xf32, #tpu.memory_space<hbm>>
      tpu.enqueue_dma source(%arg10 : memref<32x1024xf32, #tpu.memory_space<vmem>>) target(%dma_start3A_34 : memref<32x1024xf32, #tpu.memory_space<hbm>>) target_semaphore(%run_scoped3A : memref<!tpu.dma_semaphore, #tpu.memory_space<semaphore_mem>>)
      %dma_wait3A_35 = arith.constant 0 : i32
      %dma_wait3A_36 = tpu.memref_slice %arg6[%add3A_18, %dma_wait3A_35] : memref<2048x1024xf32, #tpu.memory_space<hbm>> -> memref<32x1024xf32, #tpu.memory_space<hbm>>
      %dma_wait3A_37 = arith.constant 0 : i32
      %dma_wait3A_38 = tpu.memref_slice %arg6[%add3A_18, %dma_wait3A_37] : memref<2048x1024xf32, #tpu.memory_space<hbm>> -> memref<32x1024xf32, #tpu.memory_space<hbm>>
      tpu.wait_dma2 semaphore(%run_scoped3A : memref<!tpu.dma_semaphore, #tpu.memory_space<semaphore_mem>>) src(%arg10 : memref<32x1024xf32, #tpu.memory_space<vmem>>) dst(%dma_wait3A_38 : memref<32x1024xf32, #tpu.memory_space<hbm>>)
      tpu.yield
    }) : () -> ()
    return
  }
}

#map = affine_map<(d0, d1) -> (0, 0)>
#map1 = affine_map<(d0, d1) -> (0)>
module attributes {stable_mosaic.version = 14 : i64} {
  func.func @_dispatch_body(%arg0: i32, %arg1: i32, %arg2: memref<2048x1024xf32, #tpu.memory_space<hbm>>, %arg3: memref<4096xi32, #tpu.memory_space<hbm>>, %arg4: memref<512xi32, #tpu.memory_space<hbm>>, %arg5: memref<16xi32, #tpu.memory_space<hbm>>, %arg6: memref<8192x1024xf32, #tpu.memory_space<hbm>>, %arg7: memref<2048xi32, #tpu.memory_space<hbm>>, %arg8: memref<2048xi32, #tpu.memory_space<hbm>>, %arg9: memref<64xi32, #tpu.memory_space<hbm>>, %arg10: memref<64x1024xf32, #tpu.memory_space<vmem>>, %arg11: memref<128xi32, #tpu.memory_space<vmem>>, %arg12: memref<128xi32, #tpu.memory_space<vmem>>, %arg13: memref<64xi32, #tpu.memory_space<vmem>>, %arg14: memref<64xi32, #tpu.memory_space<vmem>>, %arg15: memref<16xi32, #tpu.memory_space<vmem>>, %arg16: memref<16xi32, #tpu.memory_space<vmem>>, %arg17: memref<64xi32, #tpu.memory_space<vmem>>, %arg18: memref<!tpu.dma_semaphore, #tpu.memory_space<semaphore_mem>>, %arg19: memref<!tpu.dma_semaphore, #tpu.memory_space<semaphore_mem>>) attributes {dimension_semantics = [#tpu.dimension_semantics<core_parallel>, #tpu.dimension_semantics<subcore_parallel>], iteration_bounds = array<i64: 2, 16>, scalar_prefetch = 0 : i64, scratch_operands = 10 : i64, tpu.core_type = #tpu.core_type<sc_vector_subcore>, window_params = [{transform_indices = #map}, {transform_indices = #map1}, {transform_indices = #map1}, {transform_indices = #map1}, {transform_indices = #map}, {transform_indices = #map1}, {transform_indices = #map1}, {transform_indices = #map1}]} {
    %mul3A = arith.constant 2 : i32
    %mul3A_0 = arith.muli %arg1, %mul3A : i32
    %add3A = arith.addi %mul3A_0, %arg0 : i32
    %mul3A_1 = arith.constant 64 : i32
    %mul3A_2 = arith.muli %add3A, %mul3A_1 : i32
    %dma_start3A = arith.constant 0 : i32
    %dma_start3A_3 = tpu.memref_slice %arg2[%mul3A_2, %dma_start3A] : memref<2048x1024xf32, #tpu.memory_space<hbm>> -> memref<64x1024xf32, #tpu.memory_space<hbm>>
    %dma_start3A_4 = arith.constant 0 : i32
    %dma_start3A_5 = tpu.memref_slice %arg2[%mul3A_2, %dma_start3A_4] : memref<2048x1024xf32, #tpu.memory_space<hbm>> -> memref<64x1024xf32, #tpu.memory_space<hbm>>
    tpu.enqueue_dma source(%dma_start3A_5 : memref<64x1024xf32, #tpu.memory_space<hbm>>) target(%arg10 : memref<64x1024xf32, #tpu.memory_space<vmem>>) target_semaphore(%arg19 : memref<!tpu.dma_semaphore, #tpu.memory_space<semaphore_mem>>)
    %mul3A_6 = arith.constant 16 : i32
    %mul3A_7 = arith.muli %add3A, %mul3A_6 : i32
    "tpu.region"() ({
      %run_scoped3A = tpu.sem_alloc : memref<!tpu.dma_semaphore, #tpu.memory_space<semaphore_mem>>
      %dma_start3A_2372 = tpu.memref_slice %arg4[%mul3A_7] : memref<512xi32, #tpu.memory_space<hbm>> -> memref<16xi32, #tpu.memory_space<hbm>>
      %dma_start3A_2373 = tpu.memref_slice %arg4[%mul3A_7] : memref<512xi32, #tpu.memory_space<hbm>> -> memref<16xi32, #tpu.memory_space<hbm>>
      tpu.enqueue_dma source(%dma_start3A_2373 : memref<16xi32, #tpu.memory_space<hbm>>) target(%arg15 : memref<16xi32, #tpu.memory_space<vmem>>) target_semaphore(%run_scoped3A : memref<!tpu.dma_semaphore, #tpu.memory_space<semaphore_mem>>)
      %dma_wait3A_2374 = tpu.memref_slice %arg4[%mul3A_7] : memref<512xi32, #tpu.memory_space<hbm>> -> memref<16xi32, #tpu.memory_space<hbm>>
      %dma_wait3A_2375 = tpu.memref_slice %arg4[%mul3A_7] : memref<512xi32, #tpu.memory_space<hbm>> -> memref<16xi32, #tpu.memory_space<hbm>>
      tpu.wait_dma2 semaphore(%run_scoped3A : memref<!tpu.dma_semaphore, #tpu.memory_space<semaphore_mem>>) src(%dma_wait3A_2375 : memref<16xi32, #tpu.memory_space<hbm>>) dst(%arg15 : memref<16xi32, #tpu.memory_space<vmem>>)
      tpu.yield
    }) : () -> ()
    %mul3A_8 = arith.constant 128 : i32
    %mul3A_9 = arith.muli %add3A, %mul3A_8 : i32
    "tpu.region"() ({
      %run_scoped3A = tpu.sem_alloc : memref<!tpu.dma_semaphore, #tpu.memory_space<semaphore_mem>>
      %dma_start3A_2372 = tpu.memref_slice %arg3[%mul3A_9] : memref<4096xi32, #tpu.memory_space<hbm>> -> memref<128xi32, #tpu.memory_space<hbm>>
      %dma_start3A_2373 = tpu.memref_slice %arg3[%mul3A_9] : memref<4096xi32, #tpu.memory_space<hbm>> -> memref<128xi32, #tpu.memory_space<hbm>>
      tpu.enqueue_dma source(%dma_start3A_2373 : memref<128xi32, #tpu.memory_space<hbm>>) target(%arg11 : memref<128xi32, #tpu.memory_space<vmem>>) target_semaphore(%run_scoped3A : memref<!tpu.dma_semaphore, #tpu.memory_space<semaphore_mem>>)
      %dma_wait3A_2374 = tpu.memref_slice %arg3[%mul3A_9] : memref<4096xi32, #tpu.memory_space<hbm>> -> memref<128xi32, #tpu.memory_space<hbm>>
      %dma_wait3A_2375 = tpu.memref_slice %arg3[%mul3A_9] : memref<4096xi32, #tpu.memory_space<hbm>> -> memref<128xi32, #tpu.memory_space<hbm>>
      tpu.wait_dma2 semaphore(%run_scoped3A : memref<!tpu.dma_semaphore, #tpu.memory_space<semaphore_mem>>) src(%dma_wait3A_2375 : memref<128xi32, #tpu.memory_space<hbm>>) dst(%arg11 : memref<128xi32, #tpu.memory_space<vmem>>)
      tpu.yield
    }) : () -> ()
    %iota3A = tpu.iota {dimensions = array<i32: 0>} : vector<16xi32>
    %get3A = arith.constant 0 : index
    %get3A_10 = tpu.vector_load %arg15[%get3A] {strides = array<i32>} : memref<16xi32, #tpu.memory_space<vmem>>, vector<16xi32>,
    %get3A_11 = arith.constant 0 : index
    %get3A_12 = tpu.vector_load %arg11[%get3A_11] {strides = array<i32>} : memref<128xi32, #tpu.memory_space<vmem>>, vector<16xi32>,
    %broadcast_in_dim3A = arith.constant 0 : i32
    %broadcast_in_dim3A_13 = vector.broadcast %broadcast_in_dim3A : i32 to vector<16xi32>
    %eq3A = arith.constant 0 : i32
    %eq3A_14 = vector.broadcast %eq3A : i32 to vector<16xi32>
    %eq3A_15 = arith.cmpi eq, %get3A_12, %eq3A_14 : vector<16xi32>
    %convert_element_type3A = arith.extui %eq3A_15 : vector<16xi1> to vector<16xi32>
    %broadcast_in_dim3A_16 = arith.constant true
    %broadcast_in_dim3A_17 = vector.broadcast %broadcast_in_dim3A_16 : i1 to vector<16xi1>
    %masked_cumsum3A = tpu.scan <sum>, %convert_element_type3A masked %broadcast_in_dim3A_17 : vector<16xi32>, vector<16xi1> -> vector<16xi32>
    %eq3A_18 = arith.constant 0 : i32
    %eq3A_19 = vector.broadcast %eq3A_18 : i32 to vector<16xi32>
    %eq3A_20 = arith.cmpi eq, %iota3A, %eq3A_19 : vector<16xi32>
    %jit3A = arith.constant 0 : i32
    %broadcast_in_dim3A_21 = vector.broadcast %jit3A : i32 to vector<16xi32>
    %select_n3A = arith.select %eq3A_20, %get3A_10, %broadcast_in_dim3A_21 : vector<16xi1>, vector<16xi32>
    %reduce_sum3A = arith.constant true
    %reduce_sum3A_22 = vector.broadcast %reduce_sum3A : i1 to vector<16xi1>
    %reduce_sum3A_23 = tpu.scan <sum>, %select_n3A masked %reduce_sum3A_22 : vector<16xi32>, vector<16xi1> -> vector<16xi32>
    %reduce_sum3A_24 = vector.extract %reduce_sum3A_23[15] : i32 from vector<16xi32>
    %reduce_sum3A_25 = arith.constant true
    %reduce_sum3A_26 = vector.broadcast %reduce_sum3A_25 : i1 to vector<16xi1>
    %reduce_sum3A_27 = tpu.scan <sum>, %convert_element_type3A masked %reduce_sum3A_26 : vector<16xi32>, vector<16xi1> -> vector<16xi32>
    %reduce_sum3A_28 = vector.extract %reduce_sum3A_27[15] : i32 from vector<16xi32>
    %add3A_29 = vector.broadcast %reduce_sum3A_24 : i32 to vector<16xi32>
    %add3A_30 = arith.addi %add3A_29, %masked_cumsum3A : vector<16xi32>
    %sub3A = arith.constant 1 : i32
    %sub3A_31 = vector.broadcast %sub3A : i32 to vector<16xi32>
    %sub3A_32 = arith.subi %add3A_30, %sub3A_31 : vector<16xi32>
    %select_n3A_33 = arith.select %eq3A_15, %sub3A_32, %broadcast_in_dim3A_13 : vector<16xi1>, vector<16xi32>
    %eq3A_34 = arith.constant 0 : i32
    %eq3A_35 = vector.broadcast %eq3A_34 : i32 to vector<16xi32>
    %eq3A_36 = arith.cmpi eq, %iota3A, %eq3A_35 : vector<16xi32>
    %jit3A_37 = arith.constant 0 : i32
    %broadcast_in_dim3A_38 = vector.broadcast %reduce_sum3A_28 : i32 to vector<16xi32>
    %broadcast_in_dim3A_39 = vector.broadcast %jit3A_37 : i32 to vector<16xi32>
    %select_n3A_40 = arith.select %eq3A_36, %broadcast_in_dim3A_38, %broadcast_in_dim3A_39 : vector<16xi1>, vector<16xi32>
    %add3A_41 = arith.addi %get3A_10, %select_n3A_40 : vector<16xi32>
    %eq3A_42 = arith.constant 1 : i32
    %eq3A_43 = vector.broadcast %eq3A_42 : i32 to vector<16xi32>
    %eq3A_44 = arith.cmpi eq, %get3A_12, %eq3A_43 : vector<16xi32>
    %convert_element_type3A_45 = arith.extui %eq3A_44 : vector<16xi1> to vector<16xi32>
    %broadcast_in_dim3A_46 = arith.constant true
    %broadcast_in_dim3A_47 = vector.broadcast %broadcast_in_dim3A_46 : i1 to vector<16xi1>
    %masked_cumsum3A_48 = tpu.scan <sum>, %convert_element_type3A_45 masked %broadcast_in_dim3A_47 : vector<16xi32>, vector<16xi1> -> vector<16xi32>
    %eq3A_49 = arith.constant 1 : i32
    %eq3A_50 = vector.broadcast %eq3A_49 : i32 to vector<16xi32>
    %eq3A_51 = arith.cmpi eq, %iota3A, %eq3A_50 : vector<16xi32>
    %jit3A_52 = arith.constant 0 : i32
    %broadcast_in_dim3A_53 = vector.broadcast %jit3A_52 : i32 to vector<16xi32>
    %select_n3A_54 = arith.select %eq3A_51, %add3A_41, %broadcast_in_dim3A_53 : vector<16xi1>, vector<16xi32>
    %reduce_sum3A_55 = arith.constant true
    %reduce_sum3A_56 = vector.broadcast %reduce_sum3A_55 : i1 to vector<16xi1>
    %reduce_sum3A_57 = tpu.scan <sum>, %select_n3A_54 masked %reduce_sum3A_56 : vector<16xi32>, vector<16xi1> -> vector<16xi32>
    %reduce_sum3A_58 = vector.extract %reduce_sum3A_57[15] : i32 from vector<16xi32>
    %reduce_sum3A_59 = arith.constant true
    %reduce_sum3A_60 = vector.broadcast %reduce_sum3A_59 : i1 to vector<16xi1>
    %reduce_sum3A_61 = tpu.scan <sum>, %convert_element_type3A_45 masked %reduce_sum3A_60 : vector<16xi32>, vector<16xi1> -> vector<16xi32>
    %reduce_sum3A_62 = vector.extract %reduce_sum3A_61[15] : i32 from vector<16xi32>
    %add3A_63 = vector.broadcast %reduce_sum3A_58 : i32 to vector<16xi32>
    %add3A_64 = arith.addi %add3A_63, %masked_cumsum3A_48 : vector<16xi32>
    %sub3A_65 = arith.constant 1 : i32
    %sub3A_66 = vector.broadcast %sub3A_65 : i32 to vector<16xi32>
    %sub3A_67 = arith.subi %add3A_64, %sub3A_66 : vector<16xi32>
    %select_n3A_68 = arith.select %eq3A_44, %sub3A_67, %select_n3A_33 : vector<16xi1>, vector<16xi32>
    %eq3A_69 = arith.constant 1 : i32
    %eq3A_70 = vector.broadcast %eq3A_69 : i32 to vector<16xi32>
    %eq3A_71 = arith.cmpi eq, %iota3A, %eq3A_70 : vector<16xi32>
    %jit3A_72 = arith.constant 0 : i32
    %broadcast_in_dim3A_73 = vector.broadcast %reduce_sum3A_62 : i32 to vector<16xi32>
    %broadcast_in_dim3A_74 = vector.broadcast %jit3A_72 : i32 to vector<16xi32>
    %select_n3A_75 = arith.select %eq3A_71, %broadcast_in_dim3A_73, %broadcast_in_dim3A_74 : vector<16xi1>, vector<16xi32>
    %add3A_76 = arith.addi %add3A_41, %select_n3A_75 : vector<16xi32>
    %eq3A_77 = arith.constant 2 : i32
    %eq3A_78 = vector.broadcast %eq3A_77 : i32 to vector<16xi32>
    %eq3A_79 = arith.cmpi eq, %get3A_12, %eq3A_78 : vector<16xi32>
    %convert_element_type3A_80 = arith.extui %eq3A_79 : vector<16xi1> to vector<16xi32>
    %broadcast_in_dim3A_81 = arith.constant true
    %broadcast_in_dim3A_82 = vector.broadcast %broadcast_in_dim3A_81 : i1 to vector<16xi1>
    %masked_cumsum3A_83 = tpu.scan <sum>, %convert_element_type3A_80 masked %broadcast_in_dim3A_82 : vector<16xi32>, vector<16xi1> -> vector<16xi32>
    %eq3A_84 = arith.constant 2 : i32
    %eq3A_85 = vector.broadcast %eq3A_84 : i32 to vector<16xi32>
    %eq3A_86 = arith.cmpi eq, %iota3A, %eq3A_85 : vector<16xi32>
    %jit3A_87 = arith.constant 0 : i32
    %broadcast_in_dim3A_88 = vector.broadcast %jit3A_87 : i32 to vector<16xi32>
    %select_n3A_89 = arith.select %eq3A_86, %add3A_76, %broadcast_in_dim3A_88 : vector<16xi1>, vector<16xi32>
    %reduce_sum3A_90 = arith.constant true
    %reduce_sum3A_91 = vector.broadcast %reduce_sum3A_90 : i1 to vector<16xi1>
    %reduce_sum3A_92 = tpu.scan <sum>, %select_n3A_89 masked %reduce_sum3A_91 : vector<16xi32>, vector<16xi1> -> vector<16xi32>
    %reduce_sum3A_93 = vector.extract %reduce_sum3A_92[15] : i32 from vector<16xi32>
    %reduce_sum3A_94 = arith.constant true
    %reduce_sum3A_95 = vector.broadcast %reduce_sum3A_94 : i1 to vector<16xi1>
    %reduce_sum3A_96 = tpu.scan <sum>, %convert_element_type3A_80 masked %reduce_sum3A_95 : vector<16xi32>, vector<16xi1> -> vector<16xi32>
    %reduce_sum3A_97 = vector.extract %reduce_sum3A_96[15] : i32 from vector<16xi32>
    %add3A_98 = vector.broadcast %reduce_sum3A_93 : i32 to vector<16xi32>
    %add3A_99 = arith.addi %add3A_98, %masked_cumsum3A_83 : vector<16xi32>
    %sub3A_100 = arith.constant 1 : i32
    %sub3A_101 = vector.broadcast %sub3A_100 : i32 to vector<16xi32>
    %sub3A_102 = arith.subi %add3A_99, %sub3A_101 : vector<16xi32>
    %select_n3A_103 = arith.select %eq3A_79, %sub3A_102, %select_n3A_68 : vector<16xi1>, vector<16xi32>
    %eq3A_104 = arith.constant 2 : i32
    %eq3A_105 = vector.broadcast %eq3A_104 : i32 to vector<16xi32>
    %eq3A_106 = arith.cmpi eq, %iota3A, %eq3A_105 : vector<16xi32>
    %jit3A_107 = arith.constant 0 : i32
    %broadcast_in_dim3A_108 = vector.broadcast %reduce_sum3A_97 : i32 to vector<16xi32>
    %broadcast_in_dim3A_109 = vector.broadcast %jit3A_107 : i32 to vector<16xi32>
    %select_n3A_110 = arith.select %eq3A_106, %broadcast_in_dim3A_108, %broadcast_in_dim3A_109 : vector<16xi1>, vector<16xi32>
    %add3A_111 = arith.addi %add3A_76, %select_n3A_110 : vector<16xi32>
    %eq3A_112 = arith.constant 3 : i32
    %eq3A_113 = vector.broadcast %eq3A_112 : i32 to vector<16xi32>
    %eq3A_114 = arith.cmpi eq, %get3A_12, %eq3A_113 : vector<16xi32>
    %convert_element_type3A_115 = arith.extui %eq3A_114 : vector<16xi1> to vector<16xi32>
    %broadcast_in_dim3A_116 = arith.constant true
    %broadcast_in_dim3A_117 = vector.broadcast %broadcast_in_dim3A_116 : i1 to vector<16xi1>
    %masked_cumsum3A_118 = tpu.scan <sum>, %convert_element_type3A_115 masked %broadcast_in_dim3A_117 : vector<16xi32>, vector<16xi1> -> vector<16xi32>
    %eq3A_119 = arith.constant 3 : i32
    %eq3A_120 = vector.broadcast %eq3A_119 : i32 to vector<16xi32>
    %eq3A_121 = arith.cmpi eq, %iota3A, %eq3A_120 : vector<16xi32>
    %jit3A_122 = arith.constant 0 : i32
    %broadcast_in_dim3A_123 = vector.broadcast %jit3A_122 : i32 to vector<16xi32>
    %select_n3A_124 = arith.select %eq3A_121, %add3A_111, %broadcast_in_dim3A_123 : vector<16xi1>, vector<16xi32>
    %reduce_sum3A_125 = arith.constant true
    %reduce_sum3A_126 = vector.broadcast %reduce_sum3A_125 : i1 to vector<16xi1>
    %reduce_sum3A_127 = tpu.scan <sum>, %select_n3A_124 masked %reduce_sum3A_126 : vector<16xi32>, vector<16xi1> -> vector<16xi32>
    %reduce_sum3A_128 = vector.extract %reduce_sum3A_127[15] : i32 from vector<16xi32>
    %reduce_sum3A_129 = arith.constant true
    %reduce_sum3A_130 = vector.broadcast %reduce_sum3A_129 : i1 to vector<16xi1>
    %reduce_sum3A_131 = tpu.scan <sum>, %convert_element_type3A_115 masked %reduce_sum3A_130 : vector<16xi32>, vector<16xi1> -> vector<16xi32>
    %reduce_sum3A_132 = vector.extract %reduce_sum3A_131[15] : i32 from vector<16xi32>
    %add3A_133 = vector.broadcast %reduce_sum3A_128 : i32 to vector<16xi32>
    %add3A_134 = arith.addi %add3A_133, %masked_cumsum3A_118 : vector<16xi32>
    %sub3A_135 = arith.constant 1 : i32
    %sub3A_136 = vector.broadcast %sub3A_135 : i32 to vector<16xi32>
    %sub3A_137 = arith.subi %add3A_134, %sub3A_136 : vector<16xi32>
    %select_n3A_138 = arith.select %eq3A_114, %sub3A_137, %select_n3A_103 : vector<16xi1>, vector<16xi32>
    %eq3A_139 = arith.constant 3 : i32
    %eq3A_140 = vector.broadcast %eq3A_139 : i32 to vector<16xi32>
    %eq3A_141 = arith.cmpi eq, %iota3A, %eq3A_140 : vector<16xi32>
    %jit3A_142 = arith.constant 0 : i32
    %broadcast_in_dim3A_143 = vector.broadcast %reduce_sum3A_132 : i32 to vector<16xi32>
    %broadcast_in_dim3A_144 = vector.broadcast %jit3A_142 : i32 to vector<16xi32>
    %select_n3A_145 = arith.select %eq3A_141, %broadcast_in_dim3A_143, %broadcast_in_dim3A_144 : vector<16xi1>, vector<16xi32>
    %add3A_146 = arith.addi %add3A_111, %select_n3A_145 : vector<16xi32>
    %eq3A_147 = arith.constant 4 : i32
    %eq3A_148 = vector.broadcast %eq3A_147 : i32 to vector<16xi32>
    %eq3A_149 = arith.cmpi eq, %get3A_12, %eq3A_148 : vector<16xi32>
    %convert_element_type3A_150 = arith.extui %eq3A_149 : vector<16xi1> to vector<16xi32>
    %broadcast_in_dim3A_151 = arith.constant true
    %broadcast_in_dim3A_152 = vector.broadcast %broadcast_in_dim3A_151 : i1 to vector<16xi1>
    %masked_cumsum3A_153 = tpu.scan <sum>, %convert_element_type3A_150 masked %broadcast_in_dim3A_152 : vector<16xi32>, vector<16xi1> -> vector<16xi32>
    %eq3A_154 = arith.constant 4 : i32
    %eq3A_155 = vector.broadcast %eq3A_154 : i32 to vector<16xi32>
    %eq3A_156 = arith.cmpi eq, %iota3A, %eq3A_155 : vector<16xi32>
    %jit3A_157 = arith.constant 0 : i32
    %broadcast_in_dim3A_158 = vector.broadcast %jit3A_157 : i32 to vector<16xi32>
    %select_n3A_159 = arith.select %eq3A_156, %add3A_146, %broadcast_in_dim3A_158 : vector<16xi1>, vector<16xi32>
    %reduce_sum3A_160 = arith.constant true
    %reduce_sum3A_161 = vector.broadcast %reduce_sum3A_160 : i1 to vector<16xi1>
    %reduce_sum3A_162 = tpu.scan <sum>, %select_n3A_159 masked %reduce_sum3A_161 : vector<16xi32>, vector<16xi1> -> vector<16xi32>
    %reduce_sum3A_163 = vector.extract %reduce_sum3A_162[15] : i32 from vector<16xi32>
    %reduce_sum3A_164 = arith.constant true
    %reduce_sum3A_165 = vector.broadcast %reduce_sum3A_164 : i1 to vector<16xi1>
    %reduce_sum3A_166 = tpu.scan <sum>, %convert_element_type3A_150 masked %reduce_sum3A_165 : vector<16xi32>, vector<16xi1> -> vector<16xi32>
    %reduce_sum3A_167 = vector.extract %reduce_sum3A_166[15] : i32 from vector<16xi32>
    %add3A_168 = vector.broadcast %reduce_sum3A_163 : i32 to vector<16xi32>
    %add3A_169 = arith.addi %add3A_168, %masked_cumsum3A_153 : vector<16xi32>
    %sub3A_170 = arith.constant 1 : i32
    %sub3A_171 = vector.broadcast %sub3A_170 : i32 to vector<16xi32>
    %sub3A_172 = arith.subi %add3A_169, %sub3A_171 : vector<16xi32>
    %select_n3A_173 = arith.select %eq3A_149, %sub3A_172, %select_n3A_138 : vector<16xi1>, vector<16xi32>
    %eq3A_174 = arith.constant 4 : i32
    %eq3A_175 = vector.broadcast %eq3A_174 : i32 to vector<16xi32>
    %eq3A_176 = arith.cmpi eq, %iota3A, %eq3A_175 : vector<16xi32>
    %jit3A_177 = arith.constant 0 : i32
    %broadcast_in_dim3A_178 = vector.broadcast %reduce_sum3A_167 : i32 to vector<16xi32>
    %broadcast_in_dim3A_179 = vector.broadcast %jit3A_177 : i32 to vector<16xi32>
    %select_n3A_180 = arith.select %eq3A_176, %broadcast_in_dim3A_178, %broadcast_in_dim3A_179 : vector<16xi1>, vector<16xi32>
    %add3A_181 = arith.addi %add3A_146, %select_n3A_180 : vector<16xi32>
    %eq3A_182 = arith.constant 5 : i32
    %eq3A_183 = vector.broadcast %eq3A_182 : i32 to vector<16xi32>
    %eq3A_184 = arith.cmpi eq, %get3A_12, %eq3A_183 : vector<16xi32>
    %convert_element_type3A_185 = arith.extui %eq3A_184 : vector<16xi1> to vector<16xi32>
    %broadcast_in_dim3A_186 = arith.constant true
    %broadcast_in_dim3A_187 = vector.broadcast %broadcast_in_dim3A_186 : i1 to vector<16xi1>
    %masked_cumsum3A_188 = tpu.scan <sum>, %convert_element_type3A_185 masked %broadcast_in_dim3A_187 : vector<16xi32>, vector<16xi1> -> vector<16xi32>
    %eq3A_189 = arith.constant 5 : i32
    %eq3A_190 = vector.broadcast %eq3A_189 : i32 to vector<16xi32>
    %eq3A_191 = arith.cmpi eq, %iota3A, %eq3A_190 : vector<16xi32>
    %jit3A_192 = arith.constant 0 : i32
    %broadcast_in_dim3A_193 = vector.broadcast %jit3A_192 : i32 to vector<16xi32>
    %select_n3A_194 = arith.select %eq3A_191, %add3A_181, %broadcast_in_dim3A_193 : vector<16xi1>, vector<16xi32>
    %reduce_sum3A_195 = arith.constant true
    %reduce_sum3A_196 = vector.broadcast %reduce_sum3A_195 : i1 to vector<16xi1>
    %reduce_sum3A_197 = tpu.scan <sum>, %select_n3A_194 masked %reduce_sum3A_196 : vector<16xi32>, vector<16xi1> -> vector<16xi32>
    %reduce_sum3A_198 = vector.extract %reduce_sum3A_197[15] : i32 from vector<16xi32>
    %reduce_sum3A_199 = arith.constant true
    %reduce_sum3A_200 = vector.broadcast %reduce_sum3A_199 : i1 to vector<16xi1>
    %reduce_sum3A_201 = tpu.scan <sum>, %convert_element_type3A_185 masked %reduce_sum3A_200 : vector<16xi32>, vector<16xi1> -> vector<16xi32>
    %reduce_sum3A_202 = vector.extract %reduce_sum3A_201[15] : i32 from vector<16xi32>
    %add3A_203 = vector.broadcast %reduce_sum3A_198 : i32 to vector<16xi32>
    %add3A_204 = arith.addi %add3A_203, %masked_cumsum3A_188 : vector<16xi32>
    %sub3A_205 = arith.constant 1 : i32
    %sub3A_206 = vector.broadcast %sub3A_205 : i32 to vector<16xi32>
    %sub3A_207 = arith.subi %add3A_204, %sub3A_206 : vector<16xi32>
    %select_n3A_208 = arith.select %eq3A_184, %sub3A_207, %select_n3A_173 : vector<16xi1>, vector<16xi32>
    %eq3A_209 = arith.constant 5 : i32
    %eq3A_210 = vector.broadcast %eq3A_209 : i32 to vector<16xi32>
    %eq3A_211 = arith.cmpi eq, %iota3A, %eq3A_210 : vector<16xi32>
    %jit3A_212 = arith.constant 0 : i32
    %broadcast_in_dim3A_213 = vector.broadcast %reduce_sum3A_202 : i32 to vector<16xi32>
    %broadcast_in_dim3A_214 = vector.broadcast %jit3A_212 : i32 to vector<16xi32>
    %select_n3A_215 = arith.select %eq3A_211, %broadcast_in_dim3A_213, %broadcast_in_dim3A_214 : vector<16xi1>, vector<16xi32>
    %add3A_216 = arith.addi %add3A_181, %select_n3A_215 : vector<16xi32>
    %eq3A_217 = arith.constant 6 : i32
    %eq3A_218 = vector.broadcast %eq3A_217 : i32 to vector<16xi32>
    %eq3A_219 = arith.cmpi eq, %get3A_12, %eq3A_218 : vector<16xi32>
    %convert_element_type3A_220 = arith.extui %eq3A_219 : vector<16xi1> to vector<16xi32>
    %broadcast_in_dim3A_221 = arith.constant true
    %broadcast_in_dim3A_222 = vector.broadcast %broadcast_in_dim3A_221 : i1 to vector<16xi1>
    %masked_cumsum3A_223 = tpu.scan <sum>, %convert_element_type3A_220 masked %broadcast_in_dim3A_222 : vector<16xi32>, vector<16xi1> -> vector<16xi32>
    %eq3A_224 = arith.constant 6 : i32
    %eq3A_225 = vector.broadcast %eq3A_224 : i32 to vector<16xi32>
    %eq3A_226 = arith.cmpi eq, %iota3A, %eq3A_225 : vector<16xi32>
    %jit3A_227 = arith.constant 0 : i32
    %broadcast_in_dim3A_228 = vector.broadcast %jit3A_227 : i32 to vector<16xi32>
    %select_n3A_229 = arith.select %eq3A_226, %add3A_216, %broadcast_in_dim3A_228 : vector<16xi1>, vector<16xi32>
    %reduce_sum3A_230 = arith.constant true
    %reduce_sum3A_231 = vector.broadcast %reduce_sum3A_230 : i1 to vector<16xi1>
    %reduce_sum3A_232 = tpu.scan <sum>, %select_n3A_229 masked %reduce_sum3A_231 : vector<16xi32>, vector<16xi1> -> vector<16xi32>
    %reduce_sum3A_233 = vector.extract %reduce_sum3A_232[15] : i32 from vector<16xi32>
    %reduce_sum3A_234 = arith.constant true
    %reduce_sum3A_235 = vector.broadcast %reduce_sum3A_234 : i1 to vector<16xi1>
    %reduce_sum3A_236 = tpu.scan <sum>, %convert_element_type3A_220 masked %reduce_sum3A_235 : vector<16xi32>, vector<16xi1> -> vector<16xi32>
    %reduce_sum3A_237 = vector.extract %reduce_sum3A_236[15] : i32 from vector<16xi32>
    %add3A_238 = vector.broadcast %reduce_sum3A_233 : i32 to vector<16xi32>
    %add3A_239 = arith.addi %add3A_238, %masked_cumsum3A_223 : vector<16xi32>
    %sub3A_240 = arith.constant 1 : i32
    %sub3A_241 = vector.broadcast %sub3A_240 : i32 to vector<16xi32>
    %sub3A_242 = arith.subi %add3A_239, %sub3A_241 : vector<16xi32>
    %select_n3A_243 = arith.select %eq3A_219, %sub3A_242, %select_n3A_208 : vector<16xi1>, vector<16xi32>
    %eq3A_244 = arith.constant 6 : i32
    %eq3A_245 = vector.broadcast %eq3A_244 : i32 to vector<16xi32>
    %eq3A_246 = arith.cmpi eq, %iota3A, %eq3A_245 : vector<16xi32>
    %jit3A_247 = arith.constant 0 : i32
    %broadcast_in_dim3A_248 = vector.broadcast %reduce_sum3A_237 : i32 to vector<16xi32>
    %broadcast_in_dim3A_249 = vector.broadcast %jit3A_247 : i32 to vector<16xi32>
    %select_n3A_250 = arith.select %eq3A_246, %broadcast_in_dim3A_248, %broadcast_in_dim3A_249 : vector<16xi1>, vector<16xi32>
    %add3A_251 = arith.addi %add3A_216, %select_n3A_250 : vector<16xi32>
    %eq3A_252 = arith.constant 7 : i32
    %eq3A_253 = vector.broadcast %eq3A_252 : i32 to vector<16xi32>
    %eq3A_254 = arith.cmpi eq, %get3A_12, %eq3A_253 : vector<16xi32>
    %convert_element_type3A_255 = arith.extui %eq3A_254 : vector<16xi1> to vector<16xi32>
    %broadcast_in_dim3A_256 = arith.constant true
    %broadcast_in_dim3A_257 = vector.broadcast %broadcast_in_dim3A_256 : i1 to vector<16xi1>
    %masked_cumsum3A_258 = tpu.scan <sum>, %convert_element_type3A_255 masked %broadcast_in_dim3A_257 : vector<16xi32>, vector<16xi1> -> vector<16xi32>
    %eq3A_259 = arith.constant 7 : i32
    %eq3A_260 = vector.broadcast %eq3A_259 : i32 to vector<16xi32>
    %eq3A_261 = arith.cmpi eq, %iota3A, %eq3A_260 : vector<16xi32>
    %jit3A_262 = arith.constant 0 : i32
    %broadcast_in_dim3A_263 = vector.broadcast %jit3A_262 : i32 to vector<16xi32>
    %select_n3A_264 = arith.select %eq3A_261, %add3A_251, %broadcast_in_dim3A_263 : vector<16xi1>, vector<16xi32>
    %reduce_sum3A_265 = arith.constant true
    %reduce_sum3A_266 = vector.broadcast %reduce_sum3A_265 : i1 to vector<16xi1>
    %reduce_sum3A_267 = tpu.scan <sum>, %select_n3A_264 masked %reduce_sum3A_266 : vector<16xi32>, vector<16xi1> -> vector<16xi32>
    %reduce_sum3A_268 = vector.extract %reduce_sum3A_267[15] : i32 from vector<16xi32>
    %reduce_sum3A_269 = arith.constant true
    %reduce_sum3A_270 = vector.broadcast %reduce_sum3A_269 : i1 to vector<16xi1>
    %reduce_sum3A_271 = tpu.scan <sum>, %convert_element_type3A_255 masked %reduce_sum3A_270 : vector<16xi32>, vector<16xi1> -> vector<16xi32>
    %reduce_sum3A_272 = vector.extract %reduce_sum3A_271[15] : i32 from vector<16xi32>
    %add3A_273 = vector.broadcast %reduce_sum3A_268 : i32 to vector<16xi32>
    %add3A_274 = arith.addi %add3A_273, %masked_cumsum3A_258 : vector<16xi32>
    %sub3A_275 = arith.constant 1 : i32
    %sub3A_276 = vector.broadcast %sub3A_275 : i32 to vector<16xi32>
    %sub3A_277 = arith.subi %add3A_274, %sub3A_276 : vector<16xi32>
    %select_n3A_278 = arith.select %eq3A_254, %sub3A_277, %select_n3A_243 : vector<16xi1>, vector<16xi32>
    %eq3A_279 = arith.constant 7 : i32
    %eq3A_280 = vector.broadcast %eq3A_279 : i32 to vector<16xi32>
    %eq3A_281 = arith.cmpi eq, %iota3A, %eq3A_280 : vector<16xi32>
    %jit3A_282 = arith.constant 0 : i32
    %broadcast_in_dim3A_283 = vector.broadcast %reduce_sum3A_272 : i32 to vector<16xi32>
    %broadcast_in_dim3A_284 = vector.broadcast %jit3A_282 : i32 to vector<16xi32>
    %select_n3A_285 = arith.select %eq3A_281, %broadcast_in_dim3A_283, %broadcast_in_dim3A_284 : vector<16xi1>, vector<16xi32>
    %add3A_286 = arith.addi %add3A_251, %select_n3A_285 : vector<16xi32>
    %swap3A = arith.constant 0 : index
    %swap3A_287 = tpu.vector_load %arg12[%swap3A] {strides = array<i32>} : memref<128xi32, #tpu.memory_space<vmem>>, vector<16xi32>,
    tpu.vector_store %arg12[%swap3A], %select_n3A_278 {strides = array<i32>} : memref<128xi32, #tpu.memory_space<vmem>>, vector<16xi32>,
    %get3A_288 = arith.constant 16 : index
    %get3A_289 = tpu.vector_load %arg11[%get3A_288] {strides = array<i32>} : memref<128xi32, #tpu.memory_space<vmem>>, vector<16xi32>,
    %broadcast_in_dim3A_290 = arith.constant 0 : i32
    %broadcast_in_dim3A_291 = vector.broadcast %broadcast_in_dim3A_290 : i32 to vector<16xi32>
    %eq3A_292 = arith.constant 0 : i32
    %eq3A_293 = vector.broadcast %eq3A_292 : i32 to vector<16xi32>
    %eq3A_294 = arith.cmpi eq, %get3A_289, %eq3A_293 : vector<16xi32>
    %convert_element_type3A_295 = arith.extui %eq3A_294 : vector<16xi1> to vector<16xi32>
    %broadcast_in_dim3A_296 = arith.constant true
    %broadcast_in_dim3A_297 = vector.broadcast %broadcast_in_dim3A_296 : i1 to vector<16xi1>
    %masked_cumsum3A_298 = tpu.scan <sum>, %convert_element_type3A_295 masked %broadcast_in_dim3A_297 : vector<16xi32>, vector<16xi1> -> vector<16xi32>
    %eq3A_299 = arith.constant 0 : i32
    %eq3A_300 = vector.broadcast %eq3A_299 : i32 to vector<16xi32>
    %eq3A_301 = arith.cmpi eq, %iota3A, %eq3A_300 : vector<16xi32>
    %jit3A_302 = arith.constant 0 : i32
    %broadcast_in_dim3A_303 = vector.broadcast %jit3A_302 : i32 to vector<16xi32>
    %select_n3A_304 = arith.select %eq3A_301, %add3A_286, %broadcast_in_dim3A_303 : vector<16xi1>, vector<16xi32>
    %reduce_sum3A_305 = arith.constant true
    %reduce_sum3A_306 = vector.broadcast %reduce_sum3A_305 : i1 to vector<16xi1>
    %reduce_sum3A_307 = tpu.scan <sum>, %select_n3A_304 masked %reduce_sum3A_306 : vector<16xi32>, vector<16xi1> -> vector<16xi32>
    %reduce_sum3A_308 = vector.extract %reduce_sum3A_307[15] : i32 from vector<16xi32>
    %reduce_sum3A_309 = arith.constant true
    %reduce_sum3A_310 = vector.broadcast %reduce_sum3A_309 : i1 to vector<16xi1>
    %reduce_sum3A_311 = tpu.scan <sum>, %convert_element_type3A_295 masked %reduce_sum3A_310 : vector<16xi32>, vector<16xi1> -> vector<16xi32>
    %reduce_sum3A_312 = vector.extract %reduce_sum3A_311[15] : i32 from vector<16xi32>
    %add3A_313 = vector.broadcast %reduce_sum3A_308 : i32 to vector<16xi32>
    %add3A_314 = arith.addi %add3A_313, %masked_cumsum3A_298 : vector<16xi32>
    %sub3A_315 = arith.constant 1 : i32
    %sub3A_316 = vector.broadcast %sub3A_315 : i32 to vector<16xi32>
    %sub3A_317 = arith.subi %add3A_314, %sub3A_316 : vector<16xi32>
    %select_n3A_318 = arith.select %eq3A_294, %sub3A_317, %broadcast_in_dim3A_291 : vector<16xi1>, vector<16xi32>
    %eq3A_319 = arith.constant 0 : i32
    %eq3A_320 = vector.broadcast %eq3A_319 : i32 to vector<16xi32>
    %eq3A_321 = arith.cmpi eq, %iota3A, %eq3A_320 : vector<16xi32>
    %jit3A_322 = arith.constant 0 : i32
    %broadcast_in_dim3A_323 = vector.broadcast %reduce_sum3A_312 : i32 to vector<16xi32>
    %broadcast_in_dim3A_324 = vector.broadcast %jit3A_322 : i32 to vector<16xi32>
    %select_n3A_325 = arith.select %eq3A_321, %broadcast_in_dim3A_323, %broadcast_in_dim3A_324 : vector<16xi1>, vector<16xi32>
    %add3A_326 = arith.addi %add3A_286, %select_n3A_325 : vector<16xi32>
    %eq3A_327 = arith.constant 1 : i32
    %eq3A_328 = vector.broadcast %eq3A_327 : i32 to vector<16xi32>
    %eq3A_329 = arith.cmpi eq, %get3A_289, %eq3A_328 : vector<16xi32>
    %convert_element_type3A_330 = arith.extui %eq3A_329 : vector<16xi1> to vector<16xi32>
    %broadcast_in_dim3A_331 = arith.constant true
    %broadcast_in_dim3A_332 = vector.broadcast %broadcast_in_dim3A_331 : i1 to vector<16xi1>
    %masked_cumsum3A_333 = tpu.scan <sum>, %convert_element_type3A_330 masked %broadcast_in_dim3A_332 : vector<16xi32>, vector<16xi1> -> vector<16xi32>
    %eq3A_334 = arith.constant 1 : i32
    %eq3A_335 = vector.broadcast %eq3A_334 : i32 to vector<16xi32>
    %eq3A_336 = arith.cmpi eq, %iota3A, %eq3A_335 : vector<16xi32>
    %jit3A_337 = arith.constant 0 : i32
    %broadcast_in_dim3A_338 = vector.broadcast %jit3A_337 : i32 to vector<16xi32>
    %select_n3A_339 = arith.select %eq3A_336, %add3A_326, %broadcast_in_dim3A_338 : vector<16xi1>, vector<16xi32>
    %reduce_sum3A_340 = arith.constant true
    %reduce_sum3A_341 = vector.broadcast %reduce_sum3A_340 : i1 to vector<16xi1>
    %reduce_sum3A_342 = tpu.scan <sum>, %select_n3A_339 masked %reduce_sum3A_341 : vector<16xi32>, vector<16xi1> -> vector<16xi32>
    %reduce_sum3A_343 = vector.extract %reduce_sum3A_342[15] : i32 from vector<16xi32>
    %reduce_sum3A_344 = arith.constant true
    %reduce_sum3A_345 = vector.broadcast %reduce_sum3A_344 : i1 to vector<16xi1>
    %reduce_sum3A_346 = tpu.scan <sum>, %convert_element_type3A_330 masked %reduce_sum3A_345 : vector<16xi32>, vector<16xi1> -> vector<16xi32>
    %reduce_sum3A_347 = vector.extract %reduce_sum3A_346[15] : i32 from vector<16xi32>
    %add3A_348 = vector.broadcast %reduce_sum3A_343 : i32 to vector<16xi32>
    %add3A_349 = arith.addi %add3A_348, %masked_cumsum3A_333 : vector<16xi32>
    %sub3A_350 = arith.constant 1 : i32
    %sub3A_351 = vector.broadcast %sub3A_350 : i32 to vector<16xi32>
    %sub3A_352 = arith.subi %add3A_349, %sub3A_351 : vector<16xi32>
    %select_n3A_353 = arith.select %eq3A_329, %sub3A_352, %select_n3A_318 : vector<16xi1>, vector<16xi32>
    %eq3A_354 = arith.constant 1 : i32
    %eq3A_355 = vector.broadcast %eq3A_354 : i32 to vector<16xi32>
    %eq3A_356 = arith.cmpi eq, %iota3A, %eq3A_355 : vector<16xi32>
    %jit3A_357 = arith.constant 0 : i32
    %broadcast_in_dim3A_358 = vector.broadcast %reduce_sum3A_347 : i32 to vector<16xi32>
    %broadcast_in_dim3A_359 = vector.broadcast %jit3A_357 : i32 to vector<16xi32>
    %select_n3A_360 = arith.select %eq3A_356, %broadcast_in_dim3A_358, %broadcast_in_dim3A_359 : vector<16xi1>, vector<16xi32>
    %add3A_361 = arith.addi %add3A_326, %select_n3A_360 : vector<16xi32>
    %eq3A_362 = arith.constant 2 : i32
    %eq3A_363 = vector.broadcast %eq3A_362 : i32 to vector<16xi32>
    %eq3A_364 = arith.cmpi eq, %get3A_289, %eq3A_363 : vector<16xi32>
    %convert_element_type3A_365 = arith.extui %eq3A_364 : vector<16xi1> to vector<16xi32>
    %broadcast_in_dim3A_366 = arith.constant true
    %broadcast_in_dim3A_367 = vector.broadcast %broadcast_in_dim3A_366 : i1 to vector<16xi1>
    %masked_cumsum3A_368 = tpu.scan <sum>, %convert_element_type3A_365 masked %broadcast_in_dim3A_367 : vector<16xi32>, vector<16xi1> -> vector<16xi32>
    %eq3A_369 = arith.constant 2 : i32
    %eq3A_370 = vector.broadcast %eq3A_369 : i32 to vector<16xi32>
    %eq3A_371 = arith.cmpi eq, %iota3A, %eq3A_370 : vector<16xi32>
    %jit3A_372 = arith.constant 0 : i32
    %broadcast_in_dim3A_373 = vector.broadcast %jit3A_372 : i32 to vector<16xi32>
    %select_n3A_374 = arith.select %eq3A_371, %add3A_361, %broadcast_in_dim3A_373 : vector<16xi1>, vector<16xi32>
    %reduce_sum3A_375 = arith.constant true
    %reduce_sum3A_376 = vector.broadcast %reduce_sum3A_375 : i1 to vector<16xi1>
    %reduce_sum3A_377 = tpu.scan <sum>, %select_n3A_374 masked %reduce_sum3A_376 : vector<16xi32>, vector<16xi1> -> vector<16xi32>
    %reduce_sum3A_378 = vector.extract %reduce_sum3A_377[15] : i32 from vector<16xi32>
    %reduce_sum3A_379 = arith.constant true
    %reduce_sum3A_380 = vector.broadcast %reduce_sum3A_379 : i1 to vector<16xi1>
    %reduce_sum3A_381 = tpu.scan <sum>, %convert_element_type3A_365 masked %reduce_sum3A_380 : vector<16xi32>, vector<16xi1> -> vector<16xi32>
    %reduce_sum3A_382 = vector.extract %reduce_sum3A_381[15] : i32 from vector<16xi32>
    %add3A_383 = vector.broadcast %reduce_sum3A_378 : i32 to vector<16xi32>
    %add3A_384 = arith.addi %add3A_383, %masked_cumsum3A_368 : vector<16xi32>
    %sub3A_385 = arith.constant 1 : i32
    %sub3A_386 = vector.broadcast %sub3A_385 : i32 to vector<16xi32>
    %sub3A_387 = arith.subi %add3A_384, %sub3A_386 : vector<16xi32>
    %select_n3A_388 = arith.select %eq3A_364, %sub3A_387, %select_n3A_353 : vector<16xi1>, vector<16xi32>
    %eq3A_389 = arith.constant 2 : i32
    %eq3A_390 = vector.broadcast %eq3A_389 : i32 to vector<16xi32>
    %eq3A_391 = arith.cmpi eq, %iota3A, %eq3A_390 : vector<16xi32>
    %jit3A_392 = arith.constant 0 : i32
    %broadcast_in_dim3A_393 = vector.broadcast %reduce_sum3A_382 : i32 to vector<16xi32>
    %broadcast_in_dim3A_394 = vector.broadcast %jit3A_392 : i32 to vector<16xi32>
    %select_n3A_395 = arith.select %eq3A_391, %broadcast_in_dim3A_393, %broadcast_in_dim3A_394 : vector<16xi1>, vector<16xi32>
    %add3A_396 = arith.addi %add3A_361, %select_n3A_395 : vector<16xi32>
    %eq3A_397 = arith.constant 3 : i32
    %eq3A_398 = vector.broadcast %eq3A_397 : i32 to vector<16xi32>
    %eq3A_399 = arith.cmpi eq, %get3A_289, %eq3A_398 : vector<16xi32>
    %convert_element_type3A_400 = arith.extui %eq3A_399 : vector<16xi1> to vector<16xi32>
    %broadcast_in_dim3A_401 = arith.constant true
    %broadcast_in_dim3A_402 = vector.broadcast %broadcast_in_dim3A_401 : i1 to vector<16xi1>
    %masked_cumsum3A_403 = tpu.scan <sum>, %convert_element_type3A_400 masked %broadcast_in_dim3A_402 : vector<16xi32>, vector<16xi1> -> vector<16xi32>
    %eq3A_404 = arith.constant 3 : i32
    %eq3A_405 = vector.broadcast %eq3A_404 : i32 to vector<16xi32>
    %eq3A_406 = arith.cmpi eq, %iota3A, %eq3A_405 : vector<16xi32>
    %jit3A_407 = arith.constant 0 : i32
    %broadcast_in_dim3A_408 = vector.broadcast %jit3A_407 : i32 to vector<16xi32>
    %select_n3A_409 = arith.select %eq3A_406, %add3A_396, %broadcast_in_dim3A_408 : vector<16xi1>, vector<16xi32>
    %reduce_sum3A_410 = arith.constant true
    %reduce_sum3A_411 = vector.broadcast %reduce_sum3A_410 : i1 to vector<16xi1>
    %reduce_sum3A_412 = tpu.scan <sum>, %select_n3A_409 masked %reduce_sum3A_411 : vector<16xi32>, vector<16xi1> -> vector<16xi32>
    %reduce_sum3A_413 = vector.extract %reduce_sum3A_412[15] : i32 from vector<16xi32>
    %reduce_sum3A_414 = arith.constant true
    %reduce_sum3A_415 = vector.broadcast %reduce_sum3A_414 : i1 to vector<16xi1>
    %reduce_sum3A_416 = tpu.scan <sum>, %convert_element_type3A_400 masked %reduce_sum3A_415 : vector<16xi32>, vector<16xi1> -> vector<16xi32>
    %reduce_sum3A_417 = vector.extract %reduce_sum3A_416[15] : i32 from vector<16xi32>
    %add3A_418 = vector.broadcast %reduce_sum3A_413 : i32 to vector<16xi32>
    %add3A_419 = arith.addi %add3A_418, %masked_cumsum3A_403 : vector<16xi32>
    %sub3A_420 = arith.constant 1 : i32
    %sub3A_421 = vector.broadcast %sub3A_420 : i32 to vector<16xi32>
    %sub3A_422 = arith.subi %add3A_419, %sub3A_421 : vector<16xi32>
    %select_n3A_423 = arith.select %eq3A_399, %sub3A_422, %select_n3A_388 : vector<16xi1>, vector<16xi32>
    %eq3A_424 = arith.constant 3 : i32
    %eq3A_425 = vector.broadcast %eq3A_424 : i32 to vector<16xi32>
    %eq3A_426 = arith.cmpi eq, %iota3A, %eq3A_425 : vector<16xi32>
    %jit3A_427 = arith.constant 0 : i32
    %broadcast_in_dim3A_428 = vector.broadcast %reduce_sum3A_417 : i32 to vector<16xi32>
    %broadcast_in_dim3A_429 = vector.broadcast %jit3A_427 : i32 to vector<16xi32>
    %select_n3A_430 = arith.select %eq3A_426, %broadcast_in_dim3A_428, %broadcast_in_dim3A_429 : vector<16xi1>, vector<16xi32>
    %add3A_431 = arith.addi %add3A_396, %select_n3A_430 : vector<16xi32>
    %eq3A_432 = arith.constant 4 : i32
    %eq3A_433 = vector.broadcast %eq3A_432 : i32 to vector<16xi32>
    %eq3A_434 = arith.cmpi eq, %get3A_289, %eq3A_433 : vector<16xi32>
    %convert_element_type3A_435 = arith.extui %eq3A_434 : vector<16xi1> to vector<16xi32>
    %broadcast_in_dim3A_436 = arith.constant true
    %broadcast_in_dim3A_437 = vector.broadcast %broadcast_in_dim3A_436 : i1 to vector<16xi1>
    %masked_cumsum3A_438 = tpu.scan <sum>, %convert_element_type3A_435 masked %broadcast_in_dim3A_437 : vector<16xi32>, vector<16xi1> -> vector<16xi32>
    %eq3A_439 = arith.constant 4 : i32
    %eq3A_440 = vector.broadcast %eq3A_439 : i32 to vector<16xi32>
    %eq3A_441 = arith.cmpi eq, %iota3A, %eq3A_440 : vector<16xi32>
    %jit3A_442 = arith.constant 0 : i32
    %broadcast_in_dim3A_443 = vector.broadcast %jit3A_442 : i32 to vector<16xi32>
    %select_n3A_444 = arith.select %eq3A_441, %add3A_431, %broadcast_in_dim3A_443 : vector<16xi1>, vector<16xi32>
    %reduce_sum3A_445 = arith.constant true
    %reduce_sum3A_446 = vector.broadcast %reduce_sum3A_445 : i1 to vector<16xi1>
    %reduce_sum3A_447 = tpu.scan <sum>, %select_n3A_444 masked %reduce_sum3A_446 : vector<16xi32>, vector<16xi1> -> vector<16xi32>
    %reduce_sum3A_448 = vector.extract %reduce_sum3A_447[15] : i32 from vector<16xi32>
    %reduce_sum3A_449 = arith.constant true
    %reduce_sum3A_450 = vector.broadcast %reduce_sum3A_449 : i1 to vector<16xi1>
    %reduce_sum3A_451 = tpu.scan <sum>, %convert_element_type3A_435 masked %reduce_sum3A_450 : vector<16xi32>, vector<16xi1> -> vector<16xi32>
    %reduce_sum3A_452 = vector.extract %reduce_sum3A_451[15] : i32 from vector<16xi32>
    %add3A_453 = vector.broadcast %reduce_sum3A_448 : i32 to vector<16xi32>
    %add3A_454 = arith.addi %add3A_453, %masked_cumsum3A_438 : vector<16xi32>
    %sub3A_455 = arith.constant 1 : i32
    %sub3A_456 = vector.broadcast %sub3A_455 : i32 to vector<16xi32>
    %sub3A_457 = arith.subi %add3A_454, %sub3A_456 : vector<16xi32>
    %select_n3A_458 = arith.select %eq3A_434, %sub3A_457, %select_n3A_423 : vector<16xi1>, vector<16xi32>
    %eq3A_459 = arith.constant 4 : i32
    %eq3A_460 = vector.broadcast %eq3A_459 : i32 to vector<16xi32>
    %eq3A_461 = arith.cmpi eq, %iota3A, %eq3A_460 : vector<16xi32>
    %jit3A_462 = arith.constant 0 : i32
    %broadcast_in_dim3A_463 = vector.broadcast %reduce_sum3A_452 : i32 to vector<16xi32>
    %broadcast_in_dim3A_464 = vector.broadcast %jit3A_462 : i32 to vector<16xi32>
    %select_n3A_465 = arith.select %eq3A_461, %broadcast_in_dim3A_463, %broadcast_in_dim3A_464 : vector<16xi1>, vector<16xi32>
    %add3A_466 = arith.addi %add3A_431, %select_n3A_465 : vector<16xi32>
    %eq3A_467 = arith.constant 5 : i32
    %eq3A_468 = vector.broadcast %eq3A_467 : i32 to vector<16xi32>
    %eq3A_469 = arith.cmpi eq, %get3A_289, %eq3A_468 : vector<16xi32>
    %convert_element_type3A_470 = arith.extui %eq3A_469 : vector<16xi1> to vector<16xi32>
    %broadcast_in_dim3A_471 = arith.constant true
    %broadcast_in_dim3A_472 = vector.broadcast %broadcast_in_dim3A_471 : i1 to vector<16xi1>
    %masked_cumsum3A_473 = tpu.scan <sum>, %convert_element_type3A_470 masked %broadcast_in_dim3A_472 : vector<16xi32>, vector<16xi1> -> vector<16xi32>
    %eq3A_474 = arith.constant 5 : i32
    %eq3A_475 = vector.broadcast %eq3A_474 : i32 to vector<16xi32>
    %eq3A_476 = arith.cmpi eq, %iota3A, %eq3A_475 : vector<16xi32>
    %jit3A_477 = arith.constant 0 : i32
    %broadcast_in_dim3A_478 = vector.broadcast %jit3A_477 : i32 to vector<16xi32>
    %select_n3A_479 = arith.select %eq3A_476, %add3A_466, %broadcast_in_dim3A_478 : vector<16xi1>, vector<16xi32>
    %reduce_sum3A_480 = arith.constant true
    %reduce_sum3A_481 = vector.broadcast %reduce_sum3A_480 : i1 to vector<16xi1>
    %reduce_sum3A_482 = tpu.scan <sum>, %select_n3A_479 masked %reduce_sum3A_481 : vector<16xi32>, vector<16xi1> -> vector<16xi32>
    %reduce_sum3A_483 = vector.extract %reduce_sum3A_482[15] : i32 from vector<16xi32>
    %reduce_sum3A_484 = arith.constant true
    %reduce_sum3A_485 = vector.broadcast %reduce_sum3A_484 : i1 to vector<16xi1>
    %reduce_sum3A_486 = tpu.scan <sum>, %convert_element_type3A_470 masked %reduce_sum3A_485 : vector<16xi32>, vector<16xi1> -> vector<16xi32>
    %reduce_sum3A_487 = vector.extract %reduce_sum3A_486[15] : i32 from vector<16xi32>
    %add3A_488 = vector.broadcast %reduce_sum3A_483 : i32 to vector<16xi32>
    %add3A_489 = arith.addi %add3A_488, %masked_cumsum3A_473 : vector<16xi32>
    %sub3A_490 = arith.constant 1 : i32
    %sub3A_491 = vector.broadcast %sub3A_490 : i32 to vector<16xi32>
    %sub3A_492 = arith.subi %add3A_489, %sub3A_491 : vector<16xi32>
    %select_n3A_493 = arith.select %eq3A_469, %sub3A_492, %select_n3A_458 : vector<16xi1>, vector<16xi32>
    %eq3A_494 = arith.constant 5 : i32
    %eq3A_495 = vector.broadcast %eq3A_494 : i32 to vector<16xi32>
    %eq3A_496 = arith.cmpi eq, %iota3A, %eq3A_495 : vector<16xi32>
    %jit3A_497 = arith.constant 0 : i32
    %broadcast_in_dim3A_498 = vector.broadcast %reduce_sum3A_487 : i32 to vector<16xi32>
    %broadcast_in_dim3A_499 = vector.broadcast %jit3A_497 : i32 to vector<16xi32>
    %select_n3A_500 = arith.select %eq3A_496, %broadcast_in_dim3A_498, %broadcast_in_dim3A_499 : vector<16xi1>, vector<16xi32>
    %add3A_501 = arith.addi %add3A_466, %select_n3A_500 : vector<16xi32>
    %eq3A_502 = arith.constant 6 : i32
    %eq3A_503 = vector.broadcast %eq3A_502 : i32 to vector<16xi32>
    %eq3A_504 = arith.cmpi eq, %get3A_289, %eq3A_503 : vector<16xi32>
    %convert_element_type3A_505 = arith.extui %eq3A_504 : vector<16xi1> to vector<16xi32>
    %broadcast_in_dim3A_506 = arith.constant true
    %broadcast_in_dim3A_507 = vector.broadcast %broadcast_in_dim3A_506 : i1 to vector<16xi1>
    %masked_cumsum3A_508 = tpu.scan <sum>, %convert_element_type3A_505 masked %broadcast_in_dim3A_507 : vector<16xi32>, vector<16xi1> -> vector<16xi32>
    %eq3A_509 = arith.constant 6 : i32
    %eq3A_510 = vector.broadcast %eq3A_509 : i32 to vector<16xi32>
    %eq3A_511 = arith.cmpi eq, %iota3A, %eq3A_510 : vector<16xi32>
    %jit3A_512 = arith.constant 0 : i32
    %broadcast_in_dim3A_513 = vector.broadcast %jit3A_512 : i32 to vector<16xi32>
    %select_n3A_514 = arith.select %eq3A_511, %add3A_501, %broadcast_in_dim3A_513 : vector<16xi1>, vector<16xi32>
    %reduce_sum3A_515 = arith.constant true
    %reduce_sum3A_516 = vector.broadcast %reduce_sum3A_515 : i1 to vector<16xi1>
    %reduce_sum3A_517 = tpu.scan <sum>, %select_n3A_514 masked %reduce_sum3A_516 : vector<16xi32>, vector<16xi1> -> vector<16xi32>
    %reduce_sum3A_518 = vector.extract %reduce_sum3A_517[15] : i32 from vector<16xi32>
    %reduce_sum3A_519 = arith.constant true
    %reduce_sum3A_520 = vector.broadcast %reduce_sum3A_519 : i1 to vector<16xi1>
    %reduce_sum3A_521 = tpu.scan <sum>, %convert_element_type3A_505 masked %reduce_sum3A_520 : vector<16xi32>, vector<16xi1> -> vector<16xi32>
    %reduce_sum3A_522 = vector.extract %reduce_sum3A_521[15] : i32 from vector<16xi32>
    %add3A_523 = vector.broadcast %reduce_sum3A_518 : i32 to vector<16xi32>
    %add3A_524 = arith.addi %add3A_523, %masked_cumsum3A_508 : vector<16xi32>
    %sub3A_525 = arith.constant 1 : i32
    %sub3A_526 = vector.broadcast %sub3A_525 : i32 to vector<16xi32>
    %sub3A_527 = arith.subi %add3A_524, %sub3A_526 : vector<16xi32>
    %select_n3A_528 = arith.select %eq3A_504, %sub3A_527, %select_n3A_493 : vector<16xi1>, vector<16xi32>
    %eq3A_529 = arith.constant 6 : i32
    %eq3A_530 = vector.broadcast %eq3A_529 : i32 to vector<16xi32>
    %eq3A_531 = arith.cmpi eq, %iota3A, %eq3A_530 : vector<16xi32>
    %jit3A_532 = arith.constant 0 : i32
    %broadcast_in_dim3A_533 = vector.broadcast %reduce_sum3A_522 : i32 to vector<16xi32>
    %broadcast_in_dim3A_534 = vector.broadcast %jit3A_532 : i32 to vector<16xi32>
    %select_n3A_535 = arith.select %eq3A_531, %broadcast_in_dim3A_533, %broadcast_in_dim3A_534 : vector<16xi1>, vector<16xi32>
    %add3A_536 = arith.addi %add3A_501, %select_n3A_535 : vector<16xi32>
    %eq3A_537 = arith.constant 7 : i32
    %eq3A_538 = vector.broadcast %eq3A_537 : i32 to vector<16xi32>
    %eq3A_539 = arith.cmpi eq, %get3A_289, %eq3A_538 : vector<16xi32>
    %convert_element_type3A_540 = arith.extui %eq3A_539 : vector<16xi1> to vector<16xi32>
    %broadcast_in_dim3A_541 = arith.constant true
    %broadcast_in_dim3A_542 = vector.broadcast %broadcast_in_dim3A_541 : i1 to vector<16xi1>
    %masked_cumsum3A_543 = tpu.scan <sum>, %convert_element_type3A_540 masked %broadcast_in_dim3A_542 : vector<16xi32>, vector<16xi1> -> vector<16xi32>
    %eq3A_544 = arith.constant 7 : i32
    %eq3A_545 = vector.broadcast %eq3A_544 : i32 to vector<16xi32>
    %eq3A_546 = arith.cmpi eq, %iota3A, %eq3A_545 : vector<16xi32>
    %jit3A_547 = arith.constant 0 : i32
    %broadcast_in_dim3A_548 = vector.broadcast %jit3A_547 : i32 to vector<16xi32>
    %select_n3A_549 = arith.select %eq3A_546, %add3A_536, %broadcast_in_dim3A_548 : vector<16xi1>, vector<16xi32>
    %reduce_sum3A_550 = arith.constant true
    %reduce_sum3A_551 = vector.broadcast %reduce_sum3A_550 : i1 to vector<16xi1>
    %reduce_sum3A_552 = tpu.scan <sum>, %select_n3A_549 masked %reduce_sum3A_551 : vector<16xi32>, vector<16xi1> -> vector<16xi32>
    %reduce_sum3A_553 = vector.extract %reduce_sum3A_552[15] : i32 from vector<16xi32>
    %reduce_sum3A_554 = arith.constant true
    %reduce_sum3A_555 = vector.broadcast %reduce_sum3A_554 : i1 to vector<16xi1>
    %reduce_sum3A_556 = tpu.scan <sum>, %convert_element_type3A_540 masked %reduce_sum3A_555 : vector<16xi32>, vector<16xi1> -> vector<16xi32>
    %reduce_sum3A_557 = vector.extract %reduce_sum3A_556[15] : i32 from vector<16xi32>
    %add3A_558 = vector.broadcast %reduce_sum3A_553 : i32 to vector<16xi32>
    %add3A_559 = arith.addi %add3A_558, %masked_cumsum3A_543 : vector<16xi32>
    %sub3A_560 = arith.constant 1 : i32
    %sub3A_561 = vector.broadcast %sub3A_560 : i32 to vector<16xi32>
    %sub3A_562 = arith.subi %add3A_559, %sub3A_561 : vector<16xi32>
    %select_n3A_563 = arith.select %eq3A_539, %sub3A_562, %select_n3A_528 : vector<16xi1>, vector<16xi32>
    %eq3A_564 = arith.constant 7 : i32
    %eq3A_565 = vector.broadcast %eq3A_564 : i32 to vector<16xi32>
    %eq3A_566 = arith.cmpi eq, %iota3A, %eq3A_565 : vector<16xi32>
    %jit3A_567 = arith.constant 0 : i32
    %broadcast_in_dim3A_568 = vector.broadcast %reduce_sum3A_557 : i32 to vector<16xi32>
    %broadcast_in_dim3A_569 = vector.broadcast %jit3A_567 : i32 to vector<16xi32>
    %select_n3A_570 = arith.select %eq3A_566, %broadcast_in_dim3A_568, %broadcast_in_dim3A_569 : vector<16xi1>, vector<16xi32>
    %add3A_571 = arith.addi %add3A_536, %select_n3A_570 : vector<16xi32>
    %swap3A_572 = arith.constant 16 : index
    %swap3A_573 = tpu.vector_load %arg12[%swap3A_572] {strides = array<i32>} : memref<128xi32, #tpu.memory_space<vmem>>, vector<16xi32>,
    tpu.vector_store %arg12[%swap3A_572], %select_n3A_563 {strides = array<i32>} : memref<128xi32, #tpu.memory_space<vmem>>, vector<16xi32>,
    %get3A_574 = arith.constant 32 : index
    %get3A_575 = tpu.vector_load %arg11[%get3A_574] {strides = array<i32>} : memref<128xi32, #tpu.memory_space<vmem>>, vector<16xi32>,
    %broadcast_in_dim3A_576 = arith.constant 0 : i32
    %broadcast_in_dim3A_577 = vector.broadcast %broadcast_in_dim3A_576 : i32 to vector<16xi32>
    %eq3A_578 = arith.constant 0 : i32
    %eq3A_579 = vector.broadcast %eq3A_578 : i32 to vector<16xi32>
    %eq3A_580 = arith.cmpi eq, %get3A_575, %eq3A_579 : vector<16xi32>
    %convert_element_type3A_581 = arith.extui %eq3A_580 : vector<16xi1> to vector<16xi32>
    %broadcast_in_dim3A_582 = arith.constant true
    %broadcast_in_dim3A_583 = vector.broadcast %broadcast_in_dim3A_582 : i1 to vector<16xi1>
    %masked_cumsum3A_584 = tpu.scan <sum>, %convert_element_type3A_581 masked %broadcast_in_dim3A_583 : vector<16xi32>, vector<16xi1> -> vector<16xi32>
    %eq3A_585 = arith.constant 0 : i32
    %eq3A_586 = vector.broadcast %eq3A_585 : i32 to vector<16xi32>
    %eq3A_587 = arith.cmpi eq, %iota3A, %eq3A_586 : vector<16xi32>
    %jit3A_588 = arith.constant 0 : i32
    %broadcast_in_dim3A_589 = vector.broadcast %jit3A_588 : i32 to vector<16xi32>
    %select_n3A_590 = arith.select %eq3A_587, %add3A_571, %broadcast_in_dim3A_589 : vector<16xi1>, vector<16xi32>
    %reduce_sum3A_591 = arith.constant true
    %reduce_sum3A_592 = vector.broadcast %reduce_sum3A_591 : i1 to vector<16xi1>
    %reduce_sum3A_593 = tpu.scan <sum>, %select_n3A_590 masked %reduce_sum3A_592 : vector<16xi32>, vector<16xi1> -> vector<16xi32>
    %reduce_sum3A_594 = vector.extract %reduce_sum3A_593[15] : i32 from vector<16xi32>
    %reduce_sum3A_595 = arith.constant true
    %reduce_sum3A_596 = vector.broadcast %reduce_sum3A_595 : i1 to vector<16xi1>
    %reduce_sum3A_597 = tpu.scan <sum>, %convert_element_type3A_581 masked %reduce_sum3A_596 : vector<16xi32>, vector<16xi1> -> vector<16xi32>
    %reduce_sum3A_598 = vector.extract %reduce_sum3A_597[15] : i32 from vector<16xi32>
    %add3A_599 = vector.broadcast %reduce_sum3A_594 : i32 to vector<16xi32>
    %add3A_600 = arith.addi %add3A_599, %masked_cumsum3A_584 : vector<16xi32>
    %sub3A_601 = arith.constant 1 : i32
    %sub3A_602 = vector.broadcast %sub3A_601 : i32 to vector<16xi32>
    %sub3A_603 = arith.subi %add3A_600, %sub3A_602 : vector<16xi32>
    %select_n3A_604 = arith.select %eq3A_580, %sub3A_603, %broadcast_in_dim3A_577 : vector<16xi1>, vector<16xi32>
    %eq3A_605 = arith.constant 0 : i32
    %eq3A_606 = vector.broadcast %eq3A_605 : i32 to vector<16xi32>
    %eq3A_607 = arith.cmpi eq, %iota3A, %eq3A_606 : vector<16xi32>
    %jit3A_608 = arith.constant 0 : i32
    %broadcast_in_dim3A_609 = vector.broadcast %reduce_sum3A_598 : i32 to vector<16xi32>
    %broadcast_in_dim3A_610 = vector.broadcast %jit3A_608 : i32 to vector<16xi32>
    %select_n3A_611 = arith.select %eq3A_607, %broadcast_in_dim3A_609, %broadcast_in_dim3A_610 : vector<16xi1>, vector<16xi32>
    %add3A_612 = arith.addi %add3A_571, %select_n3A_611 : vector<16xi32>
    %eq3A_613 = arith.constant 1 : i32
    %eq3A_614 = vector.broadcast %eq3A_613 : i32 to vector<16xi32>
    %eq3A_615 = arith.cmpi eq, %get3A_575, %eq3A_614 : vector<16xi32>
    %convert_element_type3A_616 = arith.extui %eq3A_615 : vector<16xi1> to vector<16xi32>
    %broadcast_in_dim3A_617 = arith.constant true
    %broadcast_in_dim3A_618 = vector.broadcast %broadcast_in_dim3A_617 : i1 to vector<16xi1>
    %masked_cumsum3A_619 = tpu.scan <sum>, %convert_element_type3A_616 masked %broadcast_in_dim3A_618 : vector<16xi32>, vector<16xi1> -> vector<16xi32>
    %eq3A_620 = arith.constant 1 : i32
    %eq3A_621 = vector.broadcast %eq3A_620 : i32 to vector<16xi32>
    %eq3A_622 = arith.cmpi eq, %iota3A, %eq3A_621 : vector<16xi32>
    %jit3A_623 = arith.constant 0 : i32
    %broadcast_in_dim3A_624 = vector.broadcast %jit3A_623 : i32 to vector<16xi32>
    %select_n3A_625 = arith.select %eq3A_622, %add3A_612, %broadcast_in_dim3A_624 : vector<16xi1>, vector<16xi32>
    %reduce_sum3A_626 = arith.constant true
    %reduce_sum3A_627 = vector.broadcast %reduce_sum3A_626 : i1 to vector<16xi1>
    %reduce_sum3A_628 = tpu.scan <sum>, %select_n3A_625 masked %reduce_sum3A_627 : vector<16xi32>, vector<16xi1> -> vector<16xi32>
    %reduce_sum3A_629 = vector.extract %reduce_sum3A_628[15] : i32 from vector<16xi32>
    %reduce_sum3A_630 = arith.constant true
    %reduce_sum3A_631 = vector.broadcast %reduce_sum3A_630 : i1 to vector<16xi1>
    %reduce_sum3A_632 = tpu.scan <sum>, %convert_element_type3A_616 masked %reduce_sum3A_631 : vector<16xi32>, vector<16xi1> -> vector<16xi32>
    %reduce_sum3A_633 = vector.extract %reduce_sum3A_632[15] : i32 from vector<16xi32>
    %add3A_634 = vector.broadcast %reduce_sum3A_629 : i32 to vector<16xi32>
    %add3A_635 = arith.addi %add3A_634, %masked_cumsum3A_619 : vector<16xi32>
    %sub3A_636 = arith.constant 1 : i32
    %sub3A_637 = vector.broadcast %sub3A_636 : i32 to vector<16xi32>
    %sub3A_638 = arith.subi %add3A_635, %sub3A_637 : vector<16xi32>
    %select_n3A_639 = arith.select %eq3A_615, %sub3A_638, %select_n3A_604 : vector<16xi1>, vector<16xi32>
    %eq3A_640 = arith.constant 1 : i32
    %eq3A_641 = vector.broadcast %eq3A_640 : i32 to vector<16xi32>
    %eq3A_642 = arith.cmpi eq, %iota3A, %eq3A_641 : vector<16xi32>
    %jit3A_643 = arith.constant 0 : i32
    %broadcast_in_dim3A_644 = vector.broadcast %reduce_sum3A_633 : i32 to vector<16xi32>
    %broadcast_in_dim3A_645 = vector.broadcast %jit3A_643 : i32 to vector<16xi32>
    %select_n3A_646 = arith.select %eq3A_642, %broadcast_in_dim3A_644, %broadcast_in_dim3A_645 : vector<16xi1>, vector<16xi32>
    %add3A_647 = arith.addi %add3A_612, %select_n3A_646 : vector<16xi32>
    %eq3A_648 = arith.constant 2 : i32
    %eq3A_649 = vector.broadcast %eq3A_648 : i32 to vector<16xi32>
    %eq3A_650 = arith.cmpi eq, %get3A_575, %eq3A_649 : vector<16xi32>
    %convert_element_type3A_651 = arith.extui %eq3A_650 : vector<16xi1> to vector<16xi32>
    %broadcast_in_dim3A_652 = arith.constant true
    %broadcast_in_dim3A_653 = vector.broadcast %broadcast_in_dim3A_652 : i1 to vector<16xi1>
    %masked_cumsum3A_654 = tpu.scan <sum>, %convert_element_type3A_651 masked %broadcast_in_dim3A_653 : vector<16xi32>, vector<16xi1> -> vector<16xi32>
    %eq3A_655 = arith.constant 2 : i32
    %eq3A_656 = vector.broadcast %eq3A_655 : i32 to vector<16xi32>
    %eq3A_657 = arith.cmpi eq, %iota3A, %eq3A_656 : vector<16xi32>
    %jit3A_658 = arith.constant 0 : i32
    %broadcast_in_dim3A_659 = vector.broadcast %jit3A_658 : i32 to vector<16xi32>
    %select_n3A_660 = arith.select %eq3A_657, %add3A_647, %broadcast_in_dim3A_659 : vector<16xi1>, vector<16xi32>
    %reduce_sum3A_661 = arith.constant true
    %reduce_sum3A_662 = vector.broadcast %reduce_sum3A_661 : i1 to vector<16xi1>
    %reduce_sum3A_663 = tpu.scan <sum>, %select_n3A_660 masked %reduce_sum3A_662 : vector<16xi32>, vector<16xi1> -> vector<16xi32>
    %reduce_sum3A_664 = vector.extract %reduce_sum3A_663[15] : i32 from vector<16xi32>
    %reduce_sum3A_665 = arith.constant true
    %reduce_sum3A_666 = vector.broadcast %reduce_sum3A_665 : i1 to vector<16xi1>
    %reduce_sum3A_667 = tpu.scan <sum>, %convert_element_type3A_651 masked %reduce_sum3A_666 : vector<16xi32>, vector<16xi1> -> vector<16xi32>
    %reduce_sum3A_668 = vector.extract %reduce_sum3A_667[15] : i32 from vector<16xi32>
    %add3A_669 = vector.broadcast %reduce_sum3A_664 : i32 to vector<16xi32>
    %add3A_670 = arith.addi %add3A_669, %masked_cumsum3A_654 : vector<16xi32>
    %sub3A_671 = arith.constant 1 : i32
    %sub3A_672 = vector.broadcast %sub3A_671 : i32 to vector<16xi32>
    %sub3A_673 = arith.subi %add3A_670, %sub3A_672 : vector<16xi32>
    %select_n3A_674 = arith.select %eq3A_650, %sub3A_673, %select_n3A_639 : vector<16xi1>, vector<16xi32>
    %eq3A_675 = arith.constant 2 : i32
    %eq3A_676 = vector.broadcast %eq3A_675 : i32 to vector<16xi32>
    %eq3A_677 = arith.cmpi eq, %iota3A, %eq3A_676 : vector<16xi32>
    %jit3A_678 = arith.constant 0 : i32
    %broadcast_in_dim3A_679 = vector.broadcast %reduce_sum3A_668 : i32 to vector<16xi32>
    %broadcast_in_dim3A_680 = vector.broadcast %jit3A_678 : i32 to vector<16xi32>
    %select_n3A_681 = arith.select %eq3A_677, %broadcast_in_dim3A_679, %broadcast_in_dim3A_680 : vector<16xi1>, vector<16xi32>
    %add3A_682 = arith.addi %add3A_647, %select_n3A_681 : vector<16xi32>
    %eq3A_683 = arith.constant 3 : i32
    %eq3A_684 = vector.broadcast %eq3A_683 : i32 to vector<16xi32>
    %eq3A_685 = arith.cmpi eq, %get3A_575, %eq3A_684 : vector<16xi32>
    %convert_element_type3A_686 = arith.extui %eq3A_685 : vector<16xi1> to vector<16xi32>
    %broadcast_in_dim3A_687 = arith.constant true
    %broadcast_in_dim3A_688 = vector.broadcast %broadcast_in_dim3A_687 : i1 to vector<16xi1>
    %masked_cumsum3A_689 = tpu.scan <sum>, %convert_element_type3A_686 masked %broadcast_in_dim3A_688 : vector<16xi32>, vector<16xi1> -> vector<16xi32>
    %eq3A_690 = arith.constant 3 : i32
    %eq3A_691 = vector.broadcast %eq3A_690 : i32 to vector<16xi32>
    %eq3A_692 = arith.cmpi eq, %iota3A, %eq3A_691 : vector<16xi32>
    %jit3A_693 = arith.constant 0 : i32
    %broadcast_in_dim3A_694 = vector.broadcast %jit3A_693 : i32 to vector<16xi32>
    %select_n3A_695 = arith.select %eq3A_692, %add3A_682, %broadcast_in_dim3A_694 : vector<16xi1>, vector<16xi32>
    %reduce_sum3A_696 = arith.constant true
    %reduce_sum3A_697 = vector.broadcast %reduce_sum3A_696 : i1 to vector<16xi1>
    %reduce_sum3A_698 = tpu.scan <sum>, %select_n3A_695 masked %reduce_sum3A_697 : vector<16xi32>, vector<16xi1> -> vector<16xi32>
    %reduce_sum3A_699 = vector.extract %reduce_sum3A_698[15] : i32 from vector<16xi32>
    %reduce_sum3A_700 = arith.constant true
    %reduce_sum3A_701 = vector.broadcast %reduce_sum3A_700 : i1 to vector<16xi1>
    %reduce_sum3A_702 = tpu.scan <sum>, %convert_element_type3A_686 masked %reduce_sum3A_701 : vector<16xi32>, vector<16xi1> -> vector<16xi32>
    %reduce_sum3A_703 = vector.extract %reduce_sum3A_702[15] : i32 from vector<16xi32>
    %add3A_704 = vector.broadcast %reduce_sum3A_699 : i32 to vector<16xi32>
    %add3A_705 = arith.addi %add3A_704, %masked_cumsum3A_689 : vector<16xi32>
    %sub3A_706 = arith.constant 1 : i32
    %sub3A_707 = vector.broadcast %sub3A_706 : i32 to vector<16xi32>
    %sub3A_708 = arith.subi %add3A_705, %sub3A_707 : vector<16xi32>
    %select_n3A_709 = arith.select %eq3A_685, %sub3A_708, %select_n3A_674 : vector<16xi1>, vector<16xi32>
    %eq3A_710 = arith.constant 3 : i32
    %eq3A_711 = vector.broadcast %eq3A_710 : i32 to vector<16xi32>
    %eq3A_712 = arith.cmpi eq, %iota3A, %eq3A_711 : vector<16xi32>
    %jit3A_713 = arith.constant 0 : i32
    %broadcast_in_dim3A_714 = vector.broadcast %reduce_sum3A_703 : i32 to vector<16xi32>
    %broadcast_in_dim3A_715 = vector.broadcast %jit3A_713 : i32 to vector<16xi32>
    %select_n3A_716 = arith.select %eq3A_712, %broadcast_in_dim3A_714, %broadcast_in_dim3A_715 : vector<16xi1>, vector<16xi32>
    %add3A_717 = arith.addi %add3A_682, %select_n3A_716 : vector<16xi32>
    %eq3A_718 = arith.constant 4 : i32
    %eq3A_719 = vector.broadcast %eq3A_718 : i32 to vector<16xi32>
    %eq3A_720 = arith.cmpi eq, %get3A_575, %eq3A_719 : vector<16xi32>
    %convert_element_type3A_721 = arith.extui %eq3A_720 : vector<16xi1> to vector<16xi32>
    %broadcast_in_dim3A_722 = arith.constant true
    %broadcast_in_dim3A_723 = vector.broadcast %broadcast_in_dim3A_722 : i1 to vector<16xi1>
    %masked_cumsum3A_724 = tpu.scan <sum>, %convert_element_type3A_721 masked %broadcast_in_dim3A_723 : vector<16xi32>, vector<16xi1> -> vector<16xi32>
    %eq3A_725 = arith.constant 4 : i32
    %eq3A_726 = vector.broadcast %eq3A_725 : i32 to vector<16xi32>
    %eq3A_727 = arith.cmpi eq, %iota3A, %eq3A_726 : vector<16xi32>
    %jit3A_728 = arith.constant 0 : i32
    %broadcast_in_dim3A_729 = vector.broadcast %jit3A_728 : i32 to vector<16xi32>
    %select_n3A_730 = arith.select %eq3A_727, %add3A_717, %broadcast_in_dim3A_729 : vector<16xi1>, vector<16xi32>
    %reduce_sum3A_731 = arith.constant true
    %reduce_sum3A_732 = vector.broadcast %reduce_sum3A_731 : i1 to vector<16xi1>
    %reduce_sum3A_733 = tpu.scan <sum>, %select_n3A_730 masked %reduce_sum3A_732 : vector<16xi32>, vector<16xi1> -> vector<16xi32>
    %reduce_sum3A_734 = vector.extract %reduce_sum3A_733[15] : i32 from vector<16xi32>
    %reduce_sum3A_735 = arith.constant true
    %reduce_sum3A_736 = vector.broadcast %reduce_sum3A_735 : i1 to vector<16xi1>
    %reduce_sum3A_737 = tpu.scan <sum>, %convert_element_type3A_721 masked %reduce_sum3A_736 : vector<16xi32>, vector<16xi1> -> vector<16xi32>
    %reduce_sum3A_738 = vector.extract %reduce_sum3A_737[15] : i32 from vector<16xi32>
    %add3A_739 = vector.broadcast %reduce_sum3A_734 : i32 to vector<16xi32>
    %add3A_740 = arith.addi %add3A_739, %masked_cumsum3A_724 : vector<16xi32>
    %sub3A_741 = arith.constant 1 : i32
    %sub3A_742 = vector.broadcast %sub3A_741 : i32 to vector<16xi32>
    %sub3A_743 = arith.subi %add3A_740, %sub3A_742 : vector<16xi32>
    %select_n3A_744 = arith.select %eq3A_720, %sub3A_743, %select_n3A_709 : vector<16xi1>, vector<16xi32>
    %eq3A_745 = arith.constant 4 : i32
    %eq3A_746 = vector.broadcast %eq3A_745 : i32 to vector<16xi32>
    %eq3A_747 = arith.cmpi eq, %iota3A, %eq3A_746 : vector<16xi32>
    %jit3A_748 = arith.constant 0 : i32
    %broadcast_in_dim3A_749 = vector.broadcast %reduce_sum3A_738 : i32 to vector<16xi32>
    %broadcast_in_dim3A_750 = vector.broadcast %jit3A_748 : i32 to vector<16xi32>
    %select_n3A_751 = arith.select %eq3A_747, %broadcast_in_dim3A_749, %broadcast_in_dim3A_750 : vector<16xi1>, vector<16xi32>
    %add3A_752 = arith.addi %add3A_717, %select_n3A_751 : vector<16xi32>
    %eq3A_753 = arith.constant 5 : i32
    %eq3A_754 = vector.broadcast %eq3A_753 : i32 to vector<16xi32>
    %eq3A_755 = arith.cmpi eq, %get3A_575, %eq3A_754 : vector<16xi32>
    %convert_element_type3A_756 = arith.extui %eq3A_755 : vector<16xi1> to vector<16xi32>
    %broadcast_in_dim3A_757 = arith.constant true
    %broadcast_in_dim3A_758 = vector.broadcast %broadcast_in_dim3A_757 : i1 to vector<16xi1>
    %masked_cumsum3A_759 = tpu.scan <sum>, %convert_element_type3A_756 masked %broadcast_in_dim3A_758 : vector<16xi32>, vector<16xi1> -> vector<16xi32>
    %eq3A_760 = arith.constant 5 : i32
    %eq3A_761 = vector.broadcast %eq3A_760 : i32 to vector<16xi32>
    %eq3A_762 = arith.cmpi eq, %iota3A, %eq3A_761 : vector<16xi32>
    %jit3A_763 = arith.constant 0 : i32
    %broadcast_in_dim3A_764 = vector.broadcast %jit3A_763 : i32 to vector<16xi32>
    %select_n3A_765 = arith.select %eq3A_762, %add3A_752, %broadcast_in_dim3A_764 : vector<16xi1>, vector<16xi32>
    %reduce_sum3A_766 = arith.constant true
    %reduce_sum3A_767 = vector.broadcast %reduce_sum3A_766 : i1 to vector<16xi1>
    %reduce_sum3A_768 = tpu.scan <sum>, %select_n3A_765 masked %reduce_sum3A_767 : vector<16xi32>, vector<16xi1> -> vector<16xi32>
    %reduce_sum3A_769 = vector.extract %reduce_sum3A_768[15] : i32 from vector<16xi32>
    %reduce_sum3A_770 = arith.constant true
    %reduce_sum3A_771 = vector.broadcast %reduce_sum3A_770 : i1 to vector<16xi1>
    %reduce_sum3A_772 = tpu.scan <sum>, %convert_element_type3A_756 masked %reduce_sum3A_771 : vector<16xi32>, vector<16xi1> -> vector<16xi32>
    %reduce_sum3A_773 = vector.extract %reduce_sum3A_772[15] : i32 from vector<16xi32>
    %add3A_774 = vector.broadcast %reduce_sum3A_769 : i32 to vector<16xi32>
    %add3A_775 = arith.addi %add3A_774, %masked_cumsum3A_759 : vector<16xi32>
    %sub3A_776 = arith.constant 1 : i32
    %sub3A_777 = vector.broadcast %sub3A_776 : i32 to vector<16xi32>
    %sub3A_778 = arith.subi %add3A_775, %sub3A_777 : vector<16xi32>
    %select_n3A_779 = arith.select %eq3A_755, %sub3A_778, %select_n3A_744 : vector<16xi1>, vector<16xi32>
    %eq3A_780 = arith.constant 5 : i32
    %eq3A_781 = vector.broadcast %eq3A_780 : i32 to vector<16xi32>
    %eq3A_782 = arith.cmpi eq, %iota3A, %eq3A_781 : vector<16xi32>
    %jit3A_783 = arith.constant 0 : i32
    %broadcast_in_dim3A_784 = vector.broadcast %reduce_sum3A_773 : i32 to vector<16xi32>
    %broadcast_in_dim3A_785 = vector.broadcast %jit3A_783 : i32 to vector<16xi32>
    %select_n3A_786 = arith.select %eq3A_782, %broadcast_in_dim3A_784, %broadcast_in_dim3A_785 : vector<16xi1>, vector<16xi32>
    %add3A_787 = arith.addi %add3A_752, %select_n3A_786 : vector<16xi32>
    %eq3A_788 = arith.constant 6 : i32
    %eq3A_789 = vector.broadcast %eq3A_788 : i32 to vector<16xi32>
    %eq3A_790 = arith.cmpi eq, %get3A_575, %eq3A_789 : vector<16xi32>
    %convert_element_type3A_791 = arith.extui %eq3A_790 : vector<16xi1> to vector<16xi32>
    %broadcast_in_dim3A_792 = arith.constant true
    %broadcast_in_dim3A_793 = vector.broadcast %broadcast_in_dim3A_792 : i1 to vector<16xi1>
    %masked_cumsum3A_794 = tpu.scan <sum>, %convert_element_type3A_791 masked %broadcast_in_dim3A_793 : vector<16xi32>, vector<16xi1> -> vector<16xi32>
    %eq3A_795 = arith.constant 6 : i32
    %eq3A_796 = vector.broadcast %eq3A_795 : i32 to vector<16xi32>
    %eq3A_797 = arith.cmpi eq, %iota3A, %eq3A_796 : vector<16xi32>
    %jit3A_798 = arith.constant 0 : i32
    %broadcast_in_dim3A_799 = vector.broadcast %jit3A_798 : i32 to vector<16xi32>
    %select_n3A_800 = arith.select %eq3A_797, %add3A_787, %broadcast_in_dim3A_799 : vector<16xi1>, vector<16xi32>
    %reduce_sum3A_801 = arith.constant true
    %reduce_sum3A_802 = vector.broadcast %reduce_sum3A_801 : i1 to vector<16xi1>
    %reduce_sum3A_803 = tpu.scan <sum>, %select_n3A_800 masked %reduce_sum3A_802 : vector<16xi32>, vector<16xi1> -> vector<16xi32>
    %reduce_sum3A_804 = vector.extract %reduce_sum3A_803[15] : i32 from vector<16xi32>
    %reduce_sum3A_805 = arith.constant true
    %reduce_sum3A_806 = vector.broadcast %reduce_sum3A_805 : i1 to vector<16xi1>
    %reduce_sum3A_807 = tpu.scan <sum>, %convert_element_type3A_791 masked %reduce_sum3A_806 : vector<16xi32>, vector<16xi1> -> vector<16xi32>
    %reduce_sum3A_808 = vector.extract %reduce_sum3A_807[15] : i32 from vector<16xi32>
    %add3A_809 = vector.broadcast %reduce_sum3A_804 : i32 to vector<16xi32>
    %add3A_810 = arith.addi %add3A_809, %masked_cumsum3A_794 : vector<16xi32>
    %sub3A_811 = arith.constant 1 : i32
    %sub3A_812 = vector.broadcast %sub3A_811 : i32 to vector<16xi32>
    %sub3A_813 = arith.subi %add3A_810, %sub3A_812 : vector<16xi32>
    %select_n3A_814 = arith.select %eq3A_790, %sub3A_813, %select_n3A_779 : vector<16xi1>, vector<16xi32>
    %eq3A_815 = arith.constant 6 : i32
    %eq3A_816 = vector.broadcast %eq3A_815 : i32 to vector<16xi32>
    %eq3A_817 = arith.cmpi eq, %iota3A, %eq3A_816 : vector<16xi32>
    %jit3A_818 = arith.constant 0 : i32
    %broadcast_in_dim3A_819 = vector.broadcast %reduce_sum3A_808 : i32 to vector<16xi32>
    %broadcast_in_dim3A_820 = vector.broadcast %jit3A_818 : i32 to vector<16xi32>
    %select_n3A_821 = arith.select %eq3A_817, %broadcast_in_dim3A_819, %broadcast_in_dim3A_820 : vector<16xi1>, vector<16xi32>
    %add3A_822 = arith.addi %add3A_787, %select_n3A_821 : vector<16xi32>
    %eq3A_823 = arith.constant 7 : i32
    %eq3A_824 = vector.broadcast %eq3A_823 : i32 to vector<16xi32>
    %eq3A_825 = arith.cmpi eq, %get3A_575, %eq3A_824 : vector<16xi32>
    %convert_element_type3A_826 = arith.extui %eq3A_825 : vector<16xi1> to vector<16xi32>
    %broadcast_in_dim3A_827 = arith.constant true
    %broadcast_in_dim3A_828 = vector.broadcast %broadcast_in_dim3A_827 : i1 to vector<16xi1>
    %masked_cumsum3A_829 = tpu.scan <sum>, %convert_element_type3A_826 masked %broadcast_in_dim3A_828 : vector<16xi32>, vector<16xi1> -> vector<16xi32>
    %eq3A_830 = arith.constant 7 : i32
    %eq3A_831 = vector.broadcast %eq3A_830 : i32 to vector<16xi32>
    %eq3A_832 = arith.cmpi eq, %iota3A, %eq3A_831 : vector<16xi32>
    %jit3A_833 = arith.constant 0 : i32
    %broadcast_in_dim3A_834 = vector.broadcast %jit3A_833 : i32 to vector<16xi32>
    %select_n3A_835 = arith.select %eq3A_832, %add3A_822, %broadcast_in_dim3A_834 : vector<16xi1>, vector<16xi32>
    %reduce_sum3A_836 = arith.constant true
    %reduce_sum3A_837 = vector.broadcast %reduce_sum3A_836 : i1 to vector<16xi1>
    %reduce_sum3A_838 = tpu.scan <sum>, %select_n3A_835 masked %reduce_sum3A_837 : vector<16xi32>, vector<16xi1> -> vector<16xi32>
    %reduce_sum3A_839 = vector.extract %reduce_sum3A_838[15] : i32 from vector<16xi32>
    %reduce_sum3A_840 = arith.constant true
    %reduce_sum3A_841 = vector.broadcast %reduce_sum3A_840 : i1 to vector<16xi1>
    %reduce_sum3A_842 = tpu.scan <sum>, %convert_element_type3A_826 masked %reduce_sum3A_841 : vector<16xi32>, vector<16xi1> -> vector<16xi32>
    %reduce_sum3A_843 = vector.extract %reduce_sum3A_842[15] : i32 from vector<16xi32>
    %add3A_844 = vector.broadcast %reduce_sum3A_839 : i32 to vector<16xi32>
    %add3A_845 = arith.addi %add3A_844, %masked_cumsum3A_829 : vector<16xi32>
    %sub3A_846 = arith.constant 1 : i32
    %sub3A_847 = vector.broadcast %sub3A_846 : i32 to vector<16xi32>
    %sub3A_848 = arith.subi %add3A_845, %sub3A_847 : vector<16xi32>
    %select_n3A_849 = arith.select %eq3A_825, %sub3A_848, %select_n3A_814 : vector<16xi1>, vector<16xi32>
    %eq3A_850 = arith.constant 7 : i32
    %eq3A_851 = vector.broadcast %eq3A_850 : i32 to vector<16xi32>
    %eq3A_852 = arith.cmpi eq, %iota3A, %eq3A_851 : vector<16xi32>
    %jit3A_853 = arith.constant 0 : i32
    %broadcast_in_dim3A_854 = vector.broadcast %reduce_sum3A_843 : i32 to vector<16xi32>
    %broadcast_in_dim3A_855 = vector.broadcast %jit3A_853 : i32 to vector<16xi32>
    %select_n3A_856 = arith.select %eq3A_852, %broadcast_in_dim3A_854, %broadcast_in_dim3A_855 : vector<16xi1>, vector<16xi32>
    %add3A_857 = arith.addi %add3A_822, %select_n3A_856 : vector<16xi32>
    %swap3A_858 = arith.constant 32 : index
    %swap3A_859 = tpu.vector_load %arg12[%swap3A_858] {strides = array<i32>} : memref<128xi32, #tpu.memory_space<vmem>>, vector<16xi32>,
    tpu.vector_store %arg12[%swap3A_858], %select_n3A_849 {strides = array<i32>} : memref<128xi32, #tpu.memory_space<vmem>>, vector<16xi32>,
    %get3A_860 = arith.constant 48 : index
    %get3A_861 = tpu.vector_load %arg11[%get3A_860] {strides = array<i32>} : memref<128xi32, #tpu.memory_space<vmem>>, vector<16xi32>,
    %broadcast_in_dim3A_862 = arith.constant 0 : i32
    %broadcast_in_dim3A_863 = vector.broadcast %broadcast_in_dim3A_862 : i32 to vector<16xi32>
    %eq3A_864 = arith.constant 0 : i32
    %eq3A_865 = vector.broadcast %eq3A_864 : i32 to vector<16xi32>
    %eq3A_866 = arith.cmpi eq, %get3A_861, %eq3A_865 : vector<16xi32>
    %convert_element_type3A_867 = arith.extui %eq3A_866 : vector<16xi1> to vector<16xi32>
    %broadcast_in_dim3A_868 = arith.constant true
    %broadcast_in_dim3A_869 = vector.broadcast %broadcast_in_dim3A_868 : i1 to vector<16xi1>
    %masked_cumsum3A_870 = tpu.scan <sum>, %convert_element_type3A_867 masked %broadcast_in_dim3A_869 : vector<16xi32>, vector<16xi1> -> vector<16xi32>
    %eq3A_871 = arith.constant 0 : i32
    %eq3A_872 = vector.broadcast %eq3A_871 : i32 to vector<16xi32>
    %eq3A_873 = arith.cmpi eq, %iota3A, %eq3A_872 : vector<16xi32>
    %jit3A_874 = arith.constant 0 : i32
    %broadcast_in_dim3A_875 = vector.broadcast %jit3A_874 : i32 to vector<16xi32>
    %select_n3A_876 = arith.select %eq3A_873, %add3A_857, %broadcast_in_dim3A_875 : vector<16xi1>, vector<16xi32>
    %reduce_sum3A_877 = arith.constant true
    %reduce_sum3A_878 = vector.broadcast %reduce_sum3A_877 : i1 to vector<16xi1>
    %reduce_sum3A_879 = tpu.scan <sum>, %select_n3A_876 masked %reduce_sum3A_878 : vector<16xi32>, vector<16xi1> -> vector<16xi32>
    %reduce_sum3A_880 = vector.extract %reduce_sum3A_879[15] : i32 from vector<16xi32>
    %reduce_sum3A_881 = arith.constant true
    %reduce_sum3A_882 = vector.broadcast %reduce_sum3A_881 : i1 to vector<16xi1>
    %reduce_sum3A_883 = tpu.scan <sum>, %convert_element_type3A_867 masked %reduce_sum3A_882 : vector<16xi32>, vector<16xi1> -> vector<16xi32>
    %reduce_sum3A_884 = vector.extract %reduce_sum3A_883[15] : i32 from vector<16xi32>
    %add3A_885 = vector.broadcast %reduce_sum3A_880 : i32 to vector<16xi32>
    %add3A_886 = arith.addi %add3A_885, %masked_cumsum3A_870 : vector<16xi32>
    %sub3A_887 = arith.constant 1 : i32
    %sub3A_888 = vector.broadcast %sub3A_887 : i32 to vector<16xi32>
    %sub3A_889 = arith.subi %add3A_886, %sub3A_888 : vector<16xi32>
    %select_n3A_890 = arith.select %eq3A_866, %sub3A_889, %broadcast_in_dim3A_863 : vector<16xi1>, vector<16xi32>
    %eq3A_891 = arith.constant 0 : i32
    %eq3A_892 = vector.broadcast %eq3A_891 : i32 to vector<16xi32>
    %eq3A_893 = arith.cmpi eq, %iota3A, %eq3A_892 : vector<16xi32>
    %jit3A_894 = arith.constant 0 : i32
    %broadcast_in_dim3A_895 = vector.broadcast %reduce_sum3A_884 : i32 to vector<16xi32>
    %broadcast_in_dim3A_896 = vector.broadcast %jit3A_894 : i32 to vector<16xi32>
    %select_n3A_897 = arith.select %eq3A_893, %broadcast_in_dim3A_895, %broadcast_in_dim3A_896 : vector<16xi1>, vector<16xi32>
    %add3A_898 = arith.addi %add3A_857, %select_n3A_897 : vector<16xi32>
    %eq3A_899 = arith.constant 1 : i32
    %eq3A_900 = vector.broadcast %eq3A_899 : i32 to vector<16xi32>
    %eq3A_901 = arith.cmpi eq, %get3A_861, %eq3A_900 : vector<16xi32>
    %convert_element_type3A_902 = arith.extui %eq3A_901 : vector<16xi1> to vector<16xi32>
    %broadcast_in_dim3A_903 = arith.constant true
    %broadcast_in_dim3A_904 = vector.broadcast %broadcast_in_dim3A_903 : i1 to vector<16xi1>
    %masked_cumsum3A_905 = tpu.scan <sum>, %convert_element_type3A_902 masked %broadcast_in_dim3A_904 : vector<16xi32>, vector<16xi1> -> vector<16xi32>
    %eq3A_906 = arith.constant 1 : i32
    %eq3A_907 = vector.broadcast %eq3A_906 : i32 to vector<16xi32>
    %eq3A_908 = arith.cmpi eq, %iota3A, %eq3A_907 : vector<16xi32>
    %jit3A_909 = arith.constant 0 : i32
    %broadcast_in_dim3A_910 = vector.broadcast %jit3A_909 : i32 to vector<16xi32>
    %select_n3A_911 = arith.select %eq3A_908, %add3A_898, %broadcast_in_dim3A_910 : vector<16xi1>, vector<16xi32>
    %reduce_sum3A_912 = arith.constant true
    %reduce_sum3A_913 = vector.broadcast %reduce_sum3A_912 : i1 to vector<16xi1>
    %reduce_sum3A_914 = tpu.scan <sum>, %select_n3A_911 masked %reduce_sum3A_913 : vector<16xi32>, vector<16xi1> -> vector<16xi32>
    %reduce_sum3A_915 = vector.extract %reduce_sum3A_914[15] : i32 from vector<16xi32>
    %reduce_sum3A_916 = arith.constant true
    %reduce_sum3A_917 = vector.broadcast %reduce_sum3A_916 : i1 to vector<16xi1>
    %reduce_sum3A_918 = tpu.scan <sum>, %convert_element_type3A_902 masked %reduce_sum3A_917 : vector<16xi32>, vector<16xi1> -> vector<16xi32>
    %reduce_sum3A_919 = vector.extract %reduce_sum3A_918[15] : i32 from vector<16xi32>
    %add3A_920 = vector.broadcast %reduce_sum3A_915 : i32 to vector<16xi32>
    %add3A_921 = arith.addi %add3A_920, %masked_cumsum3A_905 : vector<16xi32>
    %sub3A_922 = arith.constant 1 : i32
    %sub3A_923 = vector.broadcast %sub3A_922 : i32 to vector<16xi32>
    %sub3A_924 = arith.subi %add3A_921, %sub3A_923 : vector<16xi32>
    %select_n3A_925 = arith.select %eq3A_901, %sub3A_924, %select_n3A_890 : vector<16xi1>, vector<16xi32>
    %eq3A_926 = arith.constant 1 : i32
    %eq3A_927 = vector.broadcast %eq3A_926 : i32 to vector<16xi32>
    %eq3A_928 = arith.cmpi eq, %iota3A, %eq3A_927 : vector<16xi32>
    %jit3A_929 = arith.constant 0 : i32
    %broadcast_in_dim3A_930 = vector.broadcast %reduce_sum3A_919 : i32 to vector<16xi32>
    %broadcast_in_dim3A_931 = vector.broadcast %jit3A_929 : i32 to vector<16xi32>
    %select_n3A_932 = arith.select %eq3A_928, %broadcast_in_dim3A_930, %broadcast_in_dim3A_931 : vector<16xi1>, vector<16xi32>
    %add3A_933 = arith.addi %add3A_898, %select_n3A_932 : vector<16xi32>
    %eq3A_934 = arith.constant 2 : i32
    %eq3A_935 = vector.broadcast %eq3A_934 : i32 to vector<16xi32>
    %eq3A_936 = arith.cmpi eq, %get3A_861, %eq3A_935 : vector<16xi32>
    %convert_element_type3A_937 = arith.extui %eq3A_936 : vector<16xi1> to vector<16xi32>
    %broadcast_in_dim3A_938 = arith.constant true
    %broadcast_in_dim3A_939 = vector.broadcast %broadcast_in_dim3A_938 : i1 to vector<16xi1>
    %masked_cumsum3A_940 = tpu.scan <sum>, %convert_element_type3A_937 masked %broadcast_in_dim3A_939 : vector<16xi32>, vector<16xi1> -> vector<16xi32>
    %eq3A_941 = arith.constant 2 : i32
    %eq3A_942 = vector.broadcast %eq3A_941 : i32 to vector<16xi32>
    %eq3A_943 = arith.cmpi eq, %iota3A, %eq3A_942 : vector<16xi32>
    %jit3A_944 = arith.constant 0 : i32
    %broadcast_in_dim3A_945 = vector.broadcast %jit3A_944 : i32 to vector<16xi32>
    %select_n3A_946 = arith.select %eq3A_943, %add3A_933, %broadcast_in_dim3A_945 : vector<16xi1>, vector<16xi32>
    %reduce_sum3A_947 = arith.constant true
    %reduce_sum3A_948 = vector.broadcast %reduce_sum3A_947 : i1 to vector<16xi1>
    %reduce_sum3A_949 = tpu.scan <sum>, %select_n3A_946 masked %reduce_sum3A_948 : vector<16xi32>, vector<16xi1> -> vector<16xi32>
    %reduce_sum3A_950 = vector.extract %reduce_sum3A_949[15] : i32 from vector<16xi32>
    %reduce_sum3A_951 = arith.constant true
    %reduce_sum3A_952 = vector.broadcast %reduce_sum3A_951 : i1 to vector<16xi1>
    %reduce_sum3A_953 = tpu.scan <sum>, %convert_element_type3A_937 masked %reduce_sum3A_952 : vector<16xi32>, vector<16xi1> -> vector<16xi32>
    %reduce_sum3A_954 = vector.extract %reduce_sum3A_953[15] : i32 from vector<16xi32>
    %add3A_955 = vector.broadcast %reduce_sum3A_950 : i32 to vector<16xi32>
    %add3A_956 = arith.addi %add3A_955, %masked_cumsum3A_940 : vector<16xi32>
    %sub3A_957 = arith.constant 1 : i32
    %sub3A_958 = vector.broadcast %sub3A_957 : i32 to vector<16xi32>
    %sub3A_959 = arith.subi %add3A_956, %sub3A_958 : vector<16xi32>
    %select_n3A_960 = arith.select %eq3A_936, %sub3A_959, %select_n3A_925 : vector<16xi1>, vector<16xi32>
    %eq3A_961 = arith.constant 2 : i32
    %eq3A_962 = vector.broadcast %eq3A_961 : i32 to vector<16xi32>
    %eq3A_963 = arith.cmpi eq, %iota3A, %eq3A_962 : vector<16xi32>
    %jit3A_964 = arith.constant 0 : i32
    %broadcast_in_dim3A_965 = vector.broadcast %reduce_sum3A_954 : i32 to vector<16xi32>
    %broadcast_in_dim3A_966 = vector.broadcast %jit3A_964 : i32 to vector<16xi32>
    %select_n3A_967 = arith.select %eq3A_963, %broadcast_in_dim3A_965, %broadcast_in_dim3A_966 : vector<16xi1>, vector<16xi32>
    %add3A_968 = arith.addi %add3A_933, %select_n3A_967 : vector<16xi32>
    %eq3A_969 = arith.constant 3 : i32
    %eq3A_970 = vector.broadcast %eq3A_969 : i32 to vector<16xi32>
    %eq3A_971 = arith.cmpi eq, %get3A_861, %eq3A_970 : vector<16xi32>
    %convert_element_type3A_972 = arith.extui %eq3A_971 : vector<16xi1> to vector<16xi32>
    %broadcast_in_dim3A_973 = arith.constant true
    %broadcast_in_dim3A_974 = vector.broadcast %broadcast_in_dim3A_973 : i1 to vector<16xi1>
    %masked_cumsum3A_975 = tpu.scan <sum>, %convert_element_type3A_972 masked %broadcast_in_dim3A_974 : vector<16xi32>, vector<16xi1> -> vector<16xi32>
    %eq3A_976 = arith.constant 3 : i32
    %eq3A_977 = vector.broadcast %eq3A_976 : i32 to vector<16xi32>
    %eq3A_978 = arith.cmpi eq, %iota3A, %eq3A_977 : vector<16xi32>
    %jit3A_979 = arith.constant 0 : i32
    %broadcast_in_dim3A_980 = vector.broadcast %jit3A_979 : i32 to vector<16xi32>
    %select_n3A_981 = arith.select %eq3A_978, %add3A_968, %broadcast_in_dim3A_980 : vector<16xi1>, vector<16xi32>
    %reduce_sum3A_982 = arith.constant true
    %reduce_sum3A_983 = vector.broadcast %reduce_sum3A_982 : i1 to vector<16xi1>
    %reduce_sum3A_984 = tpu.scan <sum>, %select_n3A_981 masked %reduce_sum3A_983 : vector<16xi32>, vector<16xi1> -> vector<16xi32>
    %reduce_sum3A_985 = vector.extract %reduce_sum3A_984[15] : i32 from vector<16xi32>
    %reduce_sum3A_986 = arith.constant true
    %reduce_sum3A_987 = vector.broadcast %reduce_sum3A_986 : i1 to vector<16xi1>
    %reduce_sum3A_988 = tpu.scan <sum>, %convert_element_type3A_972 masked %reduce_sum3A_987 : vector<16xi32>, vector<16xi1> -> vector<16xi32>
    %reduce_sum3A_989 = vector.extract %reduce_sum3A_988[15] : i32 from vector<16xi32>
    %add3A_990 = vector.broadcast %reduce_sum3A_985 : i32 to vector<16xi32>
    %add3A_991 = arith.addi %add3A_990, %masked_cumsum3A_975 : vector<16xi32>
    %sub3A_992 = arith.constant 1 : i32
    %sub3A_993 = vector.broadcast %sub3A_992 : i32 to vector<16xi32>
    %sub3A_994 = arith.subi %add3A_991, %sub3A_993 : vector<16xi32>
    %select_n3A_995 = arith.select %eq3A_971, %sub3A_994, %select_n3A_960 : vector<16xi1>, vector<16xi32>
    %eq3A_996 = arith.constant 3 : i32
    %eq3A_997 = vector.broadcast %eq3A_996 : i32 to vector<16xi32>
    %eq3A_998 = arith.cmpi eq, %iota3A, %eq3A_997 : vector<16xi32>
    %jit3A_999 = arith.constant 0 : i32
    %broadcast_in_dim3A_1000 = vector.broadcast %reduce_sum3A_989 : i32 to vector<16xi32>
    %broadcast_in_dim3A_1001 = vector.broadcast %jit3A_999 : i32 to vector<16xi32>
    %select_n3A_1002 = arith.select %eq3A_998, %broadcast_in_dim3A_1000, %broadcast_in_dim3A_1001 : vector<16xi1>, vector<16xi32>
    %add3A_1003 = arith.addi %add3A_968, %select_n3A_1002 : vector<16xi32>
    %eq3A_1004 = arith.constant 4 : i32
    %eq3A_1005 = vector.broadcast %eq3A_1004 : i32 to vector<16xi32>
    %eq3A_1006 = arith.cmpi eq, %get3A_861, %eq3A_1005 : vector<16xi32>
    %convert_element_type3A_1007 = arith.extui %eq3A_1006 : vector<16xi1> to vector<16xi32>
    %broadcast_in_dim3A_1008 = arith.constant true
    %broadcast_in_dim3A_1009 = vector.broadcast %broadcast_in_dim3A_1008 : i1 to vector<16xi1>
    %masked_cumsum3A_1010 = tpu.scan <sum>, %convert_element_type3A_1007 masked %broadcast_in_dim3A_1009 : vector<16xi32>, vector<16xi1> -> vector<16xi32>
    %eq3A_1011 = arith.constant 4 : i32
    %eq3A_1012 = vector.broadcast %eq3A_1011 : i32 to vector<16xi32>
    %eq3A_1013 = arith.cmpi eq, %iota3A, %eq3A_1012 : vector<16xi32>
    %jit3A_1014 = arith.constant 0 : i32
    %broadcast_in_dim3A_1015 = vector.broadcast %jit3A_1014 : i32 to vector<16xi32>
    %select_n3A_1016 = arith.select %eq3A_1013, %add3A_1003, %broadcast_in_dim3A_1015 : vector<16xi1>, vector<16xi32>
    %reduce_sum3A_1017 = arith.constant true
    %reduce_sum3A_1018 = vector.broadcast %reduce_sum3A_1017 : i1 to vector<16xi1>
    %reduce_sum3A_1019 = tpu.scan <sum>, %select_n3A_1016 masked %reduce_sum3A_1018 : vector<16xi32>, vector<16xi1> -> vector<16xi32>
    %reduce_sum3A_1020 = vector.extract %reduce_sum3A_1019[15] : i32 from vector<16xi32>
    %reduce_sum3A_1021 = arith.constant true
    %reduce_sum3A_1022 = vector.broadcast %reduce_sum3A_1021 : i1 to vector<16xi1>
    %reduce_sum3A_1023 = tpu.scan <sum>, %convert_element_type3A_1007 masked %reduce_sum3A_1022 : vector<16xi32>, vector<16xi1> -> vector<16xi32>
    %reduce_sum3A_1024 = vector.extract %reduce_sum3A_1023[15] : i32 from vector<16xi32>
    %add3A_1025 = vector.broadcast %reduce_sum3A_1020 : i32 to vector<16xi32>
    %add3A_1026 = arith.addi %add3A_1025, %masked_cumsum3A_1010 : vector<16xi32>
    %sub3A_1027 = arith.constant 1 : i32
    %sub3A_1028 = vector.broadcast %sub3A_1027 : i32 to vector<16xi32>
    %sub3A_1029 = arith.subi %add3A_1026, %sub3A_1028 : vector<16xi32>
    %select_n3A_1030 = arith.select %eq3A_1006, %sub3A_1029, %select_n3A_995 : vector<16xi1>, vector<16xi32>
    %eq3A_1031 = arith.constant 4 : i32
    %eq3A_1032 = vector.broadcast %eq3A_1031 : i32 to vector<16xi32>
    %eq3A_1033 = arith.cmpi eq, %iota3A, %eq3A_1032 : vector<16xi32>
    %jit3A_1034 = arith.constant 0 : i32
    %broadcast_in_dim3A_1035 = vector.broadcast %reduce_sum3A_1024 : i32 to vector<16xi32>
    %broadcast_in_dim3A_1036 = vector.broadcast %jit3A_1034 : i32 to vector<16xi32>
    %select_n3A_1037 = arith.select %eq3A_1033, %broadcast_in_dim3A_1035, %broadcast_in_dim3A_1036 : vector<16xi1>, vector<16xi32>
    %add3A_1038 = arith.addi %add3A_1003, %select_n3A_1037 : vector<16xi32>
    %eq3A_1039 = arith.constant 5 : i32
    %eq3A_1040 = vector.broadcast %eq3A_1039 : i32 to vector<16xi32>
    %eq3A_1041 = arith.cmpi eq, %get3A_861, %eq3A_1040 : vector<16xi32>
    %convert_element_type3A_1042 = arith.extui %eq3A_1041 : vector<16xi1> to vector<16xi32>
    %broadcast_in_dim3A_1043 = arith.constant true
    %broadcast_in_dim3A_1044 = vector.broadcast %broadcast_in_dim3A_1043 : i1 to vector<16xi1>
    %masked_cumsum3A_1045 = tpu.scan <sum>, %convert_element_type3A_1042 masked %broadcast_in_dim3A_1044 : vector<16xi32>, vector<16xi1> -> vector<16xi32>
    %eq3A_1046 = arith.constant 5 : i32
    %eq3A_1047 = vector.broadcast %eq3A_1046 : i32 to vector<16xi32>
    %eq3A_1048 = arith.cmpi eq, %iota3A, %eq3A_1047 : vector<16xi32>
    %jit3A_1049 = arith.constant 0 : i32
    %broadcast_in_dim3A_1050 = vector.broadcast %jit3A_1049 : i32 to vector<16xi32>
    %select_n3A_1051 = arith.select %eq3A_1048, %add3A_1038, %broadcast_in_dim3A_1050 : vector<16xi1>, vector<16xi32>
    %reduce_sum3A_1052 = arith.constant true
    %reduce_sum3A_1053 = vector.broadcast %reduce_sum3A_1052 : i1 to vector<16xi1>
    %reduce_sum3A_1054 = tpu.scan <sum>, %select_n3A_1051 masked %reduce_sum3A_1053 : vector<16xi32>, vector<16xi1> -> vector<16xi32>
    %reduce_sum3A_1055 = vector.extract %reduce_sum3A_1054[15] : i32 from vector<16xi32>
    %reduce_sum3A_1056 = arith.constant true
    %reduce_sum3A_1057 = vector.broadcast %reduce_sum3A_1056 : i1 to vector<16xi1>
    %reduce_sum3A_1058 = tpu.scan <sum>, %convert_element_type3A_1042 masked %reduce_sum3A_1057 : vector<16xi32>, vector<16xi1> -> vector<16xi32>
    %reduce_sum3A_1059 = vector.extract %reduce_sum3A_1058[15] : i32 from vector<16xi32>
    %add3A_1060 = vector.broadcast %reduce_sum3A_1055 : i32 to vector<16xi32>
    %add3A_1061 = arith.addi %add3A_1060, %masked_cumsum3A_1045 : vector<16xi32>
    %sub3A_1062 = arith.constant 1 : i32
    %sub3A_1063 = vector.broadcast %sub3A_1062 : i32 to vector<16xi32>
    %sub3A_1064 = arith.subi %add3A_1061, %sub3A_1063 : vector<16xi32>
    %select_n3A_1065 = arith.select %eq3A_1041, %sub3A_1064, %select_n3A_1030 : vector<16xi1>, vector<16xi32>
    %eq3A_1066 = arith.constant 5 : i32
    %eq3A_1067 = vector.broadcast %eq3A_1066 : i32 to vector<16xi32>
    %eq3A_1068 = arith.cmpi eq, %iota3A, %eq3A_1067 : vector<16xi32>
    %jit3A_1069 = arith.constant 0 : i32
    %broadcast_in_dim3A_1070 = vector.broadcast %reduce_sum3A_1059 : i32 to vector<16xi32>
    %broadcast_in_dim3A_1071 = vector.broadcast %jit3A_1069 : i32 to vector<16xi32>
    %select_n3A_1072 = arith.select %eq3A_1068, %broadcast_in_dim3A_1070, %broadcast_in_dim3A_1071 : vector<16xi1>, vector<16xi32>
    %add3A_1073 = arith.addi %add3A_1038, %select_n3A_1072 : vector<16xi32>
    %eq3A_1074 = arith.constant 6 : i32
    %eq3A_1075 = vector.broadcast %eq3A_1074 : i32 to vector<16xi32>
    %eq3A_1076 = arith.cmpi eq, %get3A_861, %eq3A_1075 : vector<16xi32>
    %convert_element_type3A_1077 = arith.extui %eq3A_1076 : vector<16xi1> to vector<16xi32>
    %broadcast_in_dim3A_1078 = arith.constant true
    %broadcast_in_dim3A_1079 = vector.broadcast %broadcast_in_dim3A_1078 : i1 to vector<16xi1>
    %masked_cumsum3A_1080 = tpu.scan <sum>, %convert_element_type3A_1077 masked %broadcast_in_dim3A_1079 : vector<16xi32>, vector<16xi1> -> vector<16xi32>
    %eq3A_1081 = arith.constant 6 : i32
    %eq3A_1082 = vector.broadcast %eq3A_1081 : i32 to vector<16xi32>
    %eq3A_1083 = arith.cmpi eq, %iota3A, %eq3A_1082 : vector<16xi32>
    %jit3A_1084 = arith.constant 0 : i32
    %broadcast_in_dim3A_1085 = vector.broadcast %jit3A_1084 : i32 to vector<16xi32>
    %select_n3A_1086 = arith.select %eq3A_1083, %add3A_1073, %broadcast_in_dim3A_1085 : vector<16xi1>, vector<16xi32>
    %reduce_sum3A_1087 = arith.constant true
    %reduce_sum3A_1088 = vector.broadcast %reduce_sum3A_1087 : i1 to vector<16xi1>
    %reduce_sum3A_1089 = tpu.scan <sum>, %select_n3A_1086 masked %reduce_sum3A_1088 : vector<16xi32>, vector<16xi1> -> vector<16xi32>
    %reduce_sum3A_1090 = vector.extract %reduce_sum3A_1089[15] : i32 from vector<16xi32>
    %reduce_sum3A_1091 = arith.constant true
    %reduce_sum3A_1092 = vector.broadcast %reduce_sum3A_1091 : i1 to vector<16xi1>
    %reduce_sum3A_1093 = tpu.scan <sum>, %convert_element_type3A_1077 masked %reduce_sum3A_1092 : vector<16xi32>, vector<16xi1> -> vector<16xi32>
    %reduce_sum3A_1094 = vector.extract %reduce_sum3A_1093[15] : i32 from vector<16xi32>
    %add3A_1095 = vector.broadcast %reduce_sum3A_1090 : i32 to vector<16xi32>
    %add3A_1096 = arith.addi %add3A_1095, %masked_cumsum3A_1080 : vector<16xi32>
    %sub3A_1097 = arith.constant 1 : i32
    %sub3A_1098 = vector.broadcast %sub3A_1097 : i32 to vector<16xi32>
    %sub3A_1099 = arith.subi %add3A_1096, %sub3A_1098 : vector<16xi32>
    %select_n3A_1100 = arith.select %eq3A_1076, %sub3A_1099, %select_n3A_1065 : vector<16xi1>, vector<16xi32>
    %eq3A_1101 = arith.constant 6 : i32
    %eq3A_1102 = vector.broadcast %eq3A_1101 : i32 to vector<16xi32>
    %eq3A_1103 = arith.cmpi eq, %iota3A, %eq3A_1102 : vector<16xi32>
    %jit3A_1104 = arith.constant 0 : i32
    %broadcast_in_dim3A_1105 = vector.broadcast %reduce_sum3A_1094 : i32 to vector<16xi32>
    %broadcast_in_dim3A_1106 = vector.broadcast %jit3A_1104 : i32 to vector<16xi32>
    %select_n3A_1107 = arith.select %eq3A_1103, %broadcast_in_dim3A_1105, %broadcast_in_dim3A_1106 : vector<16xi1>, vector<16xi32>
    %add3A_1108 = arith.addi %add3A_1073, %select_n3A_1107 : vector<16xi32>
    %eq3A_1109 = arith.constant 7 : i32
    %eq3A_1110 = vector.broadcast %eq3A_1109 : i32 to vector<16xi32>
    %eq3A_1111 = arith.cmpi eq, %get3A_861, %eq3A_1110 : vector<16xi32>
    %convert_element_type3A_1112 = arith.extui %eq3A_1111 : vector<16xi1> to vector<16xi32>
    %broadcast_in_dim3A_1113 = arith.constant true
    %broadcast_in_dim3A_1114 = vector.broadcast %broadcast_in_dim3A_1113 : i1 to vector<16xi1>
    %masked_cumsum3A_1115 = tpu.scan <sum>, %convert_element_type3A_1112 masked %broadcast_in_dim3A_1114 : vector<16xi32>, vector<16xi1> -> vector<16xi32>
    %eq3A_1116 = arith.constant 7 : i32
    %eq3A_1117 = vector.broadcast %eq3A_1116 : i32 to vector<16xi32>
    %eq3A_1118 = arith.cmpi eq, %iota3A, %eq3A_1117 : vector<16xi32>
    %jit3A_1119 = arith.constant 0 : i32
    %broadcast_in_dim3A_1120 = vector.broadcast %jit3A_1119 : i32 to vector<16xi32>
    %select_n3A_1121 = arith.select %eq3A_1118, %add3A_1108, %broadcast_in_dim3A_1120 : vector<16xi1>, vector<16xi32>
    %reduce_sum3A_1122 = arith.constant true
    %reduce_sum3A_1123 = vector.broadcast %reduce_sum3A_1122 : i1 to vector<16xi1>
    %reduce_sum3A_1124 = tpu.scan <sum>, %select_n3A_1121 masked %reduce_sum3A_1123 : vector<16xi32>, vector<16xi1> -> vector<16xi32>
    %reduce_sum3A_1125 = vector.extract %reduce_sum3A_1124[15] : i32 from vector<16xi32>
    %reduce_sum3A_1126 = arith.constant true
    %reduce_sum3A_1127 = vector.broadcast %reduce_sum3A_1126 : i1 to vector<16xi1>
    %reduce_sum3A_1128 = tpu.scan <sum>, %convert_element_type3A_1112 masked %reduce_sum3A_1127 : vector<16xi32>, vector<16xi1> -> vector<16xi32>
    %reduce_sum3A_1129 = vector.extract %reduce_sum3A_1128[15] : i32 from vector<16xi32>
    %add3A_1130 = vector.broadcast %reduce_sum3A_1125 : i32 to vector<16xi32>
    %add3A_1131 = arith.addi %add3A_1130, %masked_cumsum3A_1115 : vector<16xi32>
    %sub3A_1132 = arith.constant 1 : i32
    %sub3A_1133 = vector.broadcast %sub3A_1132 : i32 to vector<16xi32>
    %sub3A_1134 = arith.subi %add3A_1131, %sub3A_1133 : vector<16xi32>
    %select_n3A_1135 = arith.select %eq3A_1111, %sub3A_1134, %select_n3A_1100 : vector<16xi1>, vector<16xi32>
    %eq3A_1136 = arith.constant 7 : i32
    %eq3A_1137 = vector.broadcast %eq3A_1136 : i32 to vector<16xi32>
    %eq3A_1138 = arith.cmpi eq, %iota3A, %eq3A_1137 : vector<16xi32>
    %jit3A_1139 = arith.constant 0 : i32
    %broadcast_in_dim3A_1140 = vector.broadcast %reduce_sum3A_1129 : i32 to vector<16xi32>
    %broadcast_in_dim3A_1141 = vector.broadcast %jit3A_1139 : i32 to vector<16xi32>
    %select_n3A_1142 = arith.select %eq3A_1138, %broadcast_in_dim3A_1140, %broadcast_in_dim3A_1141 : vector<16xi1>, vector<16xi32>
    %add3A_1143 = arith.addi %add3A_1108, %select_n3A_1142 : vector<16xi32>
    %swap3A_1144 = arith.constant 48 : index
    %swap3A_1145 = tpu.vector_load %arg12[%swap3A_1144] {strides = array<i32>} : memref<128xi32, #tpu.memory_space<vmem>>, vector<16xi32>,
    tpu.vector_store %arg12[%swap3A_1144], %select_n3A_1135 {strides = array<i32>} : memref<128xi32, #tpu.memory_space<vmem>>, vector<16xi32>,
    %get3A_1146 = arith.constant 64 : index
    %get3A_1147 = tpu.vector_load %arg11[%get3A_1146] {strides = array<i32>} : memref<128xi32, #tpu.memory_space<vmem>>, vector<16xi32>,
    %broadcast_in_dim3A_1148 = arith.constant 0 : i32
    %broadcast_in_dim3A_1149 = vector.broadcast %broadcast_in_dim3A_1148 : i32 to vector<16xi32>
    %eq3A_1150 = arith.constant 0 : i32
    %eq3A_1151 = vector.broadcast %eq3A_1150 : i32 to vector<16xi32>
    %eq3A_1152 = arith.cmpi eq, %get3A_1147, %eq3A_1151 : vector<16xi32>
    %convert_element_type3A_1153 = arith.extui %eq3A_1152 : vector<16xi1> to vector<16xi32>
    %broadcast_in_dim3A_1154 = arith.constant true
    %broadcast_in_dim3A_1155 = vector.broadcast %broadcast_in_dim3A_1154 : i1 to vector<16xi1>
    %masked_cumsum3A_1156 = tpu.scan <sum>, %convert_element_type3A_1153 masked %broadcast_in_dim3A_1155 : vector<16xi32>, vector<16xi1> -> vector<16xi32>
    %eq3A_1157 = arith.constant 0 : i32
    %eq3A_1158 = vector.broadcast %eq3A_1157 : i32 to vector<16xi32>
    %eq3A_1159 = arith.cmpi eq, %iota3A, %eq3A_1158 : vector<16xi32>
    %jit3A_1160 = arith.constant 0 : i32
    %broadcast_in_dim3A_1161 = vector.broadcast %jit3A_1160 : i32 to vector<16xi32>
    %select_n3A_1162 = arith.select %eq3A_1159, %add3A_1143, %broadcast_in_dim3A_1161 : vector<16xi1>, vector<16xi32>
    %reduce_sum3A_1163 = arith.constant true
    %reduce_sum3A_1164 = vector.broadcast %reduce_sum3A_1163 : i1 to vector<16xi1>
    %reduce_sum3A_1165 = tpu.scan <sum>, %select_n3A_1162 masked %reduce_sum3A_1164 : vector<16xi32>, vector<16xi1> -> vector<16xi32>
    %reduce_sum3A_1166 = vector.extract %reduce_sum3A_1165[15] : i32 from vector<16xi32>
    %reduce_sum3A_1167 = arith.constant true
    %reduce_sum3A_1168 = vector.broadcast %reduce_sum3A_1167 : i1 to vector<16xi1>
    %reduce_sum3A_1169 = tpu.scan <sum>, %convert_element_type3A_1153 masked %reduce_sum3A_1168 : vector<16xi32>, vector<16xi1> -> vector<16xi32>
    %reduce_sum3A_1170 = vector.extract %reduce_sum3A_1169[15] : i32 from vector<16xi32>
    %add3A_1171 = vector.broadcast %reduce_sum3A_1166 : i32 to vector<16xi32>
    %add3A_1172 = arith.addi %add3A_1171, %masked_cumsum3A_1156 : vector<16xi32>
    %sub3A_1173 = arith.constant 1 : i32
    %sub3A_1174 = vector.broadcast %sub3A_1173 : i32 to vector<16xi32>
    %sub3A_1175 = arith.subi %add3A_1172, %sub3A_1174 : vector<16xi32>
    %select_n3A_1176 = arith.select %eq3A_1152, %sub3A_1175, %broadcast_in_dim3A_1149 : vector<16xi1>, vector<16xi32>
    %eq3A_1177 = arith.constant 0 : i32
    %eq3A_1178 = vector.broadcast %eq3A_1177 : i32 to vector<16xi32>
    %eq3A_1179 = arith.cmpi eq, %iota3A, %eq3A_1178 : vector<16xi32>
    %jit3A_1180 = arith.constant 0 : i32
    %broadcast_in_dim3A_1181 = vector.broadcast %reduce_sum3A_1170 : i32 to vector<16xi32>
    %broadcast_in_dim3A_1182 = vector.broadcast %jit3A_1180 : i32 to vector<16xi32>
    %select_n3A_1183 = arith.select %eq3A_1179, %broadcast_in_dim3A_1181, %broadcast_in_dim3A_1182 : vector<16xi1>, vector<16xi32>
    %add3A_1184 = arith.addi %add3A_1143, %select_n3A_1183 : vector<16xi32>
    %eq3A_1185 = arith.constant 1 : i32
    %eq3A_1186 = vector.broadcast %eq3A_1185 : i32 to vector<16xi32>
    %eq3A_1187 = arith.cmpi eq, %get3A_1147, %eq3A_1186 : vector<16xi32>
    %convert_element_type3A_1188 = arith.extui %eq3A_1187 : vector<16xi1> to vector<16xi32>
    %broadcast_in_dim3A_1189 = arith.constant true
    %broadcast_in_dim3A_1190 = vector.broadcast %broadcast_in_dim3A_1189 : i1 to vector<16xi1>
    %masked_cumsum3A_1191 = tpu.scan <sum>, %convert_element_type3A_1188 masked %broadcast_in_dim3A_1190 : vector<16xi32>, vector<16xi1> -> vector<16xi32>
    %eq3A_1192 = arith.constant 1 : i32
    %eq3A_1193 = vector.broadcast %eq3A_1192 : i32 to vector<16xi32>
    %eq3A_1194 = arith.cmpi eq, %iota3A, %eq3A_1193 : vector<16xi32>
    %jit3A_1195 = arith.constant 0 : i32
    %broadcast_in_dim3A_1196 = vector.broadcast %jit3A_1195 : i32 to vector<16xi32>
    %select_n3A_1197 = arith.select %eq3A_1194, %add3A_1184, %broadcast_in_dim3A_1196 : vector<16xi1>, vector<16xi32>
    %reduce_sum3A_1198 = arith.constant true
    %reduce_sum3A_1199 = vector.broadcast %reduce_sum3A_1198 : i1 to vector<16xi1>
    %reduce_sum3A_1200 = tpu.scan <sum>, %select_n3A_1197 masked %reduce_sum3A_1199 : vector<16xi32>, vector<16xi1> -> vector<16xi32>
    %reduce_sum3A_1201 = vector.extract %reduce_sum3A_1200[15] : i32 from vector<16xi32>
    %reduce_sum3A_1202 = arith.constant true
    %reduce_sum3A_1203 = vector.broadcast %reduce_sum3A_1202 : i1 to vector<16xi1>
    %reduce_sum3A_1204 = tpu.scan <sum>, %convert_element_type3A_1188 masked %reduce_sum3A_1203 : vector<16xi32>, vector<16xi1> -> vector<16xi32>
    %reduce_sum3A_1205 = vector.extract %reduce_sum3A_1204[15] : i32 from vector<16xi32>
    %add3A_1206 = vector.broadcast %reduce_sum3A_1201 : i32 to vector<16xi32>
    %add3A_1207 = arith.addi %add3A_1206, %masked_cumsum3A_1191 : vector<16xi32>
    %sub3A_1208 = arith.constant 1 : i32
    %sub3A_1209 = vector.broadcast %sub3A_1208 : i32 to vector<16xi32>
    %sub3A_1210 = arith.subi %add3A_1207, %sub3A_1209 : vector<16xi32>
    %select_n3A_1211 = arith.select %eq3A_1187, %sub3A_1210, %select_n3A_1176 : vector<16xi1>, vector<16xi32>
    %eq3A_1212 = arith.constant 1 : i32
    %eq3A_1213 = vector.broadcast %eq3A_1212 : i32 to vector<16xi32>
    %eq3A_1214 = arith.cmpi eq, %iota3A, %eq3A_1213 : vector<16xi32>
    %jit3A_1215 = arith.constant 0 : i32
    %broadcast_in_dim3A_1216 = vector.broadcast %reduce_sum3A_1205 : i32 to vector<16xi32>
    %broadcast_in_dim3A_1217 = vector.broadcast %jit3A_1215 : i32 to vector<16xi32>
    %select_n3A_1218 = arith.select %eq3A_1214, %broadcast_in_dim3A_1216, %broadcast_in_dim3A_1217 : vector<16xi1>, vector<16xi32>
    %add3A_1219 = arith.addi %add3A_1184, %select_n3A_1218 : vector<16xi32>
    %eq3A_1220 = arith.constant 2 : i32
    %eq3A_1221 = vector.broadcast %eq3A_1220 : i32 to vector<16xi32>
    %eq3A_1222 = arith.cmpi eq, %get3A_1147, %eq3A_1221 : vector<16xi32>
    %convert_element_type3A_1223 = arith.extui %eq3A_1222 : vector<16xi1> to vector<16xi32>
    %broadcast_in_dim3A_1224 = arith.constant true
    %broadcast_in_dim3A_1225 = vector.broadcast %broadcast_in_dim3A_1224 : i1 to vector<16xi1>
    %masked_cumsum3A_1226 = tpu.scan <sum>, %convert_element_type3A_1223 masked %broadcast_in_dim3A_1225 : vector<16xi32>, vector<16xi1> -> vector<16xi32>
    %eq3A_1227 = arith.constant 2 : i32
    %eq3A_1228 = vector.broadcast %eq3A_1227 : i32 to vector<16xi32>
    %eq3A_1229 = arith.cmpi eq, %iota3A, %eq3A_1228 : vector<16xi32>
    %jit3A_1230 = arith.constant 0 : i32
    %broadcast_in_dim3A_1231 = vector.broadcast %jit3A_1230 : i32 to vector<16xi32>
    %select_n3A_1232 = arith.select %eq3A_1229, %add3A_1219, %broadcast_in_dim3A_1231 : vector<16xi1>, vector<16xi32>
    %reduce_sum3A_1233 = arith.constant true
    %reduce_sum3A_1234 = vector.broadcast %reduce_sum3A_1233 : i1 to vector<16xi1>
    %reduce_sum3A_1235 = tpu.scan <sum>, %select_n3A_1232 masked %reduce_sum3A_1234 : vector<16xi32>, vector<16xi1> -> vector<16xi32>
    %reduce_sum3A_1236 = vector.extract %reduce_sum3A_1235[15] : i32 from vector<16xi32>
    %reduce_sum3A_1237 = arith.constant true
    %reduce_sum3A_1238 = vector.broadcast %reduce_sum3A_1237 : i1 to vector<16xi1>
    %reduce_sum3A_1239 = tpu.scan <sum>, %convert_element_type3A_1223 masked %reduce_sum3A_1238 : vector<16xi32>, vector<16xi1> -> vector<16xi32>
    %reduce_sum3A_1240 = vector.extract %reduce_sum3A_1239[15] : i32 from vector<16xi32>
    %add3A_1241 = vector.broadcast %reduce_sum3A_1236 : i32 to vector<16xi32>
    %add3A_1242 = arith.addi %add3A_1241, %masked_cumsum3A_1226 : vector<16xi32>
    %sub3A_1243 = arith.constant 1 : i32
    %sub3A_1244 = vector.broadcast %sub3A_1243 : i32 to vector<16xi32>
    %sub3A_1245 = arith.subi %add3A_1242, %sub3A_1244 : vector<16xi32>
    %select_n3A_1246 = arith.select %eq3A_1222, %sub3A_1245, %select_n3A_1211 : vector<16xi1>, vector<16xi32>
    %eq3A_1247 = arith.constant 2 : i32
    %eq3A_1248 = vector.broadcast %eq3A_1247 : i32 to vector<16xi32>
    %eq3A_1249 = arith.cmpi eq, %iota3A, %eq3A_1248 : vector<16xi32>
    %jit3A_1250 = arith.constant 0 : i32
    %broadcast_in_dim3A_1251 = vector.broadcast %reduce_sum3A_1240 : i32 to vector<16xi32>
    %broadcast_in_dim3A_1252 = vector.broadcast %jit3A_1250 : i32 to vector<16xi32>
    %select_n3A_1253 = arith.select %eq3A_1249, %broadcast_in_dim3A_1251, %broadcast_in_dim3A_1252 : vector<16xi1>, vector<16xi32>
    %add3A_1254 = arith.addi %add3A_1219, %select_n3A_1253 : vector<16xi32>
    %eq3A_1255 = arith.constant 3 : i32
    %eq3A_1256 = vector.broadcast %eq3A_1255 : i32 to vector<16xi32>
    %eq3A_1257 = arith.cmpi eq, %get3A_1147, %eq3A_1256 : vector<16xi32>
    %convert_element_type3A_1258 = arith.extui %eq3A_1257 : vector<16xi1> to vector<16xi32>
    %broadcast_in_dim3A_1259 = arith.constant true
    %broadcast_in_dim3A_1260 = vector.broadcast %broadcast_in_dim3A_1259 : i1 to vector<16xi1>
    %masked_cumsum3A_1261 = tpu.scan <sum>, %convert_element_type3A_1258 masked %broadcast_in_dim3A_1260 : vector<16xi32>, vector<16xi1> -> vector<16xi32>
    %eq3A_1262 = arith.constant 3 : i32
    %eq3A_1263 = vector.broadcast %eq3A_1262 : i32 to vector<16xi32>
    %eq3A_1264 = arith.cmpi eq, %iota3A, %eq3A_1263 : vector<16xi32>
    %jit3A_1265 = arith.constant 0 : i32
    %broadcast_in_dim3A_1266 = vector.broadcast %jit3A_1265 : i32 to vector<16xi32>
    %select_n3A_1267 = arith.select %eq3A_1264, %add3A_1254, %broadcast_in_dim3A_1266 : vector<16xi1>, vector<16xi32>
    %reduce_sum3A_1268 = arith.constant true
    %reduce_sum3A_1269 = vector.broadcast %reduce_sum3A_1268 : i1 to vector<16xi1>
    %reduce_sum3A_1270 = tpu.scan <sum>, %select_n3A_1267 masked %reduce_sum3A_1269 : vector<16xi32>, vector<16xi1> -> vector<16xi32>
    %reduce_sum3A_1271 = vector.extract %reduce_sum3A_1270[15] : i32 from vector<16xi32>
    %reduce_sum3A_1272 = arith.constant true
    %reduce_sum3A_1273 = vector.broadcast %reduce_sum3A_1272 : i1 to vector<16xi1>
    %reduce_sum3A_1274 = tpu.scan <sum>, %convert_element_type3A_1258 masked %reduce_sum3A_1273 : vector<16xi32>, vector<16xi1> -> vector<16xi32>
    %reduce_sum3A_1275 = vector.extract %reduce_sum3A_1274[15] : i32 from vector<16xi32>
    %add3A_1276 = vector.broadcast %reduce_sum3A_1271 : i32 to vector<16xi32>
    %add3A_1277 = arith.addi %add3A_1276, %masked_cumsum3A_1261 : vector<16xi32>
    %sub3A_1278 = arith.constant 1 : i32
    %sub3A_1279 = vector.broadcast %sub3A_1278 : i32 to vector<16xi32>
    %sub3A_1280 = arith.subi %add3A_1277, %sub3A_1279 : vector<16xi32>
    %select_n3A_1281 = arith.select %eq3A_1257, %sub3A_1280, %select_n3A_1246 : vector<16xi1>, vector<16xi32>
    %eq3A_1282 = arith.constant 3 : i32
    %eq3A_1283 = vector.broadcast %eq3A_1282 : i32 to vector<16xi32>
    %eq3A_1284 = arith.cmpi eq, %iota3A, %eq3A_1283 : vector<16xi32>
    %jit3A_1285 = arith.constant 0 : i32
    %broadcast_in_dim3A_1286 = vector.broadcast %reduce_sum3A_1275 : i32 to vector<16xi32>
    %broadcast_in_dim3A_1287 = vector.broadcast %jit3A_1285 : i32 to vector<16xi32>
    %select_n3A_1288 = arith.select %eq3A_1284, %broadcast_in_dim3A_1286, %broadcast_in_dim3A_1287 : vector<16xi1>, vector<16xi32>
    %add3A_1289 = arith.addi %add3A_1254, %select_n3A_1288 : vector<16xi32>
    %eq3A_1290 = arith.constant 4 : i32
    %eq3A_1291 = vector.broadcast %eq3A_1290 : i32 to vector<16xi32>
    %eq3A_1292 = arith.cmpi eq, %get3A_1147, %eq3A_1291 : vector<16xi32>
    %convert_element_type3A_1293 = arith.extui %eq3A_1292 : vector<16xi1> to vector<16xi32>
    %broadcast_in_dim3A_1294 = arith.constant true
    %broadcast_in_dim3A_1295 = vector.broadcast %broadcast_in_dim3A_1294 : i1 to vector<16xi1>
    %masked_cumsum3A_1296 = tpu.scan <sum>, %convert_element_type3A_1293 masked %broadcast_in_dim3A_1295 : vector<16xi32>, vector<16xi1> -> vector<16xi32>
    %eq3A_1297 = arith.constant 4 : i32
    %eq3A_1298 = vector.broadcast %eq3A_1297 : i32 to vector<16xi32>
    %eq3A_1299 = arith.cmpi eq, %iota3A, %eq3A_1298 : vector<16xi32>
    %jit3A_1300 = arith.constant 0 : i32
    %broadcast_in_dim3A_1301 = vector.broadcast %jit3A_1300 : i32 to vector<16xi32>
    %select_n3A_1302 = arith.select %eq3A_1299, %add3A_1289, %broadcast_in_dim3A_1301 : vector<16xi1>, vector<16xi32>
    %reduce_sum3A_1303 = arith.constant true
    %reduce_sum3A_1304 = vector.broadcast %reduce_sum3A_1303 : i1 to vector<16xi1>
    %reduce_sum3A_1305 = tpu.scan <sum>, %select_n3A_1302 masked %reduce_sum3A_1304 : vector<16xi32>, vector<16xi1> -> vector<16xi32>
    %reduce_sum3A_1306 = vector.extract %reduce_sum3A_1305[15] : i32 from vector<16xi32>
    %reduce_sum3A_1307 = arith.constant true
    %reduce_sum3A_1308 = vector.broadcast %reduce_sum3A_1307 : i1 to vector<16xi1>
    %reduce_sum3A_1309 = tpu.scan <sum>, %convert_element_type3A_1293 masked %reduce_sum3A_1308 : vector<16xi32>, vector<16xi1> -> vector<16xi32>
    %reduce_sum3A_1310 = vector.extract %reduce_sum3A_1309[15] : i32 from vector<16xi32>
    %add3A_1311 = vector.broadcast %reduce_sum3A_1306 : i32 to vector<16xi32>
    %add3A_1312 = arith.addi %add3A_1311, %masked_cumsum3A_1296 : vector<16xi32>
    %sub3A_1313 = arith.constant 1 : i32
    %sub3A_1314 = vector.broadcast %sub3A_1313 : i32 to vector<16xi32>
    %sub3A_1315 = arith.subi %add3A_1312, %sub3A_1314 : vector<16xi32>
    %select_n3A_1316 = arith.select %eq3A_1292, %sub3A_1315, %select_n3A_1281 : vector<16xi1>, vector<16xi32>
    %eq3A_1317 = arith.constant 4 : i32
    %eq3A_1318 = vector.broadcast %eq3A_1317 : i32 to vector<16xi32>
    %eq3A_1319 = arith.cmpi eq, %iota3A, %eq3A_1318 : vector<16xi32>
    %jit3A_1320 = arith.constant 0 : i32
    %broadcast_in_dim3A_1321 = vector.broadcast %reduce_sum3A_1310 : i32 to vector<16xi32>
    %broadcast_in_dim3A_1322 = vector.broadcast %jit3A_1320 : i32 to vector<16xi32>
    %select_n3A_1323 = arith.select %eq3A_1319, %broadcast_in_dim3A_1321, %broadcast_in_dim3A_1322 : vector<16xi1>, vector<16xi32>
    %add3A_1324 = arith.addi %add3A_1289, %select_n3A_1323 : vector<16xi32>
    %eq3A_1325 = arith.constant 5 : i32
    %eq3A_1326 = vector.broadcast %eq3A_1325 : i32 to vector<16xi32>
    %eq3A_1327 = arith.cmpi eq, %get3A_1147, %eq3A_1326 : vector<16xi32>
    %convert_element_type3A_1328 = arith.extui %eq3A_1327 : vector<16xi1> to vector<16xi32>
    %broadcast_in_dim3A_1329 = arith.constant true
    %broadcast_in_dim3A_1330 = vector.broadcast %broadcast_in_dim3A_1329 : i1 to vector<16xi1>
    %masked_cumsum3A_1331 = tpu.scan <sum>, %convert_element_type3A_1328 masked %broadcast_in_dim3A_1330 : vector<16xi32>, vector<16xi1> -> vector<16xi32>
    %eq3A_1332 = arith.constant 5 : i32
    %eq3A_1333 = vector.broadcast %eq3A_1332 : i32 to vector<16xi32>
    %eq3A_1334 = arith.cmpi eq, %iota3A, %eq3A_1333 : vector<16xi32>
    %jit3A_1335 = arith.constant 0 : i32
    %broadcast_in_dim3A_1336 = vector.broadcast %jit3A_1335 : i32 to vector<16xi32>
    %select_n3A_1337 = arith.select %eq3A_1334, %add3A_1324, %broadcast_in_dim3A_1336 : vector<16xi1>, vector<16xi32>
    %reduce_sum3A_1338 = arith.constant true
    %reduce_sum3A_1339 = vector.broadcast %reduce_sum3A_1338 : i1 to vector<16xi1>
    %reduce_sum3A_1340 = tpu.scan <sum>, %select_n3A_1337 masked %reduce_sum3A_1339 : vector<16xi32>, vector<16xi1> -> vector<16xi32>
    %reduce_sum3A_1341 = vector.extract %reduce_sum3A_1340[15] : i32 from vector<16xi32>
    %reduce_sum3A_1342 = arith.constant true
    %reduce_sum3A_1343 = vector.broadcast %reduce_sum3A_1342 : i1 to vector<16xi1>
    %reduce_sum3A_1344 = tpu.scan <sum>, %convert_element_type3A_1328 masked %reduce_sum3A_1343 : vector<16xi32>, vector<16xi1> -> vector<16xi32>
    %reduce_sum3A_1345 = vector.extract %reduce_sum3A_1344[15] : i32 from vector<16xi32>
    %add3A_1346 = vector.broadcast %reduce_sum3A_1341 : i32 to vector<16xi32>
    %add3A_1347 = arith.addi %add3A_1346, %masked_cumsum3A_1331 : vector<16xi32>
    %sub3A_1348 = arith.constant 1 : i32
    %sub3A_1349 = vector.broadcast %sub3A_1348 : i32 to vector<16xi32>
    %sub3A_1350 = arith.subi %add3A_1347, %sub3A_1349 : vector<16xi32>
    %select_n3A_1351 = arith.select %eq3A_1327, %sub3A_1350, %select_n3A_1316 : vector<16xi1>, vector<16xi32>
    %eq3A_1352 = arith.constant 5 : i32
    %eq3A_1353 = vector.broadcast %eq3A_1352 : i32 to vector<16xi32>
    %eq3A_1354 = arith.cmpi eq, %iota3A, %eq3A_1353 : vector<16xi32>
    %jit3A_1355 = arith.constant 0 : i32
    %broadcast_in_dim3A_1356 = vector.broadcast %reduce_sum3A_1345 : i32 to vector<16xi32>
    %broadcast_in_dim3A_1357 = vector.broadcast %jit3A_1355 : i32 to vector<16xi32>
    %select_n3A_1358 = arith.select %eq3A_1354, %broadcast_in_dim3A_1356, %broadcast_in_dim3A_1357 : vector<16xi1>, vector<16xi32>
    %add3A_1359 = arith.addi %add3A_1324, %select_n3A_1358 : vector<16xi32>
    %eq3A_1360 = arith.constant 6 : i32
    %eq3A_1361 = vector.broadcast %eq3A_1360 : i32 to vector<16xi32>
    %eq3A_1362 = arith.cmpi eq, %get3A_1147, %eq3A_1361 : vector<16xi32>
    %convert_element_type3A_1363 = arith.extui %eq3A_1362 : vector<16xi1> to vector<16xi32>
    %broadcast_in_dim3A_1364 = arith.constant true
    %broadcast_in_dim3A_1365 = vector.broadcast %broadcast_in_dim3A_1364 : i1 to vector<16xi1>
    %masked_cumsum3A_1366 = tpu.scan <sum>, %convert_element_type3A_1363 masked %broadcast_in_dim3A_1365 : vector<16xi32>, vector<16xi1> -> vector<16xi32>
    %eq3A_1367 = arith.constant 6 : i32
    %eq3A_1368 = vector.broadcast %eq3A_1367 : i32 to vector<16xi32>
    %eq3A_1369 = arith.cmpi eq, %iota3A, %eq3A_1368 : vector<16xi32>
    %jit3A_1370 = arith.constant 0 : i32
    %broadcast_in_dim3A_1371 = vector.broadcast %jit3A_1370 : i32 to vector<16xi32>
    %select_n3A_1372 = arith.select %eq3A_1369, %add3A_1359, %broadcast_in_dim3A_1371 : vector<16xi1>, vector<16xi32>
    %reduce_sum3A_1373 = arith.constant true
    %reduce_sum3A_1374 = vector.broadcast %reduce_sum3A_1373 : i1 to vector<16xi1>
    %reduce_sum3A_1375 = tpu.scan <sum>, %select_n3A_1372 masked %reduce_sum3A_1374 : vector<16xi32>, vector<16xi1> -> vector<16xi32>
    %reduce_sum3A_1376 = vector.extract %reduce_sum3A_1375[15] : i32 from vector<16xi32>
    %reduce_sum3A_1377 = arith.constant true
    %reduce_sum3A_1378 = vector.broadcast %reduce_sum3A_1377 : i1 to vector<16xi1>
    %reduce_sum3A_1379 = tpu.scan <sum>, %convert_element_type3A_1363 masked %reduce_sum3A_1378 : vector<16xi32>, vector<16xi1> -> vector<16xi32>
    %reduce_sum3A_1380 = vector.extract %reduce_sum3A_1379[15] : i32 from vector<16xi32>
    %add3A_1381 = vector.broadcast %reduce_sum3A_1376 : i32 to vector<16xi32>
    %add3A_1382 = arith.addi %add3A_1381, %masked_cumsum3A_1366 : vector<16xi32>
    %sub3A_1383 = arith.constant 1 : i32
    %sub3A_1384 = vector.broadcast %sub3A_1383 : i32 to vector<16xi32>
    %sub3A_1385 = arith.subi %add3A_1382, %sub3A_1384 : vector<16xi32>
    %select_n3A_1386 = arith.select %eq3A_1362, %sub3A_1385, %select_n3A_1351 : vector<16xi1>, vector<16xi32>
    %eq3A_1387 = arith.constant 6 : i32
    %eq3A_1388 = vector.broadcast %eq3A_1387 : i32 to vector<16xi32>
    %eq3A_1389 = arith.cmpi eq, %iota3A, %eq3A_1388 : vector<16xi32>
    %jit3A_1390 = arith.constant 0 : i32
    %broadcast_in_dim3A_1391 = vector.broadcast %reduce_sum3A_1380 : i32 to vector<16xi32>
    %broadcast_in_dim3A_1392 = vector.broadcast %jit3A_1390 : i32 to vector<16xi32>
    %select_n3A_1393 = arith.select %eq3A_1389, %broadcast_in_dim3A_1391, %broadcast_in_dim3A_1392 : vector<16xi1>, vector<16xi32>
    %add3A_1394 = arith.addi %add3A_1359, %select_n3A_1393 : vector<16xi32>
    %eq3A_1395 = arith.constant 7 : i32
    %eq3A_1396 = vector.broadcast %eq3A_1395 : i32 to vector<16xi32>
    %eq3A_1397 = arith.cmpi eq, %get3A_1147, %eq3A_1396 : vector<16xi32>
    %convert_element_type3A_1398 = arith.extui %eq3A_1397 : vector<16xi1> to vector<16xi32>
    %broadcast_in_dim3A_1399 = arith.constant true
    %broadcast_in_dim3A_1400 = vector.broadcast %broadcast_in_dim3A_1399 : i1 to vector<16xi1>
    %masked_cumsum3A_1401 = tpu.scan <sum>, %convert_element_type3A_1398 masked %broadcast_in_dim3A_1400 : vector<16xi32>, vector<16xi1> -> vector<16xi32>
    %eq3A_1402 = arith.constant 7 : i32
    %eq3A_1403 = vector.broadcast %eq3A_1402 : i32 to vector<16xi32>
    %eq3A_1404 = arith.cmpi eq, %iota3A, %eq3A_1403 : vector<16xi32>
    %jit3A_1405 = arith.constant 0 : i32
    %broadcast_in_dim3A_1406 = vector.broadcast %jit3A_1405 : i32 to vector<16xi32>
    %select_n3A_1407 = arith.select %eq3A_1404, %add3A_1394, %broadcast_in_dim3A_1406 : vector<16xi1>, vector<16xi32>
    %reduce_sum3A_1408 = arith.constant true
    %reduce_sum3A_1409 = vector.broadcast %reduce_sum3A_1408 : i1 to vector<16xi1>
    %reduce_sum3A_1410 = tpu.scan <sum>, %select_n3A_1407 masked %reduce_sum3A_1409 : vector<16xi32>, vector<16xi1> -> vector<16xi32>
    %reduce_sum3A_1411 = vector.extract %reduce_sum3A_1410[15] : i32 from vector<16xi32>
    %reduce_sum3A_1412 = arith.constant true
    %reduce_sum3A_1413 = vector.broadcast %reduce_sum3A_1412 : i1 to vector<16xi1>
    %reduce_sum3A_1414 = tpu.scan <sum>, %convert_element_type3A_1398 masked %reduce_sum3A_1413 : vector<16xi32>, vector<16xi1> -> vector<16xi32>
    %reduce_sum3A_1415 = vector.extract %reduce_sum3A_1414[15] : i32 from vector<16xi32>
    %add3A_1416 = vector.broadcast %reduce_sum3A_1411 : i32 to vector<16xi32>
    %add3A_1417 = arith.addi %add3A_1416, %masked_cumsum3A_1401 : vector<16xi32>
    %sub3A_1418 = arith.constant 1 : i32
    %sub3A_1419 = vector.broadcast %sub3A_1418 : i32 to vector<16xi32>
    %sub3A_1420 = arith.subi %add3A_1417, %sub3A_1419 : vector<16xi32>
    %select_n3A_1421 = arith.select %eq3A_1397, %sub3A_1420, %select_n3A_1386 : vector<16xi1>, vector<16xi32>
    %eq3A_1422 = arith.constant 7 : i32
    %eq3A_1423 = vector.broadcast %eq3A_1422 : i32 to vector<16xi32>
    %eq3A_1424 = arith.cmpi eq, %iota3A, %eq3A_1423 : vector<16xi32>
    %jit3A_1425 = arith.constant 0 : i32
    %broadcast_in_dim3A_1426 = vector.broadcast %reduce_sum3A_1415 : i32 to vector<16xi32>
    %broadcast_in_dim3A_1427 = vector.broadcast %jit3A_1425 : i32 to vector<16xi32>
    %select_n3A_1428 = arith.select %eq3A_1424, %broadcast_in_dim3A_1426, %broadcast_in_dim3A_1427 : vector<16xi1>, vector<16xi32>
    %add3A_1429 = arith.addi %add3A_1394, %select_n3A_1428 : vector<16xi32>
    %swap3A_1430 = arith.constant 64 : index
    %swap3A_1431 = tpu.vector_load %arg12[%swap3A_1430] {strides = array<i32>} : memref<128xi32, #tpu.memory_space<vmem>>, vector<16xi32>,
    tpu.vector_store %arg12[%swap3A_1430], %select_n3A_1421 {strides = array<i32>} : memref<128xi32, #tpu.memory_space<vmem>>, vector<16xi32>,
    %get3A_1432 = arith.constant 80 : index
    %get3A_1433 = tpu.vector_load %arg11[%get3A_1432] {strides = array<i32>} : memref<128xi32, #tpu.memory_space<vmem>>, vector<16xi32>,
    %broadcast_in_dim3A_1434 = arith.constant 0 : i32
    %broadcast_in_dim3A_1435 = vector.broadcast %broadcast_in_dim3A_1434 : i32 to vector<16xi32>
    %eq3A_1436 = arith.constant 0 : i32
    %eq3A_1437 = vector.broadcast %eq3A_1436 : i32 to vector<16xi32>
    %eq3A_1438 = arith.cmpi eq, %get3A_1433, %eq3A_1437 : vector<16xi32>
    %convert_element_type3A_1439 = arith.extui %eq3A_1438 : vector<16xi1> to vector<16xi32>
    %broadcast_in_dim3A_1440 = arith.constant true
    %broadcast_in_dim3A_1441 = vector.broadcast %broadcast_in_dim3A_1440 : i1 to vector<16xi1>
    %masked_cumsum3A_1442 = tpu.scan <sum>, %convert_element_type3A_1439 masked %broadcast_in_dim3A_1441 : vector<16xi32>, vector<16xi1> -> vector<16xi32>
    %eq3A_1443 = arith.constant 0 : i32
    %eq3A_1444 = vector.broadcast %eq3A_1443 : i32 to vector<16xi32>
    %eq3A_1445 = arith.cmpi eq, %iota3A, %eq3A_1444 : vector<16xi32>
    %jit3A_1446 = arith.constant 0 : i32
    %broadcast_in_dim3A_1447 = vector.broadcast %jit3A_1446 : i32 to vector<16xi32>
    %select_n3A_1448 = arith.select %eq3A_1445, %add3A_1429, %broadcast_in_dim3A_1447 : vector<16xi1>, vector<16xi32>
    %reduce_sum3A_1449 = arith.constant true
    %reduce_sum3A_1450 = vector.broadcast %reduce_sum3A_1449 : i1 to vector<16xi1>
    %reduce_sum3A_1451 = tpu.scan <sum>, %select_n3A_1448 masked %reduce_sum3A_1450 : vector<16xi32>, vector<16xi1> -> vector<16xi32>
    %reduce_sum3A_1452 = vector.extract %reduce_sum3A_1451[15] : i32 from vector<16xi32>
    %reduce_sum3A_1453 = arith.constant true
    %reduce_sum3A_1454 = vector.broadcast %reduce_sum3A_1453 : i1 to vector<16xi1>
    %reduce_sum3A_1455 = tpu.scan <sum>, %convert_element_type3A_1439 masked %reduce_sum3A_1454 : vector<16xi32>, vector<16xi1> -> vector<16xi32>
    %reduce_sum3A_1456 = vector.extract %reduce_sum3A_1455[15] : i32 from vector<16xi32>
    %add3A_1457 = vector.broadcast %reduce_sum3A_1452 : i32 to vector<16xi32>
    %add3A_1458 = arith.addi %add3A_1457, %masked_cumsum3A_1442 : vector<16xi32>
    %sub3A_1459 = arith.constant 1 : i32
    %sub3A_1460 = vector.broadcast %sub3A_1459 : i32 to vector<16xi32>
    %sub3A_1461 = arith.subi %add3A_1458, %sub3A_1460 : vector<16xi32>
    %select_n3A_1462 = arith.select %eq3A_1438, %sub3A_1461, %broadcast_in_dim3A_1435 : vector<16xi1>, vector<16xi32>
    %eq3A_1463 = arith.constant 0 : i32
    %eq3A_1464 = vector.broadcast %eq3A_1463 : i32 to vector<16xi32>
    %eq3A_1465 = arith.cmpi eq, %iota3A, %eq3A_1464 : vector<16xi32>
    %jit3A_1466 = arith.constant 0 : i32
    %broadcast_in_dim3A_1467 = vector.broadcast %reduce_sum3A_1456 : i32 to vector<16xi32>
    %broadcast_in_dim3A_1468 = vector.broadcast %jit3A_1466 : i32 to vector<16xi32>
    %select_n3A_1469 = arith.select %eq3A_1465, %broadcast_in_dim3A_1467, %broadcast_in_dim3A_1468 : vector<16xi1>, vector<16xi32>
    %add3A_1470 = arith.addi %add3A_1429, %select_n3A_1469 : vector<16xi32>
    %eq3A_1471 = arith.constant 1 : i32
    %eq3A_1472 = vector.broadcast %eq3A_1471 : i32 to vector<16xi32>
    %eq3A_1473 = arith.cmpi eq, %get3A_1433, %eq3A_1472 : vector<16xi32>
    %convert_element_type3A_1474 = arith.extui %eq3A_1473 : vector<16xi1> to vector<16xi32>
    %broadcast_in_dim3A_1475 = arith.constant true
    %broadcast_in_dim3A_1476 = vector.broadcast %broadcast_in_dim3A_1475 : i1 to vector<16xi1>
    %masked_cumsum3A_1477 = tpu.scan <sum>, %convert_element_type3A_1474 masked %broadcast_in_dim3A_1476 : vector<16xi32>, vector<16xi1> -> vector<16xi32>
    %eq3A_1478 = arith.constant 1 : i32
    %eq3A_1479 = vector.broadcast %eq3A_1478 : i32 to vector<16xi32>
    %eq3A_1480 = arith.cmpi eq, %iota3A, %eq3A_1479 : vector<16xi32>
    %jit3A_1481 = arith.constant 0 : i32
    %broadcast_in_dim3A_1482 = vector.broadcast %jit3A_1481 : i32 to vector<16xi32>
    %select_n3A_1483 = arith.select %eq3A_1480, %add3A_1470, %broadcast_in_dim3A_1482 : vector<16xi1>, vector<16xi32>
    %reduce_sum3A_1484 = arith.constant true
    %reduce_sum3A_1485 = vector.broadcast %reduce_sum3A_1484 : i1 to vector<16xi1>
    %reduce_sum3A_1486 = tpu.scan <sum>, %select_n3A_1483 masked %reduce_sum3A_1485 : vector<16xi32>, vector<16xi1> -> vector<16xi32>
    %reduce_sum3A_1487 = vector.extract %reduce_sum3A_1486[15] : i32 from vector<16xi32>
    %reduce_sum3A_1488 = arith.constant true
    %reduce_sum3A_1489 = vector.broadcast %reduce_sum3A_1488 : i1 to vector<16xi1>
    %reduce_sum3A_1490 = tpu.scan <sum>, %convert_element_type3A_1474 masked %reduce_sum3A_1489 : vector<16xi32>, vector<16xi1> -> vector<16xi32>
    %reduce_sum3A_1491 = vector.extract %reduce_sum3A_1490[15] : i32 from vector<16xi32>
    %add3A_1492 = vector.broadcast %reduce_sum3A_1487 : i32 to vector<16xi32>
    %add3A_1493 = arith.addi %add3A_1492, %masked_cumsum3A_1477 : vector<16xi32>
    %sub3A_1494 = arith.constant 1 : i32
    %sub3A_1495 = vector.broadcast %sub3A_1494 : i32 to vector<16xi32>
    %sub3A_1496 = arith.subi %add3A_1493, %sub3A_1495 : vector<16xi32>
    %select_n3A_1497 = arith.select %eq3A_1473, %sub3A_1496, %select_n3A_1462 : vector<16xi1>, vector<16xi32>
    %eq3A_1498 = arith.constant 1 : i32
    %eq3A_1499 = vector.broadcast %eq3A_1498 : i32 to vector<16xi32>
    %eq3A_1500 = arith.cmpi eq, %iota3A, %eq3A_1499 : vector<16xi32>
    %jit3A_1501 = arith.constant 0 : i32
    %broadcast_in_dim3A_1502 = vector.broadcast %reduce_sum3A_1491 : i32 to vector<16xi32>
    %broadcast_in_dim3A_1503 = vector.broadcast %jit3A_1501 : i32 to vector<16xi32>
    %select_n3A_1504 = arith.select %eq3A_1500, %broadcast_in_dim3A_1502, %broadcast_in_dim3A_1503 : vector<16xi1>, vector<16xi32>
    %add3A_1505 = arith.addi %add3A_1470, %select_n3A_1504 : vector<16xi32>
    %eq3A_1506 = arith.constant 2 : i32
    %eq3A_1507 = vector.broadcast %eq3A_1506 : i32 to vector<16xi32>
    %eq3A_1508 = arith.cmpi eq, %get3A_1433, %eq3A_1507 : vector<16xi32>
    %convert_element_type3A_1509 = arith.extui %eq3A_1508 : vector<16xi1> to vector<16xi32>
    %broadcast_in_dim3A_1510 = arith.constant true
    %broadcast_in_dim3A_1511 = vector.broadcast %broadcast_in_dim3A_1510 : i1 to vector<16xi1>
    %masked_cumsum3A_1512 = tpu.scan <sum>, %convert_element_type3A_1509 masked %broadcast_in_dim3A_1511 : vector<16xi32>, vector<16xi1> -> vector<16xi32>
    %eq3A_1513 = arith.constant 2 : i32
    %eq3A_1514 = vector.broadcast %eq3A_1513 : i32 to vector<16xi32>
    %eq3A_1515 = arith.cmpi eq, %iota3A, %eq3A_1514 : vector<16xi32>
    %jit3A_1516 = arith.constant 0 : i32
    %broadcast_in_dim3A_1517 = vector.broadcast %jit3A_1516 : i32 to vector<16xi32>
    %select_n3A_1518 = arith.select %eq3A_1515, %add3A_1505, %broadcast_in_dim3A_1517 : vector<16xi1>, vector<16xi32>
    %reduce_sum3A_1519 = arith.constant true
    %reduce_sum3A_1520 = vector.broadcast %reduce_sum3A_1519 : i1 to vector<16xi1>
    %reduce_sum3A_1521 = tpu.scan <sum>, %select_n3A_1518 masked %reduce_sum3A_1520 : vector<16xi32>, vector<16xi1> -> vector<16xi32>
    %reduce_sum3A_1522 = vector.extract %reduce_sum3A_1521[15] : i32 from vector<16xi32>
    %reduce_sum3A_1523 = arith.constant true
    %reduce_sum3A_1524 = vector.broadcast %reduce_sum3A_1523 : i1 to vector<16xi1>
    %reduce_sum3A_1525 = tpu.scan <sum>, %convert_element_type3A_1509 masked %reduce_sum3A_1524 : vector<16xi32>, vector<16xi1> -> vector<16xi32>
    %reduce_sum3A_1526 = vector.extract %reduce_sum3A_1525[15] : i32 from vector<16xi32>
    %add3A_1527 = vector.broadcast %reduce_sum3A_1522 : i32 to vector<16xi32>
    %add3A_1528 = arith.addi %add3A_1527, %masked_cumsum3A_1512 : vector<16xi32>
    %sub3A_1529 = arith.constant 1 : i32
    %sub3A_1530 = vector.broadcast %sub3A_1529 : i32 to vector<16xi32>
    %sub3A_1531 = arith.subi %add3A_1528, %sub3A_1530 : vector<16xi32>
    %select_n3A_1532 = arith.select %eq3A_1508, %sub3A_1531, %select_n3A_1497 : vector<16xi1>, vector<16xi32>
    %eq3A_1533 = arith.constant 2 : i32
    %eq3A_1534 = vector.broadcast %eq3A_1533 : i32 to vector<16xi32>
    %eq3A_1535 = arith.cmpi eq, %iota3A, %eq3A_1534 : vector<16xi32>
    %jit3A_1536 = arith.constant 0 : i32
    %broadcast_in_dim3A_1537 = vector.broadcast %reduce_sum3A_1526 : i32 to vector<16xi32>
    %broadcast_in_dim3A_1538 = vector.broadcast %jit3A_1536 : i32 to vector<16xi32>
    %select_n3A_1539 = arith.select %eq3A_1535, %broadcast_in_dim3A_1537, %broadcast_in_dim3A_1538 : vector<16xi1>, vector<16xi32>
    %add3A_1540 = arith.addi %add3A_1505, %select_n3A_1539 : vector<16xi32>
    %eq3A_1541 = arith.constant 3 : i32
    %eq3A_1542 = vector.broadcast %eq3A_1541 : i32 to vector<16xi32>
    %eq3A_1543 = arith.cmpi eq, %get3A_1433, %eq3A_1542 : vector<16xi32>
    %convert_element_type3A_1544 = arith.extui %eq3A_1543 : vector<16xi1> to vector<16xi32>
    %broadcast_in_dim3A_1545 = arith.constant true
    %broadcast_in_dim3A_1546 = vector.broadcast %broadcast_in_dim3A_1545 : i1 to vector<16xi1>
    %masked_cumsum3A_1547 = tpu.scan <sum>, %convert_element_type3A_1544 masked %broadcast_in_dim3A_1546 : vector<16xi32>, vector<16xi1> -> vector<16xi32>
    %eq3A_1548 = arith.constant 3 : i32
    %eq3A_1549 = vector.broadcast %eq3A_1548 : i32 to vector<16xi32>
    %eq3A_1550 = arith.cmpi eq, %iota3A, %eq3A_1549 : vector<16xi32>
    %jit3A_1551 = arith.constant 0 : i32
    %broadcast_in_dim3A_1552 = vector.broadcast %jit3A_1551 : i32 to vector<16xi32>
    %select_n3A_1553 = arith.select %eq3A_1550, %add3A_1540, %broadcast_in_dim3A_1552 : vector<16xi1>, vector<16xi32>
    %reduce_sum3A_1554 = arith.constant true
    %reduce_sum3A_1555 = vector.broadcast %reduce_sum3A_1554 : i1 to vector<16xi1>
    %reduce_sum3A_1556 = tpu.scan <sum>, %select_n3A_1553 masked %reduce_sum3A_1555 : vector<16xi32>, vector<16xi1> -> vector<16xi32>
    %reduce_sum3A_1557 = vector.extract %reduce_sum3A_1556[15] : i32 from vector<16xi32>
    %reduce_sum3A_1558 = arith.constant true
    %reduce_sum3A_1559 = vector.broadcast %reduce_sum3A_1558 : i1 to vector<16xi1>
    %reduce_sum3A_1560 = tpu.scan <sum>, %convert_element_type3A_1544 masked %reduce_sum3A_1559 : vector<16xi32>, vector<16xi1> -> vector<16xi32>
    %reduce_sum3A_1561 = vector.extract %reduce_sum3A_1560[15] : i32 from vector<16xi32>
    %add3A_1562 = vector.broadcast %reduce_sum3A_1557 : i32 to vector<16xi32>
    %add3A_1563 = arith.addi %add3A_1562, %masked_cumsum3A_1547 : vector<16xi32>
    %sub3A_1564 = arith.constant 1 : i32
    %sub3A_1565 = vector.broadcast %sub3A_1564 : i32 to vector<16xi32>
    %sub3A_1566 = arith.subi %add3A_1563, %sub3A_1565 : vector<16xi32>
    %select_n3A_1567 = arith.select %eq3A_1543, %sub3A_1566, %select_n3A_1532 : vector<16xi1>, vector<16xi32>
    %eq3A_1568 = arith.constant 3 : i32
    %eq3A_1569 = vector.broadcast %eq3A_1568 : i32 to vector<16xi32>
    %eq3A_1570 = arith.cmpi eq, %iota3A, %eq3A_1569 : vector<16xi32>
    %jit3A_1571 = arith.constant 0 : i32
    %broadcast_in_dim3A_1572 = vector.broadcast %reduce_sum3A_1561 : i32 to vector<16xi32>
    %broadcast_in_dim3A_1573 = vector.broadcast %jit3A_1571 : i32 to vector<16xi32>
    %select_n3A_1574 = arith.select %eq3A_1570, %broadcast_in_dim3A_1572, %broadcast_in_dim3A_1573 : vector<16xi1>, vector<16xi32>
    %add3A_1575 = arith.addi %add3A_1540, %select_n3A_1574 : vector<16xi32>
    %eq3A_1576 = arith.constant 4 : i32
    %eq3A_1577 = vector.broadcast %eq3A_1576 : i32 to vector<16xi32>
    %eq3A_1578 = arith.cmpi eq, %get3A_1433, %eq3A_1577 : vector<16xi32>
    %convert_element_type3A_1579 = arith.extui %eq3A_1578 : vector<16xi1> to vector<16xi32>
    %broadcast_in_dim3A_1580 = arith.constant true
    %broadcast_in_dim3A_1581 = vector.broadcast %broadcast_in_dim3A_1580 : i1 to vector<16xi1>
    %masked_cumsum3A_1582 = tpu.scan <sum>, %convert_element_type3A_1579 masked %broadcast_in_dim3A_1581 : vector<16xi32>, vector<16xi1> -> vector<16xi32>
    %eq3A_1583 = arith.constant 4 : i32
    %eq3A_1584 = vector.broadcast %eq3A_1583 : i32 to vector<16xi32>
    %eq3A_1585 = arith.cmpi eq, %iota3A, %eq3A_1584 : vector<16xi32>
    %jit3A_1586 = arith.constant 0 : i32
    %broadcast_in_dim3A_1587 = vector.broadcast %jit3A_1586 : i32 to vector<16xi32>
    %select_n3A_1588 = arith.select %eq3A_1585, %add3A_1575, %broadcast_in_dim3A_1587 : vector<16xi1>, vector<16xi32>
    %reduce_sum3A_1589 = arith.constant true
    %reduce_sum3A_1590 = vector.broadcast %reduce_sum3A_1589 : i1 to vector<16xi1>
    %reduce_sum3A_1591 = tpu.scan <sum>, %select_n3A_1588 masked %reduce_sum3A_1590 : vector<16xi32>, vector<16xi1> -> vector<16xi32>
    %reduce_sum3A_1592 = vector.extract %reduce_sum3A_1591[15] : i32 from vector<16xi32>
    %reduce_sum3A_1593 = arith.constant true
    %reduce_sum3A_1594 = vector.broadcast %reduce_sum3A_1593 : i1 to vector<16xi1>
    %reduce_sum3A_1595 = tpu.scan <sum>, %convert_element_type3A_1579 masked %reduce_sum3A_1594 : vector<16xi32>, vector<16xi1> -> vector<16xi32>
    %reduce_sum3A_1596 = vector.extract %reduce_sum3A_1595[15] : i32 from vector<16xi32>
    %add3A_1597 = vector.broadcast %reduce_sum3A_1592 : i32 to vector<16xi32>
    %add3A_1598 = arith.addi %add3A_1597, %masked_cumsum3A_1582 : vector<16xi32>
    %sub3A_1599 = arith.constant 1 : i32
    %sub3A_1600 = vector.broadcast %sub3A_1599 : i32 to vector<16xi32>
    %sub3A_1601 = arith.subi %add3A_1598, %sub3A_1600 : vector<16xi32>
    %select_n3A_1602 = arith.select %eq3A_1578, %sub3A_1601, %select_n3A_1567 : vector<16xi1>, vector<16xi32>
    %eq3A_1603 = arith.constant 4 : i32
    %eq3A_1604 = vector.broadcast %eq3A_1603 : i32 to vector<16xi32>
    %eq3A_1605 = arith.cmpi eq, %iota3A, %eq3A_1604 : vector<16xi32>
    %jit3A_1606 = arith.constant 0 : i32
    %broadcast_in_dim3A_1607 = vector.broadcast %reduce_sum3A_1596 : i32 to vector<16xi32>
    %broadcast_in_dim3A_1608 = vector.broadcast %jit3A_1606 : i32 to vector<16xi32>
    %select_n3A_1609 = arith.select %eq3A_1605, %broadcast_in_dim3A_1607, %broadcast_in_dim3A_1608 : vector<16xi1>, vector<16xi32>
    %add3A_1610 = arith.addi %add3A_1575, %select_n3A_1609 : vector<16xi32>
    %eq3A_1611 = arith.constant 5 : i32
    %eq3A_1612 = vector.broadcast %eq3A_1611 : i32 to vector<16xi32>
    %eq3A_1613 = arith.cmpi eq, %get3A_1433, %eq3A_1612 : vector<16xi32>
    %convert_element_type3A_1614 = arith.extui %eq3A_1613 : vector<16xi1> to vector<16xi32>
    %broadcast_in_dim3A_1615 = arith.constant true
    %broadcast_in_dim3A_1616 = vector.broadcast %broadcast_in_dim3A_1615 : i1 to vector<16xi1>
    %masked_cumsum3A_1617 = tpu.scan <sum>, %convert_element_type3A_1614 masked %broadcast_in_dim3A_1616 : vector<16xi32>, vector<16xi1> -> vector<16xi32>
    %eq3A_1618 = arith.constant 5 : i32
    %eq3A_1619 = vector.broadcast %eq3A_1618 : i32 to vector<16xi32>
    %eq3A_1620 = arith.cmpi eq, %iota3A, %eq3A_1619 : vector<16xi32>
    %jit3A_1621 = arith.constant 0 : i32
    %broadcast_in_dim3A_1622 = vector.broadcast %jit3A_1621 : i32 to vector<16xi32>
    %select_n3A_1623 = arith.select %eq3A_1620, %add3A_1610, %broadcast_in_dim3A_1622 : vector<16xi1>, vector<16xi32>
    %reduce_sum3A_1624 = arith.constant true
    %reduce_sum3A_1625 = vector.broadcast %reduce_sum3A_1624 : i1 to vector<16xi1>
    %reduce_sum3A_1626 = tpu.scan <sum>, %select_n3A_1623 masked %reduce_sum3A_1625 : vector<16xi32>, vector<16xi1> -> vector<16xi32>
    %reduce_sum3A_1627 = vector.extract %reduce_sum3A_1626[15] : i32 from vector<16xi32>
    %reduce_sum3A_1628 = arith.constant true
    %reduce_sum3A_1629 = vector.broadcast %reduce_sum3A_1628 : i1 to vector<16xi1>
    %reduce_sum3A_1630 = tpu.scan <sum>, %convert_element_type3A_1614 masked %reduce_sum3A_1629 : vector<16xi32>, vector<16xi1> -> vector<16xi32>
    %reduce_sum3A_1631 = vector.extract %reduce_sum3A_1630[15] : i32 from vector<16xi32>
    %add3A_1632 = vector.broadcast %reduce_sum3A_1627 : i32 to vector<16xi32>
    %add3A_1633 = arith.addi %add3A_1632, %masked_cumsum3A_1617 : vector<16xi32>
    %sub3A_1634 = arith.constant 1 : i32
    %sub3A_1635 = vector.broadcast %sub3A_1634 : i32 to vector<16xi32>
    %sub3A_1636 = arith.subi %add3A_1633, %sub3A_1635 : vector<16xi32>
    %select_n3A_1637 = arith.select %eq3A_1613, %sub3A_1636, %select_n3A_1602 : vector<16xi1>, vector<16xi32>
    %eq3A_1638 = arith.constant 5 : i32
    %eq3A_1639 = vector.broadcast %eq3A_1638 : i32 to vector<16xi32>
    %eq3A_1640 = arith.cmpi eq, %iota3A, %eq3A_1639 : vector<16xi32>
    %jit3A_1641 = arith.constant 0 : i32
    %broadcast_in_dim3A_1642 = vector.broadcast %reduce_sum3A_1631 : i32 to vector<16xi32>
    %broadcast_in_dim3A_1643 = vector.broadcast %jit3A_1641 : i32 to vector<16xi32>
    %select_n3A_1644 = arith.select %eq3A_1640, %broadcast_in_dim3A_1642, %broadcast_in_dim3A_1643 : vector<16xi1>, vector<16xi32>
    %add3A_1645 = arith.addi %add3A_1610, %select_n3A_1644 : vector<16xi32>
    %eq3A_1646 = arith.constant 6 : i32
    %eq3A_1647 = vector.broadcast %eq3A_1646 : i32 to vector<16xi32>
    %eq3A_1648 = arith.cmpi eq, %get3A_1433, %eq3A_1647 : vector<16xi32>
    %convert_element_type3A_1649 = arith.extui %eq3A_1648 : vector<16xi1> to vector<16xi32>
    %broadcast_in_dim3A_1650 = arith.constant true
    %broadcast_in_dim3A_1651 = vector.broadcast %broadcast_in_dim3A_1650 : i1 to vector<16xi1>
    %masked_cumsum3A_1652 = tpu.scan <sum>, %convert_element_type3A_1649 masked %broadcast_in_dim3A_1651 : vector<16xi32>, vector<16xi1> -> vector<16xi32>
    %eq3A_1653 = arith.constant 6 : i32
    %eq3A_1654 = vector.broadcast %eq3A_1653 : i32 to vector<16xi32>
    %eq3A_1655 = arith.cmpi eq, %iota3A, %eq3A_1654 : vector<16xi32>
    %jit3A_1656 = arith.constant 0 : i32
    %broadcast_in_dim3A_1657 = vector.broadcast %jit3A_1656 : i32 to vector<16xi32>
    %select_n3A_1658 = arith.select %eq3A_1655, %add3A_1645, %broadcast_in_dim3A_1657 : vector<16xi1>, vector<16xi32>
    %reduce_sum3A_1659 = arith.constant true
    %reduce_sum3A_1660 = vector.broadcast %reduce_sum3A_1659 : i1 to vector<16xi1>
    %reduce_sum3A_1661 = tpu.scan <sum>, %select_n3A_1658 masked %reduce_sum3A_1660 : vector<16xi32>, vector<16xi1> -> vector<16xi32>
    %reduce_sum3A_1662 = vector.extract %reduce_sum3A_1661[15] : i32 from vector<16xi32>
    %reduce_sum3A_1663 = arith.constant true
    %reduce_sum3A_1664 = vector.broadcast %reduce_sum3A_1663 : i1 to vector<16xi1>
    %reduce_sum3A_1665 = tpu.scan <sum>, %convert_element_type3A_1649 masked %reduce_sum3A_1664 : vector<16xi32>, vector<16xi1> -> vector<16xi32>
    %reduce_sum3A_1666 = vector.extract %reduce_sum3A_1665[15] : i32 from vector<16xi32>
    %add3A_1667 = vector.broadcast %reduce_sum3A_1662 : i32 to vector<16xi32>
    %add3A_1668 = arith.addi %add3A_1667, %masked_cumsum3A_1652 : vector<16xi32>
    %sub3A_1669 = arith.constant 1 : i32
    %sub3A_1670 = vector.broadcast %sub3A_1669 : i32 to vector<16xi32>
    %sub3A_1671 = arith.subi %add3A_1668, %sub3A_1670 : vector<16xi32>
    %select_n3A_1672 = arith.select %eq3A_1648, %sub3A_1671, %select_n3A_1637 : vector<16xi1>, vector<16xi32>
    %eq3A_1673 = arith.constant 6 : i32
    %eq3A_1674 = vector.broadcast %eq3A_1673 : i32 to vector<16xi32>
    %eq3A_1675 = arith.cmpi eq, %iota3A, %eq3A_1674 : vector<16xi32>
    %jit3A_1676 = arith.constant 0 : i32
    %broadcast_in_dim3A_1677 = vector.broadcast %reduce_sum3A_1666 : i32 to vector<16xi32>
    %broadcast_in_dim3A_1678 = vector.broadcast %jit3A_1676 : i32 to vector<16xi32>
    %select_n3A_1679 = arith.select %eq3A_1675, %broadcast_in_dim3A_1677, %broadcast_in_dim3A_1678 : vector<16xi1>, vector<16xi32>
    %add3A_1680 = arith.addi %add3A_1645, %select_n3A_1679 : vector<16xi32>
    %eq3A_1681 = arith.constant 7 : i32
    %eq3A_1682 = vector.broadcast %eq3A_1681 : i32 to vector<16xi32>
    %eq3A_1683 = arith.cmpi eq, %get3A_1433, %eq3A_1682 : vector<16xi32>
    %convert_element_type3A_1684 = arith.extui %eq3A_1683 : vector<16xi1> to vector<16xi32>
    %broadcast_in_dim3A_1685 = arith.constant true
    %broadcast_in_dim3A_1686 = vector.broadcast %broadcast_in_dim3A_1685 : i1 to vector<16xi1>
    %masked_cumsum3A_1687 = tpu.scan <sum>, %convert_element_type3A_1684 masked %broadcast_in_dim3A_1686 : vector<16xi32>, vector<16xi1> -> vector<16xi32>
    %eq3A_1688 = arith.constant 7 : i32
    %eq3A_1689 = vector.broadcast %eq3A_1688 : i32 to vector<16xi32>
    %eq3A_1690 = arith.cmpi eq, %iota3A, %eq3A_1689 : vector<16xi32>
    %jit3A_1691 = arith.constant 0 : i32
    %broadcast_in_dim3A_1692 = vector.broadcast %jit3A_1691 : i32 to vector<16xi32>
    %select_n3A_1693 = arith.select %eq3A_1690, %add3A_1680, %broadcast_in_dim3A_1692 : vector<16xi1>, vector<16xi32>
    %reduce_sum3A_1694 = arith.constant true
    %reduce_sum3A_1695 = vector.broadcast %reduce_sum3A_1694 : i1 to vector<16xi1>
    %reduce_sum3A_1696 = tpu.scan <sum>, %select_n3A_1693 masked %reduce_sum3A_1695 : vector<16xi32>, vector<16xi1> -> vector<16xi32>
    %reduce_sum3A_1697 = vector.extract %reduce_sum3A_1696[15] : i32 from vector<16xi32>
    %reduce_sum3A_1698 = arith.constant true
    %reduce_sum3A_1699 = vector.broadcast %reduce_sum3A_1698 : i1 to vector<16xi1>
    %reduce_sum3A_1700 = tpu.scan <sum>, %convert_element_type3A_1684 masked %reduce_sum3A_1699 : vector<16xi32>, vector<16xi1> -> vector<16xi32>
    %reduce_sum3A_1701 = vector.extract %reduce_sum3A_1700[15] : i32 from vector<16xi32>
    %add3A_1702 = vector.broadcast %reduce_sum3A_1697 : i32 to vector<16xi32>
    %add3A_1703 = arith.addi %add3A_1702, %masked_cumsum3A_1687 : vector<16xi32>
    %sub3A_1704 = arith.constant 1 : i32
    %sub3A_1705 = vector.broadcast %sub3A_1704 : i32 to vector<16xi32>
    %sub3A_1706 = arith.subi %add3A_1703, %sub3A_1705 : vector<16xi32>
    %select_n3A_1707 = arith.select %eq3A_1683, %sub3A_1706, %select_n3A_1672 : vector<16xi1>, vector<16xi32>
    %eq3A_1708 = arith.constant 7 : i32
    %eq3A_1709 = vector.broadcast %eq3A_1708 : i32 to vector<16xi32>
    %eq3A_1710 = arith.cmpi eq, %iota3A, %eq3A_1709 : vector<16xi32>
    %jit3A_1711 = arith.constant 0 : i32
    %broadcast_in_dim3A_1712 = vector.broadcast %reduce_sum3A_1701 : i32 to vector<16xi32>
    %broadcast_in_dim3A_1713 = vector.broadcast %jit3A_1711 : i32 to vector<16xi32>
    %select_n3A_1714 = arith.select %eq3A_1710, %broadcast_in_dim3A_1712, %broadcast_in_dim3A_1713 : vector<16xi1>, vector<16xi32>
    %add3A_1715 = arith.addi %add3A_1680, %select_n3A_1714 : vector<16xi32>
    %swap3A_1716 = arith.constant 80 : index
    %swap3A_1717 = tpu.vector_load %arg12[%swap3A_1716] {strides = array<i32>} : memref<128xi32, #tpu.memory_space<vmem>>, vector<16xi32>,
    tpu.vector_store %arg12[%swap3A_1716], %select_n3A_1707 {strides = array<i32>} : memref<128xi32, #tpu.memory_space<vmem>>, vector<16xi32>,
    %get3A_1718 = arith.constant 96 : index
    %get3A_1719 = tpu.vector_load %arg11[%get3A_1718] {strides = array<i32>} : memref<128xi32, #tpu.memory_space<vmem>>, vector<16xi32>,
    %broadcast_in_dim3A_1720 = arith.constant 0 : i32
    %broadcast_in_dim3A_1721 = vector.broadcast %broadcast_in_dim3A_1720 : i32 to vector<16xi32>
    %eq3A_1722 = arith.constant 0 : i32
    %eq3A_1723 = vector.broadcast %eq3A_1722 : i32 to vector<16xi32>
    %eq3A_1724 = arith.cmpi eq, %get3A_1719, %eq3A_1723 : vector<16xi32>
    %convert_element_type3A_1725 = arith.extui %eq3A_1724 : vector<16xi1> to vector<16xi32>
    %broadcast_in_dim3A_1726 = arith.constant true
    %broadcast_in_dim3A_1727 = vector.broadcast %broadcast_in_dim3A_1726 : i1 to vector<16xi1>
    %masked_cumsum3A_1728 = tpu.scan <sum>, %convert_element_type3A_1725 masked %broadcast_in_dim3A_1727 : vector<16xi32>, vector<16xi1> -> vector<16xi32>
    %eq3A_1729 = arith.constant 0 : i32
    %eq3A_1730 = vector.broadcast %eq3A_1729 : i32 to vector<16xi32>
    %eq3A_1731 = arith.cmpi eq, %iota3A, %eq3A_1730 : vector<16xi32>
    %jit3A_1732 = arith.constant 0 : i32
    %broadcast_in_dim3A_1733 = vector.broadcast %jit3A_1732 : i32 to vector<16xi32>
    %select_n3A_1734 = arith.select %eq3A_1731, %add3A_1715, %broadcast_in_dim3A_1733 : vector<16xi1>, vector<16xi32>
    %reduce_sum3A_1735 = arith.constant true
    %reduce_sum3A_1736 = vector.broadcast %reduce_sum3A_1735 : i1 to vector<16xi1>
    %reduce_sum3A_1737 = tpu.scan <sum>, %select_n3A_1734 masked %reduce_sum3A_1736 : vector<16xi32>, vector<16xi1> -> vector<16xi32>
    %reduce_sum3A_1738 = vector.extract %reduce_sum3A_1737[15] : i32 from vector<16xi32>
    %reduce_sum3A_1739 = arith.constant true
    %reduce_sum3A_1740 = vector.broadcast %reduce_sum3A_1739 : i1 to vector<16xi1>
    %reduce_sum3A_1741 = tpu.scan <sum>, %convert_element_type3A_1725 masked %reduce_sum3A_1740 : vector<16xi32>, vector<16xi1> -> vector<16xi32>
    %reduce_sum3A_1742 = vector.extract %reduce_sum3A_1741[15] : i32 from vector<16xi32>
    %add3A_1743 = vector.broadcast %reduce_sum3A_1738 : i32 to vector<16xi32>
    %add3A_1744 = arith.addi %add3A_1743, %masked_cumsum3A_1728 : vector<16xi32>
    %sub3A_1745 = arith.constant 1 : i32
    %sub3A_1746 = vector.broadcast %sub3A_1745 : i32 to vector<16xi32>
    %sub3A_1747 = arith.subi %add3A_1744, %sub3A_1746 : vector<16xi32>
    %select_n3A_1748 = arith.select %eq3A_1724, %sub3A_1747, %broadcast_in_dim3A_1721 : vector<16xi1>, vector<16xi32>
    %eq3A_1749 = arith.constant 0 : i32
    %eq3A_1750 = vector.broadcast %eq3A_1749 : i32 to vector<16xi32>
    %eq3A_1751 = arith.cmpi eq, %iota3A, %eq3A_1750 : vector<16xi32>
    %jit3A_1752 = arith.constant 0 : i32
    %broadcast_in_dim3A_1753 = vector.broadcast %reduce_sum3A_1742 : i32 to vector<16xi32>
    %broadcast_in_dim3A_1754 = vector.broadcast %jit3A_1752 : i32 to vector<16xi32>
    %select_n3A_1755 = arith.select %eq3A_1751, %broadcast_in_dim3A_1753, %broadcast_in_dim3A_1754 : vector<16xi1>, vector<16xi32>
    %add3A_1756 = arith.addi %add3A_1715, %select_n3A_1755 : vector<16xi32>
    %eq3A_1757 = arith.constant 1 : i32
    %eq3A_1758 = vector.broadcast %eq3A_1757 : i32 to vector<16xi32>
    %eq3A_1759 = arith.cmpi eq, %get3A_1719, %eq3A_1758 : vector<16xi32>
    %convert_element_type3A_1760 = arith.extui %eq3A_1759 : vector<16xi1> to vector<16xi32>
    %broadcast_in_dim3A_1761 = arith.constant true
    %broadcast_in_dim3A_1762 = vector.broadcast %broadcast_in_dim3A_1761 : i1 to vector<16xi1>
    %masked_cumsum3A_1763 = tpu.scan <sum>, %convert_element_type3A_1760 masked %broadcast_in_dim3A_1762 : vector<16xi32>, vector<16xi1> -> vector<16xi32>
    %eq3A_1764 = arith.constant 1 : i32
    %eq3A_1765 = vector.broadcast %eq3A_1764 : i32 to vector<16xi32>
    %eq3A_1766 = arith.cmpi eq, %iota3A, %eq3A_1765 : vector<16xi32>
    %jit3A_1767 = arith.constant 0 : i32
    %broadcast_in_dim3A_1768 = vector.broadcast %jit3A_1767 : i32 to vector<16xi32>
    %select_n3A_1769 = arith.select %eq3A_1766, %add3A_1756, %broadcast_in_dim3A_1768 : vector<16xi1>, vector<16xi32>
    %reduce_sum3A_1770 = arith.constant true
    %reduce_sum3A_1771 = vector.broadcast %reduce_sum3A_1770 : i1 to vector<16xi1>
    %reduce_sum3A_1772 = tpu.scan <sum>, %select_n3A_1769 masked %reduce_sum3A_1771 : vector<16xi32>, vector<16xi1> -> vector<16xi32>
    %reduce_sum3A_1773 = vector.extract %reduce_sum3A_1772[15] : i32 from vector<16xi32>
    %reduce_sum3A_1774 = arith.constant true
    %reduce_sum3A_1775 = vector.broadcast %reduce_sum3A_1774 : i1 to vector<16xi1>
    %reduce_sum3A_1776 = tpu.scan <sum>, %convert_element_type3A_1760 masked %reduce_sum3A_1775 : vector<16xi32>, vector<16xi1> -> vector<16xi32>
    %reduce_sum3A_1777 = vector.extract %reduce_sum3A_1776[15] : i32 from vector<16xi32>
    %add3A_1778 = vector.broadcast %reduce_sum3A_1773 : i32 to vector<16xi32>
    %add3A_1779 = arith.addi %add3A_1778, %masked_cumsum3A_1763 : vector<16xi32>
    %sub3A_1780 = arith.constant 1 : i32
    %sub3A_1781 = vector.broadcast %sub3A_1780 : i32 to vector<16xi32>
    %sub3A_1782 = arith.subi %add3A_1779, %sub3A_1781 : vector<16xi32>
    %select_n3A_1783 = arith.select %eq3A_1759, %sub3A_1782, %select_n3A_1748 : vector<16xi1>, vector<16xi32>
    %eq3A_1784 = arith.constant 1 : i32
    %eq3A_1785 = vector.broadcast %eq3A_1784 : i32 to vector<16xi32>
    %eq3A_1786 = arith.cmpi eq, %iota3A, %eq3A_1785 : vector<16xi32>
    %jit3A_1787 = arith.constant 0 : i32
    %broadcast_in_dim3A_1788 = vector.broadcast %reduce_sum3A_1777 : i32 to vector<16xi32>
    %broadcast_in_dim3A_1789 = vector.broadcast %jit3A_1787 : i32 to vector<16xi32>
    %select_n3A_1790 = arith.select %eq3A_1786, %broadcast_in_dim3A_1788, %broadcast_in_dim3A_1789 : vector<16xi1>, vector<16xi32>
    %add3A_1791 = arith.addi %add3A_1756, %select_n3A_1790 : vector<16xi32>
    %eq3A_1792 = arith.constant 2 : i32
    %eq3A_1793 = vector.broadcast %eq3A_1792 : i32 to vector<16xi32>
    %eq3A_1794 = arith.cmpi eq, %get3A_1719, %eq3A_1793 : vector<16xi32>
    %convert_element_type3A_1795 = arith.extui %eq3A_1794 : vector<16xi1> to vector<16xi32>
    %broadcast_in_dim3A_1796 = arith.constant true
    %broadcast_in_dim3A_1797 = vector.broadcast %broadcast_in_dim3A_1796 : i1 to vector<16xi1>
    %masked_cumsum3A_1798 = tpu.scan <sum>, %convert_element_type3A_1795 masked %broadcast_in_dim3A_1797 : vector<16xi32>, vector<16xi1> -> vector<16xi32>
    %eq3A_1799 = arith.constant 2 : i32
    %eq3A_1800 = vector.broadcast %eq3A_1799 : i32 to vector<16xi32>
    %eq3A_1801 = arith.cmpi eq, %iota3A, %eq3A_1800 : vector<16xi32>
    %jit3A_1802 = arith.constant 0 : i32
    %broadcast_in_dim3A_1803 = vector.broadcast %jit3A_1802 : i32 to vector<16xi32>
    %select_n3A_1804 = arith.select %eq3A_1801, %add3A_1791, %broadcast_in_dim3A_1803 : vector<16xi1>, vector<16xi32>
    %reduce_sum3A_1805 = arith.constant true
    %reduce_sum3A_1806 = vector.broadcast %reduce_sum3A_1805 : i1 to vector<16xi1>
    %reduce_sum3A_1807 = tpu.scan <sum>, %select_n3A_1804 masked %reduce_sum3A_1806 : vector<16xi32>, vector<16xi1> -> vector<16xi32>
    %reduce_sum3A_1808 = vector.extract %reduce_sum3A_1807[15] : i32 from vector<16xi32>
    %reduce_sum3A_1809 = arith.constant true
    %reduce_sum3A_1810 = vector.broadcast %reduce_sum3A_1809 : i1 to vector<16xi1>
    %reduce_sum3A_1811 = tpu.scan <sum>, %convert_element_type3A_1795 masked %reduce_sum3A_1810 : vector<16xi32>, vector<16xi1> -> vector<16xi32>
    %reduce_sum3A_1812 = vector.extract %reduce_sum3A_1811[15] : i32 from vector<16xi32>
    %add3A_1813 = vector.broadcast %reduce_sum3A_1808 : i32 to vector<16xi32>
    %add3A_1814 = arith.addi %add3A_1813, %masked_cumsum3A_1798 : vector<16xi32>
    %sub3A_1815 = arith.constant 1 : i32
    %sub3A_1816 = vector.broadcast %sub3A_1815 : i32 to vector<16xi32>
    %sub3A_1817 = arith.subi %add3A_1814, %sub3A_1816 : vector<16xi32>
    %select_n3A_1818 = arith.select %eq3A_1794, %sub3A_1817, %select_n3A_1783 : vector<16xi1>, vector<16xi32>
    %eq3A_1819 = arith.constant 2 : i32
    %eq3A_1820 = vector.broadcast %eq3A_1819 : i32 to vector<16xi32>
    %eq3A_1821 = arith.cmpi eq, %iota3A, %eq3A_1820 : vector<16xi32>
    %jit3A_1822 = arith.constant 0 : i32
    %broadcast_in_dim3A_1823 = vector.broadcast %reduce_sum3A_1812 : i32 to vector<16xi32>
    %broadcast_in_dim3A_1824 = vector.broadcast %jit3A_1822 : i32 to vector<16xi32>
    %select_n3A_1825 = arith.select %eq3A_1821, %broadcast_in_dim3A_1823, %broadcast_in_dim3A_1824 : vector<16xi1>, vector<16xi32>
    %add3A_1826 = arith.addi %add3A_1791, %select_n3A_1825 : vector<16xi32>
    %eq3A_1827 = arith.constant 3 : i32
    %eq3A_1828 = vector.broadcast %eq3A_1827 : i32 to vector<16xi32>
    %eq3A_1829 = arith.cmpi eq, %get3A_1719, %eq3A_1828 : vector<16xi32>
    %convert_element_type3A_1830 = arith.extui %eq3A_1829 : vector<16xi1> to vector<16xi32>
    %broadcast_in_dim3A_1831 = arith.constant true
    %broadcast_in_dim3A_1832 = vector.broadcast %broadcast_in_dim3A_1831 : i1 to vector<16xi1>
    %masked_cumsum3A_1833 = tpu.scan <sum>, %convert_element_type3A_1830 masked %broadcast_in_dim3A_1832 : vector<16xi32>, vector<16xi1> -> vector<16xi32>
    %eq3A_1834 = arith.constant 3 : i32
    %eq3A_1835 = vector.broadcast %eq3A_1834 : i32 to vector<16xi32>
    %eq3A_1836 = arith.cmpi eq, %iota3A, %eq3A_1835 : vector<16xi32>
    %jit3A_1837 = arith.constant 0 : i32
    %broadcast_in_dim3A_1838 = vector.broadcast %jit3A_1837 : i32 to vector<16xi32>
    %select_n3A_1839 = arith.select %eq3A_1836, %add3A_1826, %broadcast_in_dim3A_1838 : vector<16xi1>, vector<16xi32>
    %reduce_sum3A_1840 = arith.constant true
    %reduce_sum3A_1841 = vector.broadcast %reduce_sum3A_1840 : i1 to vector<16xi1>
    %reduce_sum3A_1842 = tpu.scan <sum>, %select_n3A_1839 masked %reduce_sum3A_1841 : vector<16xi32>, vector<16xi1> -> vector<16xi32>
    %reduce_sum3A_1843 = vector.extract %reduce_sum3A_1842[15] : i32 from vector<16xi32>
    %reduce_sum3A_1844 = arith.constant true
    %reduce_sum3A_1845 = vector.broadcast %reduce_sum3A_1844 : i1 to vector<16xi1>
    %reduce_sum3A_1846 = tpu.scan <sum>, %convert_element_type3A_1830 masked %reduce_sum3A_1845 : vector<16xi32>, vector<16xi1> -> vector<16xi32>
    %reduce_sum3A_1847 = vector.extract %reduce_sum3A_1846[15] : i32 from vector<16xi32>
    %add3A_1848 = vector.broadcast %reduce_sum3A_1843 : i32 to vector<16xi32>
    %add3A_1849 = arith.addi %add3A_1848, %masked_cumsum3A_1833 : vector<16xi32>
    %sub3A_1850 = arith.constant 1 : i32
    %sub3A_1851 = vector.broadcast %sub3A_1850 : i32 to vector<16xi32>
    %sub3A_1852 = arith.subi %add3A_1849, %sub3A_1851 : vector<16xi32>
    %select_n3A_1853 = arith.select %eq3A_1829, %sub3A_1852, %select_n3A_1818 : vector<16xi1>, vector<16xi32>
    %eq3A_1854 = arith.constant 3 : i32
    %eq3A_1855 = vector.broadcast %eq3A_1854 : i32 to vector<16xi32>
    %eq3A_1856 = arith.cmpi eq, %iota3A, %eq3A_1855 : vector<16xi32>
    %jit3A_1857 = arith.constant 0 : i32
    %broadcast_in_dim3A_1858 = vector.broadcast %reduce_sum3A_1847 : i32 to vector<16xi32>
    %broadcast_in_dim3A_1859 = vector.broadcast %jit3A_1857 : i32 to vector<16xi32>
    %select_n3A_1860 = arith.select %eq3A_1856, %broadcast_in_dim3A_1858, %broadcast_in_dim3A_1859 : vector<16xi1>, vector<16xi32>
    %add3A_1861 = arith.addi %add3A_1826, %select_n3A_1860 : vector<16xi32>
    %eq3A_1862 = arith.constant 4 : i32
    %eq3A_1863 = vector.broadcast %eq3A_1862 : i32 to vector<16xi32>
    %eq3A_1864 = arith.cmpi eq, %get3A_1719, %eq3A_1863 : vector<16xi32>
    %convert_element_type3A_1865 = arith.extui %eq3A_1864 : vector<16xi1> to vector<16xi32>
    %broadcast_in_dim3A_1866 = arith.constant true
    %broadcast_in_dim3A_1867 = vector.broadcast %broadcast_in_dim3A_1866 : i1 to vector<16xi1>
    %masked_cumsum3A_1868 = tpu.scan <sum>, %convert_element_type3A_1865 masked %broadcast_in_dim3A_1867 : vector<16xi32>, vector<16xi1> -> vector<16xi32>
    %eq3A_1869 = arith.constant 4 : i32
    %eq3A_1870 = vector.broadcast %eq3A_1869 : i32 to vector<16xi32>
    %eq3A_1871 = arith.cmpi eq, %iota3A, %eq3A_1870 : vector<16xi32>
    %jit3A_1872 = arith.constant 0 : i32
    %broadcast_in_dim3A_1873 = vector.broadcast %jit3A_1872 : i32 to vector<16xi32>
    %select_n3A_1874 = arith.select %eq3A_1871, %add3A_1861, %broadcast_in_dim3A_1873 : vector<16xi1>, vector<16xi32>
    %reduce_sum3A_1875 = arith.constant true
    %reduce_sum3A_1876 = vector.broadcast %reduce_sum3A_1875 : i1 to vector<16xi1>
    %reduce_sum3A_1877 = tpu.scan <sum>, %select_n3A_1874 masked %reduce_sum3A_1876 : vector<16xi32>, vector<16xi1> -> vector<16xi32>
    %reduce_sum3A_1878 = vector.extract %reduce_sum3A_1877[15] : i32 from vector<16xi32>
    %reduce_sum3A_1879 = arith.constant true
    %reduce_sum3A_1880 = vector.broadcast %reduce_sum3A_1879 : i1 to vector<16xi1>
    %reduce_sum3A_1881 = tpu.scan <sum>, %convert_element_type3A_1865 masked %reduce_sum3A_1880 : vector<16xi32>, vector<16xi1> -> vector<16xi32>
    %reduce_sum3A_1882 = vector.extract %reduce_sum3A_1881[15] : i32 from vector<16xi32>
    %add3A_1883 = vector.broadcast %reduce_sum3A_1878 : i32 to vector<16xi32>
    %add3A_1884 = arith.addi %add3A_1883, %masked_cumsum3A_1868 : vector<16xi32>
    %sub3A_1885 = arith.constant 1 : i32
    %sub3A_1886 = vector.broadcast %sub3A_1885 : i32 to vector<16xi32>
    %sub3A_1887 = arith.subi %add3A_1884, %sub3A_1886 : vector<16xi32>
    %select_n3A_1888 = arith.select %eq3A_1864, %sub3A_1887, %select_n3A_1853 : vector<16xi1>, vector<16xi32>
    %eq3A_1889 = arith.constant 4 : i32
    %eq3A_1890 = vector.broadcast %eq3A_1889 : i32 to vector<16xi32>
    %eq3A_1891 = arith.cmpi eq, %iota3A, %eq3A_1890 : vector<16xi32>
    %jit3A_1892 = arith.constant 0 : i32
    %broadcast_in_dim3A_1893 = vector.broadcast %reduce_sum3A_1882 : i32 to vector<16xi32>
    %broadcast_in_dim3A_1894 = vector.broadcast %jit3A_1892 : i32 to vector<16xi32>
    %select_n3A_1895 = arith.select %eq3A_1891, %broadcast_in_dim3A_1893, %broadcast_in_dim3A_1894 : vector<16xi1>, vector<16xi32>
    %add3A_1896 = arith.addi %add3A_1861, %select_n3A_1895 : vector<16xi32>
    %eq3A_1897 = arith.constant 5 : i32
    %eq3A_1898 = vector.broadcast %eq3A_1897 : i32 to vector<16xi32>
    %eq3A_1899 = arith.cmpi eq, %get3A_1719, %eq3A_1898 : vector<16xi32>
    %convert_element_type3A_1900 = arith.extui %eq3A_1899 : vector<16xi1> to vector<16xi32>
    %broadcast_in_dim3A_1901 = arith.constant true
    %broadcast_in_dim3A_1902 = vector.broadcast %broadcast_in_dim3A_1901 : i1 to vector<16xi1>
    %masked_cumsum3A_1903 = tpu.scan <sum>, %convert_element_type3A_1900 masked %broadcast_in_dim3A_1902 : vector<16xi32>, vector<16xi1> -> vector<16xi32>
    %eq3A_1904 = arith.constant 5 : i32
    %eq3A_1905 = vector.broadcast %eq3A_1904 : i32 to vector<16xi32>
    %eq3A_1906 = arith.cmpi eq, %iota3A, %eq3A_1905 : vector<16xi32>
    %jit3A_1907 = arith.constant 0 : i32
    %broadcast_in_dim3A_1908 = vector.broadcast %jit3A_1907 : i32 to vector<16xi32>
    %select_n3A_1909 = arith.select %eq3A_1906, %add3A_1896, %broadcast_in_dim3A_1908 : vector<16xi1>, vector<16xi32>
    %reduce_sum3A_1910 = arith.constant true
    %reduce_sum3A_1911 = vector.broadcast %reduce_sum3A_1910 : i1 to vector<16xi1>
    %reduce_sum3A_1912 = tpu.scan <sum>, %select_n3A_1909 masked %reduce_sum3A_1911 : vector<16xi32>, vector<16xi1> -> vector<16xi32>
    %reduce_sum3A_1913 = vector.extract %reduce_sum3A_1912[15] : i32 from vector<16xi32>
    %reduce_sum3A_1914 = arith.constant true
    %reduce_sum3A_1915 = vector.broadcast %reduce_sum3A_1914 : i1 to vector<16xi1>
    %reduce_sum3A_1916 = tpu.scan <sum>, %convert_element_type3A_1900 masked %reduce_sum3A_1915 : vector<16xi32>, vector<16xi1> -> vector<16xi32>
    %reduce_sum3A_1917 = vector.extract %reduce_sum3A_1916[15] : i32 from vector<16xi32>
    %add3A_1918 = vector.broadcast %reduce_sum3A_1913 : i32 to vector<16xi32>
    %add3A_1919 = arith.addi %add3A_1918, %masked_cumsum3A_1903 : vector<16xi32>
    %sub3A_1920 = arith.constant 1 : i32
    %sub3A_1921 = vector.broadcast %sub3A_1920 : i32 to vector<16xi32>
    %sub3A_1922 = arith.subi %add3A_1919, %sub3A_1921 : vector<16xi32>
    %select_n3A_1923 = arith.select %eq3A_1899, %sub3A_1922, %select_n3A_1888 : vector<16xi1>, vector<16xi32>
    %eq3A_1924 = arith.constant 5 : i32
    %eq3A_1925 = vector.broadcast %eq3A_1924 : i32 to vector<16xi32>
    %eq3A_1926 = arith.cmpi eq, %iota3A, %eq3A_1925 : vector<16xi32>
    %jit3A_1927 = arith.constant 0 : i32
    %broadcast_in_dim3A_1928 = vector.broadcast %reduce_sum3A_1917 : i32 to vector<16xi32>
    %broadcast_in_dim3A_1929 = vector.broadcast %jit3A_1927 : i32 to vector<16xi32>
    %select_n3A_1930 = arith.select %eq3A_1926, %broadcast_in_dim3A_1928, %broadcast_in_dim3A_1929 : vector<16xi1>, vector<16xi32>
    %add3A_1931 = arith.addi %add3A_1896, %select_n3A_1930 : vector<16xi32>
    %eq3A_1932 = arith.constant 6 : i32
    %eq3A_1933 = vector.broadcast %eq3A_1932 : i32 to vector<16xi32>
    %eq3A_1934 = arith.cmpi eq, %get3A_1719, %eq3A_1933 : vector<16xi32>
    %convert_element_type3A_1935 = arith.extui %eq3A_1934 : vector<16xi1> to vector<16xi32>
    %broadcast_in_dim3A_1936 = arith.constant true
    %broadcast_in_dim3A_1937 = vector.broadcast %broadcast_in_dim3A_1936 : i1 to vector<16xi1>
    %masked_cumsum3A_1938 = tpu.scan <sum>, %convert_element_type3A_1935 masked %broadcast_in_dim3A_1937 : vector<16xi32>, vector<16xi1> -> vector<16xi32>
    %eq3A_1939 = arith.constant 6 : i32
    %eq3A_1940 = vector.broadcast %eq3A_1939 : i32 to vector<16xi32>
    %eq3A_1941 = arith.cmpi eq, %iota3A, %eq3A_1940 : vector<16xi32>
    %jit3A_1942 = arith.constant 0 : i32
    %broadcast_in_dim3A_1943 = vector.broadcast %jit3A_1942 : i32 to vector<16xi32>
    %select_n3A_1944 = arith.select %eq3A_1941, %add3A_1931, %broadcast_in_dim3A_1943 : vector<16xi1>, vector<16xi32>
    %reduce_sum3A_1945 = arith.constant true
    %reduce_sum3A_1946 = vector.broadcast %reduce_sum3A_1945 : i1 to vector<16xi1>
    %reduce_sum3A_1947 = tpu.scan <sum>, %select_n3A_1944 masked %reduce_sum3A_1946 : vector<16xi32>, vector<16xi1> -> vector<16xi32>
    %reduce_sum3A_1948 = vector.extract %reduce_sum3A_1947[15] : i32 from vector<16xi32>
    %reduce_sum3A_1949 = arith.constant true
    %reduce_sum3A_1950 = vector.broadcast %reduce_sum3A_1949 : i1 to vector<16xi1>
    %reduce_sum3A_1951 = tpu.scan <sum>, %convert_element_type3A_1935 masked %reduce_sum3A_1950 : vector<16xi32>, vector<16xi1> -> vector<16xi32>
    %reduce_sum3A_1952 = vector.extract %reduce_sum3A_1951[15] : i32 from vector<16xi32>
    %add3A_1953 = vector.broadcast %reduce_sum3A_1948 : i32 to vector<16xi32>
    %add3A_1954 = arith.addi %add3A_1953, %masked_cumsum3A_1938 : vector<16xi32>
    %sub3A_1955 = arith.constant 1 : i32
    %sub3A_1956 = vector.broadcast %sub3A_1955 : i32 to vector<16xi32>
    %sub3A_1957 = arith.subi %add3A_1954, %sub3A_1956 : vector<16xi32>
    %select_n3A_1958 = arith.select %eq3A_1934, %sub3A_1957, %select_n3A_1923 : vector<16xi1>, vector<16xi32>
    %eq3A_1959 = arith.constant 6 : i32
    %eq3A_1960 = vector.broadcast %eq3A_1959 : i32 to vector<16xi32>
    %eq3A_1961 = arith.cmpi eq, %iota3A, %eq3A_1960 : vector<16xi32>
    %jit3A_1962 = arith.constant 0 : i32
    %broadcast_in_dim3A_1963 = vector.broadcast %reduce_sum3A_1952 : i32 to vector<16xi32>
    %broadcast_in_dim3A_1964 = vector.broadcast %jit3A_1962 : i32 to vector<16xi32>
    %select_n3A_1965 = arith.select %eq3A_1961, %broadcast_in_dim3A_1963, %broadcast_in_dim3A_1964 : vector<16xi1>, vector<16xi32>
    %add3A_1966 = arith.addi %add3A_1931, %select_n3A_1965 : vector<16xi32>
    %eq3A_1967 = arith.constant 7 : i32
    %eq3A_1968 = vector.broadcast %eq3A_1967 : i32 to vector<16xi32>
    %eq3A_1969 = arith.cmpi eq, %get3A_1719, %eq3A_1968 : vector<16xi32>
    %convert_element_type3A_1970 = arith.extui %eq3A_1969 : vector<16xi1> to vector<16xi32>
    %broadcast_in_dim3A_1971 = arith.constant true
    %broadcast_in_dim3A_1972 = vector.broadcast %broadcast_in_dim3A_1971 : i1 to vector<16xi1>
    %masked_cumsum3A_1973 = tpu.scan <sum>, %convert_element_type3A_1970 masked %broadcast_in_dim3A_1972 : vector<16xi32>, vector<16xi1> -> vector<16xi32>
    %eq3A_1974 = arith.constant 7 : i32
    %eq3A_1975 = vector.broadcast %eq3A_1974 : i32 to vector<16xi32>
    %eq3A_1976 = arith.cmpi eq, %iota3A, %eq3A_1975 : vector<16xi32>
    %jit3A_1977 = arith.constant 0 : i32
    %broadcast_in_dim3A_1978 = vector.broadcast %jit3A_1977 : i32 to vector<16xi32>
    %select_n3A_1979 = arith.select %eq3A_1976, %add3A_1966, %broadcast_in_dim3A_1978 : vector<16xi1>, vector<16xi32>
    %reduce_sum3A_1980 = arith.constant true
    %reduce_sum3A_1981 = vector.broadcast %reduce_sum3A_1980 : i1 to vector<16xi1>
    %reduce_sum3A_1982 = tpu.scan <sum>, %select_n3A_1979 masked %reduce_sum3A_1981 : vector<16xi32>, vector<16xi1> -> vector<16xi32>
    %reduce_sum3A_1983 = vector.extract %reduce_sum3A_1982[15] : i32 from vector<16xi32>
    %reduce_sum3A_1984 = arith.constant true
    %reduce_sum3A_1985 = vector.broadcast %reduce_sum3A_1984 : i1 to vector<16xi1>
    %reduce_sum3A_1986 = tpu.scan <sum>, %convert_element_type3A_1970 masked %reduce_sum3A_1985 : vector<16xi32>, vector<16xi1> -> vector<16xi32>
    %reduce_sum3A_1987 = vector.extract %reduce_sum3A_1986[15] : i32 from vector<16xi32>
    %add3A_1988 = vector.broadcast %reduce_sum3A_1983 : i32 to vector<16xi32>
    %add3A_1989 = arith.addi %add3A_1988, %masked_cumsum3A_1973 : vector<16xi32>
    %sub3A_1990 = arith.constant 1 : i32
    %sub3A_1991 = vector.broadcast %sub3A_1990 : i32 to vector<16xi32>
    %sub3A_1992 = arith.subi %add3A_1989, %sub3A_1991 : vector<16xi32>
    %select_n3A_1993 = arith.select %eq3A_1969, %sub3A_1992, %select_n3A_1958 : vector<16xi1>, vector<16xi32>
    %eq3A_1994 = arith.constant 7 : i32
    %eq3A_1995 = vector.broadcast %eq3A_1994 : i32 to vector<16xi32>
    %eq3A_1996 = arith.cmpi eq, %iota3A, %eq3A_1995 : vector<16xi32>
    %jit3A_1997 = arith.constant 0 : i32
    %broadcast_in_dim3A_1998 = vector.broadcast %reduce_sum3A_1987 : i32 to vector<16xi32>
    %broadcast_in_dim3A_1999 = vector.broadcast %jit3A_1997 : i32 to vector<16xi32>
    %select_n3A_2000 = arith.select %eq3A_1996, %broadcast_in_dim3A_1998, %broadcast_in_dim3A_1999 : vector<16xi1>, vector<16xi32>
    %add3A_2001 = arith.addi %add3A_1966, %select_n3A_2000 : vector<16xi32>
    %swap3A_2002 = arith.constant 96 : index
    %swap3A_2003 = tpu.vector_load %arg12[%swap3A_2002] {strides = array<i32>} : memref<128xi32, #tpu.memory_space<vmem>>, vector<16xi32>,
    tpu.vector_store %arg12[%swap3A_2002], %select_n3A_1993 {strides = array<i32>} : memref<128xi32, #tpu.memory_space<vmem>>, vector<16xi32>,
    %get3A_2004 = arith.constant 112 : index
    %get3A_2005 = tpu.vector_load %arg11[%get3A_2004] {strides = array<i32>} : memref<128xi32, #tpu.memory_space<vmem>>, vector<16xi32>,
    %broadcast_in_dim3A_2006 = arith.constant 0 : i32
    %broadcast_in_dim3A_2007 = vector.broadcast %broadcast_in_dim3A_2006 : i32 to vector<16xi32>
    %eq3A_2008 = arith.constant 0 : i32
    %eq3A_2009 = vector.broadcast %eq3A_2008 : i32 to vector<16xi32>
    %eq3A_2010 = arith.cmpi eq, %get3A_2005, %eq3A_2009 : vector<16xi32>
    %convert_element_type3A_2011 = arith.extui %eq3A_2010 : vector<16xi1> to vector<16xi32>
    %broadcast_in_dim3A_2012 = arith.constant true
    %broadcast_in_dim3A_2013 = vector.broadcast %broadcast_in_dim3A_2012 : i1 to vector<16xi1>
    %masked_cumsum3A_2014 = tpu.scan <sum>, %convert_element_type3A_2011 masked %broadcast_in_dim3A_2013 : vector<16xi32>, vector<16xi1> -> vector<16xi32>
    %eq3A_2015 = arith.constant 0 : i32
    %eq3A_2016 = vector.broadcast %eq3A_2015 : i32 to vector<16xi32>
    %eq3A_2017 = arith.cmpi eq, %iota3A, %eq3A_2016 : vector<16xi32>
    %jit3A_2018 = arith.constant 0 : i32
    %broadcast_in_dim3A_2019 = vector.broadcast %jit3A_2018 : i32 to vector<16xi32>
    %select_n3A_2020 = arith.select %eq3A_2017, %add3A_2001, %broadcast_in_dim3A_2019 : vector<16xi1>, vector<16xi32>
    %reduce_sum3A_2021 = arith.constant true
    %reduce_sum3A_2022 = vector.broadcast %reduce_sum3A_2021 : i1 to vector<16xi1>
    %reduce_sum3A_2023 = tpu.scan <sum>, %select_n3A_2020 masked %reduce_sum3A_2022 : vector<16xi32>, vector<16xi1> -> vector<16xi32>
    %reduce_sum3A_2024 = vector.extract %reduce_sum3A_2023[15] : i32 from vector<16xi32>
    %reduce_sum3A_2025 = arith.constant true
    %reduce_sum3A_2026 = vector.broadcast %reduce_sum3A_2025 : i1 to vector<16xi1>
    %reduce_sum3A_2027 = tpu.scan <sum>, %convert_element_type3A_2011 masked %reduce_sum3A_2026 : vector<16xi32>, vector<16xi1> -> vector<16xi32>
    %reduce_sum3A_2028 = vector.extract %reduce_sum3A_2027[15] : i32 from vector<16xi32>
    %add3A_2029 = vector.broadcast %reduce_sum3A_2024 : i32 to vector<16xi32>
    %add3A_2030 = arith.addi %add3A_2029, %masked_cumsum3A_2014 : vector<16xi32>
    %sub3A_2031 = arith.constant 1 : i32
    %sub3A_2032 = vector.broadcast %sub3A_2031 : i32 to vector<16xi32>
    %sub3A_2033 = arith.subi %add3A_2030, %sub3A_2032 : vector<16xi32>
    %select_n3A_2034 = arith.select %eq3A_2010, %sub3A_2033, %broadcast_in_dim3A_2007 : vector<16xi1>, vector<16xi32>
    %eq3A_2035 = arith.constant 0 : i32
    %eq3A_2036 = vector.broadcast %eq3A_2035 : i32 to vector<16xi32>
    %eq3A_2037 = arith.cmpi eq, %iota3A, %eq3A_2036 : vector<16xi32>
    %jit3A_2038 = arith.constant 0 : i32
    %broadcast_in_dim3A_2039 = vector.broadcast %reduce_sum3A_2028 : i32 to vector<16xi32>
    %broadcast_in_dim3A_2040 = vector.broadcast %jit3A_2038 : i32 to vector<16xi32>
    %select_n3A_2041 = arith.select %eq3A_2037, %broadcast_in_dim3A_2039, %broadcast_in_dim3A_2040 : vector<16xi1>, vector<16xi32>
    %add3A_2042 = arith.addi %add3A_2001, %select_n3A_2041 : vector<16xi32>
    %eq3A_2043 = arith.constant 1 : i32
    %eq3A_2044 = vector.broadcast %eq3A_2043 : i32 to vector<16xi32>
    %eq3A_2045 = arith.cmpi eq, %get3A_2005, %eq3A_2044 : vector<16xi32>
    %convert_element_type3A_2046 = arith.extui %eq3A_2045 : vector<16xi1> to vector<16xi32>
    %broadcast_in_dim3A_2047 = arith.constant true
    %broadcast_in_dim3A_2048 = vector.broadcast %broadcast_in_dim3A_2047 : i1 to vector<16xi1>
    %masked_cumsum3A_2049 = tpu.scan <sum>, %convert_element_type3A_2046 masked %broadcast_in_dim3A_2048 : vector<16xi32>, vector<16xi1> -> vector<16xi32>
    %eq3A_2050 = arith.constant 1 : i32
    %eq3A_2051 = vector.broadcast %eq3A_2050 : i32 to vector<16xi32>
    %eq3A_2052 = arith.cmpi eq, %iota3A, %eq3A_2051 : vector<16xi32>
    %jit3A_2053 = arith.constant 0 : i32
    %broadcast_in_dim3A_2054 = vector.broadcast %jit3A_2053 : i32 to vector<16xi32>
    %select_n3A_2055 = arith.select %eq3A_2052, %add3A_2042, %broadcast_in_dim3A_2054 : vector<16xi1>, vector<16xi32>
    %reduce_sum3A_2056 = arith.constant true
    %reduce_sum3A_2057 = vector.broadcast %reduce_sum3A_2056 : i1 to vector<16xi1>
    %reduce_sum3A_2058 = tpu.scan <sum>, %select_n3A_2055 masked %reduce_sum3A_2057 : vector<16xi32>, vector<16xi1> -> vector<16xi32>
    %reduce_sum3A_2059 = vector.extract %reduce_sum3A_2058[15] : i32 from vector<16xi32>
    %reduce_sum3A_2060 = arith.constant true
    %reduce_sum3A_2061 = vector.broadcast %reduce_sum3A_2060 : i1 to vector<16xi1>
    %reduce_sum3A_2062 = tpu.scan <sum>, %convert_element_type3A_2046 masked %reduce_sum3A_2061 : vector<16xi32>, vector<16xi1> -> vector<16xi32>
    %reduce_sum3A_2063 = vector.extract %reduce_sum3A_2062[15] : i32 from vector<16xi32>
    %add3A_2064 = vector.broadcast %reduce_sum3A_2059 : i32 to vector<16xi32>
    %add3A_2065 = arith.addi %add3A_2064, %masked_cumsum3A_2049 : vector<16xi32>
    %sub3A_2066 = arith.constant 1 : i32
    %sub3A_2067 = vector.broadcast %sub3A_2066 : i32 to vector<16xi32>
    %sub3A_2068 = arith.subi %add3A_2065, %sub3A_2067 : vector<16xi32>
    %select_n3A_2069 = arith.select %eq3A_2045, %sub3A_2068, %select_n3A_2034 : vector<16xi1>, vector<16xi32>
    %eq3A_2070 = arith.constant 1 : i32
    %eq3A_2071 = vector.broadcast %eq3A_2070 : i32 to vector<16xi32>
    %eq3A_2072 = arith.cmpi eq, %iota3A, %eq3A_2071 : vector<16xi32>
    %jit3A_2073 = arith.constant 0 : i32
    %broadcast_in_dim3A_2074 = vector.broadcast %reduce_sum3A_2063 : i32 to vector<16xi32>
    %broadcast_in_dim3A_2075 = vector.broadcast %jit3A_2073 : i32 to vector<16xi32>
    %select_n3A_2076 = arith.select %eq3A_2072, %broadcast_in_dim3A_2074, %broadcast_in_dim3A_2075 : vector<16xi1>, vector<16xi32>
    %add3A_2077 = arith.addi %add3A_2042, %select_n3A_2076 : vector<16xi32>
    %eq3A_2078 = arith.constant 2 : i32
    %eq3A_2079 = vector.broadcast %eq3A_2078 : i32 to vector<16xi32>
    %eq3A_2080 = arith.cmpi eq, %get3A_2005, %eq3A_2079 : vector<16xi32>
    %convert_element_type3A_2081 = arith.extui %eq3A_2080 : vector<16xi1> to vector<16xi32>
    %broadcast_in_dim3A_2082 = arith.constant true
    %broadcast_in_dim3A_2083 = vector.broadcast %broadcast_in_dim3A_2082 : i1 to vector<16xi1>
    %masked_cumsum3A_2084 = tpu.scan <sum>, %convert_element_type3A_2081 masked %broadcast_in_dim3A_2083 : vector<16xi32>, vector<16xi1> -> vector<16xi32>
    %eq3A_2085 = arith.constant 2 : i32
    %eq3A_2086 = vector.broadcast %eq3A_2085 : i32 to vector<16xi32>
    %eq3A_2087 = arith.cmpi eq, %iota3A, %eq3A_2086 : vector<16xi32>
    %jit3A_2088 = arith.constant 0 : i32
    %broadcast_in_dim3A_2089 = vector.broadcast %jit3A_2088 : i32 to vector<16xi32>
    %select_n3A_2090 = arith.select %eq3A_2087, %add3A_2077, %broadcast_in_dim3A_2089 : vector<16xi1>, vector<16xi32>
    %reduce_sum3A_2091 = arith.constant true
    %reduce_sum3A_2092 = vector.broadcast %reduce_sum3A_2091 : i1 to vector<16xi1>
    %reduce_sum3A_2093 = tpu.scan <sum>, %select_n3A_2090 masked %reduce_sum3A_2092 : vector<16xi32>, vector<16xi1> -> vector<16xi32>
    %reduce_sum3A_2094 = vector.extract %reduce_sum3A_2093[15] : i32 from vector<16xi32>
    %reduce_sum3A_2095 = arith.constant true
    %reduce_sum3A_2096 = vector.broadcast %reduce_sum3A_2095 : i1 to vector<16xi1>
    %reduce_sum3A_2097 = tpu.scan <sum>, %convert_element_type3A_2081 masked %reduce_sum3A_2096 : vector<16xi32>, vector<16xi1> -> vector<16xi32>
    %reduce_sum3A_2098 = vector.extract %reduce_sum3A_2097[15] : i32 from vector<16xi32>
    %add3A_2099 = vector.broadcast %reduce_sum3A_2094 : i32 to vector<16xi32>
    %add3A_2100 = arith.addi %add3A_2099, %masked_cumsum3A_2084 : vector<16xi32>
    %sub3A_2101 = arith.constant 1 : i32
    %sub3A_2102 = vector.broadcast %sub3A_2101 : i32 to vector<16xi32>
    %sub3A_2103 = arith.subi %add3A_2100, %sub3A_2102 : vector<16xi32>
    %select_n3A_2104 = arith.select %eq3A_2080, %sub3A_2103, %select_n3A_2069 : vector<16xi1>, vector<16xi32>
    %eq3A_2105 = arith.constant 2 : i32
    %eq3A_2106 = vector.broadcast %eq3A_2105 : i32 to vector<16xi32>
    %eq3A_2107 = arith.cmpi eq, %iota3A, %eq3A_2106 : vector<16xi32>
    %jit3A_2108 = arith.constant 0 : i32
    %broadcast_in_dim3A_2109 = vector.broadcast %reduce_sum3A_2098 : i32 to vector<16xi32>
    %broadcast_in_dim3A_2110 = vector.broadcast %jit3A_2108 : i32 to vector<16xi32>
    %select_n3A_2111 = arith.select %eq3A_2107, %broadcast_in_dim3A_2109, %broadcast_in_dim3A_2110 : vector<16xi1>, vector<16xi32>
    %add3A_2112 = arith.addi %add3A_2077, %select_n3A_2111 : vector<16xi32>
    %eq3A_2113 = arith.constant 3 : i32
    %eq3A_2114 = vector.broadcast %eq3A_2113 : i32 to vector<16xi32>
    %eq3A_2115 = arith.cmpi eq, %get3A_2005, %eq3A_2114 : vector<16xi32>
    %convert_element_type3A_2116 = arith.extui %eq3A_2115 : vector<16xi1> to vector<16xi32>
    %broadcast_in_dim3A_2117 = arith.constant true
    %broadcast_in_dim3A_2118 = vector.broadcast %broadcast_in_dim3A_2117 : i1 to vector<16xi1>
    %masked_cumsum3A_2119 = tpu.scan <sum>, %convert_element_type3A_2116 masked %broadcast_in_dim3A_2118 : vector<16xi32>, vector<16xi1> -> vector<16xi32>
    %eq3A_2120 = arith.constant 3 : i32
    %eq3A_2121 = vector.broadcast %eq3A_2120 : i32 to vector<16xi32>
    %eq3A_2122 = arith.cmpi eq, %iota3A, %eq3A_2121 : vector<16xi32>
    %jit3A_2123 = arith.constant 0 : i32
    %broadcast_in_dim3A_2124 = vector.broadcast %jit3A_2123 : i32 to vector<16xi32>
    %select_n3A_2125 = arith.select %eq3A_2122, %add3A_2112, %broadcast_in_dim3A_2124 : vector<16xi1>, vector<16xi32>
    %reduce_sum3A_2126 = arith.constant true
    %reduce_sum3A_2127 = vector.broadcast %reduce_sum3A_2126 : i1 to vector<16xi1>
    %reduce_sum3A_2128 = tpu.scan <sum>, %select_n3A_2125 masked %reduce_sum3A_2127 : vector<16xi32>, vector<16xi1> -> vector<16xi32>
    %reduce_sum3A_2129 = vector.extract %reduce_sum3A_2128[15] : i32 from vector<16xi32>
    %reduce_sum3A_2130 = arith.constant true
    %reduce_sum3A_2131 = vector.broadcast %reduce_sum3A_2130 : i1 to vector<16xi1>
    %reduce_sum3A_2132 = tpu.scan <sum>, %convert_element_type3A_2116 masked %reduce_sum3A_2131 : vector<16xi32>, vector<16xi1> -> vector<16xi32>
    %reduce_sum3A_2133 = vector.extract %reduce_sum3A_2132[15] : i32 from vector<16xi32>
    %add3A_2134 = vector.broadcast %reduce_sum3A_2129 : i32 to vector<16xi32>
    %add3A_2135 = arith.addi %add3A_2134, %masked_cumsum3A_2119 : vector<16xi32>
    %sub3A_2136 = arith.constant 1 : i32
    %sub3A_2137 = vector.broadcast %sub3A_2136 : i32 to vector<16xi32>
    %sub3A_2138 = arith.subi %add3A_2135, %sub3A_2137 : vector<16xi32>
    %select_n3A_2139 = arith.select %eq3A_2115, %sub3A_2138, %select_n3A_2104 : vector<16xi1>, vector<16xi32>
    %eq3A_2140 = arith.constant 3 : i32
    %eq3A_2141 = vector.broadcast %eq3A_2140 : i32 to vector<16xi32>
    %eq3A_2142 = arith.cmpi eq, %iota3A, %eq3A_2141 : vector<16xi32>
    %jit3A_2143 = arith.constant 0 : i32
    %broadcast_in_dim3A_2144 = vector.broadcast %reduce_sum3A_2133 : i32 to vector<16xi32>
    %broadcast_in_dim3A_2145 = vector.broadcast %jit3A_2143 : i32 to vector<16xi32>
    %select_n3A_2146 = arith.select %eq3A_2142, %broadcast_in_dim3A_2144, %broadcast_in_dim3A_2145 : vector<16xi1>, vector<16xi32>
    %add3A_2147 = arith.addi %add3A_2112, %select_n3A_2146 : vector<16xi32>
    %eq3A_2148 = arith.constant 4 : i32
    %eq3A_2149 = vector.broadcast %eq3A_2148 : i32 to vector<16xi32>
    %eq3A_2150 = arith.cmpi eq, %get3A_2005, %eq3A_2149 : vector<16xi32>
    %convert_element_type3A_2151 = arith.extui %eq3A_2150 : vector<16xi1> to vector<16xi32>
    %broadcast_in_dim3A_2152 = arith.constant true
    %broadcast_in_dim3A_2153 = vector.broadcast %broadcast_in_dim3A_2152 : i1 to vector<16xi1>
    %masked_cumsum3A_2154 = tpu.scan <sum>, %convert_element_type3A_2151 masked %broadcast_in_dim3A_2153 : vector<16xi32>, vector<16xi1> -> vector<16xi32>
    %eq3A_2155 = arith.constant 4 : i32
    %eq3A_2156 = vector.broadcast %eq3A_2155 : i32 to vector<16xi32>
    %eq3A_2157 = arith.cmpi eq, %iota3A, %eq3A_2156 : vector<16xi32>
    %jit3A_2158 = arith.constant 0 : i32
    %broadcast_in_dim3A_2159 = vector.broadcast %jit3A_2158 : i32 to vector<16xi32>
    %select_n3A_2160 = arith.select %eq3A_2157, %add3A_2147, %broadcast_in_dim3A_2159 : vector<16xi1>, vector<16xi32>
    %reduce_sum3A_2161 = arith.constant true
    %reduce_sum3A_2162 = vector.broadcast %reduce_sum3A_2161 : i1 to vector<16xi1>
    %reduce_sum3A_2163 = tpu.scan <sum>, %select_n3A_2160 masked %reduce_sum3A_2162 : vector<16xi32>, vector<16xi1> -> vector<16xi32>
    %reduce_sum3A_2164 = vector.extract %reduce_sum3A_2163[15] : i32 from vector<16xi32>
    %reduce_sum3A_2165 = arith.constant true
    %reduce_sum3A_2166 = vector.broadcast %reduce_sum3A_2165 : i1 to vector<16xi1>
    %reduce_sum3A_2167 = tpu.scan <sum>, %convert_element_type3A_2151 masked %reduce_sum3A_2166 : vector<16xi32>, vector<16xi1> -> vector<16xi32>
    %reduce_sum3A_2168 = vector.extract %reduce_sum3A_2167[15] : i32 from vector<16xi32>
    %add3A_2169 = vector.broadcast %reduce_sum3A_2164 : i32 to vector<16xi32>
    %add3A_2170 = arith.addi %add3A_2169, %masked_cumsum3A_2154 : vector<16xi32>
    %sub3A_2171 = arith.constant 1 : i32
    %sub3A_2172 = vector.broadcast %sub3A_2171 : i32 to vector<16xi32>
    %sub3A_2173 = arith.subi %add3A_2170, %sub3A_2172 : vector<16xi32>
    %select_n3A_2174 = arith.select %eq3A_2150, %sub3A_2173, %select_n3A_2139 : vector<16xi1>, vector<16xi32>
    %eq3A_2175 = arith.constant 4 : i32
    %eq3A_2176 = vector.broadcast %eq3A_2175 : i32 to vector<16xi32>
    %eq3A_2177 = arith.cmpi eq, %iota3A, %eq3A_2176 : vector<16xi32>
    %jit3A_2178 = arith.constant 0 : i32
    %broadcast_in_dim3A_2179 = vector.broadcast %reduce_sum3A_2168 : i32 to vector<16xi32>
    %broadcast_in_dim3A_2180 = vector.broadcast %jit3A_2178 : i32 to vector<16xi32>
    %select_n3A_2181 = arith.select %eq3A_2177, %broadcast_in_dim3A_2179, %broadcast_in_dim3A_2180 : vector<16xi1>, vector<16xi32>
    %add3A_2182 = arith.addi %add3A_2147, %select_n3A_2181 : vector<16xi32>
    %eq3A_2183 = arith.constant 5 : i32
    %eq3A_2184 = vector.broadcast %eq3A_2183 : i32 to vector<16xi32>
    %eq3A_2185 = arith.cmpi eq, %get3A_2005, %eq3A_2184 : vector<16xi32>
    %convert_element_type3A_2186 = arith.extui %eq3A_2185 : vector<16xi1> to vector<16xi32>
    %broadcast_in_dim3A_2187 = arith.constant true
    %broadcast_in_dim3A_2188 = vector.broadcast %broadcast_in_dim3A_2187 : i1 to vector<16xi1>
    %masked_cumsum3A_2189 = tpu.scan <sum>, %convert_element_type3A_2186 masked %broadcast_in_dim3A_2188 : vector<16xi32>, vector<16xi1> -> vector<16xi32>
    %eq3A_2190 = arith.constant 5 : i32
    %eq3A_2191 = vector.broadcast %eq3A_2190 : i32 to vector<16xi32>
    %eq3A_2192 = arith.cmpi eq, %iota3A, %eq3A_2191 : vector<16xi32>
    %jit3A_2193 = arith.constant 0 : i32
    %broadcast_in_dim3A_2194 = vector.broadcast %jit3A_2193 : i32 to vector<16xi32>
    %select_n3A_2195 = arith.select %eq3A_2192, %add3A_2182, %broadcast_in_dim3A_2194 : vector<16xi1>, vector<16xi32>
    %reduce_sum3A_2196 = arith.constant true
    %reduce_sum3A_2197 = vector.broadcast %reduce_sum3A_2196 : i1 to vector<16xi1>
    %reduce_sum3A_2198 = tpu.scan <sum>, %select_n3A_2195 masked %reduce_sum3A_2197 : vector<16xi32>, vector<16xi1> -> vector<16xi32>
    %reduce_sum3A_2199 = vector.extract %reduce_sum3A_2198[15] : i32 from vector<16xi32>
    %reduce_sum3A_2200 = arith.constant true
    %reduce_sum3A_2201 = vector.broadcast %reduce_sum3A_2200 : i1 to vector<16xi1>
    %reduce_sum3A_2202 = tpu.scan <sum>, %convert_element_type3A_2186 masked %reduce_sum3A_2201 : vector<16xi32>, vector<16xi1> -> vector<16xi32>
    %reduce_sum3A_2203 = vector.extract %reduce_sum3A_2202[15] : i32 from vector<16xi32>
    %add3A_2204 = vector.broadcast %reduce_sum3A_2199 : i32 to vector<16xi32>
    %add3A_2205 = arith.addi %add3A_2204, %masked_cumsum3A_2189 : vector<16xi32>
    %sub3A_2206 = arith.constant 1 : i32
    %sub3A_2207 = vector.broadcast %sub3A_2206 : i32 to vector<16xi32>
    %sub3A_2208 = arith.subi %add3A_2205, %sub3A_2207 : vector<16xi32>
    %select_n3A_2209 = arith.select %eq3A_2185, %sub3A_2208, %select_n3A_2174 : vector<16xi1>, vector<16xi32>
    %eq3A_2210 = arith.constant 5 : i32
    %eq3A_2211 = vector.broadcast %eq3A_2210 : i32 to vector<16xi32>
    %eq3A_2212 = arith.cmpi eq, %iota3A, %eq3A_2211 : vector<16xi32>
    %jit3A_2213 = arith.constant 0 : i32
    %broadcast_in_dim3A_2214 = vector.broadcast %reduce_sum3A_2203 : i32 to vector<16xi32>
    %broadcast_in_dim3A_2215 = vector.broadcast %jit3A_2213 : i32 to vector<16xi32>
    %select_n3A_2216 = arith.select %eq3A_2212, %broadcast_in_dim3A_2214, %broadcast_in_dim3A_2215 : vector<16xi1>, vector<16xi32>
    %add3A_2217 = arith.addi %add3A_2182, %select_n3A_2216 : vector<16xi32>
    %eq3A_2218 = arith.constant 6 : i32
    %eq3A_2219 = vector.broadcast %eq3A_2218 : i32 to vector<16xi32>
    %eq3A_2220 = arith.cmpi eq, %get3A_2005, %eq3A_2219 : vector<16xi32>
    %convert_element_type3A_2221 = arith.extui %eq3A_2220 : vector<16xi1> to vector<16xi32>
    %broadcast_in_dim3A_2222 = arith.constant true
    %broadcast_in_dim3A_2223 = vector.broadcast %broadcast_in_dim3A_2222 : i1 to vector<16xi1>
    %masked_cumsum3A_2224 = tpu.scan <sum>, %convert_element_type3A_2221 masked %broadcast_in_dim3A_2223 : vector<16xi32>, vector<16xi1> -> vector<16xi32>
    %eq3A_2225 = arith.constant 6 : i32
    %eq3A_2226 = vector.broadcast %eq3A_2225 : i32 to vector<16xi32>
    %eq3A_2227 = arith.cmpi eq, %iota3A, %eq3A_2226 : vector<16xi32>
    %jit3A_2228 = arith.constant 0 : i32
    %broadcast_in_dim3A_2229 = vector.broadcast %jit3A_2228 : i32 to vector<16xi32>
    %select_n3A_2230 = arith.select %eq3A_2227, %add3A_2217, %broadcast_in_dim3A_2229 : vector<16xi1>, vector<16xi32>
    %reduce_sum3A_2231 = arith.constant true
    %reduce_sum3A_2232 = vector.broadcast %reduce_sum3A_2231 : i1 to vector<16xi1>
    %reduce_sum3A_2233 = tpu.scan <sum>, %select_n3A_2230 masked %reduce_sum3A_2232 : vector<16xi32>, vector<16xi1> -> vector<16xi32>
    %reduce_sum3A_2234 = vector.extract %reduce_sum3A_2233[15] : i32 from vector<16xi32>
    %reduce_sum3A_2235 = arith.constant true
    %reduce_sum3A_2236 = vector.broadcast %reduce_sum3A_2235 : i1 to vector<16xi1>
    %reduce_sum3A_2237 = tpu.scan <sum>, %convert_element_type3A_2221 masked %reduce_sum3A_2236 : vector<16xi32>, vector<16xi1> -> vector<16xi32>
    %reduce_sum3A_2238 = vector.extract %reduce_sum3A_2237[15] : i32 from vector<16xi32>
    %add3A_2239 = vector.broadcast %reduce_sum3A_2234 : i32 to vector<16xi32>
    %add3A_2240 = arith.addi %add3A_2239, %masked_cumsum3A_2224 : vector<16xi32>
    %sub3A_2241 = arith.constant 1 : i32
    %sub3A_2242 = vector.broadcast %sub3A_2241 : i32 to vector<16xi32>
    %sub3A_2243 = arith.subi %add3A_2240, %sub3A_2242 : vector<16xi32>
    %select_n3A_2244 = arith.select %eq3A_2220, %sub3A_2243, %select_n3A_2209 : vector<16xi1>, vector<16xi32>
    %eq3A_2245 = arith.constant 6 : i32
    %eq3A_2246 = vector.broadcast %eq3A_2245 : i32 to vector<16xi32>
    %eq3A_2247 = arith.cmpi eq, %iota3A, %eq3A_2246 : vector<16xi32>
    %jit3A_2248 = arith.constant 0 : i32
    %broadcast_in_dim3A_2249 = vector.broadcast %reduce_sum3A_2238 : i32 to vector<16xi32>
    %broadcast_in_dim3A_2250 = vector.broadcast %jit3A_2248 : i32 to vector<16xi32>
    %select_n3A_2251 = arith.select %eq3A_2247, %broadcast_in_dim3A_2249, %broadcast_in_dim3A_2250 : vector<16xi1>, vector<16xi32>
    %add3A_2252 = arith.addi %add3A_2217, %select_n3A_2251 : vector<16xi32>
    %eq3A_2253 = arith.constant 7 : i32
    %eq3A_2254 = vector.broadcast %eq3A_2253 : i32 to vector<16xi32>
    %eq3A_2255 = arith.cmpi eq, %get3A_2005, %eq3A_2254 : vector<16xi32>
    %convert_element_type3A_2256 = arith.extui %eq3A_2255 : vector<16xi1> to vector<16xi32>
    %broadcast_in_dim3A_2257 = arith.constant true
    %broadcast_in_dim3A_2258 = vector.broadcast %broadcast_in_dim3A_2257 : i1 to vector<16xi1>
    %masked_cumsum3A_2259 = tpu.scan <sum>, %convert_element_type3A_2256 masked %broadcast_in_dim3A_2258 : vector<16xi32>, vector<16xi1> -> vector<16xi32>
    %eq3A_2260 = arith.constant 7 : i32
    %eq3A_2261 = vector.broadcast %eq3A_2260 : i32 to vector<16xi32>
    %eq3A_2262 = arith.cmpi eq, %iota3A, %eq3A_2261 : vector<16xi32>
    %jit3A_2263 = arith.constant 0 : i32
    %broadcast_in_dim3A_2264 = vector.broadcast %jit3A_2263 : i32 to vector<16xi32>
    %select_n3A_2265 = arith.select %eq3A_2262, %add3A_2252, %broadcast_in_dim3A_2264 : vector<16xi1>, vector<16xi32>
    %reduce_sum3A_2266 = arith.constant true
    %reduce_sum3A_2267 = vector.broadcast %reduce_sum3A_2266 : i1 to vector<16xi1>
    %reduce_sum3A_2268 = tpu.scan <sum>, %select_n3A_2265 masked %reduce_sum3A_2267 : vector<16xi32>, vector<16xi1> -> vector<16xi32>
    %reduce_sum3A_2269 = vector.extract %reduce_sum3A_2268[15] : i32 from vector<16xi32>
    %reduce_sum3A_2270 = arith.constant true
    %reduce_sum3A_2271 = vector.broadcast %reduce_sum3A_2270 : i1 to vector<16xi1>
    %reduce_sum3A_2272 = tpu.scan <sum>, %convert_element_type3A_2256 masked %reduce_sum3A_2271 : vector<16xi32>, vector<16xi1> -> vector<16xi32>
    %reduce_sum3A_2273 = vector.extract %reduce_sum3A_2272[15] : i32 from vector<16xi32>
    %add3A_2274 = vector.broadcast %reduce_sum3A_2269 : i32 to vector<16xi32>
    %add3A_2275 = arith.addi %add3A_2274, %masked_cumsum3A_2259 : vector<16xi32>
    %sub3A_2276 = arith.constant 1 : i32
    %sub3A_2277 = vector.broadcast %sub3A_2276 : i32 to vector<16xi32>
    %sub3A_2278 = arith.subi %add3A_2275, %sub3A_2277 : vector<16xi32>
    %select_n3A_2279 = arith.select %eq3A_2255, %sub3A_2278, %select_n3A_2244 : vector<16xi1>, vector<16xi32>
    %eq3A_2280 = arith.constant 7 : i32
    %eq3A_2281 = vector.broadcast %eq3A_2280 : i32 to vector<16xi32>
    %eq3A_2282 = arith.cmpi eq, %iota3A, %eq3A_2281 : vector<16xi32>
    %jit3A_2283 = arith.constant 0 : i32
    %broadcast_in_dim3A_2284 = vector.broadcast %reduce_sum3A_2273 : i32 to vector<16xi32>
    %broadcast_in_dim3A_2285 = vector.broadcast %jit3A_2283 : i32 to vector<16xi32>
    %select_n3A_2286 = arith.select %eq3A_2282, %broadcast_in_dim3A_2284, %broadcast_in_dim3A_2285 : vector<16xi1>, vector<16xi32>
    %add3A_2287 = arith.addi %add3A_2252, %select_n3A_2286 : vector<16xi32>
    %swap3A_2288 = arith.constant 112 : index
    %swap3A_2289 = tpu.vector_load %arg12[%swap3A_2288] {strides = array<i32>} : memref<128xi32, #tpu.memory_space<vmem>>, vector<16xi32>,
    tpu.vector_store %arg12[%swap3A_2288], %select_n3A_2279 {strides = array<i32>} : memref<128xi32, #tpu.memory_space<vmem>>, vector<16xi32>,
    %mul3A_2290 = arith.constant 2 : i32
    %mul3A_2291 = vector.broadcast %mul3A_2290 : i32 to vector<16xi32>
    %mul3A_2292 = arith.muli %mul3A_2291, %iota3A : vector<16xi32>
    %add3A_2293 = arith.constant 0 : i32
    %add3A_2294 = vector.broadcast %add3A_2293 : i32 to vector<16xi32>
    %add3A_2295 = arith.addi %add3A_2294, %mul3A_2292 : vector<16xi32>
    %gather3A = tpu.vector_load_idx %arg12[%add3A_2295] : memref<128xi32, #tpu.memory_space<vmem>>[vector<16xi32>], vector<16xi32>,
    %swap3A_2296 = arith.constant 0 : index
    %swap3A_2297 = tpu.vector_load %arg13[%swap3A_2296] {strides = array<i32>} : memref<64xi32, #tpu.memory_space<vmem>>, vector<16xi32>,
    tpu.vector_store %arg13[%swap3A_2296], %gather3A {strides = array<i32>} : memref<64xi32, #tpu.memory_space<vmem>>, vector<16xi32>,
    %add3A_2298 = arith.constant 1 : i32
    %add3A_2299 = vector.broadcast %add3A_2298 : i32 to vector<16xi32>
    %add3A_2300 = arith.addi %add3A_2295, %add3A_2299 : vector<16xi32>
    %gather3A_2301 = tpu.vector_load_idx %arg12[%add3A_2300] : memref<128xi32, #tpu.memory_space<vmem>>[vector<16xi32>], vector<16xi32>,
    %swap3A_2302 = arith.constant 0 : index
    %swap3A_2303 = tpu.vector_load %arg14[%swap3A_2302] {strides = array<i32>} : memref<64xi32, #tpu.memory_space<vmem>>, vector<16xi32>,
    tpu.vector_store %arg14[%swap3A_2302], %gather3A_2301 {strides = array<i32>} : memref<64xi32, #tpu.memory_space<vmem>>, vector<16xi32>,
    %mul3A_2304 = arith.constant 2 : i32
    %mul3A_2305 = vector.broadcast %mul3A_2304 : i32 to vector<16xi32>
    %mul3A_2306 = arith.muli %mul3A_2305, %iota3A : vector<16xi32>
    %add3A_2307 = arith.constant 32 : i32
    %add3A_2308 = vector.broadcast %add3A_2307 : i32 to vector<16xi32>
    %add3A_2309 = arith.addi %add3A_2308, %mul3A_2306 : vector<16xi32>
    %gather3A_2310 = tpu.vector_load_idx %arg12[%add3A_2309] : memref<128xi32, #tpu.memory_space<vmem>>[vector<16xi32>], vector<16xi32>,
    %swap3A_2311 = arith.constant 16 : index
    %swap3A_2312 = tpu.vector_load %arg13[%swap3A_2311] {strides = array<i32>} : memref<64xi32, #tpu.memory_space<vmem>>, vector<16xi32>,
    tpu.vector_store %arg13[%swap3A_2311], %gather3A_2310 {strides = array<i32>} : memref<64xi32, #tpu.memory_space<vmem>>, vector<16xi32>,
    %add3A_2313 = arith.constant 1 : i32
    %add3A_2314 = vector.broadcast %add3A_2313 : i32 to vector<16xi32>
    %add3A_2315 = arith.addi %add3A_2309, %add3A_2314 : vector<16xi32>
    %gather3A_2316 = tpu.vector_load_idx %arg12[%add3A_2315] : memref<128xi32, #tpu.memory_space<vmem>>[vector<16xi32>], vector<16xi32>,
    %swap3A_2317 = arith.constant 16 : index
    %swap3A_2318 = tpu.vector_load %arg14[%swap3A_2317] {strides = array<i32>} : memref<64xi32, #tpu.memory_space<vmem>>, vector<16xi32>,
    tpu.vector_store %arg14[%swap3A_2317], %gather3A_2316 {strides = array<i32>} : memref<64xi32, #tpu.memory_space<vmem>>, vector<16xi32>,
    %mul3A_2319 = arith.constant 2 : i32
    %mul3A_2320 = vector.broadcast %mul3A_2319 : i32 to vector<16xi32>
    %mul3A_2321 = arith.muli %mul3A_2320, %iota3A : vector<16xi32>
    %add3A_2322 = arith.constant 64 : i32
    %add3A_2323 = vector.broadcast %add3A_2322 : i32 to vector<16xi32>
    %add3A_2324 = arith.addi %add3A_2323, %mul3A_2321 : vector<16xi32>
    %gather3A_2325 = tpu.vector_load_idx %arg12[%add3A_2324] : memref<128xi32, #tpu.memory_space<vmem>>[vector<16xi32>], vector<16xi32>,
    %swap3A_2326 = arith.constant 32 : index
    %swap3A_2327 = tpu.vector_load %arg13[%swap3A_2326] {strides = array<i32>} : memref<64xi32, #tpu.memory_space<vmem>>, vector<16xi32>,
    tpu.vector_store %arg13[%swap3A_2326], %gather3A_2325 {strides = array<i32>} : memref<64xi32, #tpu.memory_space<vmem>>, vector<16xi32>,
    %add3A_2328 = arith.constant 1 : i32
    %add3A_2329 = vector.broadcast %add3A_2328 : i32 to vector<16xi32>
    %add3A_2330 = arith.addi %add3A_2324, %add3A_2329 : vector<16xi32>
    %gather3A_2331 = tpu.vector_load_idx %arg12[%add3A_2330] : memref<128xi32, #tpu.memory_space<vmem>>[vector<16xi32>], vector<16xi32>,
    %swap3A_2332 = arith.constant 32 : index
    %swap3A_2333 = tpu.vector_load %arg14[%swap3A_2332] {strides = array<i32>} : memref<64xi32, #tpu.memory_space<vmem>>, vector<16xi32>,
    tpu.vector_store %arg14[%swap3A_2332], %gather3A_2331 {strides = array<i32>} : memref<64xi32, #tpu.memory_space<vmem>>, vector<16xi32>,
    %mul3A_2334 = arith.constant 2 : i32
    %mul3A_2335 = vector.broadcast %mul3A_2334 : i32 to vector<16xi32>
    %mul3A_2336 = arith.muli %mul3A_2335, %iota3A : vector<16xi32>
    %add3A_2337 = arith.constant 96 : i32
    %add3A_2338 = vector.broadcast %add3A_2337 : i32 to vector<16xi32>
    %add3A_2339 = arith.addi %add3A_2338, %mul3A_2336 : vector<16xi32>
    %gather3A_2340 = tpu.vector_load_idx %arg12[%add3A_2339] : memref<128xi32, #tpu.memory_space<vmem>>[vector<16xi32>], vector<16xi32>,
    %swap3A_2341 = arith.constant 48 : index
    %swap3A_2342 = tpu.vector_load %arg13[%swap3A_2341] {strides = array<i32>} : memref<64xi32, #tpu.memory_space<vmem>>, vector<16xi32>,
    tpu.vector_store %arg13[%swap3A_2341], %gather3A_2340 {strides = array<i32>} : memref<64xi32, #tpu.memory_space<vmem>>, vector<16xi32>,
    %add3A_2343 = arith.constant 1 : i32
    %add3A_2344 = vector.broadcast %add3A_2343 : i32 to vector<16xi32>
    %add3A_2345 = arith.addi %add3A_2339, %add3A_2344 : vector<16xi32>
    %gather3A_2346 = tpu.vector_load_idx %arg12[%add3A_2345] : memref<128xi32, #tpu.memory_space<vmem>>[vector<16xi32>], vector<16xi32>,
    %swap3A_2347 = arith.constant 48 : index
    %swap3A_2348 = tpu.vector_load %arg14[%swap3A_2347] {strides = array<i32>} : memref<64xi32, #tpu.memory_space<vmem>>, vector<16xi32>,
    tpu.vector_store %arg14[%swap3A_2347], %gather3A_2346 {strides = array<i32>} : memref<64xi32, #tpu.memory_space<vmem>>, vector<16xi32>,
    %dma_wait3A = arith.constant 0 : i32
    %dma_wait3A_2349 = tpu.memref_slice %arg2[%mul3A_2, %dma_wait3A] : memref<2048x1024xf32, #tpu.memory_space<hbm>> -> memref<64x1024xf32, #tpu.memory_space<hbm>>
    %dma_wait3A_2350 = arith.constant 0 : i32
    %dma_wait3A_2351 = tpu.memref_slice %arg2[%mul3A_2, %dma_wait3A_2350] : memref<2048x1024xf32, #tpu.memory_space<hbm>> -> memref<64x1024xf32, #tpu.memory_space<hbm>>
    tpu.wait_dma2 semaphore(%arg19 : memref<!tpu.dma_semaphore, #tpu.memory_space<semaphore_mem>>) src(%dma_wait3A_2351 : memref<64x1024xf32, #tpu.memory_space<hbm>>) dst(%arg10 : memref<64x1024xf32, #tpu.memory_space<vmem>>)
    %dma_start3A_2352 = arith.constant 0 : i32
    %dma_start3A_2353 = arith.constant 0 : i32
    %dma_start3A_2354 = tpu.memref_slice %arg6[%dma_start3A_2352, %dma_start3A_2353] : memref<8192x1024xf32, #tpu.memory_space<hbm>> -> memref<8192x1024xf32, #tpu.memory_space<hbm>>
    tpu.enqueue_indirect_dma source(%arg10 : memref<64x1024xf32, #tpu.memory_space<vmem>>) target(%dma_start3A_2354 : memref<8192x1024xf32, #tpu.memory_space<hbm>>) offsets(%arg13 : memref<64xi32, #tpu.memory_space<vmem>>) semaphore(%arg18 : memref<!tpu.dma_semaphore, #tpu.memory_space<semaphore_mem>>)
    %dma_start3A_2355 = arith.constant 0 : i32
    %dma_start3A_2356 = arith.constant 0 : i32
    %dma_start3A_2357 = tpu.memref_slice %arg6[%dma_start3A_2355, %dma_start3A_2356] : memref<8192x1024xf32, #tpu.memory_space<hbm>> -> memref<8192x1024xf32, #tpu.memory_space<hbm>>
    tpu.enqueue_indirect_dma source(%arg10 : memref<64x1024xf32, #tpu.memory_space<vmem>>) target(%dma_start3A_2357 : memref<8192x1024xf32, #tpu.memory_space<hbm>>) offsets(%arg14 : memref<64xi32, #tpu.memory_space<vmem>>) semaphore(%arg19 : memref<!tpu.dma_semaphore, #tpu.memory_space<semaphore_mem>>)
    %mul3A_2358 = arith.constant 64 : i32
    %mul3A_2359 = arith.muli %add3A, %mul3A_2358 : i32
    "tpu.region"() ({
      %run_scoped3A = tpu.sem_alloc : memref<!tpu.dma_semaphore, #tpu.memory_space<semaphore_mem>>
      %dma_start3A_2372 = tpu.memref_slice %arg7[%mul3A_2359] : memref<2048xi32, #tpu.memory_space<hbm>> -> memref<64xi32, #tpu.memory_space<hbm>>
      %dma_start3A_2373 = tpu.memref_slice %arg7[%mul3A_2359] : memref<2048xi32, #tpu.memory_space<hbm>> -> memref<64xi32, #tpu.memory_space<hbm>>
      tpu.enqueue_dma source(%arg13 : memref<64xi32, #tpu.memory_space<vmem>>) target(%dma_start3A_2373 : memref<64xi32, #tpu.memory_space<hbm>>) target_semaphore(%run_scoped3A : memref<!tpu.dma_semaphore, #tpu.memory_space<semaphore_mem>>)
      %dma_wait3A_2374 = tpu.memref_slice %arg7[%mul3A_2359] : memref<2048xi32, #tpu.memory_space<hbm>> -> memref<64xi32, #tpu.memory_space<hbm>>
      %dma_wait3A_2375 = tpu.memref_slice %arg7[%mul3A_2359] : memref<2048xi32, #tpu.memory_space<hbm>> -> memref<64xi32, #tpu.memory_space<hbm>>
      tpu.wait_dma2 semaphore(%run_scoped3A : memref<!tpu.dma_semaphore, #tpu.memory_space<semaphore_mem>>) src(%arg13 : memref<64xi32, #tpu.memory_space<vmem>>) dst(%dma_wait3A_2375 : memref<64xi32, #tpu.memory_space<hbm>>)
      tpu.yield
    }) : () -> ()
    %mul3A_2360 = arith.constant 64 : i32
    %mul3A_2361 = arith.muli %add3A, %mul3A_2360 : i32
    "tpu.region"() ({
      %run_scoped3A = tpu.sem_alloc : memref<!tpu.dma_semaphore, #tpu.memory_space<semaphore_mem>>
      %dma_start3A_2372 = tpu.memref_slice %arg8[%mul3A_2361] : memref<2048xi32, #tpu.memory_space<hbm>> -> memref<64xi32, #tpu.memory_space<hbm>>
      %dma_start3A_2373 = tpu.memref_slice %arg8[%mul3A_2361] : memref<2048xi32, #tpu.memory_space<hbm>> -> memref<64xi32, #tpu.memory_space<hbm>>
      tpu.enqueue_dma source(%arg14 : memref<64xi32, #tpu.memory_space<vmem>>) target(%dma_start3A_2373 : memref<64xi32, #tpu.memory_space<hbm>>) target_semaphore(%run_scoped3A : memref<!tpu.dma_semaphore, #tpu.memory_space<semaphore_mem>>)
      %dma_wait3A_2374 = tpu.memref_slice %arg8[%mul3A_2361] : memref<2048xi32, #tpu.memory_space<hbm>> -> memref<64xi32, #tpu.memory_space<hbm>>
      %dma_wait3A_2375 = tpu.memref_slice %arg8[%mul3A_2361] : memref<2048xi32, #tpu.memory_space<hbm>> -> memref<64xi32, #tpu.memory_space<hbm>>
      tpu.wait_dma2 semaphore(%run_scoped3A : memref<!tpu.dma_semaphore, #tpu.memory_space<semaphore_mem>>) src(%arg14 : memref<64xi32, #tpu.memory_space<vmem>>) dst(%dma_wait3A_2375 : memref<64xi32, #tpu.memory_space<hbm>>)
      tpu.yield
    }) : () -> ()
    %dma_wait3A_2362 = arith.constant 0 : i32
    %dma_wait3A_2363 = arith.constant 0 : i32
    %dma_wait3A_2364 = tpu.memref_slice %arg6[%dma_wait3A_2362, %dma_wait3A_2363] : memref<8192x1024xf32, #tpu.memory_space<hbm>> -> memref<8192x1024xf32, #tpu.memory_space<hbm>>
    tpu.wait_indirect_dma semaphore(%arg18 : memref<!tpu.dma_semaphore, #tpu.memory_space<semaphore_mem>>) src(%arg10 : memref<64x1024xf32, #tpu.memory_space<vmem>>) dst(%dma_wait3A_2364 : memref<8192x1024xf32, #tpu.memory_space<hbm>>)
    %dma_wait3A_2365 = arith.constant 0 : i32
    %dma_wait3A_2366 = arith.constant 0 : i32
    %dma_wait3A_2367 = tpu.memref_slice %arg6[%dma_wait3A_2365, %dma_wait3A_2366] : memref<8192x1024xf32, #tpu.memory_space<hbm>> -> memref<8192x1024xf32, #tpu.memory_space<hbm>>
    tpu.wait_indirect_dma semaphore(%arg19 : memref<!tpu.dma_semaphore, #tpu.memory_space<semaphore_mem>>) src(%arg10 : memref<64x1024xf32, #tpu.memory_space<vmem>>) dst(%dma_wait3A_2367 : memref<8192x1024xf32, #tpu.memory_space<hbm>>)
    %eq3A_2368 = arith.constant 0 : i32
    %eq3A_2369 = arith.cmpi eq, %add3A, %eq3A_2368 : i32
    %convert_element_type3A_2370 = arith.extui %eq3A_2369 : i1 to i32
    %cond3A = arith.constant 0 : i32
    %cond3A_2371 = arith.cmpi ne, %convert_element_type3A_2370, %cond3A : i32
    scf.if %cond3A_2371 {
      "tpu.region"() ({
        %run_scoped3A = tpu.sem_alloc : memref<!tpu.dma_semaphore, #tpu.memory_space<semaphore_mem>>
        %dma_start3A_2865 = arith.constant 0 : i32
        %dma_start3A_2866 = tpu.memref_slice %arg5[%dma_start3A_2865] : memref<16xi32, #tpu.memory_space<hbm>> -> memref<16xi32, #tpu.memory_space<hbm>>
        %dma_start3A_2867 = arith.constant 0 : i32
        %dma_start3A_2868 = tpu.memref_slice %arg5[%dma_start3A_2867] : memref<16xi32, #tpu.memory_space<hbm>> -> memref<16xi32, #tpu.memory_space<hbm>>
        tpu.enqueue_dma source(%dma_start3A_2868 : memref<16xi32, #tpu.memory_space<hbm>>) target(%arg16 : memref<16xi32, #tpu.memory_space<vmem>>) target_semaphore(%run_scoped3A : memref<!tpu.dma_semaphore, #tpu.memory_space<semaphore_mem>>)
        %dma_wait3A_2869 = arith.constant 0 : i32
        %dma_wait3A_2870 = tpu.memref_slice %arg5[%dma_wait3A_2869] : memref<16xi32, #tpu.memory_space<hbm>> -> memref<16xi32, #tpu.memory_space<hbm>>
        %dma_wait3A_2871 = arith.constant 0 : i32
        %dma_wait3A_2872 = tpu.memref_slice %arg5[%dma_wait3A_2871] : memref<16xi32, #tpu.memory_space<hbm>> -> memref<16xi32, #tpu.memory_space<hbm>>
        tpu.wait_dma2 semaphore(%run_scoped3A : memref<!tpu.dma_semaphore, #tpu.memory_space<semaphore_mem>>) src(%dma_wait3A_2872 : memref<16xi32, #tpu.memory_space<hbm>>) dst(%arg16 : memref<16xi32, #tpu.memory_space<vmem>>)
        tpu.yield
      }) : () -> ()
      %get3A_2372 = arith.constant 0 : index
      %get3A_2373 = tpu.vector_load %arg16[%get3A_2372] {strides = array<i32>} : memref<16xi32, #tpu.memory_space<vmem>>, vector<16xi32>,
      %iota3A_2374 = tpu.iota {dimensions = array<i32: 0>} : vector<16xi32>
      %add3A_2375 = arith.constant 0 : i32
      %add3A_2376 = vector.broadcast %add3A_2375 : i32 to vector<16xi32>
      %add3A_2377 = arith.addi %iota3A_2374, %add3A_2376 : vector<16xi32>
      %mul3A_2378 = arith.constant 512 : i32
      %mul3A_2379 = vector.broadcast %mul3A_2378 : i32 to vector<16xi32>
      %mul3A_2380 = arith.muli %add3A_2377, %mul3A_2379 : vector<16xi32>
      %broadcast_in_dim3A_2381 = arith.constant 0 : i32
      %broadcast_in_dim3A_2382 = vector.broadcast %broadcast_in_dim3A_2381 : i32 to vector<16xi32>
      %eq3A_2383 = arith.constant 0 : i32
      %eq3A_2384 = vector.broadcast %eq3A_2383 : i32 to vector<16xi32>
      %eq3A_2385 = arith.cmpi eq, %iota3A, %eq3A_2384 : vector<16xi32>
      %jit3A_2386 = arith.constant 0 : i32
      %broadcast_in_dim3A_2387 = vector.broadcast %jit3A_2386 : i32 to vector<16xi32>
      %select_n3A_2388 = arith.select %eq3A_2385, %get3A_2373, %broadcast_in_dim3A_2387 : vector<16xi1>, vector<16xi32>
      %reduce_sum3A_2389 = arith.constant true
      %reduce_sum3A_2390 = vector.broadcast %reduce_sum3A_2389 : i1 to vector<16xi1>
      %reduce_sum3A_2391 = tpu.scan <sum>, %select_n3A_2388 masked %reduce_sum3A_2390 : vector<16xi32>, vector<16xi1> -> vector<16xi32>
      %reduce_sum3A_2392 = vector.extract %reduce_sum3A_2391[15] : i32 from vector<16xi32>
      %ge3A = vector.broadcast %reduce_sum3A_2392 : i32 to vector<16xi32>
      %ge3A_2393 = arith.cmpi sge, %mul3A_2380, %ge3A : vector<16xi32>
      %convert_element_type3A_2394 = arith.extui %ge3A_2393 : vector<16xi1> to vector<16xi32>
      %add3A_2395 = arith.addi %broadcast_in_dim3A_2382, %convert_element_type3A_2394 : vector<16xi32>
      %eq3A_2396 = arith.constant 1 : i32
      %eq3A_2397 = vector.broadcast %eq3A_2396 : i32 to vector<16xi32>
      %eq3A_2398 = arith.cmpi eq, %iota3A, %eq3A_2397 : vector<16xi32>
      %jit3A_2399 = arith.constant 0 : i32
      %broadcast_in_dim3A_2400 = vector.broadcast %jit3A_2399 : i32 to vector<16xi32>
      %select_n3A_2401 = arith.select %eq3A_2398, %get3A_2373, %broadcast_in_dim3A_2400 : vector<16xi1>, vector<16xi32>
      %reduce_sum3A_2402 = arith.constant true
      %reduce_sum3A_2403 = vector.broadcast %reduce_sum3A_2402 : i1 to vector<16xi1>
      %reduce_sum3A_2404 = tpu.scan <sum>, %select_n3A_2401 masked %reduce_sum3A_2403 : vector<16xi32>, vector<16xi1> -> vector<16xi32>
      %reduce_sum3A_2405 = vector.extract %reduce_sum3A_2404[15] : i32 from vector<16xi32>
      %ge3A_2406 = vector.broadcast %reduce_sum3A_2405 : i32 to vector<16xi32>
      %ge3A_2407 = arith.cmpi sge, %mul3A_2380, %ge3A_2406 : vector<16xi32>
      %convert_element_type3A_2408 = arith.extui %ge3A_2407 : vector<16xi1> to vector<16xi32>
      %add3A_2409 = arith.addi %add3A_2395, %convert_element_type3A_2408 : vector<16xi32>
      %eq3A_2410 = arith.constant 2 : i32
      %eq3A_2411 = vector.broadcast %eq3A_2410 : i32 to vector<16xi32>
      %eq3A_2412 = arith.cmpi eq, %iota3A, %eq3A_2411 : vector<16xi32>
      %jit3A_2413 = arith.constant 0 : i32
      %broadcast_in_dim3A_2414 = vector.broadcast %jit3A_2413 : i32 to vector<16xi32>
      %select_n3A_2415 = arith.select %eq3A_2412, %get3A_2373, %broadcast_in_dim3A_2414 : vector<16xi1>, vector<16xi32>
      %reduce_sum3A_2416 = arith.constant true
      %reduce_sum3A_2417 = vector.broadcast %reduce_sum3A_2416 : i1 to vector<16xi1>
      %reduce_sum3A_2418 = tpu.scan <sum>, %select_n3A_2415 masked %reduce_sum3A_2417 : vector<16xi32>, vector<16xi1> -> vector<16xi32>
      %reduce_sum3A_2419 = vector.extract %reduce_sum3A_2418[15] : i32 from vector<16xi32>
      %ge3A_2420 = vector.broadcast %reduce_sum3A_2419 : i32 to vector<16xi32>
      %ge3A_2421 = arith.cmpi sge, %mul3A_2380, %ge3A_2420 : vector<16xi32>
      %convert_element_type3A_2422 = arith.extui %ge3A_2421 : vector<16xi1> to vector<16xi32>
      %add3A_2423 = arith.addi %add3A_2409, %convert_element_type3A_2422 : vector<16xi32>
      %eq3A_2424 = arith.constant 3 : i32
      %eq3A_2425 = vector.broadcast %eq3A_2424 : i32 to vector<16xi32>
      %eq3A_2426 = arith.cmpi eq, %iota3A, %eq3A_2425 : vector<16xi32>
      %jit3A_2427 = arith.constant 0 : i32
      %broadcast_in_dim3A_2428 = vector.broadcast %jit3A_2427 : i32 to vector<16xi32>
      %select_n3A_2429 = arith.select %eq3A_2426, %get3A_2373, %broadcast_in_dim3A_2428 : vector<16xi1>, vector<16xi32>
      %reduce_sum3A_2430 = arith.constant true
      %reduce_sum3A_2431 = vector.broadcast %reduce_sum3A_2430 : i1 to vector<16xi1>
      %reduce_sum3A_2432 = tpu.scan <sum>, %select_n3A_2429 masked %reduce_sum3A_2431 : vector<16xi32>, vector<16xi1> -> vector<16xi32>
      %reduce_sum3A_2433 = vector.extract %reduce_sum3A_2432[15] : i32 from vector<16xi32>
      %ge3A_2434 = vector.broadcast %reduce_sum3A_2433 : i32 to vector<16xi32>
      %ge3A_2435 = arith.cmpi sge, %mul3A_2380, %ge3A_2434 : vector<16xi32>
      %convert_element_type3A_2436 = arith.extui %ge3A_2435 : vector<16xi1> to vector<16xi32>
      %add3A_2437 = arith.addi %add3A_2423, %convert_element_type3A_2436 : vector<16xi32>
      %eq3A_2438 = arith.constant 4 : i32
      %eq3A_2439 = vector.broadcast %eq3A_2438 : i32 to vector<16xi32>
      %eq3A_2440 = arith.cmpi eq, %iota3A, %eq3A_2439 : vector<16xi32>
      %jit3A_2441 = arith.constant 0 : i32
      %broadcast_in_dim3A_2442 = vector.broadcast %jit3A_2441 : i32 to vector<16xi32>
      %select_n3A_2443 = arith.select %eq3A_2440, %get3A_2373, %broadcast_in_dim3A_2442 : vector<16xi1>, vector<16xi32>
      %reduce_sum3A_2444 = arith.constant true
      %reduce_sum3A_2445 = vector.broadcast %reduce_sum3A_2444 : i1 to vector<16xi1>
      %reduce_sum3A_2446 = tpu.scan <sum>, %select_n3A_2443 masked %reduce_sum3A_2445 : vector<16xi32>, vector<16xi1> -> vector<16xi32>
      %reduce_sum3A_2447 = vector.extract %reduce_sum3A_2446[15] : i32 from vector<16xi32>
      %ge3A_2448 = vector.broadcast %reduce_sum3A_2447 : i32 to vector<16xi32>
      %ge3A_2449 = arith.cmpi sge, %mul3A_2380, %ge3A_2448 : vector<16xi32>
      %convert_element_type3A_2450 = arith.extui %ge3A_2449 : vector<16xi1> to vector<16xi32>
      %add3A_2451 = arith.addi %add3A_2437, %convert_element_type3A_2450 : vector<16xi32>
      %eq3A_2452 = arith.constant 5 : i32
      %eq3A_2453 = vector.broadcast %eq3A_2452 : i32 to vector<16xi32>
      %eq3A_2454 = arith.cmpi eq, %iota3A, %eq3A_2453 : vector<16xi32>
      %jit3A_2455 = arith.constant 0 : i32
      %broadcast_in_dim3A_2456 = vector.broadcast %jit3A_2455 : i32 to vector<16xi32>
      %select_n3A_2457 = arith.select %eq3A_2454, %get3A_2373, %broadcast_in_dim3A_2456 : vector<16xi1>, vector<16xi32>
      %reduce_sum3A_2458 = arith.constant true
      %reduce_sum3A_2459 = vector.broadcast %reduce_sum3A_2458 : i1 to vector<16xi1>
      %reduce_sum3A_2460 = tpu.scan <sum>, %select_n3A_2457 masked %reduce_sum3A_2459 : vector<16xi32>, vector<16xi1> -> vector<16xi32>
      %reduce_sum3A_2461 = vector.extract %reduce_sum3A_2460[15] : i32 from vector<16xi32>
      %ge3A_2462 = vector.broadcast %reduce_sum3A_2461 : i32 to vector<16xi32>
      %ge3A_2463 = arith.cmpi sge, %mul3A_2380, %ge3A_2462 : vector<16xi32>
      %convert_element_type3A_2464 = arith.extui %ge3A_2463 : vector<16xi1> to vector<16xi32>
      %add3A_2465 = arith.addi %add3A_2451, %convert_element_type3A_2464 : vector<16xi32>
      %eq3A_2466 = arith.constant 6 : i32
      %eq3A_2467 = vector.broadcast %eq3A_2466 : i32 to vector<16xi32>
      %eq3A_2468 = arith.cmpi eq, %iota3A, %eq3A_2467 : vector<16xi32>
      %jit3A_2469 = arith.constant 0 : i32
      %broadcast_in_dim3A_2470 = vector.broadcast %jit3A_2469 : i32 to vector<16xi32>
      %select_n3A_2471 = arith.select %eq3A_2468, %get3A_2373, %broadcast_in_dim3A_2470 : vector<16xi1>, vector<16xi32>
      %reduce_sum3A_2472 = arith.constant true
      %reduce_sum3A_2473 = vector.broadcast %reduce_sum3A_2472 : i1 to vector<16xi1>
      %reduce_sum3A_2474 = tpu.scan <sum>, %select_n3A_2471 masked %reduce_sum3A_2473 : vector<16xi32>, vector<16xi1> -> vector<16xi32>
      %reduce_sum3A_2475 = vector.extract %reduce_sum3A_2474[15] : i32 from vector<16xi32>
      %ge3A_2476 = vector.broadcast %reduce_sum3A_2475 : i32 to vector<16xi32>
      %ge3A_2477 = arith.cmpi sge, %mul3A_2380, %ge3A_2476 : vector<16xi32>
      %convert_element_type3A_2478 = arith.extui %ge3A_2477 : vector<16xi1> to vector<16xi32>
      %add3A_2479 = arith.addi %add3A_2465, %convert_element_type3A_2478 : vector<16xi32>
      %eq3A_2480 = arith.constant 7 : i32
      %eq3A_2481 = vector.broadcast %eq3A_2480 : i32 to vector<16xi32>
      %eq3A_2482 = arith.cmpi eq, %iota3A, %eq3A_2481 : vector<16xi32>
      %jit3A_2483 = arith.constant 0 : i32
      %broadcast_in_dim3A_2484 = vector.broadcast %jit3A_2483 : i32 to vector<16xi32>
      %select_n3A_2485 = arith.select %eq3A_2482, %get3A_2373, %broadcast_in_dim3A_2484 : vector<16xi1>, vector<16xi32>
      %reduce_sum3A_2486 = arith.constant true
      %reduce_sum3A_2487 = vector.broadcast %reduce_sum3A_2486 : i1 to vector<16xi1>
      %reduce_sum3A_2488 = tpu.scan <sum>, %select_n3A_2485 masked %reduce_sum3A_2487 : vector<16xi32>, vector<16xi1> -> vector<16xi32>
      %reduce_sum3A_2489 = vector.extract %reduce_sum3A_2488[15] : i32 from vector<16xi32>
      %ge3A_2490 = vector.broadcast %reduce_sum3A_2489 : i32 to vector<16xi32>
      %ge3A_2491 = arith.cmpi sge, %mul3A_2380, %ge3A_2490 : vector<16xi32>
      %convert_element_type3A_2492 = arith.extui %ge3A_2491 : vector<16xi1> to vector<16xi32>
      %add3A_2493 = arith.addi %add3A_2479, %convert_element_type3A_2492 : vector<16xi32>
      %swap3A_2494 = arith.constant 0 : index
      %swap3A_2495 = tpu.vector_load %arg17[%swap3A_2494] {strides = array<i32>} : memref<64xi32, #tpu.memory_space<vmem>>, vector<16xi32>,
      tpu.vector_store %arg17[%swap3A_2494], %add3A_2493 {strides = array<i32>} : memref<64xi32, #tpu.memory_space<vmem>>, vector<16xi32>,
      %iota3A_2496 = tpu.iota {dimensions = array<i32: 0>} : vector<16xi32>
      %add3A_2497 = arith.constant 16 : i32
      %add3A_2498 = vector.broadcast %add3A_2497 : i32 to vector<16xi32>
      %add3A_2499 = arith.addi %iota3A_2496, %add3A_2498 : vector<16xi32>
      %mul3A_2500 = arith.constant 512 : i32
      %mul3A_2501 = vector.broadcast %mul3A_2500 : i32 to vector<16xi32>
      %mul3A_2502 = arith.muli %add3A_2499, %mul3A_2501 : vector<16xi32>
      %broadcast_in_dim3A_2503 = arith.constant 0 : i32
      %broadcast_in_dim3A_2504 = vector.broadcast %broadcast_in_dim3A_2503 : i32 to vector<16xi32>
      %eq3A_2505 = arith.constant 0 : i32
      %eq3A_2506 = vector.broadcast %eq3A_2505 : i32 to vector<16xi32>
      %eq3A_2507 = arith.cmpi eq, %iota3A, %eq3A_2506 : vector<16xi32>
      %jit3A_2508 = arith.constant 0 : i32
      %broadcast_in_dim3A_2509 = vector.broadcast %jit3A_2508 : i32 to vector<16xi32>
      %select_n3A_2510 = arith.select %eq3A_2507, %get3A_2373, %broadcast_in_dim3A_2509 : vector<16xi1>, vector<16xi32>
      %reduce_sum3A_2511 = arith.constant true
      %reduce_sum3A_2512 = vector.broadcast %reduce_sum3A_2511 : i1 to vector<16xi1>
      %reduce_sum3A_2513 = tpu.scan <sum>, %select_n3A_2510 masked %reduce_sum3A_2512 : vector<16xi32>, vector<16xi1> -> vector<16xi32>
      %reduce_sum3A_2514 = vector.extract %reduce_sum3A_2513[15] : i32 from vector<16xi32>
      %ge3A_2515 = vector.broadcast %reduce_sum3A_2514 : i32 to vector<16xi32>
      %ge3A_2516 = arith.cmpi sge, %mul3A_2502, %ge3A_2515 : vector<16xi32>
      %convert_element_type3A_2517 = arith.extui %ge3A_2516 : vector<16xi1> to vector<16xi32>
      %add3A_2518 = arith.addi %broadcast_in_dim3A_2504, %convert_element_type3A_2517 : vector<16xi32>
      %eq3A_2519 = arith.constant 1 : i32
      %eq3A_2520 = vector.broadcast %eq3A_2519 : i32 to vector<16xi32>
      %eq3A_2521 = arith.cmpi eq, %iota3A, %eq3A_2520 : vector<16xi32>
      %jit3A_2522 = arith.constant 0 : i32
      %broadcast_in_dim3A_2523 = vector.broadcast %jit3A_2522 : i32 to vector<16xi32>
      %select_n3A_2524 = arith.select %eq3A_2521, %get3A_2373, %broadcast_in_dim3A_2523 : vector<16xi1>, vector<16xi32>
      %reduce_sum3A_2525 = arith.constant true
      %reduce_sum3A_2526 = vector.broadcast %reduce_sum3A_2525 : i1 to vector<16xi1>
      %reduce_sum3A_2527 = tpu.scan <sum>, %select_n3A_2524 masked %reduce_sum3A_2526 : vector<16xi32>, vector<16xi1> -> vector<16xi32>
      %reduce_sum3A_2528 = vector.extract %reduce_sum3A_2527[15] : i32 from vector<16xi32>
      %ge3A_2529 = vector.broadcast %reduce_sum3A_2528 : i32 to vector<16xi32>
      %ge3A_2530 = arith.cmpi sge, %mul3A_2502, %ge3A_2529 : vector<16xi32>
      %convert_element_type3A_2531 = arith.extui %ge3A_2530 : vector<16xi1> to vector<16xi32>
      %add3A_2532 = arith.addi %add3A_2518, %convert_element_type3A_2531 : vector<16xi32>
      %eq3A_2533 = arith.constant 2 : i32
      %eq3A_2534 = vector.broadcast %eq3A_2533 : i32 to vector<16xi32>
      %eq3A_2535 = arith.cmpi eq, %iota3A, %eq3A_2534 : vector<16xi32>
      %jit3A_2536 = arith.constant 0 : i32
      %broadcast_in_dim3A_2537 = vector.broadcast %jit3A_2536 : i32 to vector<16xi32>
      %select_n3A_2538 = arith.select %eq3A_2535, %get3A_2373, %broadcast_in_dim3A_2537 : vector<16xi1>, vector<16xi32>
      %reduce_sum3A_2539 = arith.constant true
      %reduce_sum3A_2540 = vector.broadcast %reduce_sum3A_2539 : i1 to vector<16xi1>
      %reduce_sum3A_2541 = tpu.scan <sum>, %select_n3A_2538 masked %reduce_sum3A_2540 : vector<16xi32>, vector<16xi1> -> vector<16xi32>
      %reduce_sum3A_2542 = vector.extract %reduce_sum3A_2541[15] : i32 from vector<16xi32>
      %ge3A_2543 = vector.broadcast %reduce_sum3A_2542 : i32 to vector<16xi32>
      %ge3A_2544 = arith.cmpi sge, %mul3A_2502, %ge3A_2543 : vector<16xi32>
      %convert_element_type3A_2545 = arith.extui %ge3A_2544 : vector<16xi1> to vector<16xi32>
      %add3A_2546 = arith.addi %add3A_2532, %convert_element_type3A_2545 : vector<16xi32>
      %eq3A_2547 = arith.constant 3 : i32
      %eq3A_2548 = vector.broadcast %eq3A_2547 : i32 to vector<16xi32>
      %eq3A_2549 = arith.cmpi eq, %iota3A, %eq3A_2548 : vector<16xi32>
      %jit3A_2550 = arith.constant 0 : i32
      %broadcast_in_dim3A_2551 = vector.broadcast %jit3A_2550 : i32 to vector<16xi32>
      %select_n3A_2552 = arith.select %eq3A_2549, %get3A_2373, %broadcast_in_dim3A_2551 : vector<16xi1>, vector<16xi32>
      %reduce_sum3A_2553 = arith.constant true
      %reduce_sum3A_2554 = vector.broadcast %reduce_sum3A_2553 : i1 to vector<16xi1>
      %reduce_sum3A_2555 = tpu.scan <sum>, %select_n3A_2552 masked %reduce_sum3A_2554 : vector<16xi32>, vector<16xi1> -> vector<16xi32>
      %reduce_sum3A_2556 = vector.extract %reduce_sum3A_2555[15] : i32 from vector<16xi32>
      %ge3A_2557 = vector.broadcast %reduce_sum3A_2556 : i32 to vector<16xi32>
      %ge3A_2558 = arith.cmpi sge, %mul3A_2502, %ge3A_2557 : vector<16xi32>
      %convert_element_type3A_2559 = arith.extui %ge3A_2558 : vector<16xi1> to vector<16xi32>
      %add3A_2560 = arith.addi %add3A_2546, %convert_element_type3A_2559 : vector<16xi32>
      %eq3A_2561 = arith.constant 4 : i32
      %eq3A_2562 = vector.broadcast %eq3A_2561 : i32 to vector<16xi32>
      %eq3A_2563 = arith.cmpi eq, %iota3A, %eq3A_2562 : vector<16xi32>
      %jit3A_2564 = arith.constant 0 : i32
      %broadcast_in_dim3A_2565 = vector.broadcast %jit3A_2564 : i32 to vector<16xi32>
      %select_n3A_2566 = arith.select %eq3A_2563, %get3A_2373, %broadcast_in_dim3A_2565 : vector<16xi1>, vector<16xi32>
      %reduce_sum3A_2567 = arith.constant true
      %reduce_sum3A_2568 = vector.broadcast %reduce_sum3A_2567 : i1 to vector<16xi1>
      %reduce_sum3A_2569 = tpu.scan <sum>, %select_n3A_2566 masked %reduce_sum3A_2568 : vector<16xi32>, vector<16xi1> -> vector<16xi32>
      %reduce_sum3A_2570 = vector.extract %reduce_sum3A_2569[15] : i32 from vector<16xi32>
      %ge3A_2571 = vector.broadcast %reduce_sum3A_2570 : i32 to vector<16xi32>
      %ge3A_2572 = arith.cmpi sge, %mul3A_2502, %ge3A_2571 : vector<16xi32>
      %convert_element_type3A_2573 = arith.extui %ge3A_2572 : vector<16xi1> to vector<16xi32>
      %add3A_2574 = arith.addi %add3A_2560, %convert_element_type3A_2573 : vector<16xi32>
      %eq3A_2575 = arith.constant 5 : i32
      %eq3A_2576 = vector.broadcast %eq3A_2575 : i32 to vector<16xi32>
      %eq3A_2577 = arith.cmpi eq, %iota3A, %eq3A_2576 : vector<16xi32>
      %jit3A_2578 = arith.constant 0 : i32
      %broadcast_in_dim3A_2579 = vector.broadcast %jit3A_2578 : i32 to vector<16xi32>
      %select_n3A_2580 = arith.select %eq3A_2577, %get3A_2373, %broadcast_in_dim3A_2579 : vector<16xi1>, vector<16xi32>
      %reduce_sum3A_2581 = arith.constant true
      %reduce_sum3A_2582 = vector.broadcast %reduce_sum3A_2581 : i1 to vector<16xi1>
      %reduce_sum3A_2583 = tpu.scan <sum>, %select_n3A_2580 masked %reduce_sum3A_2582 : vector<16xi32>, vector<16xi1> -> vector<16xi32>
      %reduce_sum3A_2584 = vector.extract %reduce_sum3A_2583[15] : i32 from vector<16xi32>
      %ge3A_2585 = vector.broadcast %reduce_sum3A_2584 : i32 to vector<16xi32>
      %ge3A_2586 = arith.cmpi sge, %mul3A_2502, %ge3A_2585 : vector<16xi32>
      %convert_element_type3A_2587 = arith.extui %ge3A_2586 : vector<16xi1> to vector<16xi32>
      %add3A_2588 = arith.addi %add3A_2574, %convert_element_type3A_2587 : vector<16xi32>
      %eq3A_2589 = arith.constant 6 : i32
      %eq3A_2590 = vector.broadcast %eq3A_2589 : i32 to vector<16xi32>
      %eq3A_2591 = arith.cmpi eq, %iota3A, %eq3A_2590 : vector<16xi32>
      %jit3A_2592 = arith.constant 0 : i32
      %broadcast_in_dim3A_2593 = vector.broadcast %jit3A_2592 : i32 to vector<16xi32>
      %select_n3A_2594 = arith.select %eq3A_2591, %get3A_2373, %broadcast_in_dim3A_2593 : vector<16xi1>, vector<16xi32>
      %reduce_sum3A_2595 = arith.constant true
      %reduce_sum3A_2596 = vector.broadcast %reduce_sum3A_2595 : i1 to vector<16xi1>
      %reduce_sum3A_2597 = tpu.scan <sum>, %select_n3A_2594 masked %reduce_sum3A_2596 : vector<16xi32>, vector<16xi1> -> vector<16xi32>
      %reduce_sum3A_2598 = vector.extract %reduce_sum3A_2597[15] : i32 from vector<16xi32>
      %ge3A_2599 = vector.broadcast %reduce_sum3A_2598 : i32 to vector<16xi32>
      %ge3A_2600 = arith.cmpi sge, %mul3A_2502, %ge3A_2599 : vector<16xi32>
      %convert_element_type3A_2601 = arith.extui %ge3A_2600 : vector<16xi1> to vector<16xi32>
      %add3A_2602 = arith.addi %add3A_2588, %convert_element_type3A_2601 : vector<16xi32>
      %eq3A_2603 = arith.constant 7 : i32
      %eq3A_2604 = vector.broadcast %eq3A_2603 : i32 to vector<16xi32>
      %eq3A_2605 = arith.cmpi eq, %iota3A, %eq3A_2604 : vector<16xi32>
      %jit3A_2606 = arith.constant 0 : i32
      %broadcast_in_dim3A_2607 = vector.broadcast %jit3A_2606 : i32 to vector<16xi32>
      %select_n3A_2608 = arith.select %eq3A_2605, %get3A_2373, %broadcast_in_dim3A_2607 : vector<16xi1>, vector<16xi32>
      %reduce_sum3A_2609 = arith.constant true
      %reduce_sum3A_2610 = vector.broadcast %reduce_sum3A_2609 : i1 to vector<16xi1>
      %reduce_sum3A_2611 = tpu.scan <sum>, %select_n3A_2608 masked %reduce_sum3A_2610 : vector<16xi32>, vector<16xi1> -> vector<16xi32>
      %reduce_sum3A_2612 = vector.extract %reduce_sum3A_2611[15] : i32 from vector<16xi32>
      %ge3A_2613 = vector.broadcast %reduce_sum3A_2612 : i32 to vector<16xi32>
      %ge3A_2614 = arith.cmpi sge, %mul3A_2502, %ge3A_2613 : vector<16xi32>
      %convert_element_type3A_2615 = arith.extui %ge3A_2614 : vector<16xi1> to vector<16xi32>
      %add3A_2616 = arith.addi %add3A_2602, %convert_element_type3A_2615 : vector<16xi32>
      %swap3A_2617 = arith.constant 16 : index
      %swap3A_2618 = tpu.vector_load %arg17[%swap3A_2617] {strides = array<i32>} : memref<64xi32, #tpu.memory_space<vmem>>, vector<16xi32>,
      tpu.vector_store %arg17[%swap3A_2617], %add3A_2616 {strides = array<i32>} : memref<64xi32, #tpu.memory_space<vmem>>, vector<16xi32>,
      %iota3A_2619 = tpu.iota {dimensions = array<i32: 0>} : vector<16xi32>
      %add3A_2620 = arith.constant 32 : i32
      %add3A_2621 = vector.broadcast %add3A_2620 : i32 to vector<16xi32>
      %add3A_2622 = arith.addi %iota3A_2619, %add3A_2621 : vector<16xi32>
      %mul3A_2623 = arith.constant 512 : i32
      %mul3A_2624 = vector.broadcast %mul3A_2623 : i32 to vector<16xi32>
      %mul3A_2625 = arith.muli %add3A_2622, %mul3A_2624 : vector<16xi32>
      %broadcast_in_dim3A_2626 = arith.constant 0 : i32
      %broadcast_in_dim3A_2627 = vector.broadcast %broadcast_in_dim3A_2626 : i32 to vector<16xi32>
      %eq3A_2628 = arith.constant 0 : i32
      %eq3A_2629 = vector.broadcast %eq3A_2628 : i32 to vector<16xi32>
      %eq3A_2630 = arith.cmpi eq, %iota3A, %eq3A_2629 : vector<16xi32>
      %jit3A_2631 = arith.constant 0 : i32
      %broadcast_in_dim3A_2632 = vector.broadcast %jit3A_2631 : i32 to vector<16xi32>
      %select_n3A_2633 = arith.select %eq3A_2630, %get3A_2373, %broadcast_in_dim3A_2632 : vector<16xi1>, vector<16xi32>
      %reduce_sum3A_2634 = arith.constant true
      %reduce_sum3A_2635 = vector.broadcast %reduce_sum3A_2634 : i1 to vector<16xi1>
      %reduce_sum3A_2636 = tpu.scan <sum>, %select_n3A_2633 masked %reduce_sum3A_2635 : vector<16xi32>, vector<16xi1> -> vector<16xi32>
      %reduce_sum3A_2637 = vector.extract %reduce_sum3A_2636[15] : i32 from vector<16xi32>
      %ge3A_2638 = vector.broadcast %reduce_sum3A_2637 : i32 to vector<16xi32>
      %ge3A_2639 = arith.cmpi sge, %mul3A_2625, %ge3A_2638 : vector<16xi32>
      %convert_element_type3A_2640 = arith.extui %ge3A_2639 : vector<16xi1> to vector<16xi32>
      %add3A_2641 = arith.addi %broadcast_in_dim3A_2627, %convert_element_type3A_2640 : vector<16xi32>
      %eq3A_2642 = arith.constant 1 : i32
      %eq3A_2643 = vector.broadcast %eq3A_2642 : i32 to vector<16xi32>
      %eq3A_2644 = arith.cmpi eq, %iota3A, %eq3A_2643 : vector<16xi32>
      %jit3A_2645 = arith.constant 0 : i32
      %broadcast_in_dim3A_2646 = vector.broadcast %jit3A_2645 : i32 to vector<16xi32>
      %select_n3A_2647 = arith.select %eq3A_2644, %get3A_2373, %broadcast_in_dim3A_2646 : vector<16xi1>, vector<16xi32>
      %reduce_sum3A_2648 = arith.constant true
      %reduce_sum3A_2649 = vector.broadcast %reduce_sum3A_2648 : i1 to vector<16xi1>
      %reduce_sum3A_2650 = tpu.scan <sum>, %select_n3A_2647 masked %reduce_sum3A_2649 : vector<16xi32>, vector<16xi1> -> vector<16xi32>
      %reduce_sum3A_2651 = vector.extract %reduce_sum3A_2650[15] : i32 from vector<16xi32>
      %ge3A_2652 = vector.broadcast %reduce_sum3A_2651 : i32 to vector<16xi32>
      %ge3A_2653 = arith.cmpi sge, %mul3A_2625, %ge3A_2652 : vector<16xi32>
      %convert_element_type3A_2654 = arith.extui %ge3A_2653 : vector<16xi1> to vector<16xi32>
      %add3A_2655 = arith.addi %add3A_2641, %convert_element_type3A_2654 : vector<16xi32>
      %eq3A_2656 = arith.constant 2 : i32
      %eq3A_2657 = vector.broadcast %eq3A_2656 : i32 to vector<16xi32>
      %eq3A_2658 = arith.cmpi eq, %iota3A, %eq3A_2657 : vector<16xi32>
      %jit3A_2659 = arith.constant 0 : i32
      %broadcast_in_dim3A_2660 = vector.broadcast %jit3A_2659 : i32 to vector<16xi32>
      %select_n3A_2661 = arith.select %eq3A_2658, %get3A_2373, %broadcast_in_dim3A_2660 : vector<16xi1>, vector<16xi32>
      %reduce_sum3A_2662 = arith.constant true
      %reduce_sum3A_2663 = vector.broadcast %reduce_sum3A_2662 : i1 to vector<16xi1>
      %reduce_sum3A_2664 = tpu.scan <sum>, %select_n3A_2661 masked %reduce_sum3A_2663 : vector<16xi32>, vector<16xi1> -> vector<16xi32>
      %reduce_sum3A_2665 = vector.extract %reduce_sum3A_2664[15] : i32 from vector<16xi32>
      %ge3A_2666 = vector.broadcast %reduce_sum3A_2665 : i32 to vector<16xi32>
      %ge3A_2667 = arith.cmpi sge, %mul3A_2625, %ge3A_2666 : vector<16xi32>
      %convert_element_type3A_2668 = arith.extui %ge3A_2667 : vector<16xi1> to vector<16xi32>
      %add3A_2669 = arith.addi %add3A_2655, %convert_element_type3A_2668 : vector<16xi32>
      %eq3A_2670 = arith.constant 3 : i32
      %eq3A_2671 = vector.broadcast %eq3A_2670 : i32 to vector<16xi32>
      %eq3A_2672 = arith.cmpi eq, %iota3A, %eq3A_2671 : vector<16xi32>
      %jit3A_2673 = arith.constant 0 : i32
      %broadcast_in_dim3A_2674 = vector.broadcast %jit3A_2673 : i32 to vector<16xi32>
      %select_n3A_2675 = arith.select %eq3A_2672, %get3A_2373, %broadcast_in_dim3A_2674 : vector<16xi1>, vector<16xi32>
      %reduce_sum3A_2676 = arith.constant true
      %reduce_sum3A_2677 = vector.broadcast %reduce_sum3A_2676 : i1 to vector<16xi1>
      %reduce_sum3A_2678 = tpu.scan <sum>, %select_n3A_2675 masked %reduce_sum3A_2677 : vector<16xi32>, vector<16xi1> -> vector<16xi32>
      %reduce_sum3A_2679 = vector.extract %reduce_sum3A_2678[15] : i32 from vector<16xi32>
      %ge3A_2680 = vector.broadcast %reduce_sum3A_2679 : i32 to vector<16xi32>
      %ge3A_2681 = arith.cmpi sge, %mul3A_2625, %ge3A_2680 : vector<16xi32>
      %convert_element_type3A_2682 = arith.extui %ge3A_2681 : vector<16xi1> to vector<16xi32>
      %add3A_2683 = arith.addi %add3A_2669, %convert_element_type3A_2682 : vector<16xi32>
      %eq3A_2684 = arith.constant 4 : i32
      %eq3A_2685 = vector.broadcast %eq3A_2684 : i32 to vector<16xi32>
      %eq3A_2686 = arith.cmpi eq, %iota3A, %eq3A_2685 : vector<16xi32>
      %jit3A_2687 = arith.constant 0 : i32
      %broadcast_in_dim3A_2688 = vector.broadcast %jit3A_2687 : i32 to vector<16xi32>
      %select_n3A_2689 = arith.select %eq3A_2686, %get3A_2373, %broadcast_in_dim3A_2688 : vector<16xi1>, vector<16xi32>
      %reduce_sum3A_2690 = arith.constant true
      %reduce_sum3A_2691 = vector.broadcast %reduce_sum3A_2690 : i1 to vector<16xi1>
      %reduce_sum3A_2692 = tpu.scan <sum>, %select_n3A_2689 masked %reduce_sum3A_2691 : vector<16xi32>, vector<16xi1> -> vector<16xi32>
      %reduce_sum3A_2693 = vector.extract %reduce_sum3A_2692[15] : i32 from vector<16xi32>
      %ge3A_2694 = vector.broadcast %reduce_sum3A_2693 : i32 to vector<16xi32>
      %ge3A_2695 = arith.cmpi sge, %mul3A_2625, %ge3A_2694 : vector<16xi32>
      %convert_element_type3A_2696 = arith.extui %ge3A_2695 : vector<16xi1> to vector<16xi32>
      %add3A_2697 = arith.addi %add3A_2683, %convert_element_type3A_2696 : vector<16xi32>
      %eq3A_2698 = arith.constant 5 : i32
      %eq3A_2699 = vector.broadcast %eq3A_2698 : i32 to vector<16xi32>
      %eq3A_2700 = arith.cmpi eq, %iota3A, %eq3A_2699 : vector<16xi32>
      %jit3A_2701 = arith.constant 0 : i32
      %broadcast_in_dim3A_2702 = vector.broadcast %jit3A_2701 : i32 to vector<16xi32>
      %select_n3A_2703 = arith.select %eq3A_2700, %get3A_2373, %broadcast_in_dim3A_2702 : vector<16xi1>, vector<16xi32>
      %reduce_sum3A_2704 = arith.constant true
      %reduce_sum3A_2705 = vector.broadcast %reduce_sum3A_2704 : i1 to vector<16xi1>
      %reduce_sum3A_2706 = tpu.scan <sum>, %select_n3A_2703 masked %reduce_sum3A_2705 : vector<16xi32>, vector<16xi1> -> vector<16xi32>
      %reduce_sum3A_2707 = vector.extract %reduce_sum3A_2706[15] : i32 from vector<16xi32>
      %ge3A_2708 = vector.broadcast %reduce_sum3A_2707 : i32 to vector<16xi32>
      %ge3A_2709 = arith.cmpi sge, %mul3A_2625, %ge3A_2708 : vector<16xi32>
      %convert_element_type3A_2710 = arith.extui %ge3A_2709 : vector<16xi1> to vector<16xi32>
      %add3A_2711 = arith.addi %add3A_2697, %convert_element_type3A_2710 : vector<16xi32>
      %eq3A_2712 = arith.constant 6 : i32
      %eq3A_2713 = vector.broadcast %eq3A_2712 : i32 to vector<16xi32>
      %eq3A_2714 = arith.cmpi eq, %iota3A, %eq3A_2713 : vector<16xi32>
      %jit3A_2715 = arith.constant 0 : i32
      %broadcast_in_dim3A_2716 = vector.broadcast %jit3A_2715 : i32 to vector<16xi32>
      %select_n3A_2717 = arith.select %eq3A_2714, %get3A_2373, %broadcast_in_dim3A_2716 : vector<16xi1>, vector<16xi32>
      %reduce_sum3A_2718 = arith.constant true
      %reduce_sum3A_2719 = vector.broadcast %reduce_sum3A_2718 : i1 to vector<16xi1>
      %reduce_sum3A_2720 = tpu.scan <sum>, %select_n3A_2717 masked %reduce_sum3A_2719 : vector<16xi32>, vector<16xi1> -> vector<16xi32>
      %reduce_sum3A_2721 = vector.extract %reduce_sum3A_2720[15] : i32 from vector<16xi32>
      %ge3A_2722 = vector.broadcast %reduce_sum3A_2721 : i32 to vector<16xi32>
      %ge3A_2723 = arith.cmpi sge, %mul3A_2625, %ge3A_2722 : vector<16xi32>
      %convert_element_type3A_2724 = arith.extui %ge3A_2723 : vector<16xi1> to vector<16xi32>
      %add3A_2725 = arith.addi %add3A_2711, %convert_element_type3A_2724 : vector<16xi32>
      %eq3A_2726 = arith.constant 7 : i32
      %eq3A_2727 = vector.broadcast %eq3A_2726 : i32 to vector<16xi32>
      %eq3A_2728 = arith.cmpi eq, %iota3A, %eq3A_2727 : vector<16xi32>
      %jit3A_2729 = arith.constant 0 : i32
      %broadcast_in_dim3A_2730 = vector.broadcast %jit3A_2729 : i32 to vector<16xi32>
      %select_n3A_2731 = arith.select %eq3A_2728, %get3A_2373, %broadcast_in_dim3A_2730 : vector<16xi1>, vector<16xi32>
      %reduce_sum3A_2732 = arith.constant true
      %reduce_sum3A_2733 = vector.broadcast %reduce_sum3A_2732 : i1 to vector<16xi1>
      %reduce_sum3A_2734 = tpu.scan <sum>, %select_n3A_2731 masked %reduce_sum3A_2733 : vector<16xi32>, vector<16xi1> -> vector<16xi32>
      %reduce_sum3A_2735 = vector.extract %reduce_sum3A_2734[15] : i32 from vector<16xi32>
      %ge3A_2736 = vector.broadcast %reduce_sum3A_2735 : i32 to vector<16xi32>
      %ge3A_2737 = arith.cmpi sge, %mul3A_2625, %ge3A_2736 : vector<16xi32>
      %convert_element_type3A_2738 = arith.extui %ge3A_2737 : vector<16xi1> to vector<16xi32>
      %add3A_2739 = arith.addi %add3A_2725, %convert_element_type3A_2738 : vector<16xi32>
      %swap3A_2740 = arith.constant 32 : index
      %swap3A_2741 = tpu.vector_load %arg17[%swap3A_2740] {strides = array<i32>} : memref<64xi32, #tpu.memory_space<vmem>>, vector<16xi32>,
      tpu.vector_store %arg17[%swap3A_2740], %add3A_2739 {strides = array<i32>} : memref<64xi32, #tpu.memory_space<vmem>>, vector<16xi32>,
      %iota3A_2742 = tpu.iota {dimensions = array<i32: 0>} : vector<16xi32>
      %add3A_2743 = arith.constant 48 : i32
      %add3A_2744 = vector.broadcast %add3A_2743 : i32 to vector<16xi32>
      %add3A_2745 = arith.addi %iota3A_2742, %add3A_2744 : vector<16xi32>
      %mul3A_2746 = arith.constant 512 : i32
      %mul3A_2747 = vector.broadcast %mul3A_2746 : i32 to vector<16xi32>
      %mul3A_2748 = arith.muli %add3A_2745, %mul3A_2747 : vector<16xi32>
      %broadcast_in_dim3A_2749 = arith.constant 0 : i32
      %broadcast_in_dim3A_2750 = vector.broadcast %broadcast_in_dim3A_2749 : i32 to vector<16xi32>
      %eq3A_2751 = arith.constant 0 : i32
      %eq3A_2752 = vector.broadcast %eq3A_2751 : i32 to vector<16xi32>
      %eq3A_2753 = arith.cmpi eq, %iota3A, %eq3A_2752 : vector<16xi32>
      %jit3A_2754 = arith.constant 0 : i32
      %broadcast_in_dim3A_2755 = vector.broadcast %jit3A_2754 : i32 to vector<16xi32>
      %select_n3A_2756 = arith.select %eq3A_2753, %get3A_2373, %broadcast_in_dim3A_2755 : vector<16xi1>, vector<16xi32>
      %reduce_sum3A_2757 = arith.constant true
      %reduce_sum3A_2758 = vector.broadcast %reduce_sum3A_2757 : i1 to vector<16xi1>
      %reduce_sum3A_2759 = tpu.scan <sum>, %select_n3A_2756 masked %reduce_sum3A_2758 : vector<16xi32>, vector<16xi1> -> vector<16xi32>
      %reduce_sum3A_2760 = vector.extract %reduce_sum3A_2759[15] : i32 from vector<16xi32>
      %ge3A_2761 = vector.broadcast %reduce_sum3A_2760 : i32 to vector<16xi32>
      %ge3A_2762 = arith.cmpi sge, %mul3A_2748, %ge3A_2761 : vector<16xi32>
      %convert_element_type3A_2763 = arith.extui %ge3A_2762 : vector<16xi1> to vector<16xi32>
      %add3A_2764 = arith.addi %broadcast_in_dim3A_2750, %convert_element_type3A_2763 : vector<16xi32>
      %eq3A_2765 = arith.constant 1 : i32
      %eq3A_2766 = vector.broadcast %eq3A_2765 : i32 to vector<16xi32>
      %eq3A_2767 = arith.cmpi eq, %iota3A, %eq3A_2766 : vector<16xi32>
      %jit3A_2768 = arith.constant 0 : i32
      %broadcast_in_dim3A_2769 = vector.broadcast %jit3A_2768 : i32 to vector<16xi32>
      %select_n3A_2770 = arith.select %eq3A_2767, %get3A_2373, %broadcast_in_dim3A_2769 : vector<16xi1>, vector<16xi32>
      %reduce_sum3A_2771 = arith.constant true
      %reduce_sum3A_2772 = vector.broadcast %reduce_sum3A_2771 : i1 to vector<16xi1>
      %reduce_sum3A_2773 = tpu.scan <sum>, %select_n3A_2770 masked %reduce_sum3A_2772 : vector<16xi32>, vector<16xi1> -> vector<16xi32>
      %reduce_sum3A_2774 = vector.extract %reduce_sum3A_2773[15] : i32 from vector<16xi32>
      %ge3A_2775 = vector.broadcast %reduce_sum3A_2774 : i32 to vector<16xi32>
      %ge3A_2776 = arith.cmpi sge, %mul3A_2748, %ge3A_2775 : vector<16xi32>
      %convert_element_type3A_2777 = arith.extui %ge3A_2776 : vector<16xi1> to vector<16xi32>
      %add3A_2778 = arith.addi %add3A_2764, %convert_element_type3A_2777 : vector<16xi32>
      %eq3A_2779 = arith.constant 2 : i32
      %eq3A_2780 = vector.broadcast %eq3A_2779 : i32 to vector<16xi32>
      %eq3A_2781 = arith.cmpi eq, %iota3A, %eq3A_2780 : vector<16xi32>
      %jit3A_2782 = arith.constant 0 : i32
      %broadcast_in_dim3A_2783 = vector.broadcast %jit3A_2782 : i32 to vector<16xi32>
      %select_n3A_2784 = arith.select %eq3A_2781, %get3A_2373, %broadcast_in_dim3A_2783 : vector<16xi1>, vector<16xi32>
      %reduce_sum3A_2785 = arith.constant true
      %reduce_sum3A_2786 = vector.broadcast %reduce_sum3A_2785 : i1 to vector<16xi1>
      %reduce_sum3A_2787 = tpu.scan <sum>, %select_n3A_2784 masked %reduce_sum3A_2786 : vector<16xi32>, vector<16xi1> -> vector<16xi32>
      %reduce_sum3A_2788 = vector.extract %reduce_sum3A_2787[15] : i32 from vector<16xi32>
      %ge3A_2789 = vector.broadcast %reduce_sum3A_2788 : i32 to vector<16xi32>
      %ge3A_2790 = arith.cmpi sge, %mul3A_2748, %ge3A_2789 : vector<16xi32>
      %convert_element_type3A_2791 = arith.extui %ge3A_2790 : vector<16xi1> to vector<16xi32>
      %add3A_2792 = arith.addi %add3A_2778, %convert_element_type3A_2791 : vector<16xi32>
      %eq3A_2793 = arith.constant 3 : i32
      %eq3A_2794 = vector.broadcast %eq3A_2793 : i32 to vector<16xi32>
      %eq3A_2795 = arith.cmpi eq, %iota3A, %eq3A_2794 : vector<16xi32>
      %jit3A_2796 = arith.constant 0 : i32
      %broadcast_in_dim3A_2797 = vector.broadcast %jit3A_2796 : i32 to vector<16xi32>
      %select_n3A_2798 = arith.select %eq3A_2795, %get3A_2373, %broadcast_in_dim3A_2797 : vector<16xi1>, vector<16xi32>
      %reduce_sum3A_2799 = arith.constant true
      %reduce_sum3A_2800 = vector.broadcast %reduce_sum3A_2799 : i1 to vector<16xi1>
      %reduce_sum3A_2801 = tpu.scan <sum>, %select_n3A_2798 masked %reduce_sum3A_2800 : vector<16xi32>, vector<16xi1> -> vector<16xi32>
      %reduce_sum3A_2802 = vector.extract %reduce_sum3A_2801[15] : i32 from vector<16xi32>
      %ge3A_2803 = vector.broadcast %reduce_sum3A_2802 : i32 to vector<16xi32>
      %ge3A_2804 = arith.cmpi sge, %mul3A_2748, %ge3A_2803 : vector<16xi32>
      %convert_element_type3A_2805 = arith.extui %ge3A_2804 : vector<16xi1> to vector<16xi32>
      %add3A_2806 = arith.addi %add3A_2792, %convert_element_type3A_2805 : vector<16xi32>
      %eq3A_2807 = arith.constant 4 : i32
      %eq3A_2808 = vector.broadcast %eq3A_2807 : i32 to vector<16xi32>
      %eq3A_2809 = arith.cmpi eq, %iota3A, %eq3A_2808 : vector<16xi32>
      %jit3A_2810 = arith.constant 0 : i32
      %broadcast_in_dim3A_2811 = vector.broadcast %jit3A_2810 : i32 to vector<16xi32>
      %select_n3A_2812 = arith.select %eq3A_2809, %get3A_2373, %broadcast_in_dim3A_2811 : vector<16xi1>, vector<16xi32>
      %reduce_sum3A_2813 = arith.constant true
      %reduce_sum3A_2814 = vector.broadcast %reduce_sum3A_2813 : i1 to vector<16xi1>
      %reduce_sum3A_2815 = tpu.scan <sum>, %select_n3A_2812 masked %reduce_sum3A_2814 : vector<16xi32>, vector<16xi1> -> vector<16xi32>
      %reduce_sum3A_2816 = vector.extract %reduce_sum3A_2815[15] : i32 from vector<16xi32>
      %ge3A_2817 = vector.broadcast %reduce_sum3A_2816 : i32 to vector<16xi32>
      %ge3A_2818 = arith.cmpi sge, %mul3A_2748, %ge3A_2817 : vector<16xi32>
      %convert_element_type3A_2819 = arith.extui %ge3A_2818 : vector<16xi1> to vector<16xi32>
      %add3A_2820 = arith.addi %add3A_2806, %convert_element_type3A_2819 : vector<16xi32>
      %eq3A_2821 = arith.constant 5 : i32
      %eq3A_2822 = vector.broadcast %eq3A_2821 : i32 to vector<16xi32>
      %eq3A_2823 = arith.cmpi eq, %iota3A, %eq3A_2822 : vector<16xi32>
      %jit3A_2824 = arith.constant 0 : i32
      %broadcast_in_dim3A_2825 = vector.broadcast %jit3A_2824 : i32 to vector<16xi32>
      %select_n3A_2826 = arith.select %eq3A_2823, %get3A_2373, %broadcast_in_dim3A_2825 : vector<16xi1>, vector<16xi32>
      %reduce_sum3A_2827 = arith.constant true
      %reduce_sum3A_2828 = vector.broadcast %reduce_sum3A_2827 : i1 to vector<16xi1>
      %reduce_sum3A_2829 = tpu.scan <sum>, %select_n3A_2826 masked %reduce_sum3A_2828 : vector<16xi32>, vector<16xi1> -> vector<16xi32>
      %reduce_sum3A_2830 = vector.extract %reduce_sum3A_2829[15] : i32 from vector<16xi32>
      %ge3A_2831 = vector.broadcast %reduce_sum3A_2830 : i32 to vector<16xi32>
      %ge3A_2832 = arith.cmpi sge, %mul3A_2748, %ge3A_2831 : vector<16xi32>
      %convert_element_type3A_2833 = arith.extui %ge3A_2832 : vector<16xi1> to vector<16xi32>
      %add3A_2834 = arith.addi %add3A_2820, %convert_element_type3A_2833 : vector<16xi32>
      %eq3A_2835 = arith.constant 6 : i32
      %eq3A_2836 = vector.broadcast %eq3A_2835 : i32 to vector<16xi32>
      %eq3A_2837 = arith.cmpi eq, %iota3A, %eq3A_2836 : vector<16xi32>
      %jit3A_2838 = arith.constant 0 : i32
      %broadcast_in_dim3A_2839 = vector.broadcast %jit3A_2838 : i32 to vector<16xi32>
      %select_n3A_2840 = arith.select %eq3A_2837, %get3A_2373, %broadcast_in_dim3A_2839 : vector<16xi1>, vector<16xi32>
      %reduce_sum3A_2841 = arith.constant true
      %reduce_sum3A_2842 = vector.broadcast %reduce_sum3A_2841 : i1 to vector<16xi1>
      %reduce_sum3A_2843 = tpu.scan <sum>, %select_n3A_2840 masked %reduce_sum3A_2842 : vector<16xi32>, vector<16xi1> -> vector<16xi32>
      %reduce_sum3A_2844 = vector.extract %reduce_sum3A_2843[15] : i32 from vector<16xi32>
      %ge3A_2845 = vector.broadcast %reduce_sum3A_2844 : i32 to vector<16xi32>
      %ge3A_2846 = arith.cmpi sge, %mul3A_2748, %ge3A_2845 : vector<16xi32>
      %convert_element_type3A_2847 = arith.extui %ge3A_2846 : vector<16xi1> to vector<16xi32>
      %add3A_2848 = arith.addi %add3A_2834, %convert_element_type3A_2847 : vector<16xi32>
      %eq3A_2849 = arith.constant 7 : i32
      %eq3A_2850 = vector.broadcast %eq3A_2849 : i32 to vector<16xi32>
      %eq3A_2851 = arith.cmpi eq, %iota3A, %eq3A_2850 : vector<16xi32>
      %jit3A_2852 = arith.constant 0 : i32
      %broadcast_in_dim3A_2853 = vector.broadcast %jit3A_2852 : i32 to vector<16xi32>
      %select_n3A_2854 = arith.select %eq3A_2851, %get3A_2373, %broadcast_in_dim3A_2853 : vector<16xi1>, vector<16xi32>
      %reduce_sum3A_2855 = arith.constant true
      %reduce_sum3A_2856 = vector.broadcast %reduce_sum3A_2855 : i1 to vector<16xi1>
      %reduce_sum3A_2857 = tpu.scan <sum>, %select_n3A_2854 masked %reduce_sum3A_2856 : vector<16xi32>, vector<16xi1> -> vector<16xi32>
      %reduce_sum3A_2858 = vector.extract %reduce_sum3A_2857[15] : i32 from vector<16xi32>
      %ge3A_2859 = vector.broadcast %reduce_sum3A_2858 : i32 to vector<16xi32>
      %ge3A_2860 = arith.cmpi sge, %mul3A_2748, %ge3A_2859 : vector<16xi32>
      %convert_element_type3A_2861 = arith.extui %ge3A_2860 : vector<16xi1> to vector<16xi32>
      %add3A_2862 = arith.addi %add3A_2848, %convert_element_type3A_2861 : vector<16xi32>
      %swap3A_2863 = arith.constant 48 : index
      %swap3A_2864 = tpu.vector_load %arg17[%swap3A_2863] {strides = array<i32>} : memref<64xi32, #tpu.memory_space<vmem>>, vector<16xi32>,
      tpu.vector_store %arg17[%swap3A_2863], %add3A_2862 {strides = array<i32>} : memref<64xi32, #tpu.memory_space<vmem>>, vector<16xi32>,
      "tpu.region"() ({
        %run_scoped3A = tpu.sem_alloc : memref<!tpu.dma_semaphore, #tpu.memory_space<semaphore_mem>>
        tpu.enqueue_dma source(%arg17 : memref<64xi32, #tpu.memory_space<vmem>>) target(%arg9 : memref<64xi32, #tpu.memory_space<hbm>>) target_semaphore(%run_scoped3A : memref<!tpu.dma_semaphore, #tpu.memory_space<semaphore_mem>>)
        tpu.wait_dma2 semaphore(%run_scoped3A : memref<!tpu.dma_semaphore, #tpu.memory_space<semaphore_mem>>) src(%arg17 : memref<64xi32, #tpu.memory_space<vmem>>) dst(%arg9 : memref<64xi32, #tpu.memory_space<hbm>>)
        tpu.yield
      }) : () -> ()
    } else {
    }
    return
  }
}

module attributes {stable_mosaic.version = 14 : i64} {
  func.func @_router_body(%arg0: i32, %arg1: memref<2048x1024xf32, #tpu.memory_space<vmem>>, %arg2: memref<8x1024xf32, #tpu.memory_space<vmem>>, %arg3: memref<2048x2xf32, #tpu.memory_space<vmem>>, %arg4: memref<2048x2xi32, #tpu.memory_space<vmem>>, %arg5: memref<32x16xi32, #tpu.memory_space<vmem>>, %arg6: memref<8x16xi32, #tpu.memory_space<vmem>>) attributes {dimension_semantics = [#tpu.dimension_semantics<arbitrary>], iteration_bounds = array<i64: 1>, scalar_prefetch = 0 : i64, scratch_operands = 0 : i64, tpu.core_type = #tpu.core_type<tc>, window_params = [{pipeline_mode = #tpu.pipeline_mode<synchronous>, transform_indices = @transform_0, window_bounds = array<i64: 2048, 1024>}, {pipeline_mode = #tpu.pipeline_mode<synchronous>, transform_indices = @transform_1, window_bounds = array<i64: 8, 1024>}, {pipeline_mode = #tpu.pipeline_mode<synchronous>, transform_indices = @transform_2, window_bounds = array<i64: 2048, 2>}, {pipeline_mode = #tpu.pipeline_mode<synchronous>, transform_indices = @transform_3, window_bounds = array<i64: 2048, 2>}, {pipeline_mode = #tpu.pipeline_mode<synchronous>, transform_indices = @transform_4, window_bounds = array<i64: 32, 16>}, {pipeline_mode = #tpu.pipeline_mode<synchronous>, transform_indices = @transform_5, window_bounds = array<i64: 8, 16>}]} {
    %get3A = arith.constant 0 : index
    %get3A_0 = arith.constant 0 : index
    %get3A_1 = vector.load %arg1[%get3A, %get3A_0] : memref<2048x1024xf32, #tpu.memory_space<vmem>>, vector<2048x1024xf32>
    %get3A_2 = arith.constant 0 : index
    %get3A_3 = arith.constant 0 : index
    %get3A_4 = vector.load %arg2[%get3A_2, %get3A_3] : memref<8x1024xf32, #tpu.memory_space<vmem>>, vector<8x1024xf32>
    %transpose3A = tpu.transpose %get3A_4, [1, 0] : vector<8x1024xf32> -> vector<1024x8xf32>
    %dot_general3A = arith.constant dense<0.000000e+00> : vector<2048x8xf32>
    %dot_general3A_5 = tpu.matmul %get3A_1, %transpose3A, %dot_general3A {dimension_numbers = #tpu.dot_dimension_numbers<[1], [0], [0], [1], [0, 0, 1, 1], [], []>, transpose_lhs_hint = false} : vector<2048x1024xf32>, vector<1024x8xf32>, vector<2048x8xf32> -> vector<2048x8xf32>
    %reduce_max3A = arith.constant dense<0xFF800000> : vector<2048xf32>
    %reduce_max3A_6 = vector.multi_reduction <maximumf>, %dot_general3A_5, %reduce_max3A [1] : vector<2048x8xf32> to vector<2048xf32>
    %max3A = arith.constant 0xFF800000 : f32
    %max3A_7 = vector.broadcast %max3A : f32 to vector<2048xf32>
    %max3A_8 = arith.maximumf %max3A_7, %reduce_max3A_6 : vector<2048xf32>
    %broadcast_in_dim3A = vector.shape_cast %max3A_8 : vector<2048xf32> to vector<2048x1xf32>
    %sub3A = vector.broadcast %broadcast_in_dim3A : vector<2048x1xf32> to vector<2048x8xf32>
    %sub3A_9 = arith.subf %dot_general3A_5, %sub3A : vector<2048x8xf32>
    %exp3A = math.exp %sub3A_9 : vector<2048x8xf32>
    %reduce_sum3A = arith.constant dense<0.000000e+00> : vector<2048xf32>
    %reduce_sum3A_10 = vector.multi_reduction <add>, %exp3A, %reduce_sum3A [1] : vector<2048x8xf32> to vector<2048xf32>
    %broadcast_in_dim3A_11 = vector.shape_cast %reduce_sum3A_10 : vector<2048xf32> to vector<2048x1xf32>
    %div3A = vector.broadcast %broadcast_in_dim3A_11 : vector<2048x1xf32> to vector<2048x8xf32>
    %div3A_12 = arith.divf %exp3A, %div3A : vector<2048x8xf32>
    %reshape3A = vector.shape_cast %div3A_12 : vector<2048x8xf32> to vector<2048x4x2xf32>
    %reduce_max3A_13 = arith.constant dense<0xFF800000> : vector<2048x4xf32>
    %reduce_max3A_14 = vector.multi_reduction <maximumf>, %reshape3A, %reduce_max3A_13 [2] : vector<2048x4x2xf32> to vector<2048x4xf32>
    %iota3A = tpu.iota {dimensions = array<i32: 1>} : vector<2048x4xi32>
    %reduce_max3A_15 = arith.constant dense<0xFF800000> : vector<2048xf32>
    %reduce_max3A_16 = vector.multi_reduction <maximumf>, %reduce_max3A_14, %reduce_max3A_15 [1] : vector<2048x4xf32> to vector<2048xf32>
    %broadcast_in_dim3A_17 = vector.shape_cast %reduce_max3A_16 : vector<2048xf32> to vector<2048x1xf32>
    %eq3A = vector.broadcast %broadcast_in_dim3A_17 : vector<2048x1xf32> to vector<2048x4xf32>
    %eq3A_18 = arith.cmpf oeq, %reduce_max3A_14, %eq3A : vector<2048x4xf32>
    %jit3A = arith.constant 4 : i32
    %broadcast_in_dim3A_19 = vector.broadcast %jit3A : i32 to vector<2048x4xi32>
    %select_n3A = arith.select %eq3A_18, %iota3A, %broadcast_in_dim3A_19 : vector<2048x4xi1>, vector<2048x4xi32>
    %reduce_min3A = arith.constant dense<2147483647> : vector<2048xi32>
    %reduce_min3A_20 = vector.multi_reduction <minsi>, %select_n3A, %reduce_min3A [1] : vector<2048x4xi32> to vector<2048xi32>
    %broadcast_in_dim3A_21 = vector.shape_cast %reduce_min3A_20 : vector<2048xi32> to vector<2048x1xi32>
    %eq3A_22 = vector.broadcast %broadcast_in_dim3A_21 : vector<2048x1xi32> to vector<2048x4xi32>
    %eq3A_23 = arith.cmpi eq, %iota3A, %eq3A_22 : vector<2048x4xi32>
    %jit3A_24 = arith.constant -1.000000e+00 : f32
    %broadcast_in_dim3A_25 = vector.broadcast %jit3A_24 : f32 to vector<2048x4xf32>
    %select_n3A_26 = arith.select %eq3A_23, %broadcast_in_dim3A_25, %reduce_max3A_14 : vector<2048x4xi1>, vector<2048x4xf32>
    %reduce_max3A_27 = arith.constant dense<0xFF800000> : vector<2048xf32>
    %reduce_max3A_28 = vector.multi_reduction <maximumf>, %select_n3A_26, %reduce_max3A_27 [1] : vector<2048x4xf32> to vector<2048xf32>
    %broadcast_in_dim3A_29 = vector.shape_cast %reduce_max3A_28 : vector<2048xf32> to vector<2048x1xf32>
    %eq3A_30 = vector.broadcast %broadcast_in_dim3A_29 : vector<2048x1xf32> to vector<2048x4xf32>
    %eq3A_31 = arith.cmpf oeq, %select_n3A_26, %eq3A_30 : vector<2048x4xf32>
    %jit3A_32 = arith.constant 4 : i32
    %broadcast_in_dim3A_33 = vector.broadcast %jit3A_32 : i32 to vector<2048x4xi32>
    %select_n3A_34 = arith.select %eq3A_31, %iota3A, %broadcast_in_dim3A_33 : vector<2048x4xi1>, vector<2048x4xi32>
    %reduce_min3A_35 = arith.constant dense<2147483647> : vector<2048xi32>
    %reduce_min3A_36 = vector.multi_reduction <minsi>, %select_n3A_34, %reduce_min3A_35 [1] : vector<2048x4xi32> to vector<2048xi32>
    %broadcast_in_dim3A_37 = vector.shape_cast %reduce_min3A_36 : vector<2048xi32> to vector<2048x1xi32>
    %iota3A_38 = tpu.iota {dimensions = array<i32: 1>} : vector<2048x8xi32>
    %jit3A_39 = arith.constant 2 : i32
    %div3A_40 = vector.broadcast %jit3A_39 : i32 to vector<2048x8xi32>
    %div3A_41 = arith.divsi %iota3A_38, %div3A_40 : vector<2048x8xi32>
    %sign3A = arith.constant 0 : i32
    %sign3A_42 = vector.broadcast %sign3A : i32 to vector<2048x8xi32>
    %sign3A_43 = arith.cmpi sgt, %iota3A_38, %sign3A_42 : vector<2048x8xi32>
    %sign3A_44 = arith.extui %sign3A_43 : vector<2048x8xi1> to vector<2048x8xi32>
    %sign3A_45 = arith.constant 0 : i32
    %sign3A_46 = vector.broadcast %sign3A_45 : i32 to vector<2048x8xi32>
    %sign3A_47 = arith.cmpi slt, %iota3A_38, %sign3A_46 : vector<2048x8xi32>
    %sign3A_48 = arith.extui %sign3A_47 : vector<2048x8xi1> to vector<2048x8xi32>
    %sign3A_49 = arith.subi %sign3A_44, %sign3A_48 : vector<2048x8xi32>
    %sign3A_50 = arith.constant 0 : i32
    %sign3A_51 = arith.cmpi sgt, %jit3A_39, %sign3A_50 : i32
    %sign3A_52 = arith.extui %sign3A_51 : i1 to i32
    %sign3A_53 = arith.constant 0 : i32
    %sign3A_54 = arith.cmpi slt, %jit3A_39, %sign3A_53 : i32
    %sign3A_55 = arith.extui %sign3A_54 : i1 to i32
    %sign3A_56 = arith.subi %sign3A_52, %sign3A_55 : i32
    %ne3A = vector.broadcast %sign3A_56 : i32 to vector<2048x8xi32>
    %ne3A_57 = arith.cmpi ne, %sign3A_49, %ne3A : vector<2048x8xi32>
    %rem3A = vector.broadcast %jit3A_39 : i32 to vector<2048x8xi32>
    %rem3A_58 = arith.remsi %iota3A_38, %rem3A : vector<2048x8xi32>
    %ne3A_59 = arith.constant 0 : i32
    %ne3A_60 = vector.broadcast %ne3A_59 : i32 to vector<2048x8xi32>
    %ne3A_61 = arith.cmpi ne, %rem3A_58, %ne3A_60 : vector<2048x8xi32>
    %and3A = arith.andi %ne3A_57, %ne3A_61 : vector<2048x8xi1>
    %sub3A_62 = arith.constant 1 : i32
    %sub3A_63 = vector.broadcast %sub3A_62 : i32 to vector<2048x8xi32>
    %sub3A_64 = arith.subi %div3A_41, %sub3A_63 : vector<2048x8xi32>
    %select_n3A_65 = arith.select %and3A, %sub3A_64, %div3A_41 : vector<2048x8xi1>, vector<2048x8xi32>
    %eq3A_66 = vector.broadcast %broadcast_in_dim3A_21 : vector<2048x1xi32> to vector<2048x8xi32>
    %eq3A_67 = arith.cmpi eq, %select_n3A_65, %eq3A_66 : vector<2048x8xi32>
    %eq3A_68 = vector.broadcast %broadcast_in_dim3A_37 : vector<2048x1xi32> to vector<2048x8xi32>
    %eq3A_69 = arith.cmpi eq, %select_n3A_65, %eq3A_68 : vector<2048x8xi32>
    %or3A = arith.ori %eq3A_67, %eq3A_69 : vector<2048x8xi1>
    %jit3A_70 = arith.constant 0.000000e+00 : f32
    %broadcast_in_dim3A_71 = vector.broadcast %jit3A_70 : f32 to vector<2048x8xf32>
    %select_n3A_72 = arith.select %or3A, %div3A_12, %broadcast_in_dim3A_71 : vector<2048x8xi1>, vector<2048x8xf32>
    %reduce_max3A_73 = arith.constant dense<0xFF800000> : vector<2048xf32>
    %reduce_max3A_74 = vector.multi_reduction <maximumf>, %select_n3A_72, %reduce_max3A_73 [1] : vector<2048x8xf32> to vector<2048xf32>
    %broadcast_in_dim3A_75 = vector.shape_cast %reduce_max3A_74 : vector<2048xf32> to vector<2048x1xf32>
    %eq3A_76 = vector.broadcast %broadcast_in_dim3A_75 : vector<2048x1xf32> to vector<2048x8xf32>
    %eq3A_77 = arith.cmpf oeq, %select_n3A_72, %eq3A_76 : vector<2048x8xf32>
    %jit3A_78 = arith.constant 8 : i32
    %broadcast_in_dim3A_79 = vector.broadcast %jit3A_78 : i32 to vector<2048x8xi32>
    %select_n3A_80 = arith.select %eq3A_77, %iota3A_38, %broadcast_in_dim3A_79 : vector<2048x8xi1>, vector<2048x8xi32>
    %reduce_min3A_81 = arith.constant dense<2147483647> : vector<2048xi32>
    %reduce_min3A_82 = vector.multi_reduction <minsi>, %select_n3A_80, %reduce_min3A_81 [1] : vector<2048x8xi32> to vector<2048xi32>
    %broadcast_in_dim3A_83 = vector.shape_cast %reduce_min3A_82 : vector<2048xi32> to vector<2048x1xi32>
    %eq3A_84 = vector.broadcast %broadcast_in_dim3A_83 : vector<2048x1xi32> to vector<2048x8xi32>
    %eq3A_85 = arith.cmpi eq, %iota3A_38, %eq3A_84 : vector<2048x8xi32>
    %jit3A_86 = arith.constant -1.000000e+00 : f32
    %broadcast_in_dim3A_87 = vector.broadcast %jit3A_86 : f32 to vector<2048x8xf32>
    %select_n3A_88 = arith.select %eq3A_85, %broadcast_in_dim3A_87, %select_n3A_72 : vector<2048x8xi1>, vector<2048x8xf32>
    %reduce_max3A_89 = arith.constant dense<0xFF800000> : vector<2048xf32>
    %reduce_max3A_90 = vector.multi_reduction <maximumf>, %select_n3A_88, %reduce_max3A_89 [1] : vector<2048x8xf32> to vector<2048xf32>
    %broadcast_in_dim3A_91 = vector.shape_cast %reduce_max3A_90 : vector<2048xf32> to vector<2048x1xf32>
    %eq3A_92 = vector.broadcast %broadcast_in_dim3A_91 : vector<2048x1xf32> to vector<2048x8xf32>
    %eq3A_93 = arith.cmpf oeq, %select_n3A_88, %eq3A_92 : vector<2048x8xf32>
    %jit3A_94 = arith.constant 8 : i32
    %broadcast_in_dim3A_95 = vector.broadcast %jit3A_94 : i32 to vector<2048x8xi32>
    %select_n3A_96 = arith.select %eq3A_93, %iota3A_38, %broadcast_in_dim3A_95 : vector<2048x8xi1>, vector<2048x8xi32>
    %reduce_min3A_97 = arith.constant dense<2147483647> : vector<2048xi32>
    %reduce_min3A_98 = vector.multi_reduction <minsi>, %select_n3A_96, %reduce_min3A_97 [1] : vector<2048x8xi32> to vector<2048xi32>
    %broadcast_in_dim3A_99 = vector.shape_cast %reduce_min3A_98 : vector<2048xi32> to vector<2048x1xi32>
    %add3A = arith.addf %broadcast_in_dim3A_75, %broadcast_in_dim3A_91 : vector<2048x1xf32>
    %add3A_100 = arith.constant 9.99999968E-21 : f32
    %add3A_101 = vector.broadcast %add3A_100 : f32 to vector<2048x1xf32>
    %add3A_102 = arith.addf %add3A, %add3A_101 : vector<2048x1xf32>
    %div3A_103 = arith.divf %broadcast_in_dim3A_75, %add3A_102 : vector<2048x1xf32>
    %div3A_104 = arith.divf %broadcast_in_dim3A_91, %add3A_102 : vector<2048x1xf32>
    %concatenate3A = tpu.concatenate %div3A_103, %div3A_104 in 1 : vector<2048x1xf32>, vector<2048x1xf32> -> vector<2048x2xf32>
    %swap3A = arith.constant 0 : index
    %swap3A_105 = arith.constant 0 : index
    %swap3A_106 = vector.load %arg3[%swap3A, %swap3A_105] : memref<2048x2xf32, #tpu.memory_space<vmem>>, vector<2048x2xf32>
    tpu.vector_store %arg3[%swap3A, %swap3A_105], %concatenate3A {strides = array<i32>} : memref<2048x2xf32, #tpu.memory_space<vmem>>, vector<2048x2xf32>,
    %concatenate3A_107 = tpu.concatenate %broadcast_in_dim3A_83, %broadcast_in_dim3A_99 in 1 : vector<2048x1xi32>, vector<2048x1xi32> -> vector<2048x2xi32>
    %swap3A_108 = arith.constant 0 : index
    %swap3A_109 = arith.constant 0 : index
    %swap3A_110 = vector.load %arg4[%swap3A_108, %swap3A_109] : memref<2048x2xi32, #tpu.memory_space<vmem>>, vector<2048x2xi32>
    tpu.vector_store %arg4[%swap3A_108, %swap3A_109], %concatenate3A_107 {strides = array<i32>} : memref<2048x2xi32, #tpu.memory_space<vmem>>, vector<2048x2xi32>,
    %eq3A_111 = vector.broadcast %broadcast_in_dim3A_83 : vector<2048x1xi32> to vector<2048x8xi32>
    %eq3A_112 = arith.cmpi eq, %iota3A_38, %eq3A_111 : vector<2048x8xi32>
    %convert_element_type3A = arith.extui %eq3A_112 : vector<2048x8xi1> to vector<2048x8xi32>
    %convert_element_type3A_113 = arith.sitofp %convert_element_type3A : vector<2048x8xi32> to vector<2048x8xf32>
    %eq3A_114 = vector.broadcast %broadcast_in_dim3A_99 : vector<2048x1xi32> to vector<2048x8xi32>
    %eq3A_115 = arith.cmpi eq, %iota3A_38, %eq3A_114 : vector<2048x8xi32>
    %convert_element_type3A_116 = arith.extui %eq3A_115 : vector<2048x8xi1> to vector<2048x8xi32>
    %convert_element_type3A_117 = arith.sitofp %convert_element_type3A_116 : vector<2048x8xi32> to vector<2048x8xf32>
    %add3A_118 = arith.addf %convert_element_type3A_113, %convert_element_type3A_117 : vector<2048x8xf32>
    %iota3A_119 = tpu.iota {dimensions = array<i32: 0>} : vector<32x2048xi32>
    %iota3A_120 = tpu.iota {dimensions = array<i32: 1>} : vector<32x2048xi32>
    %jit3A_121 = arith.constant 64 : i32
    %div3A_122 = vector.broadcast %jit3A_121 : i32 to vector<32x2048xi32>
    %div3A_123 = arith.divsi %iota3A_120, %div3A_122 : vector<32x2048xi32>
    %sign3A_124 = arith.constant 0 : i32
    %sign3A_125 = vector.broadcast %sign3A_124 : i32 to vector<32x2048xi32>
    %sign3A_126 = arith.cmpi sgt, %iota3A_120, %sign3A_125 : vector<32x2048xi32>
    %sign3A_127 = arith.extui %sign3A_126 : vector<32x2048xi1> to vector<32x2048xi32>
    %sign3A_128 = arith.constant 0 : i32
    %sign3A_129 = vector.broadcast %sign3A_128 : i32 to vector<32x2048xi32>
    %sign3A_130 = arith.cmpi slt, %iota3A_120, %sign3A_129 : vector<32x2048xi32>
    %sign3A_131 = arith.extui %sign3A_130 : vector<32x2048xi1> to vector<32x2048xi32>
    %sign3A_132 = arith.subi %sign3A_127, %sign3A_131 : vector<32x2048xi32>
    %sign3A_133 = arith.constant 0 : i32
    %sign3A_134 = arith.cmpi sgt, %jit3A_121, %sign3A_133 : i32
    %sign3A_135 = arith.extui %sign3A_134 : i1 to i32
    %sign3A_136 = arith.constant 0 : i32
    %sign3A_137 = arith.cmpi slt, %jit3A_121, %sign3A_136 : i32
    %sign3A_138 = arith.extui %sign3A_137 : i1 to i32
    %sign3A_139 = arith.subi %sign3A_135, %sign3A_138 : i32
    %ne3A_140 = vector.broadcast %sign3A_139 : i32 to vector<32x2048xi32>
    %ne3A_141 = arith.cmpi ne, %sign3A_132, %ne3A_140 : vector<32x2048xi32>
    %rem3A_142 = vector.broadcast %jit3A_121 : i32 to vector<32x2048xi32>
    %rem3A_143 = arith.remsi %iota3A_120, %rem3A_142 : vector<32x2048xi32>
    %ne3A_144 = arith.constant 0 : i32
    %ne3A_145 = vector.broadcast %ne3A_144 : i32 to vector<32x2048xi32>
    %ne3A_146 = arith.cmpi ne, %rem3A_143, %ne3A_145 : vector<32x2048xi32>
    %and3A_147 = arith.andi %ne3A_141, %ne3A_146 : vector<32x2048xi1>
    %sub3A_148 = arith.constant 1 : i32
    %sub3A_149 = vector.broadcast %sub3A_148 : i32 to vector<32x2048xi32>
    %sub3A_150 = arith.subi %div3A_123, %sub3A_149 : vector<32x2048xi32>
    %select_n3A_151 = arith.select %and3A_147, %sub3A_150, %div3A_123 : vector<32x2048xi1>, vector<32x2048xi32>
    %eq3A_152 = arith.cmpi eq, %select_n3A_151, %iota3A_119 : vector<32x2048xi32>
    %convert_element_type3A_153 = arith.extui %eq3A_152 : vector<32x2048xi1> to vector<32x2048xi32>
    %convert_element_type3A_154 = arith.sitofp %convert_element_type3A_153 : vector<32x2048xi32> to vector<32x2048xf32>
    %dot_general3A_155 = arith.constant dense<0.000000e+00> : vector<32x8xf32>
    %dot_general3A_156 = tpu.matmul %convert_element_type3A_154, %add3A_118, %dot_general3A_155 {dimension_numbers = #tpu.dot_dimension_numbers<[1], [0], [0], [1], [0, 0, 1, 1], [], []>, transpose_lhs_hint = false} : vector<32x2048xf32>, vector<2048x8xf32>, vector<32x8xf32> -> vector<32x8xf32>
    %iota3A_157 = tpu.iota {dimensions = array<i32: 0>} : vector<32x32xi32>
    %iota3A_158 = tpu.iota {dimensions = array<i32: 1>} : vector<32x32xi32>
    %lt3A = arith.cmpi slt, %iota3A_158, %iota3A_157 : vector<32x32xi32>
    %convert_element_type3A_159 = arith.extui %lt3A : vector<32x32xi1> to vector<32x32xi32>
    %convert_element_type3A_160 = arith.sitofp %convert_element_type3A_159 : vector<32x32xi32> to vector<32x32xf32>
    %dot_general3A_161 = arith.constant dense<0.000000e+00> : vector<32x8xf32>
    %dot_general3A_162 = tpu.matmul %convert_element_type3A_160, %dot_general3A_156, %dot_general3A_161 {dimension_numbers = #tpu.dot_dimension_numbers<[1], [0], [0], [1], [0, 0, 1, 1], [], []>, transpose_lhs_hint = false} : vector<32x32xf32>, vector<32x8xf32>, vector<32x8xf32> -> vector<32x8xf32>
    %reduce_sum3A_163 = arith.constant dense<0.000000e+00> : vector<8xf32>
    %reduce_sum3A_164 = vector.multi_reduction <add>, %dot_general3A_156, %reduce_sum3A_163 [0] : vector<32x8xf32> to vector<8xf32>
    %broadcast_in_dim3A_165 = vector.shape_cast %reduce_sum3A_164 : vector<8xf32> to vector<1x8xf32>
    %add3A_166 = arith.constant 5.110000e+02 : f32
    %add3A_167 = vector.broadcast %add3A_166 : f32 to vector<1x8xf32>
    %add3A_168 = arith.addf %broadcast_in_dim3A_165, %add3A_167 : vector<1x8xf32>
    %div3A_169 = arith.constant 5.120000e+02 : f32
    %div3A_170 = vector.broadcast %div3A_169 : f32 to vector<1x8xf32>
    %div3A_171 = arith.divf %add3A_168, %div3A_170 : vector<1x8xf32>
    %floor3A = math.floor %div3A_171 : vector<1x8xf32>
    %mul3A = arith.constant 5.120000e+02 : f32
    %mul3A_172 = vector.broadcast %mul3A : f32 to vector<1x8xf32>
    %mul3A_173 = arith.mulf %floor3A, %mul3A_172 : vector<1x8xf32>
    %iota3A_174 = tpu.iota {dimensions = array<i32: 0>} : vector<8x8xi32>
    %iota3A_175 = tpu.iota {dimensions = array<i32: 1>} : vector<8x8xi32>
    %lt3A_176 = arith.cmpi slt, %iota3A_174, %iota3A_175 : vector<8x8xi32>
    %convert_element_type3A_177 = arith.extui %lt3A_176 : vector<8x8xi1> to vector<8x8xi32>
    %convert_element_type3A_178 = arith.sitofp %convert_element_type3A_177 : vector<8x8xi32> to vector<8x8xf32>
    %dot_general3A_179 = arith.constant dense<0.000000e+00> : vector<1x8xf32>
    %dot_general3A_180 = tpu.matmul %mul3A_173, %convert_element_type3A_178, %dot_general3A_179 {dimension_numbers = #tpu.dot_dimension_numbers<[1], [0], [0], [1], [0, 0, 1, 1], [], []>, transpose_lhs_hint = false} : vector<1x8xf32>, vector<8x8xf32>, vector<1x8xf32> -> vector<1x8xf32>
    %add3A_181 = arith.addf %dot_general3A_180, %mul3A_173 : vector<1x8xf32>
    %add3A_182 = vector.broadcast %dot_general3A_180 : vector<1x8xf32> to vector<32x8xf32>
    %add3A_183 = arith.addf %dot_general3A_162, %add3A_182 : vector<32x8xf32>
    %convert_element_type3A_184 = arith.fptosi %add3A_183 : vector<32x8xf32> to vector<32x8xi32>
    %broadcast_in_dim3A_185 = arith.constant 0 : i32
    %broadcast_in_dim3A_186 = vector.broadcast %broadcast_in_dim3A_185 : i32 to vector<32x8xi32>
    %concatenate3A_187 = tpu.concatenate %convert_element_type3A_184, %broadcast_in_dim3A_186 in 1 : vector<32x8xi32>, vector<32x8xi32> -> vector<32x16xi32>
    %swap3A_188 = arith.constant 0 : index
    %swap3A_189 = arith.constant 0 : index
    %swap3A_190 = vector.load %arg5[%swap3A_188, %swap3A_189] : memref<32x16xi32, #tpu.memory_space<vmem>>, vector<32x16xi32>
    tpu.vector_store %arg5[%swap3A_188, %swap3A_189], %concatenate3A_187 {strides = array<i32>} : memref<32x16xi32, #tpu.memory_space<vmem>>, vector<32x16xi32>,
    %convert_element_type3A_191 = arith.fptosi %add3A_181 : vector<1x8xf32> to vector<1x8xi32>
    %broadcast_in_dim3A_192 = arith.constant 8192 : i32
    %broadcast_in_dim3A_193 = vector.broadcast %broadcast_in_dim3A_192 : i32 to vector<1x8xi32>
    %concatenate3A_194 = tpu.concatenate %convert_element_type3A_191, %broadcast_in_dim3A_193 in 1 : vector<1x8xi32>, vector<1x8xi32> -> vector<1x16xi32>
    %broadcast_in_dim3A_195 = vector.shape_cast %concatenate3A_194 : vector<1x16xi32> to vector<1x16xi32>
    %broadcast_in_dim3A_196 = vector.broadcast %broadcast_in_dim3A_195 : vector<1x16xi32> to vector<8x16xi32>
    %swap3A_197 = arith.constant 0 : index
    %swap3A_198 = arith.constant 0 : index
    %swap3A_199 = vector.load %arg6[%swap3A_197, %swap3A_198] : memref<8x16xi32, #tpu.memory_space<vmem>>, vector<8x16xi32>
    tpu.vector_store %arg6[%swap3A_197, %swap3A_198], %broadcast_in_dim3A_196 {strides = array<i32>} : memref<8x16xi32, #tpu.memory_space<vmem>>, vector<8x16xi32>,
    return
  }
  func.func @transform_0(%arg0: i32) -> (i32, i32) {
    %c0_i32 = arith.constant 0 : i32
    %c0_i32_0 = arith.constant 0 : i32
    %c0_i32_1 = arith.constant 0 : i32
    return %c0_i32, %c0_i32_0 : i32, i32
  }
  func.func @transform_1(%arg0: i32) -> (i32, i32) {
    %c0_i32 = arith.constant 0 : i32
    %c0_i32_0 = arith.constant 0 : i32
    %c0_i32_1 = arith.constant 0 : i32
    return %c0_i32, %c0_i32_0 : i32, i32
  }
  func.func @transform_2(%arg0: i32) -> (i32, i32) {
    %c0_i32 = arith.constant 0 : i32
    %c0_i32_0 = arith.constant 0 : i32
    %c0_i32_1 = arith.constant 0 : i32
    return %c0_i32, %c0_i32_0 : i32, i32
  }
  func.func @transform_3(%arg0: i32) -> (i32, i32) {
    %c0_i32 = arith.constant 0 : i32
    %c0_i32_0 = arith.constant 0 : i32
    %c0_i32_1 = arith.constant 0 : i32
    return %c0_i32, %c0_i32_0 : i32, i32
  }
  func.func @transform_4(%arg0: i32) -> (i32, i32) {
    %c0_i32 = arith.constant 0 : i32
    %c0_i32_0 = arith.constant 0 : i32
    %c0_i32_1 = arith.constant 0 : i32
    return %c0_i32, %c0_i32_0 : i32, i32
  }
  func.func @transform_5(%arg0: i32) -> (i32, i32) {
    %c0_i32 = arith.constant 0 : i32
    %c0_i32_0 = arith.constant 0 : i32
    %c0_i32_1 = arith.constant 0 : i32
    return %c0_i32, %c0_i32_0 : i32, i32
  }
}

module attributes {stable_mosaic.version = 14 : i64} {
  func.func @_gemm_body(%arg0: i32, %arg1: memref<64xi32, #tpu.memory_space<smem>>, %arg2: memref<512x1024xf32, #tpu.memory_space<vmem>>, %arg3: memref<1x2048x1024xbf16, #tpu.memory_space<vmem>>, %arg4: memref<1x1024x1024xbf16, #tpu.memory_space<vmem>>, %arg5: memref<512x1024xf32, #tpu.memory_space<vmem>>) attributes {dimension_semantics = [#tpu.dimension_semantics<arbitrary>], iteration_bounds = array<i64: 16>, scalar_prefetch = 1 : i64, scratch_operands = 0 : i64, tpu.core_type = #tpu.core_type<tc>, window_params = [{transform_indices = @transform_0, window_bounds = array<i64: 512, 1024>}, {transform_indices = @transform_1, window_bounds = array<i64: 1, 2048, 1024>}, {transform_indices = @transform_2, window_bounds = array<i64: 1, 1024, 1024>}, {transform_indices = @transform_3, window_bounds = array<i64: 512, 1024>}]} {
    %get3A = arith.index_cast %arg0 : i32 to index
    %get3A_0 = memref.load %arg1[%get3A] : memref<64xi32, #tpu.memory_space<smem>>
    %lt3A = arith.constant 8 : i32
    %lt3A_1 = arith.cmpi slt, %get3A_0, %lt3A : i32
    %convert_element_type3A = arith.extui %lt3A_1 : i1 to i32
    %cond3A = arith.constant 0 : i32
    %cond3A_2 = arith.cmpi ne, %convert_element_type3A, %cond3A : i32
    scf.if %cond3A_2 {
      %get3A_3 = arith.constant 0 : index
      %get3A_4 = arith.constant 0 : index
      %get3A_5 = vector.load %arg2[%get3A_3, %get3A_4] : memref<512x1024xf32, #tpu.memory_space<vmem>>, vector<512x1024xf32>
      %convert_element_type3A_6 = arith.truncf %get3A_5 : vector<512x1024xf32> to vector<512x1024xbf16>
      %get3A_7 = arith.constant 0 : index
      %get3A_8 = arith.constant 0 : index
      %get3A_9 = arith.constant 0 : index
      %get3A_10 = vector.load %arg3[%get3A_7, %get3A_8, %get3A_9] : memref<1x2048x1024xbf16, #tpu.memory_space<vmem>>, vector<1x2048x1024xbf16>
      %get3A_11 = vector.shape_cast %get3A_10 : vector<1x2048x1024xbf16> to vector<2048x1024xbf16>
      %transpose3A = tpu.transpose %get3A_11, [1, 0] : vector<2048x1024xbf16> -> vector<1024x2048xbf16>
      %dot_general3A = arith.constant dense<0.000000e+00> : vector<512x2048xf32>
      %dot_general3A_12 = tpu.matmul %convert_element_type3A_6, %transpose3A, %dot_general3A {dimension_numbers = #tpu.dot_dimension_numbers<[1], [0], [0], [1], [0, 0, 1, 1], [], []>, transpose_lhs_hint = false} : vector<512x1024xbf16>, vector<1024x2048xbf16>, vector<512x2048xf32> -> vector<512x2048xf32>
      %split3A = vector.extract_strided_slice %dot_general3A_12 {offsets = [0, 0], sizes = [512, 1024], strides = [1, 1]} : vector<512x2048xf32> to vector<512x1024xf32>
      %split3A_13 = vector.extract_strided_slice %dot_general3A_12 {offsets = [0, 1024], sizes = [512, 1024], strides = [1, 1]} : vector<512x2048xf32> to vector<512x1024xf32>
      %logistic3A = arith.negf %split3A : vector<512x1024xf32>
      %logistic3A_14 = math.exp %logistic3A : vector<512x1024xf32>
      %logistic3A_15 = arith.constant 1.000000e+00 : f32
      %logistic3A_16 = vector.broadcast %logistic3A_15 : f32 to vector<512x1024xf32>
      %logistic3A_17 = arith.addf %logistic3A_16, %logistic3A_14 : vector<512x1024xf32>
      %logistic3A_18 = arith.divf %logistic3A_16, %logistic3A_17 : vector<512x1024xf32>
      %mul3A = arith.mulf %logistic3A_18, %split3A : vector<512x1024xf32>
      %mul3A_19 = arith.mulf %mul3A, %split3A_13 : vector<512x1024xf32>
      %convert_element_type3A_20 = arith.truncf %mul3A_19 : vector<512x1024xf32> to vector<512x1024xbf16>
      %get3A_21 = arith.constant 0 : index
      %get3A_22 = arith.constant 0 : index
      %get3A_23 = arith.constant 0 : index
      %get3A_24 = vector.load %arg4[%get3A_21, %get3A_22, %get3A_23] : memref<1x1024x1024xbf16, #tpu.memory_space<vmem>>, vector<1x1024x1024xbf16>
      %get3A_25 = vector.shape_cast %get3A_24 : vector<1x1024x1024xbf16> to vector<1024x1024xbf16>
      %transpose3A_26 = tpu.transpose %get3A_25, [1, 0] : vector<1024x1024xbf16> -> vector<1024x1024xbf16>
      %dot_general3A_27 = arith.constant dense<0.000000e+00> : vector<512x1024xf32>
      %dot_general3A_28 = tpu.matmul %convert_element_type3A_20, %transpose3A_26, %dot_general3A_27 {dimension_numbers = #tpu.dot_dimension_numbers<[1], [0], [0], [1], [0, 0, 1, 1], [], []>, transpose_lhs_hint = false} : vector<512x1024xbf16>, vector<1024x1024xbf16>, vector<512x1024xf32> -> vector<512x1024xf32>
      %swap3A = arith.constant 0 : index
      %swap3A_29 = arith.constant 0 : index
      %swap3A_30 = vector.load %arg5[%swap3A, %swap3A_29] : memref<512x1024xf32, #tpu.memory_space<vmem>>, vector<512x1024xf32>
      tpu.vector_store %arg5[%swap3A, %swap3A_29], %dot_general3A_28 {strides = array<i32>} : memref<512x1024xf32, #tpu.memory_space<vmem>>, vector<512x1024xf32>,
    } else {
    }
    return
  }
  func.func @transform_0(%arg0: i32, %arg1: memref<64xi32, #tpu.memory_space<smem>>) -> (i32, i32) {
    %c0_i32 = arith.constant 0 : i32
    %c0_i32_0 = arith.constant 0 : i32
    return %arg0, %c0_i32 : i32, i32
  }
  func.func @transform_1(%arg0: i32, %arg1: memref<64xi32, #tpu.memory_space<smem>>) -> (i32, i32, i32) {
    %get3A = arith.index_cast %arg0 : i32 to index
    %get3A_0 = memref.load %arg1[%get3A] : memref<64xi32, #tpu.memory_space<smem>>
    %min3A = arith.constant 7 : i32
    %min3A_1 = arith.minsi %get3A_0, %min3A : i32
    %c0_i32 = arith.constant 0 : i32
    %c0_i32_2 = arith.constant 0 : i32
    %c0_i32_3 = arith.constant 0 : i32
    return %min3A_1, %c0_i32, %c0_i32_2 : i32, i32, i32
  }
  func.func @transform_2(%arg0: i32, %arg1: memref<64xi32, #tpu.memory_space<smem>>) -> (i32, i32, i32) {
    %get3A = arith.index_cast %arg0 : i32 to index
    %get3A_0 = memref.load %arg1[%get3A] : memref<64xi32, #tpu.memory_space<smem>>
    %min3A = arith.constant 7 : i32
    %min3A_1 = arith.minsi %get3A_0, %min3A : i32
    %c0_i32 = arith.constant 0 : i32
    %c0_i32_2 = arith.constant 0 : i32
    %c0_i32_3 = arith.constant 0 : i32
    return %min3A_1, %c0_i32, %c0_i32_2 : i32, i32, i32
  }
  func.func @transform_3(%arg0: i32, %arg1: memref<64xi32, #tpu.memory_space<smem>>) -> (i32, i32) {
    %c0_i32 = arith.constant 0 : i32
    %c0_i32_0 = arith.constant 0 : i32
    return %arg0, %c0_i32 : i32, i32
  }
}

module attributes {stable_mosaic.version = 14 : i64} {
  func.func @_final_body(%arg0: i32, %arg1: memref<512x1024xf32, #tpu.memory_space<vmem>>, %arg2: memref<4096x1024xbf16, #tpu.memory_space<vmem>>, %arg3: memref<1024x2048xbf16, #tpu.memory_space<vmem>>, %arg4: memref<512x1024xf32, #tpu.memory_space<vmem>>, %arg5: memref<512x1024xf32, #tpu.memory_space<vmem>>, %arg6: memref<512x2xf32, #tpu.memory_space<vmem>>, %arg7: memref<512x1024xf32, #tpu.memory_space<vmem>>) attributes {dimension_semantics = [#tpu.dimension_semantics<parallel>], iteration_bounds = array<i64: 4>, scalar_prefetch = 0 : i64, scratch_operands = 0 : i64, tpu.core_type = #tpu.core_type<tc>, window_params = [{transform_indices = @transform_0, window_bounds = array<i64: 512, 1024>}, {pipeline_mode = #tpu.pipeline_mode<synchronous>, transform_indices = @transform_1, window_bounds = array<i64: 4096, 1024>}, {pipeline_mode = #tpu.pipeline_mode<synchronous>, transform_indices = @transform_2, window_bounds = array<i64: 1024, 2048>}, {transform_indices = @transform_3, window_bounds = array<i64: 512, 1024>}, {transform_indices = @transform_4, window_bounds = array<i64: 512, 1024>}, {transform_indices = @transform_5, window_bounds = array<i64: 512, 2>}, {transform_indices = @transform_6, window_bounds = array<i64: 512, 1024>}]} {
    %get3A = arith.constant 0 : index
    %get3A_0 = arith.constant 0 : index
    %get3A_1 = vector.load %arg1[%get3A, %get3A_0] : memref<512x1024xf32, #tpu.memory_space<vmem>>, vector<512x1024xf32>
    %convert_element_type3A = arith.truncf %get3A_1 : vector<512x1024xf32> to vector<512x1024xbf16>
    %get3A_2 = arith.constant 0 : index
    %get3A_3 = arith.constant 0 : index
    %get3A_4 = vector.load %arg2[%get3A_2, %get3A_3] : memref<4096x1024xbf16, #tpu.memory_space<vmem>>, vector<4096x1024xbf16>
    %transpose3A = tpu.transpose %get3A_4, [1, 0] : vector<4096x1024xbf16> -> vector<1024x4096xbf16>
    %dot_general3A = arith.constant dense<0.000000e+00> : vector<512x4096xf32>
    %dot_general3A_5 = tpu.matmul %convert_element_type3A, %transpose3A, %dot_general3A {dimension_numbers = #tpu.dot_dimension_numbers<[1], [0], [0], [1], [0, 0, 1, 1], [], []>, transpose_lhs_hint = false} : vector<512x1024xbf16>, vector<1024x4096xbf16>, vector<512x4096xf32> -> vector<512x4096xf32>
    %split3A = vector.extract_strided_slice %dot_general3A_5 {offsets = [0, 0], sizes = [512, 2048], strides = [1, 1]} : vector<512x4096xf32> to vector<512x2048xf32>
    %split3A_6 = vector.extract_strided_slice %dot_general3A_5 {offsets = [0, 2048], sizes = [512, 2048], strides = [1, 1]} : vector<512x4096xf32> to vector<512x2048xf32>
    %logistic3A = arith.negf %split3A : vector<512x2048xf32>
    %logistic3A_7 = math.exp %logistic3A : vector<512x2048xf32>
    %logistic3A_8 = arith.constant 1.000000e+00 : f32
    %logistic3A_9 = vector.broadcast %logistic3A_8 : f32 to vector<512x2048xf32>
    %logistic3A_10 = arith.addf %logistic3A_9, %logistic3A_7 : vector<512x2048xf32>
    %logistic3A_11 = arith.divf %logistic3A_9, %logistic3A_10 : vector<512x2048xf32>
    %mul3A = arith.mulf %logistic3A_11, %split3A : vector<512x2048xf32>
    %mul3A_12 = arith.mulf %mul3A, %split3A_6 : vector<512x2048xf32>
    %convert_element_type3A_13 = arith.truncf %mul3A_12 : vector<512x2048xf32> to vector<512x2048xbf16>
    %get3A_14 = arith.constant 0 : index
    %get3A_15 = arith.constant 0 : index
    %get3A_16 = vector.load %arg3[%get3A_14, %get3A_15] : memref<1024x2048xbf16, #tpu.memory_space<vmem>>, vector<1024x2048xbf16>
    %transpose3A_17 = tpu.transpose %get3A_16, [1, 0] : vector<1024x2048xbf16> -> vector<2048x1024xbf16>
    %dot_general3A_18 = arith.constant dense<0.000000e+00> : vector<512x1024xf32>
    %dot_general3A_19 = tpu.matmul %convert_element_type3A_13, %transpose3A_17, %dot_general3A_18 {dimension_numbers = #tpu.dot_dimension_numbers<[1], [0], [0], [1], [0, 0, 1, 1], [], []>, transpose_lhs_hint = false} : vector<512x2048xbf16>, vector<2048x1024xbf16>, vector<512x1024xf32> -> vector<512x1024xf32>
    %get3A_20 = arith.constant 0 : index
    %get3A_21 = arith.constant 0 : index
    %get3A_22 = vector.load %arg6[%get3A_20, %get3A_21] : memref<512x2xf32, #tpu.memory_space<vmem>>, vector<512x2xf32>
    %slice3A = vector.extract_strided_slice %get3A_22 {offsets = [0, 0], sizes = [512, 1], strides = [1, 1]} : vector<512x2xf32> to vector<512x1xf32>
    %get3A_23 = arith.constant 0 : index
    %get3A_24 = arith.constant 0 : index
    %get3A_25 = vector.load %arg4[%get3A_23, %get3A_24] : memref<512x1024xf32, #tpu.memory_space<vmem>>, vector<512x1024xf32>
    %mul3A_26 = vector.broadcast %slice3A : vector<512x1xf32> to vector<512x1024xf32>
    %mul3A_27 = arith.mulf %mul3A_26, %get3A_25 : vector<512x1024xf32>
    %add3A = arith.addf %dot_general3A_19, %mul3A_27 : vector<512x1024xf32>
    %slice3A_28 = vector.extract_strided_slice %get3A_22 {offsets = [0, 1], sizes = [512, 1], strides = [1, 1]} : vector<512x2xf32> to vector<512x1xf32>
    %get3A_29 = arith.constant 0 : index
    %get3A_30 = arith.constant 0 : index
    %get3A_31 = vector.load %arg5[%get3A_29, %get3A_30] : memref<512x1024xf32, #tpu.memory_space<vmem>>, vector<512x1024xf32>
    %mul3A_32 = vector.broadcast %slice3A_28 : vector<512x1xf32> to vector<512x1024xf32>
    %mul3A_33 = arith.mulf %mul3A_32, %get3A_31 : vector<512x1024xf32>
    %add3A_34 = arith.addf %add3A, %mul3A_33 : vector<512x1024xf32>
    %swap3A = arith.constant 0 : index
    %swap3A_35 = arith.constant 0 : index
    %swap3A_36 = vector.load %arg7[%swap3A, %swap3A_35] : memref<512x1024xf32, #tpu.memory_space<vmem>>, vector<512x1024xf32>
    tpu.vector_store %arg7[%swap3A, %swap3A_35], %add3A_34 {strides = array<i32>} : memref<512x1024xf32, #tpu.memory_space<vmem>>, vector<512x1024xf32>,
    return
  }
  func.func @transform_0(%arg0: i32) -> (i32, i32) {
    %c0_i32 = arith.constant 0 : i32
    %c0_i32_0 = arith.constant 0 : i32
    return %arg0, %c0_i32 : i32, i32
  }
  func.func @transform_1(%arg0: i32) -> (i32, i32) {
    %c0_i32 = arith.constant 0 : i32
    %c0_i32_0 = arith.constant 0 : i32
    %c0_i32_1 = arith.constant 0 : i32
    return %c0_i32, %c0_i32_0 : i32, i32
  }
  func.func @transform_2(%arg0: i32) -> (i32, i32) {
    %c0_i32 = arith.constant 0 : i32
    %c0_i32_0 = arith.constant 0 : i32
    %c0_i32_1 = arith.constant 0 : i32
    return %c0_i32, %c0_i32_0 : i32, i32
  }
  func.func @transform_3(%arg0: i32) -> (i32, i32) {
    %c0_i32 = arith.constant 0 : i32
    %c0_i32_0 = arith.constant 0 : i32
    return %arg0, %c0_i32 : i32, i32
  }
  func.func @transform_4(%arg0: i32) -> (i32, i32) {
    %c0_i32 = arith.constant 0 : i32
    %c0_i32_0 = arith.constant 0 : i32
    return %arg0, %c0_i32 : i32, i32
  }
  func.func @transform_5(%arg0: i32) -> (i32, i32) {
    %c0_i32 = arith.constant 0 : i32
    %c0_i32_0 = arith.constant 0 : i32
    return %arg0, %c0_i32 : i32, i32
  }
  func.func @transform_6(%arg0: i32) -> (i32, i32) {
    %c0_i32 = arith.constant 0 : i32
    %c0_i32_0 = arith.constant 0 : i32
    return %arg0, %c0_i32 : i32, i32
  }
}

</mosaic_0001>

<sc_bundles>
// kernel: kernel.10.cloned.1.call-start
scs
__scs_entry_jumppad:
0x0: {  	(pc) =	sbr.rel $0x88, $3  }
0x1: {  	(tag) =	ssettag $0x0;
	lr =	simm.s32 $0x1  }
0x2: {  	[smem:$0x3F9B] =	sst lr;
	_ =	strace $0xD0000000  }
0x3: {  	_ = 	snop  }
0x4: {  	_ = 	snop  }
0x5: {  	_ = 	snop  }
0x6: {  	_ = 	snop  }
0x7: {  	_ = 	snop  }
__scs_overlays_trampoline_lowered:
0x8: {  	[smem:$0x3FAA] =	sst s0  }
0x9: {  	[smem:$0x3FAB] =	sst s1  }
0xa: {  	[smem:$0x3FAC] =	sst s2  }
0xb: {  	[smem:$0x3FAD] =	sst s3  }
0xc: {  	[smem:$0x3FAE] =	sst s4  }
0xd: {  	[smem:$0x3FAF] =	sst s5  }
0xe: {  	[smem:$0x3FB0] =	sst s6  }
0xf: {  	[smem:$0x3FB1] =	sst s7  }
0x10: {  	[smem:$0x3FB2] =	sst s8  }
0x11: {  	[smem:$0x3FB3] =	sst s9;
	s0 =	simm.s32 @!p0 $0x0  }
0x12: {  	s1 =	sld [smem:$0x3F99];
	s0 =	simm.s32 @p0 $0x1  }
0x13: {  	[smem:$0x3FB4] =	sst s0;
	s0 =	simm.s32 @!p1 $0x0  }
0x14: {  	s2 =	sld [smem:$0x3F98];
	s0 =	simm.s32 @p1 $0x1  }
0x15: {  	[smem:$0x3FB5] =	sst s0;
	s0 =	simm.s32 @!p2 $0x0  }
0x16: {  	s3 =	sld [smem:$0x3FDB];
	s0 =	simm.s32 @p2 $0x1  }
0x17: {  	s4 =	simm.s32 $0x1BF5;
	[smem:$0x3FB7] =	sst s0  }
0x18: {  	s0 =	sld [smem:$0x3F9A];
	_ =	swait.ge [sflag:s4], $0x0  }
0x19: {  	s7 =	sld [smem:$0x3F9B]  }
0x1a: {  	s8 =	sadd.s32 $0xFFFFE003, lr  }
0x1b: {  	s9 =	sadd.s32 $0xFFFFFEF7, lr;
	s5 =	simm.s32 $0xFFFFFFFF;
	p2 =	slt.u32 s8, $0xFFFFF086  }
0x1c: {  	p1 =	slt.u32 s9, $0xF7A;
	s5 =	simm.s32 @!p2 $0x0  }
0x1d: {  	s5 =	simm.s32 @p1 $0x1;
	p0 =	seq.s32 s7, s2  }
0x1e: {  	s7 =	smul.u32 @!p0 $0xF7A, s2;
	p2 =	seq.s32 @!p0 s5, $0x0  }
0x1f: {  	s9 =	smul.u32 $0xF7A, s1;
	s8 =	simm.s32 @!p0 $0x1BF5;
	p2 =	por !p2, p0  }
0x20: {  	[sflag:s8] =	ssyncset.s32 @!p0 $0xFFFFF086;
	s6 =	sadd.s32 @!p0 s3, s7;
	s7 =	simm.s32 @!p0 $0x108  }
0x21: {  	s3 =	sadd.s32 s3, s9;
	s6 =	sadd.s32 @!p0 $0x88, s6;
	s7 =	simm.s32 @p2 $0x1082  }
0x22: {  	[simem:s7], [sflag:s8] =	dma.local @!p0 [hbm:s6], $0xF7A  }
0x23: {  	s9 =	sor.u32 $0xD0000000, s2;
	s6 =	simm.s32 $0x108;
	_ =	swait.ge @!p0 [sflag:s8], $0x0  }
0x24: {  	s3 =	sadd.s32 $0x88, s3;
	s6 =	simm.s32 @!p1 $0x1082;
	[sflag:s4] =	ssyncset.s32 $0xFFFFF086  }
0x25: {  	[simem:s6], [sflag:s4] =	dma.local [hbm:s3], $0xF7A  }
0x26: {  	[smem:$0x3F9B] =	sst s1;
	(tag) =	ssettag s2;
	_ =	strace s9  }
0x27: {  	s1 =	sld [smem:$0x3FAB]  }
0x28: {  	s2 =	sld [smem:$0x3FAC]  }
0x29: {  	s4 =	sld [smem:$0x3FAE]  }
0x2a: {  	p0 =	seq.s32 s5, $0x0;
	s5 =	sld [smem:$0x3FAF]  }
0x2b: {  	s6 =	sld [smem:$0x3FB0]  }
0x2c: {  	s7 =	sld [smem:$0x3FB1]  }
0x2d: {  	s3 =	simm.s32 $0x108;
	s8 =	sld [smem:$0x3FB2]  }
0x2e: {  	s3 =	simm.s32 @!p0 $0x1082;
	s9 =	sld [smem:$0x3FB3]  }
0x2f: {  	lr =	sadd.s32 s0, s3;
	s0 =	sld [smem:$0x3FAA]  }
0x30: {  	s3 =	sld [smem:$0x3FAD]  }
0x31: {  	[smem:$0x3FB6] =	sst s10  }
0x32: {  	s10 =	sld [smem:$0x3FB4];
	_ =	sdelay $0x3  }
0x33: {  	p0 =	seq.s32 s10, $0x1;
	s10 =	sld [smem:$0x3FB6];
	_ =	sdelay $0x3  }
0x34: {  	[smem:$0x3FB6] =	sst s10  }
0x35: {  	s10 =	sld [smem:$0x3FB5];
	_ =	sdelay $0x3  }
0x36: {  	p1 =	seq.s32 s10, $0x1;
	s10 =	sld [smem:$0x3FB6];
	_ =	sdelay $0x3  }
0x37: {  	[smem:$0x3FB6] =	sst s10  }
0x38: {  	s10 =	sld [smem:$0x3FB7]  }
0x39: {  	_ = 	snop;
	(pc) =	sbr.ind lr, $3  }
0x3a: {  	_ = 	snop  }
0x3b: {  	_ = 	snop  }
0x3c: {  	p2 =	seq.s32 s10, $0x1;
	s10 =	sld [smem:$0x3FB6]  }
0x3d: {  	_ =	shalt  }
0x3e: {  	_ =	shalt  }
0x3f: {  	_ =	shalt  }
0x40: {  	_ =	shalt  }
0x41: {  	_ =	shalt  }
0x42: {  	_ =	shalt  }
0x43: {  	_ =	shalt  }
0x44: {  	_ =	shalt  }
0x45: {  	_ =	shalt  }
0x46: {  	_ =	shalt  }
0x47: {  	_ =	shalt  }
0x48: {  	_ =	shalt  }
0x49: {  	_ =	shalt  }
0x4a: {  	_ =	shalt  }
0x4b: {  	_ =	shalt  }
0x4c: {  	_ =	shalt  }
0x4d: {  	_ =	shalt  }
0x4e: {  	_ =	shalt  }
0x4f: {  	_ =	shalt  }
0x50: {  	_ =	shalt  }
0x51: {  	_ =	shalt  }
0x52: {  	_ =	shalt  }
0x53: {  	_ =	shalt  }
0x54: {  	_ =	shalt  }
0x55: {  	_ =	shalt  }
0x56: {  	_ =	shalt  }
0x57: {  	_ =	shalt  }
0x58: {  	_ =	shalt  }
0x59: {  	_ =	shalt  }
0x5a: {  	_ =	shalt  }
0x5b: {  	_ =	shalt  }
0x5c: {  	_ =	shalt  }
0x5d: {  	_ =	shalt  }
0x5e: {  	_ =	shalt  }
0x5f: {  	_ =	shalt  }
0x60: {  	_ =	shalt  }
0x61: {  	_ =	shalt  }
0x62: {  	_ =	shalt  }
0x63: {  	_ =	shalt  }
0x64: {  	_ =	shalt  }
0x65: {  	_ =	shalt  }
0x66: {  	_ =	shalt  }
0x67: {  	_ =	shalt  }
0x68: {  	_ =	shalt  }
0x69: {  	_ =	shalt  }
0x6a: {  	_ =	shalt  }
0x6b: {  	_ =	shalt  }
0x6c: {  	_ =	shalt  }
0x6d: {  	_ =	shalt  }
0x6e: {  	_ =	shalt  }
0x6f: {  	_ =	shalt  }
0x70: {  	_ =	shalt  }
0x71: {  	_ =	shalt  }
0x72: {  	_ =	shalt  }
0x73: {  	_ =	shalt  }
0x74: {  	_ =	shalt  }
0x75: {  	_ =	shalt  }
0x76: {  	_ =	shalt  }
0x77: {  	_ =	shalt  }
0x78: {  	_ =	shalt  }
0x79: {  	_ =	shalt  }
0x7a: {  	_ =	shalt  }
0x7b: {  	_ =	shalt  }
0x7c: {  	_ =	shalt  }
0x7d: {  	_ =	shalt  }
0x7e: {  	_ =	shalt  }
0x7f: {  	_ =	shalt  }
0x80: {  	_ =	shalt  }
0x81: {  	_ =	shalt  }
0x82: {  	_ =	shalt  }
0x83: {  	_ =	shalt  }
0x84: {  	_ =	shalt  }
0x85: {  	_ =	shalt  }
0x86: {  	_ =	shalt  }
0x87: {  	_ =	shalt  }
.Lfunc_end0:
.L_simem_size_0:
called_computation.1_lowered:
.L_overlay_start_0:
0x88: {  	s2 =	sld [smem:$0x3FD9]  }
0x89: {  	s3 =	sld [smem:$0x3FFE];
	_ =	sdelay $0x1  }
0x8a: {  	s1 =	srdreg.scid  }
0x8b: {  	s0 =	sand.u32 $0x1, s1  }
0x8c: {  	s16 =	sshll.u32 s0, $0xA;
	s2 =	sadd.s32 s3, s2  }
0x8d: {  	s2 =	sadd.s32 s2, s16  }
0x8e: {  	[smem:$0x3FC2] =	sst s2  }
0x8f: {  	_ = 	snop  }
0x90: {  	(tm) =	ssettm $0x1  }
0x91: {  	s17 =	sld [smem:$0x3FFB];
	_ =	sdelay $0x3  }
0x92: {  	_ =	strace s17  }
0x93: {  	s2 =	sld [smem:$0x3FFC];
	_ =	sdelay $0x3  }
0x94: {  	_ =	strace s2  }
0x95: {  	s2 =	sld [smem:$0x3FFD];
	_ =	sdelay $0x3  }
0x96: {  	_ =	strace s2  }
0x97: {  	_ =	strace $0x8FFFFFFF  }
0x98: {  	s18 =	sld [smem:$0x3FDB];
	_ =	sdelay $0x1  }
0x99: {  	s19 =	simm.s32 $_scs_section_size  }
0x9a: {  	s4 =	simm.s32 $_size__tile_overlayer_lowered;
	s5 =	simm.s32 $_tile_overlayer_lowered  }
0x9b: {  	s22 =	simm.s32 $0x1BFF;
	s21 =	sshll.u32 s5, $0x1;
	s2 =	sadd.s32 s19, s18  }
0x9c: {  	s6 =	simm.s32 $0x0;
	s20 =	sshll.u32 s4, $0x1;
	s4 =	sadd.s32 s21, s2  }
0x9d: {  	[timem:s6], [sflag:s22] =	dma.local [hbm:s4], s20  }
0x9e: {  	_ =	swait.ge [sflag:s22], s20  }
0x9f: {  	s3 =	ssub.s32 $0x0, s20;
	[sflag:s22] =	ssyncset.done $0x0  }
0xa0: {  	[sflag:s22] =	ssyncadd.s32 s3;
	_ =	sdelay $0x1  }
0xa1: {  	s23 =	simm.s32 $0x1B8B  }
0xa2: {  	_ =	swait.ge [sflag:s23], $0x1  }
0xa3: {  	[sflag:s23] =	ssyncset.done $0x0  }
0xa4: {  	s25 =	simm.s32 $0x1B8E;
	s24 =	sld [smem:$0x3FFE];
	[sflag:s23] =	ssyncadd.s32 $0xFFFFFFFF  }
0xa5: {  	s26 =	simm.s32 $execute0_lowered;
	[smem:$0x3FD2] =	sst s25  }
0xa6: {  	s4 =	sshll.u32 s26, $0x1;
	_ =	strace $0x80000049;
	[dreg:$0x1] =	wrdreg $0xFFFFFFFF  }
0xa7: {  	s28 =	simm.s32 $_size_execute0_lowered;
	s2 =	sadd.s32 s2, s4;
	[dreg:$0x0] =	wrdreg $0x0  }
0xa8: {  	s4 =	sshll.u32 s28, $0x1;
	[dreg:$0x2] =	wrdreg s2  }
0xa9: {  	[dreg:$0x3] =	wrdreg s4  }
0xaa: {  	[dreg:$0x4] =	wrdreg $0xC0  }
0xab: {  	_ =	task [dreg:s6], $0x5FFFF  }
0xac: {  	[dreg:$0x1] =	wrdreg $0xFFFFFFFF  }
0xad: {  	[dreg:$0x0] =	wrdreg $0x60  }
0xae: {  	[dreg:$0x2] =	wrdreg s24  }
0xaf: {  	[dreg:$0x3] =	wrdreg $0x9  }
0xb0: {  	_ =	task.clear_ibuf [dreg:s6], $0x4FFFF;
	_ =	strace $0x90000049  }
0xb1: {  	s29 =	simm.s32 $0x9;
	_ =	strace $0x8000004B  }
0xb2: {  	_ =	swait.ge [sflag:s29], $0x1  }
0xb3: {  	[sflag:s29] =	ssyncadd.s32 $0xFFFFFFFF  }
0xb4: {  	_ =	strace $0x9000004B  }
0xb5: {  	_ =	sfence  }
0xb6: {  	s30 =	sld [smem:$0x0];
	_ =	sdelay $0x2  }
0xb7: {  	s31 =	sshll.u32 s1, $0xD;
	s1 =	sshrl.u32 s1, $0x2  }
0xb8: {  	s3 =	sand.u32 $0x4000, s31;
	s1 =	sadd.s32 s1, s30  }
0xb9: {  	s0 =	sor.u32 s3, s0;
	s1 =	sshll.u32 s1, $0x11  }
0xba: {  	s0 =	sor.u32 s1, s0  }
0xbb: {  	s0 =	sadd.s32 $0x8F2B, s0  }
0xbc: {  	[sflag:s0] =	ssyncadd.remote.s32 $0x1  }
0xbd: {  	_ =	sfence.sel $0xFFFF  }
0xbe: {  	[dreg:$0x0] =	wrdreg $0xFFFFFFFF;
	(pc) =	sbr.abs _section_cstart, $3  }
0xbf: {  	[dreg:$0x1] =	wrdreg $0xFFFFFFFF  }
0xc0: {  	_ =	task.clear_ibuf [dreg:s6], $0x2FFFF;
	_ =	strace $0x9FFFFFFF  }
0xc1: {  	(tm) =	ssettm $0x7FFFFFFF  }
tec
execute0_lowered:
.L_overlay_start_1:
0x0: {  	(tag) =	ssettag $0x1  }
0x1: {  	s0 =	rddreg [dreg:$0x0];
	s2 =	simm.s32 $0x0  }
0x2: {  	s1 =	srdreg.scid;
	s4 =	stileid.u32;
	s28 =	simm.s32 $0x2100  }
0x3: {  	s29 =	simm.s32 $0x2900;
	s30 =	simm.s32 $0x3100;
	s31 =	simm.s32 $0x3900  }
0x4: {  	s12 =	simm.s32 $0x6100;
	s13 =	simm.s32 $0x6900;
	s14 =	simm.s32 $0x7100  }
0x5: {  	s15 =	simm.s32 $0x7900;
	s16 =	simm.s32 $0x8900;
	s17 =	simm.s32 $0x9100  }
0x6: {  	s18 =	simm.s32 $0x9900;
	[smem:$0x7FF] =	sst s2;
	s3 =	sadd.s32 $0x203200, s0  }
0x7: {  	s1 =	sand.u32 $0x1, s1;
	s6 =	sadd.s32 $0x102E00, s0;
	s7 =	sadd.s32 $0x103000, s0  }
0x8: {  	s4 =	sshll.u32 s4, $0x7;
	s19 =	sadd.s32 $0x103200, s0;
	s9 =	sadd.s32 $0x143200, s0  }
0x9: {  	_ =	strace $0x8000004A;
	s5 =	sshll.u32 s1, $0x6;
	s1 =	ssub.s32 $0x2, s1  }
0xa: {  	s4 =	sor.u32 s5, s4;
	s10 =	sshrl.u32 s1, $0x1;
	s5 =	sadd.s32 $0x203400, s0  }
0xb: {  	s8 =	sshrl.u32 s4, $0x3;
	s20 =	sshll.u32 s4, $0x7;
	s4 =	sor.u32 $0x20, s4  }
0xc: {  	s1 =	ssub.s32 s1, s10;
	s10 =	simm.s32 $0xA100;
	s11 =	sadd.s32 s6, s8  }
0xd: {  	s8 =	sadd.s32 s7, s8;
	s21 =	sadd.s32 s19, s20;
	[dreg:$0x2] =	wrdreg s11  }
0xe: {  	s22 =	sadd.s32 s9, s20;
	s23 =	sshrl.u32 s4, $0x3;
	[dreg:$0x3] =	wrdreg s8  }
0xf: {  	s25 =	sshll.u32 s4, $0x7;
	s4 =	sadd.s32 $0x203300, s0;
	[dreg:$0x4] =	wrdreg s21  }
0x10: {  	s20 =	simm.s32 $0x2;
	[dreg:$0x5] =	wrdreg s22;
	s6 =	sadd.s32 s6, s23  }
0x11: {  	s24 =	sadd.s32 s7, s23;
	s26 =	sadd.s32 s19, s25;
	s7 =	sadd.s32 s9, s25  }
0x12: {  	s8 =	simm.s32 $0x3;
	s19 =	simm.s32 $0x1;
	[dreg:$0x6] =	wrdreg s6  }
0x13: {  	s22 =	simm.s32 $0x80;
	s23 =	simm.s32 $0x900;
	[dreg:$0x7] =	wrdreg s24  }
0x14: {  	v2 =	vlaneseq.u32;
	s25 =	simm.s32 $0x1900;
	s9 =	simm.s32 $0x5100;
	[dreg:$0x8] =	wrdreg s26  }
0x15: {  	vm0 =	vmmov $0xffff;
	v1 =	vshrl.u32 v2, $0x3;
	s11 =	simm.s32 $0x5900;
	s6 =	sadd.s32 $0x203500, s0;
	[dreg:$0x9] =	wrdreg s7  }
0x16: {  	v0 =	vand.u32 $0x7, v2;
	v2 =	vor.u32 $0x8, v2;
	v1 =	vmul.u32 $0x8, v1;
	s7 =	smax.u32 s1, $0x1;
	s26 =	simm.s32 $0x100;
	s24 =	simm.s32 $0x1100  }
.LBB2_1:
0x17: {  	s21 =	rddreg [dreg:$0x2]  }
0x18: {  	[tilespmem:s2], [sflag:$0x3] =	stream.linear.gather [hbm4b:s21+s2], $0x20, $0x38;
	[tilespmem:$0x10100] =	vst v63  }
0x19: {  	_ =	swait.ge [sflag:s8], $0x20  }
0x1a: {  	[sflag:s8] =	ssyncset.done $0x0  }
0x1b: {  	s1 =	rddreg [dreg:$0x3];
	[sflag:s8] =	ssyncadd.s32 $0xFFFFFFE0  }
0x1c: {  	[tilespmem:s22], [sflag:$0x3] =	stream.linear.gather [hbm4b:s1+s2], $0x20, $0x38;
	[tilespmem:$0x10100] =	vst v63  }
0x1d: {  	_ =	swait.ge [sflag:s8], $0x20  }
0x1e: {  	[sflag:s8] =	ssyncset.done $0x0  }
0x1f: {  	[sflag:s8] =	ssyncadd.s32 $0xFFFFFFE0  }
0x20: {  	v3 =	vld [tilespmem:$0x0];
	_ =	sdelay $0x4  }
0x21: {  	v4 =	vshll.u32 v3, $0x3  }
0x22: {  	v3 =	vand.u32 $0x7, v3;
	v4 =	vand.u32 $0xFFFFFFC0, v4  }
0x23: {  	v3 =	vor.u32 v3, v4  }
0x24: {  	v4 =	vperm.xlane v3, v0;
	_ =	sdelay $0x1  }
0x25: {  	v4 =	vadd.s32 v1, v4;
	_ =	sdelay $0x4  }
0x26: {  	[tilespmem:s26], [sflag:$0x1] =	stream.indirect_vreg.gather [hbm4b:s3+s2], $0x80, v4, vm0, $0xb8;
	[tilespmem:$0x10100] =	vst v63  }
0x27: {  	v3 =	vperm.xlane v3, v2  }
0x28: {  	[tilespmem:s23], [sflag:$0x1] =	stream.indirect_vreg.gather [hbm4b:s4+s2], $0x80, v4, vm0, $0xb8;
	[tilespmem:$0x10100] =	vst v63  }
0x29: {  	v3 =	vadd.s32 v1, v3  }
0x2a: {  	[tilespmem:s24], [sflag:$0x1] =	stream.indirect_vreg.gather [hbm4b:s5+s2], $0x80, v4, vm0, $0xb8;
	[tilespmem:$0x10100] =	vst v63  }
0x2b: {  	_ = 	snop  }
0x2c: {  	[tilespmem:s25], [sflag:$0x1] =	stream.indirect_vreg.gather [hbm4b:s6+s2], $0x80, v4, vm0, $0xb8;
	[tilespmem:$0x10100] =	vst v63  }
0x2d: {  	_ = 	snop  }
0x2e: {  	[tilespmem:s28], [sflag:$0x1] =	stream.indirect_vreg.gather [hbm4b:s3+s2], $0x80, v3, vm0, $0xb8;
	[tilespmem:$0x10100] =	vst v63  }
0x2f: {  	_ = 	snop  }
0x30: {  	[tilespmem:s29], [sflag:$0x1] =	stream.indirect_vreg.gather [hbm4b:s4+s2], $0x80, v3, vm0, $0xb8;
	[tilespmem:$0x10100] =	vst v63  }
0x31: {  	_ = 	snop  }
0x32: {  	[tilespmem:s30], [sflag:$0x1] =	stream.indirect_vreg.gather [hbm4b:s5+s2], $0x80, v3, vm0, $0xb8;
	[tilespmem:$0x10100] =	vst v63  }
0x33: {  	_ = 	snop  }
0x34: {  	[tilespmem:s31], [sflag:$0x1] =	stream.indirect_vreg.gather [hbm4b:s6+s2], $0x80, v3, vm0, $0xb8;
	[tilespmem:$0x10100] =	vst v63  }
0x35: {  	v3 =	vld [tilespmem:$0x10];
	_ =	sdelay $0x4  }
0x36: {  	v57 =	vshll.u32 v3, $0x3  }
0x37: {  	v3 =	vand.u32 $0x7, v3;
	v4 =	vand.u32 $0xFFFFFFC0, v57  }
0x38: {  	v3 =	vor.u32 v3, v4  }
0x39: {  	v4 =	vperm.xlane v3, v0;
	_ =	sdelay $0x1  }
0x3a: {  	v4 =	vadd.s32 v1, v4;
	_ =	sdelay $0x3  }
0x3b: {  	s0 =	simm.s32 $0x4100  }
0x3c: {  	[tilespmem:s0], [sflag:$0x1] =	stream.indirect_vreg.gather [hbm4b:s3+s2], $0x80, v4, vm0, $0xb8;
	[tilespmem:$0x10100] =	vst v63  }
0x3d: {  	s1 =	simm.s32 $0x4900;
	v3 =	vperm.xlane v3, v2  }
0x3e: {  	[tilespmem:s1], [sflag:$0x1] =	stream.indirect_vreg.gather [hbm4b:s4+s2], $0x80, v4, vm0, $0xb8;
	[tilespmem:$0x10100] =	vst v63  }
0x3f: {  	v3 =	vadd.s32 v1, v3  }
0x40: {  	[tilespmem:s9], [sflag:$0x1] =	stream.indirect_vreg.gather [hbm4b:s5+s2], $0x80, v4, vm0, $0xb8;
	[tilespmem:$0x10100] =	vst v63  }
0x41: {  	_ = 	snop  }
0x42: {  	[tilespmem:s11], [sflag:$0x1] =	stream.indirect_vreg.gather [hbm4b:s6+s2], $0x80, v4, vm0, $0xb8;
	[tilespmem:$0x10100] =	vst v63  }
0x43: {  	_ = 	snop  }
0x44: {  	[tilespmem:s12], [sflag:$0x1] =	stream.indirect_vreg.gather [hbm4b:s3+s2], $0x80, v3, vm0, $0xb8;
	[tilespmem:$0x10100] =	vst v63  }
0x45: {  	_ = 	snop  }
0x46: {  	[tilespmem:s13], [sflag:$0x1] =	stream.indirect_vreg.gather [hbm4b:s4+s2], $0x80, v3, vm0, $0xb8;
	[tilespmem:$0x10100] =	vst v63  }
0x47: {  	_ = 	snop  }
0x48: {  	[tilespmem:s14], [sflag:$0x1] =	stream.indirect_vreg.gather [hbm4b:s5+s2], $0x80, v3, vm0, $0xb8;
	[tilespmem:$0x10100] =	vst v63  }
0x49: {  	_ = 	snop  }
0x4a: {  	[tilespmem:s15], [sflag:$0x1] =	stream.indirect_vreg.gather [hbm4b:s6+s2], $0x80, v3, vm0, $0xb8;
	[tilespmem:$0x10100] =	vst v63  }
0x4b: {  	v3 =	vld [tilespmem:$0x80];
	_ =	sdelay $0x4  }
0x4c: {  	v58 =	vshll.u32 v3, $0x3  }
0x4d: {  	v3 =	vand.u32 $0x7, v3;
	v4 =	vand.u32 $0xFFFFFFC0, v58  }
0x4e: {  	v3 =	vor.u32 v3, v4  }
0x4f: {  	v4 =	vperm.xlane v3, v0;
	_ =	sdelay $0x1  }
0x50: {  	v4 =	vadd.s32 v1, v4;
	_ =	sdelay $0x3  }
0x51: {  	s0 =	simm.s32 $0x8100  }
0x52: {  	[tilespmem:s0], [sflag:$0x2] =	stream.indirect_vreg.gather [hbm4b:s3+s2], $0x80, v4, vm0, $0xb8;
	[tilespmem:$0x10100] =	vst v63  }
0x53: {  	v3 =	vperm.xlane v3, v2  }
0x54: {  	[tilespmem:s16], [sflag:$0x2] =	stream.indirect_vreg.gather [hbm4b:s4+s2], $0x80, v4, vm0, $0xb8;
	[tilespmem:$0x10100] =	vst v63  }
0x55: {  	v3 =	vadd.s32 v1, v3  }
0x56: {  	[tilespmem:s17], [sflag:$0x2] =	stream.indirect_vreg.gather [hbm4b:s5+s2], $0x80, v4, vm0, $0xb8;
	[tilespmem:$0x10100] =	vst v63  }
0x57: {  	_ = 	snop  }
0x58: {  	[tilespmem:s18], [sflag:$0x2] =	stream.indirect_vreg.gather [hbm4b:s6+s2], $0x80, v4, vm0, $0xb8;
	[tilespmem:$0x10100] =	vst v63  }
0x59: {  	_ = 	snop  }
0x5a: {  	[tilespmem:s10], [sflag:$0x2] =	stream.indirect_vreg.gather [hbm4b:s3+s2], $0x80, v3, vm0, $0xb8;
	[tilespmem:$0x10100] =	vst v63  }
0x5b: {  	s21 =	simm.s32 $0xA900  }
0x5c: {  	[tilespmem:s21], [sflag:$0x2] =	stream.indirect_vreg.gather [hbm4b:s4+s2], $0x80, v3, vm0, $0xb8;
	[tilespmem:$0x10100] =	vst v63  }
0x5d: {  	s21 =	simm.s32 $0xB100  }
0x5e: {  	[tilespmem:s21], [sflag:$0x2] =	stream.indirect_vreg.gather [hbm4b:s5+s2], $0x80, v3, vm0, $0xb8;
	[tilespmem:$0x10100] =	vst v63  }
0x5f: {  	s21 =	simm.s32 $0xB900  }
0x60: {  	[tilespmem:s21], [sflag:$0x2] =	stream.indirect_vreg.gather [hbm4b:s6+s2], $0x80, v3, vm0, $0xb8;
	[tilespmem:$0x10100] =	vst v63  }
0x61: {  	v3 =	vld [tilespmem:$0x90];
	_ =	sdelay $0x4  }
0x62: {  	v59 =	vshll.u32 v3, $0x3  }
0x63: {  	v3 =	vand.u32 $0x7, v3;
	v4 =	vand.u32 $0xFFFFFFC0, v59  }
0x64: {  	v3 =	vor.u32 v3, v4  }
0x65: {  	v4 =	vperm.xlane v3, v0;
	_ =	sdelay $0x1  }
0x66: {  	v4 =	vadd.s32 v1, v4;
	_ =	sdelay $0x3  }
0x67: {  	s21 =	simm.s32 $0xC100  }
0x68: {  	[tilespmem:s21], [sflag:$0x2] =	stream.indirect_vreg.gather [hbm4b:s3+s2], $0x80, v4, vm0, $0xb8;
	[tilespmem:$0x10100] =	vst v63  }
0x69: {  	v3 =	vperm.xlane v3, v2;
	s21 =	simm.s32 $0xC900  }
0x6a: {  	[tilespmem:s21], [sflag:$0x2] =	stream.indirect_vreg.gather [hbm4b:s4+s2], $0x80, v4, vm0, $0xb8;
	[tilespmem:$0x10100] =	vst v63  }
0x6b: {  	v3 =	vadd.s32 v1, v3;
	s21 =	simm.s32 $0xD100  }
0x6c: {  	[tilespmem:s21], [sflag:$0x2] =	stream.indirect_vreg.gather [hbm4b:s5+s2], $0x80, v4, vm0, $0xb8;
	[tilespmem:$0x10100] =	vst v63  }
0x6d: {  	s21 =	simm.s32 $0xD900  }
0x6e: {  	[tilespmem:s21], [sflag:$0x2] =	stream.indirect_vreg.gather [hbm4b:s6+s2], $0x80, v4, vm0, $0xb8;
	[tilespmem:$0x10100] =	vst v63  }
0x6f: {  	s21 =	simm.s32 $0xE100  }
0x70: {  	[tilespmem:s21], [sflag:$0x2] =	stream.indirect_vreg.gather [hbm4b:s3+s2], $0x80, v3, vm0, $0xb8;
	[tilespmem:$0x10100] =	vst v63  }
0x71: {  	s21 =	simm.s32 $0xE900  }
0x72: {  	[tilespmem:s21], [sflag:$0x2] =	stream.indirect_vreg.gather [hbm4b:s4+s2], $0x80, v3, vm0, $0xb8;
	[tilespmem:$0x10100] =	vst v63  }
0x73: {  	s21 =	simm.s32 $0xF100  }
0x74: {  	[tilespmem:s21], [sflag:$0x2] =	stream.indirect_vreg.gather [hbm4b:s5+s2], $0x80, v3, vm0, $0xb8;
	[tilespmem:$0x10100] =	vst v63  }
0x75: {  	s21 =	simm.s32 $0xF900  }
0x76: {  	[tilespmem:s21], [sflag:$0x2] =	stream.indirect_vreg.gather [hbm4b:s6+s2], $0x80, v3, vm0, $0xb8;
	[tilespmem:$0x10100] =	vst v63  }
0x77: {  	_ =	swait.ge [sflag:s19], $0x8000  }
0x78: {  	[sflag:s19] =	ssyncset.done $0x0  }
0x79: {  	s21 =	rddreg [dreg:$0x4];
	[sflag:s19] =	ssyncadd.s32 $0xFFFF8000  }
0x7a: {  	[hbm4b:s21+s2] =	stream.linear.scatter [tilespmem:s26], [sflag:$0x3], $0x8000, $0x38;
	[tilespmem:$0x10100] =	vst v63  }
0x7b: {  	_ =	swait.ge [sflag:s8], $0x8000  }
0x7c: {  	[sflag:s8] =	ssyncset.done $0x0  }
0x7d: {  	[sflag:s8] =	ssyncadd.s32 $0xFFFF8000  }
0x7e: {  	_ =	swait.ge [sflag:s20], $0x8000  }
0x7f: {  	[sflag:s20] =	ssyncset.done $0x0  }
0x80: {  	s21 =	rddreg [dreg:$0x5];
	[sflag:s20] =	ssyncadd.s32 $0xFFFF8000  }
0x81: {  	[hbm4b:s21+s2] =	stream.linear.scatter [tilespmem:s0], [sflag:$0x3], $0x8000, $0x38;
	[tilespmem:$0x10100] =	vst v63  }
0x82: {  	_ =	swait.ge [sflag:s8], $0x8000  }
0x83: {  	[sflag:s8] =	ssyncset.done $0x0  }
0x84: {  	s21 =	rddreg [dreg:$0x6];
	[sflag:s8] =	ssyncadd.s32 $0xFFFF8000  }
0x85: {  	[tilespmem:s2], [sflag:$0x3] =	stream.linear.gather [hbm4b:s21+s2], $0x20, $0x38;
	[tilespmem:$0x10100] =	vst v63  }
0x86: {  	_ =	swait.ge [sflag:s8], $0x20  }
0x87: {  	[sflag:s8] =	ssyncset.done $0x0  }
0x88: {  	s21 =	rddreg [dreg:$0x7];
	[sflag:s8] =	ssyncadd.s32 $0xFFFFFFE0  }
0x89: {  	[tilespmem:s22], [sflag:$0x3] =	stream.linear.gather [hbm4b:s21+s2], $0x20, $0x38;
	[tilespmem:$0x10100] =	vst v63  }
0x8a: {  	_ =	swait.ge [sflag:s8], $0x20  }
0x8b: {  	[sflag:s8] =	ssyncset.done $0x0  }
0x8c: {  	[sflag:s8] =	ssyncadd.s32 $0xFFFFFFE0  }
0x8d: {  	v3 =	vld [tilespmem:$0x0];
	_ =	sdelay $0x4  }
0x8e: {  	v60 =	vshll.u32 v3, $0x3  }
0x8f: {  	v3 =	vand.u32 $0x7, v3;
	v4 =	vand.u32 $0xFFFFFFC0, v60  }
0x90: {  	v3 =	vor.u32 v3, v4  }
0x91: {  	v4 =	vperm.xlane v3, v0;
	_ =	sdelay $0x1  }
0x92: {  	v4 =	vadd.s32 v1, v4;
	_ =	sdelay $0x4  }
0x93: {  	[tilespmem:s26], [sflag:$0x1] =	stream.indirect_vreg.gather [hbm4b:s3+s2], $0x80, v4, vm0, $0xb8;
	[tilespmem:$0x10100] =	vst v63  }
0x94: {  	v3 =	vperm.xlane v3, v2  }
0x95: {  	[tilespmem:s23], [sflag:$0x1] =	stream.indirect_vreg.gather [hbm4b:s4+s2], $0x80, v4, vm0, $0xb8;
	[tilespmem:$0x10100] =	vst v63  }
0x96: {  	v3 =	vadd.s32 v1, v3  }
0x97: {  	[tilespmem:s24], [sflag:$0x1] =	stream.indirect_vreg.gather [hbm4b:s5+s2], $0x80, v4, vm0, $0xb8;
	[tilespmem:$0x10100] =	vst v63  }
0x98: {  	_ = 	snop  }
0x99: {  	[tilespmem:s25], [sflag:$0x1] =	stream.indirect_vreg.gather [hbm4b:s6+s2], $0x80, v4, vm0, $0xb8;
	[tilespmem:$0x10100] =	vst v63  }
0x9a: {  	_ = 	snop  }
0x9b: {  	[tilespmem:s28], [sflag:$0x1] =	stream.indirect_vreg.gather [hbm4b:s3+s2], $0x80, v3, vm0, $0xb8;
	[tilespmem:$0x10100] =	vst v63  }
0x9c: {  	_ = 	snop  }
0x9d: {  	[tilespmem:s29], [sflag:$0x1] =	stream.indirect_vreg.gather [hbm4b:s4+s2], $0x80, v3, vm0, $0xb8;
	[tilespmem:$0x10100] =	vst v63  }
0x9e: {  	_ = 	snop  }
0x9f: {  	[tilespmem:s30], [sflag:$0x1] =	stream.indirect_vreg.gather [hbm4b:s5+s2], $0x80, v3, vm0, $0xb8;
	[tilespmem:$0x10100] =	vst v63  }
0xa0: {  	_ = 	snop  }
0xa1: {  	[tilespmem:s31], [sflag:$0x1] =	stream.indirect_vreg.gather [hbm4b:s6+s2], $0x80, v3, vm0, $0xb8;
	[tilespmem:$0x10100] =	vst v63  }
0xa2: {  	v3 =	vld [tilespmem:$0x10];
	_ =	sdelay $0x4  }
0xa3: {  	v61 =	vshll.u32 v3, $0x3  }
0xa4: {  	v3 =	vand.u32 $0x7, v3;
	v4 =	vand.u32 $0xFFFFFFC0, v61  }
0xa5: {  	v3 =	vor.u32 v3, v4  }
0xa6: {  	v4 =	vperm.xlane v3, v0;
	_ =	sdelay $0x1  }
0xa7: {  	v4 =	vadd.s32 v1, v4;
	_ =	sdelay $0x3  }
0xa8: {  	s21 =	simm.s32 $0x4100  }
0xa9: {  	[tilespmem:s21], [sflag:$0x1] =	stream.indirect_vreg.gather [hbm4b:s3+s2], $0x80, v4, vm0, $0xb8;
	[tilespmem:$0x10100] =	vst v63  }
0xaa: {  	v3 =	vperm.xlane v3, v2  }
0xab: {  	[tilespmem:s1], [sflag:$0x1] =	stream.indirect_vreg.gather [hbm4b:s4+s2], $0x80, v4, vm0, $0xb8;
	[tilespmem:$0x10100] =	vst v63  }
0xac: {  	v3 =	vadd.s32 v1, v3  }
0xad: {  	[tilespmem:s9], [sflag:$0x1] =	stream.indirect_vreg.gather [hbm4b:s5+s2], $0x80, v4, vm0, $0xb8;
	[tilespmem:$0x10100] =	vst v63  }
0xae: {  	_ = 	snop  }
0xaf: {  	[tilespmem:s11], [sflag:$0x1] =	stream.indirect_vreg.gather [hbm4b:s6+s2], $0x80, v4, vm0, $0xb8;
	[tilespmem:$0x10100] =	vst v63  }
0xb0: {  	_ = 	snop  }
0xb1: {  	[tilespmem:s12], [sflag:$0x1] =	stream.indirect_vreg.gather [hbm4b:s3+s2], $0x80, v3, vm0, $0xb8;
	[tilespmem:$0x10100] =	vst v63  }
0xb2: {  	_ = 	snop  }
0xb3: {  	[tilespmem:s13], [sflag:$0x1] =	stream.indirect_vreg.gather [hbm4b:s4+s2], $0x80, v3, vm0, $0xb8;
	[tilespmem:$0x10100] =	vst v63  }
0xb4: {  	_ = 	snop  }
0xb5: {  	[tilespmem:s14], [sflag:$0x1] =	stream.indirect_vreg.gather [hbm4b:s5+s2], $0x80, v3, vm0, $0xb8;
	[tilespmem:$0x10100] =	vst v63  }
0xb6: {  	_ = 	snop  }
0xb7: {  	[tilespmem:s15], [sflag:$0x1] =	stream.indirect_vreg.gather [hbm4b:s6+s2], $0x80, v3, vm0, $0xb8;
	[tilespmem:$0x10100] =	vst v63  }
0xb8: {  	v3 =	vld [tilespmem:$0x80];
	_ =	sdelay $0x4  }
0xb9: {  	v62 =	vshll.u32 v3, $0x3  }
0xba: {  	v3 =	vand.u32 $0x7, v3;
	v4 =	vand.u32 $0xFFFFFFC0, v62  }
0xbb: {  	v3 =	vor.u32 v3, v4  }
0xbc: {  	v4 =	vperm.xlane v3, v0;
	_ =	sdelay $0x1  }
0xbd: {  	v4 =	vadd.s32 v1, v4;
	_ =	sdelay $0x4  }
0xbe: {  	[tilespmem:s0], [sflag:$0x2] =	stream.indirect_vreg.gather [hbm4b:s3+s2], $0x80, v4, vm0, $0xb8;
	[tilespmem:$0x10100] =	vst v63  }
0xbf: {  	v3 =	vperm.xlane v3, v2  }
0xc0: {  	[tilespmem:s16], [sflag:$0x2] =	stream.indirect_vreg.gather [hbm4b:s4+s2], $0x80, v4, vm0, $0xb8;
	[tilespmem:$0x10100] =	vst v63  }
0xc1: {  	v3 =	vadd.s32 v1, v3  }
0xc2: {  	[tilespmem:s17], [sflag:$0x2] =	stream.indirect_vreg.gather [hbm4b:s5+s2], $0x80, v4, vm0, $0xb8;
	[tilespmem:$0x10100] =	vst v63  }
0xc3: {  	_ = 	snop  }
0xc4: {  	[tilespmem:s18], [sflag:$0x2] =	stream.indirect_vreg.gather [hbm4b:s6+s2], $0x80, v4, vm0, $0xb8;
	[tilespmem:$0x10100] =	vst v63  }
0xc5: {  	_ = 	snop  }
0xc6: {  	[tilespmem:s10], [sflag:$0x2] =	stream.indirect_vreg.gather [hbm4b:s3+s2], $0x80, v3, vm0, $0xb8;
	[tilespmem:$0x10100] =	vst v63  }
0xc7: {  	s21 =	simm.s32 $0xA900  }
0xc8: {  	[tilespmem:s21], [sflag:$0x2] =	stream.indirect_vreg.gather [hbm4b:s4+s2], $0x80, v3, vm0, $0xb8;
	[tilespmem:$0x10100] =	vst v63  }
0xc9: {  	s21 =	simm.s32 $0xB100  }
0xca: {  	[tilespmem:s21], [sflag:$0x2] =	stream.indirect_vreg.gather [hbm4b:s5+s2], $0x80, v3, vm0, $0xb8;
	[tilespmem:$0x10100] =	vst v63  }
0xcb: {  	s21 =	simm.s32 $0xB900  }
0xcc: {  	[tilespmem:s21], [sflag:$0x2] =	stream.indirect_vreg.gather [hbm4b:s6+s2], $0x80, v3, vm0, $0xb8;
	[tilespmem:$0x10100] =	vst v63  }
0xcd: {  	v3 =	vld [tilespmem:$0x90];
	_ =	sdelay $0x4  }
0xce: {  	v63 =	vshll.u32 v3, $0x3  }
0xcf: {  	v3 =	vand.u32 $0x7, v3;
	v4 =	vand.u32 $0xFFFFFFC0, v63  }
0xd0: {  	v3 =	vor.u32 v3, v4  }
0xd1: {  	v4 =	vperm.xlane v3, v0;
	_ =	sdelay $0x1  }
0xd2: {  	v4 =	vadd.s32 v1, v4;
	_ =	sdelay $0x3  }
0xd3: {  	s21 =	simm.s32 $0xC100  }
0xd4: {  	[tilespmem:s21], [sflag:$0x2] =	stream.indirect_vreg.gather [hbm4b:s3+s2], $0x80, v4, vm0, $0xb8;
	[tilespmem:$0x10100] =	vst v63  }
0xd5: {  	v3 =	vperm.xlane v3, v2;
	s21 =	simm.s32 $0xC900  }
0xd6: {  	[tilespmem:s21], [sflag:$0x2] =	stream.indirect_vreg.gather [hbm4b:s4+s2], $0x80, v4, vm0, $0xb8;
	[tilespmem:$0x10100] =	vst v63  }
0xd7: {  	v3 =	vadd.s32 v1, v3;
	s21 =	simm.s32 $0xD100  }
0xd8: {  	[tilespmem:s21], [sflag:$0x2] =	stream.indirect_vreg.gather [hbm4b:s5+s2], $0x80, v4, vm0, $0xb8;
	[tilespmem:$0x10100] =	vst v63  }
0xd9: {  	s21 =	simm.s32 $0xD900  }
0xda: {  	[tilespmem:s21], [sflag:$0x2] =	stream.indirect_vreg.gather [hbm4b:s6+s2], $0x80, v4, vm0, $0xb8;
	[tilespmem:$0x10100] =	vst v63  }
0xdb: {  	s21 =	simm.s32 $0xE100  }
0xdc: {  	[tilespmem:s21], [sflag:$0x2] =	stream.indirect_vreg.gather [hbm4b:s3+s2], $0x80, v3, vm0, $0xb8;
	[tilespmem:$0x10100] =	vst v63  }
0xdd: {  	s21 =	simm.s32 $0xE900  }
0xde: {  	[tilespmem:s21], [sflag:$0x2] =	stream.indirect_vreg.gather [hbm4b:s4+s2], $0x80, v3, vm0, $0xb8;
	[tilespmem:$0x10100] =	vst v63  }
0xdf: {  	s21 =	simm.s32 $0xF100  }
0xe0: {  	[tilespmem:s21], [sflag:$0x2] =	stream.indirect_vreg.gather [hbm4b:s5+s2], $0x80, v3, vm0, $0xb8;
	[tilespmem:$0x10100] =	vst v63  }
0xe1: {  	s21 =	simm.s32 $0xF900  }
0xe2: {  	[tilespmem:s21], [sflag:$0x2] =	stream.indirect_vreg.gather [hbm4b:s6+s2], $0x80, v3, vm0, $0xb8;
	[tilespmem:$0x10100] =	vst v63  }
0xe3: {  	_ =	swait.ge [sflag:s19], $0x8000  }
0xe4: {  	[sflag:s19] =	ssyncset.done $0x0  }
0xe5: {  	s1 =	rddreg [dreg:$0x8];
	[sflag:s19] =	ssyncadd.s32 $0xFFFF8000  }
0xe6: {  	[hbm4b:s1+s2] =	stream.linear.scatter [tilespmem:s26], [sflag:$0x3], $0x8000, $0x38;
	[tilespmem:$0x10100] =	vst v63  }
0xe7: {  	_ =	swait.ge [sflag:s8], $0x8000  }
0xe8: {  	[sflag:s8] =	ssyncset.done $0x0  }
0xe9: {  	[sflag:s8] =	ssyncadd.s32 $0xFFFF8000  }
0xea: {  	_ =	swait.ge [sflag:s20], $0x8000  }
0xeb: {  	p0 =	sne.s32 s7, $0x1;
	[sflag:s20] =	ssyncset.done $0x0  }
.Ltmp0:
0xec: {  	s1 =	rddreg [dreg:$0x9];
	[sflag:s20] =	ssyncadd.s32 $0xFFFF8000;
	(pc) =	sbr.rel @p0 .LBB2_1-.Ltmp0, $4  }
0xed: {  	[hbm4b:s1+s2] =	stream.linear.scatter [tilespmem:s0], [sflag:$0x3], $0x8000, $0x38;
	[tilespmem:$0x10100] =	vst v63  }
0xee: {  	_ =	swait.ge [sflag:s8], $0x8000  }
0xef: {  	[sflag:s8] =	ssyncset.done $0x0  }
0xf0: {  	s7 =	sadd.s32 $0xFFFFFFFF, s7;
	[sflag:s8] =	ssyncadd.s32 $0xFFFF8000  }
0xf1: {  	_ =	sfence.sel $0x180000  }
0xf2: {  	[bflag:$0x0] =	sbarrier.arrive $0xFFFF  }
0xf3: {  	_ =	strace $0x9000004A  }
0xf4: {  	s0 =	stileid.u32;
	[bflag:$0x2] =	sbarrier.arrive $0xFFFF  }
0xf5: {  	p0 =	sne.s32 s0, $0x0;
	s0 =	rddreg [dreg:$0x1]  }
0xf6: {  	s0 =	sadd.s32 @!p0 $0x100000, s0  }
0xf7: {  	[sflag:s0] =	ssyncadd.tile.s32 @!p0 $0x1;
	_ =	shalt  }
.Lfunc_end2:
_tile_overlayer_lowered:
.L_overlay_start_2:
0xf8: {  	(tag) =	ssettag $0x2  }
0xf9: {  	s0 =	rddreg [dreg:$0x0];
	s2 =	stileid.u32  }
0xfa: {  	s1 =	rddreg [dreg:$0x1];
	p0 =	sne.s32 s2, $0x0  }
0xfb: {  	s3 =	rddreg [dreg:$0x2];
	[bflag:$0x3] =	sbarrier.arrive $0xFFFF;
	s2 =	simm.s32 @!p0 $0x1C03  }
0xfc: {  	[timem:s3], [sflag:s2] =	dma.local @!p0 [hbm:s0], s1  }
0xfd: {  	s0 =	simm.s32 @!p0 $0x3  }
0xfe: {  	_ =	swait.ge @!p0 [sflag:s0], s1  }
0xff: {  	s1 =	ssub.s32 @!p0 $0x0, s1;
	[sflag:s0] =	ssyncset.done @!p0 $0x0  }
0x100: {  	[sflag:s0] =	ssyncadd.s32 @!p0 s1  }
0x101: {  	[bflag:$0x3] =	sbarrier.arrive $0xFFFF  }
0x102: {  	_ =	shalt  }

// kernel: kernel.7.cloned.1.call-start
scs
__scs_entry_jumppad:
0x0: {  	(pc) =	sbr.rel $0x88, $3  }
0x1: {  	(tag) =	ssettag $0x0;
	lr =	simm.s32 $0x1  }
0x2: {  	[smem:$0x3F9B] =	sst lr;
	_ =	strace $0xD0000000  }
0x3: {  	_ = 	snop  }
0x4: {  	_ = 	snop  }
0x5: {  	_ = 	snop  }
0x6: {  	_ = 	snop  }
0x7: {  	_ = 	snop  }
__scs_overlays_trampoline_lowered:
0x8: {  	[smem:$0x3FAA] =	sst s0  }
0x9: {  	[smem:$0x3FAB] =	sst s1  }
0xa: {  	[smem:$0x3FAC] =	sst s2  }
0xb: {  	[smem:$0x3FAD] =	sst s3  }
0xc: {  	[smem:$0x3FAE] =	sst s4  }
0xd: {  	[smem:$0x3FAF] =	sst s5  }
0xe: {  	[smem:$0x3FB0] =	sst s6  }
0xf: {  	[smem:$0x3FB1] =	sst s7  }
0x10: {  	[smem:$0x3FB2] =	sst s8  }
0x11: {  	[smem:$0x3FB3] =	sst s9;
	s0 =	simm.s32 @!p0 $0x0  }
0x12: {  	s1 =	sld [smem:$0x3F99];
	s0 =	simm.s32 @p0 $0x1  }
0x13: {  	[smem:$0x3FB4] =	sst s0;
	s0 =	simm.s32 @!p1 $0x0  }
0x14: {  	s2 =	sld [smem:$0x3F98];
	s0 =	simm.s32 @p1 $0x1  }
0x15: {  	[smem:$0x3FB5] =	sst s0;
	s0 =	simm.s32 @!p2 $0x0  }
0x16: {  	s3 =	sld [smem:$0x3FDB];
	s0 =	simm.s32 @p2 $0x1  }
0x17: {  	s4 =	simm.s32 $0x1BF5;
	[smem:$0x3FB7] =	sst s0  }
0x18: {  	s0 =	sld [smem:$0x3F9A];
	_ =	swait.ge [sflag:s4], $0x0  }
0x19: {  	s7 =	sld [smem:$0x3F9B]  }
0x1a: {  	s8 =	sadd.s32 $0xFFFFE003, lr  }
0x1b: {  	s9 =	sadd.s32 $0xFFFFFEF7, lr;
	s5 =	simm.s32 $0xFFFFFFFF;
	p2 =	slt.u32 s8, $0xFFFFF086  }
0x1c: {  	p1 =	slt.u32 s9, $0xF7A;
	s5 =	simm.s32 @!p2 $0x0  }
0x1d: {  	s5 =	simm.s32 @p1 $0x1;
	p0 =	seq.s32 s7, s2  }
0x1e: {  	s7 =	smul.u32 @!p0 $0xF7A, s2;
	p2 =	seq.s32 @!p0 s5, $0x0  }
0x1f: {  	s9 =	smul.u32 $0xF7A, s1;
	s8 =	simm.s32 @!p0 $0x1BF5;
	p2 =	por !p2, p0  }
0x20: {  	[sflag:s8] =	ssyncset.s32 @!p0 $0xFFFFF086;
	s6 =	sadd.s32 @!p0 s3, s7;
	s7 =	simm.s32 @!p0 $0x108  }
0x21: {  	s3 =	sadd.s32 s3, s9;
	s6 =	sadd.s32 @!p0 $0x88, s6;
	s7 =	simm.s32 @p2 $0x1082  }
0x22: {  	[simem:s7], [sflag:s8] =	dma.local @!p0 [hbm:s6], $0xF7A  }
0x23: {  	s9 =	sor.u32 $0xD0000000, s2;
	s6 =	simm.s32 $0x108;
	_ =	swait.ge @!p0 [sflag:s8], $0x0  }
0x24: {  	s3 =	sadd.s32 $0x88, s3;
	s6 =	simm.s32 @!p1 $0x1082;
	[sflag:s4] =	ssyncset.s32 $0xFFFFF086  }
0x25: {  	[simem:s6], [sflag:s4] =	dma.local [hbm:s3], $0xF7A  }
0x26: {  	[smem:$0x3F9B] =	sst s1;
	(tag) =	ssettag s2;
	_ =	strace s9  }
0x27: {  	s1 =	sld [smem:$0x3FAB]  }
0x28: {  	s2 =	sld [smem:$0x3FAC]  }
0x29: {  	s4 =	sld [smem:$0x3FAE]  }
0x2a: {  	p0 =	seq.s32 s5, $0x0;
	s5 =	sld [smem:$0x3FAF]  }
0x2b: {  	s6 =	sld [smem:$0x3FB0]  }
0x2c: {  	s7 =	sld [smem:$0x3FB1]  }
0x2d: {  	s3 =	simm.s32 $0x108;
	s8 =	sld [smem:$0x3FB2]  }
0x2e: {  	s3 =	simm.s32 @!p0 $0x1082;
	s9 =	sld [smem:$0x3FB3]  }
0x2f: {  	lr =	sadd.s32 s0, s3;
	s0 =	sld [smem:$0x3FAA]  }
0x30: {  	s3 =	sld [smem:$0x3FAD]  }
0x31: {  	[smem:$0x3FB6] =	sst s10  }
0x32: {  	s10 =	sld [smem:$0x3FB4];
	_ =	sdelay $0x3  }
0x33: {  	p0 =	seq.s32 s10, $0x1;
	s10 =	sld [smem:$0x3FB6];
	_ =	sdelay $0x3  }
0x34: {  	[smem:$0x3FB6] =	sst s10  }
0x35: {  	s10 =	sld [smem:$0x3FB5];
	_ =	sdelay $0x3  }
0x36: {  	p1 =	seq.s32 s10, $0x1;
	s10 =	sld [smem:$0x3FB6];
	_ =	sdelay $0x3  }
0x37: {  	[smem:$0x3FB6] =	sst s10  }
0x38: {  	s10 =	sld [smem:$0x3FB7]  }
0x39: {  	_ = 	snop;
	(pc) =	sbr.ind lr, $3  }
0x3a: {  	_ = 	snop  }
0x3b: {  	_ = 	snop  }
0x3c: {  	p2 =	seq.s32 s10, $0x1;
	s10 =	sld [smem:$0x3FB6]  }
0x3d: {  	_ =	shalt  }
0x3e: {  	_ =	shalt  }
0x3f: {  	_ =	shalt  }
0x40: {  	_ =	shalt  }
0x41: {  	_ =	shalt  }
0x42: {  	_ =	shalt  }
0x43: {  	_ =	shalt  }
0x44: {  	_ =	shalt  }
0x45: {  	_ =	shalt  }
0x46: {  	_ =	shalt  }
0x47: {  	_ =	shalt  }
0x48: {  	_ =	shalt  }
0x49: {  	_ =	shalt  }
0x4a: {  	_ =	shalt  }
0x4b: {  	_ =	shalt  }
0x4c: {  	_ =	shalt  }
0x4d: {  	_ =	shalt  }
0x4e: {  	_ =	shalt  }
0x4f: {  	_ =	shalt  }
0x50: {  	_ =	shalt  }
0x51: {  	_ =	shalt  }
0x52: {  	_ =	shalt  }
0x53: {  	_ =	shalt  }
0x54: {  	_ =	shalt  }
0x55: {  	_ =	shalt  }
0x56: {  	_ =	shalt  }
0x57: {  	_ =	shalt  }
0x58: {  	_ =	shalt  }
0x59: {  	_ =	shalt  }
0x5a: {  	_ =	shalt  }
0x5b: {  	_ =	shalt  }
0x5c: {  	_ =	shalt  }
0x5d: {  	_ =	shalt  }
0x5e: {  	_ =	shalt  }
0x5f: {  	_ =	shalt  }
0x60: {  	_ =	shalt  }
0x61: {  	_ =	shalt  }
0x62: {  	_ =	shalt  }
0x63: {  	_ =	shalt  }
0x64: {  	_ =	shalt  }
0x65: {  	_ =	shalt  }
0x66: {  	_ =	shalt  }
0x67: {  	_ =	shalt  }
0x68: {  	_ =	shalt  }
0x69: {  	_ =	shalt  }
0x6a: {  	_ =	shalt  }
0x6b: {  	_ =	shalt  }
0x6c: {  	_ =	shalt  }
0x6d: {  	_ =	shalt  }
0x6e: {  	_ =	shalt  }
0x6f: {  	_ =	shalt  }
0x70: {  	_ =	shalt  }
0x71: {  	_ =	shalt  }
0x72: {  	_ =	shalt  }
0x73: {  	_ =	shalt  }
0x74: {  	_ =	shalt  }
0x75: {  	_ =	shalt  }
0x76: {  	_ =	shalt  }
0x77: {  	_ =	shalt  }
0x78: {  	_ =	shalt  }
0x79: {  	_ =	shalt  }
0x7a: {  	_ =	shalt  }
0x7b: {  	_ =	shalt  }
0x7c: {  	_ =	shalt  }
0x7d: {  	_ =	shalt  }
0x7e: {  	_ =	shalt  }
0x7f: {  	_ =	shalt  }
0x80: {  	_ =	shalt  }
0x81: {  	_ =	shalt  }
0x82: {  	_ =	shalt  }
0x83: {  	_ =	shalt  }
0x84: {  	_ =	shalt  }
0x85: {  	_ =	shalt  }
0x86: {  	_ =	shalt  }
0x87: {  	_ =	shalt  }
.Lfunc_end0:
.L_simem_size_0:
called_computation_lowered:
.L_overlay_start_0:
0x88: {  	s2 =	sld [smem:$0x3FD9]  }
0x89: {  	s3 =	sld [smem:$0x3FFE];
	_ =	sdelay $0x1  }
0x8a: {  	s1 =	srdreg.scid  }
0x8b: {  	s0 =	sand.u32 $0x1, s1  }
0x8c: {  	s17 =	sshll.u32 s0, $0xA;
	s2 =	sadd.s32 s3, s2  }
0x8d: {  	s2 =	sadd.s32 s2, s17  }
0x8e: {  	[smem:$0x3FC2] =	sst s2  }
0x8f: {  	_ = 	snop  }
0x90: {  	s2 =	sld [smem:$0x3FC9]  }
0x91: {  	s18 =	sld [smem:$0x3FD0];
	(tm) =	ssettm $0x1  }
0x92: {  	s4 =	sld [smem:$0x3FFB];
	_ =	sdelay $0x3  }
0x93: {  	_ =	strace s4  }
0x94: {  	s4 =	sld [smem:$0x3FFC];
	_ =	sdelay $0x3  }
0x95: {  	_ =	strace s4  }
0x96: {  	s4 =	sld [smem:$0x3FFD];
	_ =	sdelay $0x3  }
0x97: {  	_ =	strace s4  }
0x98: {  	_ =	strace $0x8FFFFFFF  }
0x99: {  	s19 =	sld [smem:$0x3FDB];
	_ =	sdelay $0x1  }
0x9a: {  	s5 =	simm.s32 $_scs_section_size  }
0x9b: {  	s6 =	simm.s32 $_size__tile_overlayer_lowered;
	s7 =	simm.s32 $_tile_overlayer_lowered  }
0x9c: {  	s22 =	simm.s32 $0x1BFF;
	s21 =	sshll.u32 s7, $0x1;
	s4 =	sadd.s32 s5, s19  }
0x9d: {  	s8 =	simm.s32 $0x0;
	s20 =	sshll.u32 s6, $0x1;
	s6 =	sadd.s32 s21, s4  }
0x9e: {  	[timem:s8], [sflag:s22] =	dma.local [hbm:s6], s20  }
0x9f: {  	_ =	swait.ge [sflag:s22], s20  }
0xa0: {  	s5 =	ssub.s32 $0x0, s20;
	[sflag:s22] =	ssyncset.done $0x0  }
0xa1: {  	[sflag:s22] =	ssyncadd.s32 s5;
	_ =	sdelay $0x1  }
0xa2: {  	s23 =	simm.s32 $0x1B8B  }
0xa3: {  	_ =	swait.ge [sflag:s23], $0x1  }
0xa4: {  	[sflag:s23] =	ssyncset.done $0x0  }
0xa5: {  	s25 =	simm.s32 $0x1B8E;
	s24 =	sld [smem:$0x3FFE];
	[sflag:s23] =	ssyncadd.s32 $0xFFFFFFFF  }
0xa6: {  	s26 =	simm.s32 $execute0_lowered;
	[smem:$0x3FD2] =	sst s25  }
0xa7: {  	s6 =	sshll.u32 s26, $0x1;
	_ =	strace $0x80000046;
	[dreg:$0x1] =	wrdreg $0xFFFFFFFF  }
0xa8: {  	s28 =	simm.s32 $_size_execute0_lowered;
	s4 =	sadd.s32 s4, s6;
	[dreg:$0x0] =	wrdreg $0x0  }
0xa9: {  	s6 =	sshll.u32 s28, $0x1;
	[dreg:$0x2] =	wrdreg s4  }
0xaa: {  	[dreg:$0x3] =	wrdreg s6  }
0xab: {  	[dreg:$0x4] =	wrdreg $0xC0  }
0xac: {  	_ =	task [dreg:s8], $0x5FFFF  }
0xad: {  	[dreg:$0x1] =	wrdreg $0xFFFFFFFF  }
0xae: {  	[dreg:$0x0] =	wrdreg $0x60  }
0xaf: {  	[dreg:$0x2] =	wrdreg s2  }
0xb0: {  	[dreg:$0x3] =	wrdreg s18  }
0xb1: {  	[dreg:$0x4] =	wrdreg s24  }
0xb2: {  	[dreg:$0x5] =	wrdreg $0x9  }
0xb3: {  	_ =	task.clear_ibuf [dreg:s8], $0x6FFFF;
	_ =	strace $0x90000046  }
0xb4: {  	s29 =	simm.s32 $0x9;
	_ =	strace $0x80000048  }
0xb5: {  	_ =	swait.ge [sflag:s29], $0x1  }
0xb6: {  	[sflag:s29] =	ssyncadd.s32 $0xFFFFFFFF  }
0xb7: {  	_ =	strace $0x90000048  }
0xb8: {  	_ =	sfence  }
0xb9: {  	s30 =	sld [smem:$0x0];
	_ =	sdelay $0x2  }
0xba: {  	s31 =	sshll.u32 s1, $0xD;
	s1 =	sshrl.u32 s1, $0x2  }
0xbb: {  	s3 =	sand.u32 $0x4000, s31;
	s1 =	sadd.s32 s1, s30  }
0xbc: {  	s0 =	sor.u32 s3, s0;
	s1 =	sshll.u32 s1, $0x11  }
0xbd: {  	s0 =	sor.u32 s1, s0  }
0xbe: {  	s0 =	sadd.s32 $0x8F2B, s0  }
0xbf: {  	[sflag:s0] =	ssyncadd.remote.s32 $0x1  }
0xc0: {  	_ =	sfence.sel $0xFFFF  }
0xc1: {  	[dreg:$0x0] =	wrdreg $0xFFFFFFFF;
	(pc) =	sbr.abs _section_cstart, $3  }
0xc2: {  	[dreg:$0x1] =	wrdreg $0xFFFFFFFF  }
0xc3: {  	_ =	task.clear_ibuf [dreg:s8], $0x2FFFF;
	_ =	strace $0x9FFFFFFF  }
0xc4: {  	(tm) =	ssettm $0x7FFFFFFF  }
0xc5: {  	_ =	shalt  }
tec
execute0_lowered:
.L_overlay_start_1:
0x0: {  	(tag) =	ssettag $0x1  }
0x1: {  	s0 =	rddreg [dreg:$0x0]  }
0x2: {  	s1 =	rddreg [dreg:$0x1];
	s2 =	srdreg.scid  }
0x3: {  	s4 =	stileid.u32;
	s3 =	rddreg [dreg:$0x2];
	s28 =	simm.s32 $0x6000  }
0x4: {  	s29 =	simm.s32 $0x6800;
	s12 =	simm.s32 $0x7000;
	s13 =	simm.s32 $0x7800  }
0x5: {  	s15 =	simm.s32 $0x8000;
	s30 =	simm.s32 $0x8800;
	s14 =	simm.s32 $0xC000  }
0x6: {  	s16 =	simm.s32 $0xC800;
	s5 =	sand.u32 $0x1, s2;
	s4 =	sshll.u32 s4, $0x1  }
0x7: {  	s2 =	simm.s32 $0x0;
	s17 =	sadd.s32 $0x2A00, s3;
	s18 =	sadd.s32 $0x2E00, s3  }
0x8: {  	s9 =	sadd.s32 $0x2C00, s3;
	s23 =	sadd.s32 $0x2F00, s3;
	[smem:$0x7FF] =	sst s2  }
0x9: {  	s24 =	sadd.s32 $0x3000, s3;
	_ =	strace $0x80000047;
	[dreg:$0x4] =	wrdreg s17  }
0xa: {  	vm1 =	vmmov $0x1;
	v1 =	vimm.s32 $0x0;
	s25 =	sadd.s32 $0x3100, s3;
	s6 =	sor.u32 s5, s4;
	[dreg:$0xb] =	wrdreg s18  }
0xb: {  	v2 =	vlaneseq.u32;
	v1 =	vsel vm1, $0xFFFFFFFF, v1;
	s5 =	ssub.s32 $0x2, s5;
	s4 =	sshll.u32 s6, $0x1;
	[dreg:$0x5] =	wrdreg s9  }
0xc: {  	s8 =	sshll.u32 s6, $0x3;
	s19 =	sshrl.u32 s5, $0x1;
	[dreg:$0xc] =	wrdreg s23;
	[tilespmem:$0x1FF50] =	vst v1;
	v1 =	vmul.u32 $0x2, v2  }
0xd: {  	s20 =	sshll.u32 s6, $0xD;
	s10 =	sshll.u32 s6, $0x4;
	[dreg:$0xd] =	wrdreg s24  }
0xe: {  	[dreg:$0xe] =	wrdreg s25;
	p0 =	sne.s32 s6, $0x0;
	s18 =	simm.s32 $0x2;
	v3 =	vor.u32 $0x1, v1;
	[tilespmem:$0x1FFC0] =	vst v1  }
0xf: {  	s23 =	simm.s32 $0x2800;
	s24 =	simm.s32 $0x3000;
	s25 =	simm.s32 $0x3800;
	[tilespmem:$0x1FF60] =	vst v3;
	v3 =	vor.u32 $0x20, v1  }
0x10: {  	s7 =	sadd.s32 s4, s3;
	s8 =	sadd.s32 s8, s3;
	s5 =	ssub.s32 s5, s19;
	[tilespmem:$0x1FF70] =	vst v3;
	v3 =	vor.u32 $0x21, v1  }
0x11: {  	s0 =	sadd.s32 s0, s20;
	s22 =	sadd.s32 s1, s10;
	s20 =	simm.s32 $0x1000;
	[tilespmem:$0x1FF80] =	vst v3;
	v3 =	vor.u32 $0x40, v1  }
0x12: {  	s19 =	simm.s32 $0xB800;
	s4 =	simm.s32 $0xD000;
	[dreg:$0x6] =	wrdreg s0;
	[tilespmem:$0x1FF90] =	vst v3;
	v3 =	vor.u32 $0x41, v1  }
.Ltmp0:
0x13: {  	s21 =	sadd.s32 $0x2800, s7;
	[dreg:$0x8] =	wrdreg s22;
	[tilespmem:$0x1FFA0] =	vst v3;
	v3 =	vor.u32 $0x60, v1;
	(pc) =	sbr.rel .LBB2_1-.Ltmp0, $4  }
0x14: {  	s26 =	sadd.s32 $0x102E00, s8;
	s31 =	sadd.s32 $0x103000, s8;
	s0 =	smax.u32 s5, $0x1;
	v1 =	vor.u32 $0x61, v1;
	[tilespmem:$0x1FFB0] =	vst v3  }
0x15: {  	s22 =	simm.s32 $0x2000;
	s7 =	simm.s32 $0x4800;
	[dreg:$0x7] =	wrdreg s21;
	[tilespmem:$0x1FFD0] =	vst v1;
	v1 =	vshrl.u32 v2, $0x3;
	v3 =	vand.u32 $0x7, v2  }
0x16: {  	s8 =	simm.s32 $0x5000;
	s5 =	simm.s32 $0xB000;
	[dreg:$0x9] =	wrdreg s26;
	[tilespmem:$0x1FFE0] =	vst v3;
	v11 =	vmul.u32 $0x8, v1;
	v1 =	vor.u32 $0x8, v2  }
0x17: {  	v0 =	vimm.s32 $0x0;
	vm4 =	vmmov $0xffff;
	[dreg:$0xa] =	wrdreg s31;
	s21 =	simm.s32 $0x1800;
	s26 =	simm.s32 $0x5800;
	[tilespmem:$0x1FFF0] =	vst v1  }
.LBB2_3:
0x18: {  	s0 =	rddreg [dreg:$0xf]  }
0x19: {  	s0 =	sadd.s32 $0xFFFFFFFF, s0  }
0x1a: {  	p1 =	sne.s32 s0, $0x0  }
.Ltmp1:
0x1b: {  	_ = 	snop;
	(pc) =	sbr.rel @!p1 .LBB2_4-.Ltmp1, $1  }
0x1c: {  	_ =	sdelay $0x3  }
.LBB2_1:
0x1d: {  	[dreg:$0xf] =	wrdreg s0  }
0x1e: {  	s6 =	rddreg [dreg:$0x6]  }
0x1f: {  	[tilespmem:s2], [sflag:$0x2] =	stream.linear.gather [hbm4b:s6+s2], $0x10000, $0x38;
	[tilespmem:$0x10380] =	vst v63  }
0x20: {  	s10 =	simm.s32 $0x10200;
	s1 =	rddreg [dreg:$0x7];
	s11 =	simm.s32 $0x3  }
0x21: {  	[tilespmem:s10], [sflag:$0x3] =	stream.linear.gather [hbm4b:s1+s2], $0x10, $0x38;
	[tilespmem:$0x10380] =	vst v63  }
0x22: {  	_ =	swait.ge [sflag:s11], $0x10  }
0x23: {  	[sflag:s11] =	ssyncset.done $0x0  }
0x24: {  	s17 =	simm.s32 $0x10000;
	s31 =	rddreg [dreg:$0x8];
	[sflag:s11] =	ssyncadd.s32 $0xFFFFFFF0  }
0x25: {  	[tilespmem:s17], [sflag:$0x3] =	stream.linear.gather [hbm4b:s31+s2], $0x80, $0x38;
	[tilespmem:$0x10380] =	vst v63  }
0x26: {  	_ =	swait.ge [sflag:s11], $0x80  }
0x27: {  	[sflag:s11] =	ssyncset.done $0x0  }
0x28: {  	[sflag:s11] =	ssyncadd.s32 $0xFFFFFF80  }
0x29: {  	v1 =	vld [tilespmem:$0x10000];
	_ =	sdelay $0x4  }
0x2a: {  	v3 =	vimm.s32 $0x0;
	vm1 =	veq.s32 v1, $0x0  }
0x2b: {  	v3 =	vsel vm1, $0xFFFFFFFF, v3  }
0x2c: {  	[tilespmem:$0x1FA50] =	vst v3;
	v3 =	vsel vm1, $0x1, v0  }
0x2d: {  	(xrf0) =	vadd.scan.msk.s32 $0xffff, v3;
	v3 =	vld [tilespmem:$0x1FF50]  }
0x2e: {  	v2 =	vld [tilespmem:$0x10200];
	_ =	sdelay $0x3  }
0x2f: {  	vm2 =	vnez.u8 v3  }
0x30: {  	vm12 =	veq.s32 v1, $0x1;
	v3 =	vnsel vm2, $0x0, v2  }
0x31: {  	(xrf0) =	vadd.scan.msk.s32 $0xffff, v3;
	v3 =	vsel vm12, $0x1, v0  }
0x32: {  	(xrf0) =	vadd.scan.msk.s32 $0xffff, v3;
	_ =	sdelay $0x3  }
0x33: {  	v19, _, _ =	vpop (xrf0)  }
0x34: {  	v3 =	vbroadcast v19, $0xF;
	v12, _, _ =	vpop (xrf0)  }
0x35: {  	v4 =	vimm.s32 $0x0;
	v18, _, _ =	vpop (xrf0)  }
0x36: {  	vm11 =	vcmask $0x308;
	v3 =	vnsel vm2, $0x0, v3;
	v51 =	vbroadcast v18, $0xF  }
0x37: {  	v4 =	vsel vm12, $0xFFFFFFFF, v4;
	vm12 =	vcmask $0x704;
	v2 =	vadd.s32 v2, v3  }
0x38: {  	vm13 =	veq.s32 v1, $0x2;
	[tilespmem:$0x1FA80] =	vst v4;
	v3 =	vsel vm11, $0x0, v2;
	v4 =	vnsel vm12, $0x0, v51  }
0x39: {  	vm10 =	vcmask $0x70C;
	(xrf0) =	vadd.scan.msk.s32 $0xffff, v3;
	v3 =	vsel vm13, $0x1, v0;
	v2 =	vadd.s32 v4, v2  }
0x3a: {  	vm14 =	veq.s32 v1, $0x3;
	(xrf0) =	vadd.scan.msk.s32 $0xffff, v3;
	v3 =	vsel vm10, $0x0, v2  }
0x3b: {  	(xrf0) =	vadd.scan.msk.s32 $0xffff, v3;
	v3 =	vsel vm14, $0x1, v0  }
0x3c: {  	(xrf0) =	vadd.scan.msk.s32 $0xffff, v3;
	_ =	sdelay $0x2  }
0x3d: {  	v28, _, _ =	vpop (xrf0)  }
0x3e: {  	v23, _, _ =	vpop (xrf0)  }
0x3f: {  	v3 =	vbroadcast v23, $0xF;
	v22, _, _ =	vpop (xrf0)  }
0x40: {  	v52 =	vimm.s32 $0x0;
	vm9 =	vcmask $0xB08;
	v21, _, _ =	vpop (xrf0)  }
0x41: {  	vm7 =	vcmask $0xB10;
	v3 =	vnsel vm9, $0x0, v3;
	v53 =	vbroadcast v21, $0xF  }
0x42: {  	vm8 =	vcmask $0xF0C;
	v4 =	vsel vm14, $0xFFFFFFFF, v52;
	v2 =	vadd.s32 v3, v2  }
0x43: {  	vm15 =	veq.s32 v1, $0x4;
	[tilespmem:$0x1FAB0] =	vst v4;
	v3 =	vsel vm7, $0x0, v2;
	v4 =	vnsel vm8, $0x0, v53  }
0x44: {  	vm6 =	vcmask $0xF14;
	(xrf0) =	vadd.scan.msk.s32 $0xffff, v3;
	v3 =	vsel vm15, $0x1, v0;
	v2 =	vadd.s32 v4, v2  }
0x45: {  	v5 =	vimm.s32 $0x0;
	(xrf0) =	vadd.scan.msk.s32 $0xffff, v3;
	v3 =	vsel vm6, $0x0, v2  }
0x46: {  	v5 =	vsel vm13, $0xFFFFFFFF, v5;
	vm13 =	veq.s32 v1, $0x5;
	(xrf0) =	vadd.scan.msk.s32 $0xffff, v3  }
0x47: {  	v3 =	vsel vm13, $0x1, v0  }
0x48: {  	(xrf0) =	vadd.scan.msk.s32 $0xffff, v3;
	_ =	sdelay $0x1  }
0x49: {  	v3, _, _ =	vpop (xrf0)  }
0x4a: {  	v26, _, _ =	vpop (xrf0)  }
0x4b: {  	[tilespmem:$0x1FA60] =	vst v3;
	v3, _, _ =	vpop (xrf0)  }
0x4c: {  	v54 =	vimm.s32 $0x0;
	[tilespmem:$0x1FAA0] =	vst v3;
	v3 =	vbroadcast v26, $0xF  }
0x4d: {  	v55 =	vimm.s32 $0x0;
	vm5 =	vcmask $0x1310;
	vm3 =	vcmask $0x1318;
	v17, _, _ =	vpop (xrf0)  }
0x4e: {  	vm0 =	vcmask $0x1714;
	v56 =	vbroadcast v17, $0xF;
	v3 =	vnsel vm5, $0x0, v3  }
0x4f: {  	[tilespmem:$0x1FA90] =	vst v5;
	v5 =	vsel vm15, $0xFFFFFFFF, v54;
	v4 =	vsel vm13, $0xFFFFFFFF, v55;
	v2 =	vadd.s32 v3, v2  }
0x50: {  	vm14 =	veq.s32 v1, $0x6;
	[tilespmem:$0x1FB40] =	vst v4;
	v4 =	vnsel vm0, $0x0, v56;
	v3 =	vsel vm3, $0x0, v2  }
0x51: {  	vm13 =	vcmask $0x171C;
	v2 =	vadd.s32 v4, v2;
	(xrf0) =	vadd.scan.msk.s32 $0xffff, v3;
	v3 =	vsel vm14, $0x1, v0  }
0x52: {  	vm15 =	veq.s32 v1, $0x7;
	v1 =	vimm.s32 $0x0;
	(xrf0) =	vadd.scan.msk.s32 $0xffff, v3;
	v3 =	vsel vm13, $0x0, v2  }
0x53: {  	v1 =	vsel vm15, $0xFFFFFFFF, v1;
	(xrf0) =	vadd.scan.msk.s32 $0xffff, v3  }
0x54: {  	[tilespmem:$0x1FC60] =	vst v1;
	v1 =	vsel vm15, $0x1, v0  }
0x55: {  	(xrf0) =	vadd.scan.msk.s32 $0xffff, v1;
	_ =	sdelay $0x1  }
0x56: {  	v1, _, _ =	vpop (xrf0)  }
0x57: {  	v20, _, _ =	vpop (xrf0)  }
0x58: {  	[tilespmem:$0x1FAE0] =	vst v1;
	v1 =	vld [tilespmem:$0x10010];
	v3, _, _ =	vpop (xrf0)  }
0x59: {  	v57 =	vimm.s32 $0x0;
	[tilespmem:$0x1FB20] =	vst v3;
	v3 =	vbroadcast v20, $0xF  }
0x5a: {  	v59 =	vimm.s32 $0x0;
	[tilespmem:$0x1FB00] =	vst v5;
	v5 =	vsel vm14, $0xFFFFFFFF, v57;
	vm14 =	vcmask $0x1B18;
	v24, _, _ =	vpop (xrf0)  }
0x5b: {  	v60 =	vimm.s32 $0x0;
	v58 =	vbroadcast v24, $0xF;
	v3 =	vnsel vm14, $0x0, v3  }
0x5c: {  	vm1 =	vcmask $0x1B20;
	vm15 =	vcmask $0x1F1C;
	v2 =	vadd.s32 v3, v2  }
0x5d: {  	[tilespmem:$0x1FB80] =	vst v5;
	v4 =	vnsel vm15, $0x0, v58;
	vm14 =	veq.s32 v1, $0x0;
	v3 =	vsel vm1, $0x0, v2  }
0x5e: {  	v5 =	vsel vm14, $0xFFFFFFFF, v59;
	(xrf0) =	vadd.scan.msk.s32 $0xffff, v3;
	v3 =	vsel vm14, $0x1, v0;
	vm14 =	veq.s32 v1, $0x1  }
0x5f: {  	v2 =	vadd.s32 v4, v2;
	[tilespmem:$0x1FAC0] =	vst v5;
	v4 =	vsel vm14, $0xFFFFFFFF, v60  }
0x60: {  	(xrf0) =	vadd.scan.msk.s32 $0xffff, v3;
	v3 =	vnsel vm2, $0x0, v2;
	[tilespmem:$0x1FB10] =	vst v4  }
0x61: {  	(xrf0) =	vadd.scan.msk.s32 $0xffff, v3  }
0x62: {  	v3 =	vsel vm14, $0x1, v0  }
0x63: {  	(xrf0) =	vadd.scan.msk.s32 $0xffff, v3;
	_ =	sdelay $0x1  }
0x64: {  	v3, _, _ =	vpop (xrf0)  }
0x65: {  	v46, _, _ =	vpop (xrf0)  }
0x66: {  	[tilespmem:$0x1FC00] =	vst v3;
	v3, _, _ =	vpop (xrf0)  }
0x67: {  	[tilespmem:$0x1FA70] =	vst v3;
	v3 =	vbroadcast v46, $0xF  }
0x68: {  	v40, _, _ =	vpop (xrf0)  }
0x69: {  	v61 =	vbroadcast v40, $0xF;
	v3 =	vnsel vm2, $0x0, v3  }
0x6a: {  	v2 =	vadd.s32 v3, v2  }
0x6b: {  	vm14 =	veq.s32 v1, $0x2;
	v4 =	vnsel vm12, $0x0, v61;
	v3 =	vsel vm11, $0x0, v2  }
0x6c: {  	v2 =	vadd.s32 v4, v2;
	(xrf0) =	vadd.scan.msk.s32 $0xffff, v3;
	v3 =	vsel vm14, $0x1, v0  }
0x6d: {  	v62 =	vimm.s32 $0x0;
	(xrf0) =	vadd.scan.msk.s32 $0xffff, v3;
	v3 =	vsel vm10, $0x0, v2  }
0x6e: {  	v5 =	vsel vm14, $0xFFFFFFFF, v62;
	vm14 =	veq.s32 v1, $0x3;
	(xrf0) =	vadd.scan.msk.s32 $0xffff, v3  }
0x6f: {  	v3 =	vsel vm14, $0x1, v0  }
0x70: {  	(xrf0) =	vadd.scan.msk.s32 $0xffff, v3;
	_ =	sdelay $0x1  }
0x71: {  	v3, _, _ =	vpop (xrf0)  }
0x72: {  	v39, _, _ =	vpop (xrf0)  }
0x73: {  	[tilespmem:$0x1FAD0] =	vst v3;
	v3, _, _ =	vpop (xrf0)  }
0x74: {  	[tilespmem:$0x1FAF0] =	vst v3;
	v3 =	vbroadcast v39, $0xF  }
0x75: {  	v37, _, _ =	vpop (xrf0)  }
0x76: {  	v63 =	vimm.s32 $0x0;
	v13 =	vbroadcast v37, $0xF;
	v3 =	vnsel vm9, $0x0, v3  }
0x77: {  	v4 =	vsel vm14, $0xFFFFFFFF, v63;
	v2 =	vadd.s32 v3, v2  }
0x78: {  	[tilespmem:$0x1FB90] =	vst v4;
	vm14 =	veq.s32 v1, $0x4;
	v4 =	vnsel vm8, $0x0, v13;
	v3 =	vsel vm7, $0x0, v2  }
0x79: {  	v2 =	vadd.s32 v4, v2;
	(xrf0) =	vadd.scan.msk.s32 $0xffff, v3;
	v3 =	vsel vm14, $0x1, v0  }
0x7a: {  	v14 =	vimm.s32 $0x0;
	(xrf0) =	vadd.scan.msk.s32 $0xffff, v3;
	v3 =	vsel vm6, $0x0, v2  }
0x7b: {  	[tilespmem:$0x1FB50] =	vst v5;
	v5 =	vsel vm14, $0xFFFFFFFF, v14;
	vm14 =	veq.s32 v1, $0x5;
	(xrf0) =	vadd.scan.msk.s32 $0xffff, v3  }
0x7c: {  	v3 =	vsel vm14, $0x1, v0  }
0x7d: {  	(xrf0) =	vadd.scan.msk.s32 $0xffff, v3;
	_ =	sdelay $0x1  }
0x7e: {  	v3, _, _ =	vpop (xrf0)  }
0x7f: {  	v38, _, _ =	vpop (xrf0)  }
0x80: {  	[tilespmem:$0x1FB30] =	vst v3;
	v3, _, _ =	vpop (xrf0)  }
0x81: {  	[tilespmem:$0x1FB70] =	vst v3;
	v3 =	vbroadcast v38, $0xF  }
0x82: {  	v15 =	vimm.s32 $0x0;
	v31, _, _ =	vpop (xrf0)  }
0x83: {  	v25 =	vimm.s32 $0x0;
	v16 =	vbroadcast v31, $0xF;
	v3 =	vnsel vm5, $0x0, v3  }
0x84: {  	[tilespmem:$0x1FBE0] =	vst v5;
	v4 =	vsel vm14, $0xFFFFFFFF, v15;
	vm14 =	veq.s32 v1, $0x6;
	v2 =	vadd.s32 v3, v2  }
0x85: {  	[tilespmem:$0x1FC30] =	vst v4;
	v5 =	vsel vm14, $0xFFFFFFFF, v25;
	v4 =	vnsel vm0, $0x0, v16;
	v3 =	vsel vm3, $0x0, v2  }
0x86: {  	v2 =	vadd.s32 v4, v2;
	(xrf0) =	vadd.scan.msk.s32 $0xffff, v3;
	v3 =	vsel vm14, $0x1, v0;
	vm14 =	vmmov vm13  }
0x87: {  	(xrf0) =	vadd.scan.msk.s32 $0xffff, v3;
	v3 =	vsel vm13, $0x0, v2;
	vm13 =	veq.s32 v1, $0x7;
	v1 =	vimm.s32 $0x0  }
0x88: {  	v1 =	vsel vm13, $0xFFFFFFFF, v1;
	(xrf0) =	vadd.scan.msk.s32 $0xffff, v3  }
0x89: {  	[tilespmem:$0x1FDB0] =	vst v1;
	v1 =	vsel vm13, $0x1, v0  }
0x8a: {  	(xrf0) =	vadd.scan.msk.s32 $0xffff, v1;
	_ =	sdelay $0x1  }
0x8b: {  	v1, _, _ =	vpop (xrf0)  }
0x8c: {  	v32, _, _ =	vpop (xrf0)  }
0x8d: {  	[tilespmem:$0x1FBB0] =	vst v1;
	v1 =	vld [tilespmem:$0x10020];
	v3, _, _ =	vpop (xrf0)  }
0x8e: {  	[tilespmem:$0x1FC10] =	vst v3;
	v3 =	vbroadcast v32, $0xF  }
0x8f: {  	vm13 =	vcmask $0x1B18;
	v16, _, _ =	vpop (xrf0)  }
0x90: {  	v3 =	vnsel vm13, $0x0, v3;
	v27 =	vbroadcast v16, $0xF  }
0x91: {  	v2 =	vadd.s32 v3, v2  }
0x92: {  	v3 =	vsel vm1, $0x0, v2;
	v4 =	vnsel vm15, $0x0, v27;
	vm15 =	veq.s32 v1, $0x0  }
0x93: {  	(xrf0) =	vadd.scan.msk.s32 $0xffff, v3;
	v2 =	vadd.s32 v4, v2;
	v3 =	vsel vm15, $0x1, v0  }
0x94: {  	v29 =	vimm.s32 $0x0;
	(xrf0) =	vadd.scan.msk.s32 $0xffff, v3;
	v3 =	vnsel vm2, $0x0, v2  }
0x95: {  	[tilespmem:$0x1FC70] =	vst v5;
	v5 =	vsel vm15, $0xFFFFFFFF, v29;
	vm15 =	veq.s32 v1, $0x1;
	(xrf0) =	vadd.scan.msk.s32 $0xffff, v3  }
0x96: {  	v3 =	vsel vm15, $0x1, v0  }
0x97: {  	(xrf0) =	vadd.scan.msk.s32 $0xffff, v3;
	_ =	sdelay $0x1  }
0x98: {  	v3, _, _ =	vpop (xrf0)  }
0x99: {  	v58, _, _ =	vpop (xrf0)  }
0x9a: {  	[tilespmem:$0x1FD50] =	vst v3;
	v3, _, _ =	vpop (xrf0)  }
0x9b: {  	[tilespmem:$0x1FB60] =	vst v3;
	v3 =	vbroadcast v58, $0xF  }
0x9c: {  	v51, _, _ =	vpop (xrf0)  }
0x9d: {  	v30 =	vimm.s32 $0x0;
	v33 =	vbroadcast v51, $0xF;
	v3 =	vnsel vm2, $0x0, v3  }
0x9e: {  	v4 =	vsel vm15, $0xFFFFFFFF, v30;
	v2 =	vadd.s32 v3, v2  }
0x9f: {  	[tilespmem:$0x1FBF0] =	vst v4;
	vm15 =	veq.s32 v1, $0x2;
	v4 =	vnsel vm12, $0x0, v33;
	v3 =	vsel vm11, $0x0, v2  }
0xa0: {  	v2 =	vadd.s32 v4, v2;
	(xrf0) =	vadd.scan.msk.s32 $0xffff, v3;
	v3 =	vsel vm15, $0x1, v0  }
0xa1: {  	v34 =	vimm.s32 $0x0;
	(xrf0) =	vadd.scan.msk.s32 $0xffff, v3;
	v3 =	vsel vm10, $0x0, v2  }
0xa2: {  	[tilespmem:$0x1FBA0] =	vst v5;
	v5 =	vsel vm15, $0xFFFFFFFF, v34;
	vm15 =	veq.s32 v1, $0x3;
	(xrf0) =	vadd.scan.msk.s32 $0xffff, v3  }
0xa3: {  	v3 =	vsel vm15, $0x1, v0  }
0xa4: {  	(xrf0) =	vadd.scan.msk.s32 $0xffff, v3;
	_ =	sdelay $0x1  }
0xa5: {  	v3, _, _ =	vpop (xrf0)  }
0xa6: {  	v54, _, _ =	vpop (xrf0)  }
0xa7: {  	[tilespmem:$0x1FBC0] =	vst v3;
	v3, _, _ =	vpop (xrf0)  }
0xa8: {  	[tilespmem:$0x1FBD0] =	vst v3;
	v3 =	vbroadcast v54, $0xF  }
0xa9: {  	v48, _, _ =	vpop (xrf0)  }
0xaa: {  	v35 =	vimm.s32 $0x0;
	v36 =	vbroadcast v48, $0xF;
	v3 =	vnsel vm9, $0x0, v3  }
0xab: {  	v4 =	vsel vm15, $0xFFFFFFFF, v35;
	v2 =	vadd.s32 v3, v2  }
0xac: {  	[tilespmem:$0x1FC80] =	vst v4;
	vm15 =	veq.s32 v1, $0x4;
	v4 =	vnsel vm8, $0x0, v36;
	v3 =	vsel vm7, $0x0, v2  }
0xad: {  	v2 =	vadd.s32 v4, v2;
	(xrf0) =	vadd.scan.msk.s32 $0xffff, v3;
	v3 =	vsel vm15, $0x1, v0  }
0xae: {  	v41 =	vimm.s32 $0x0;
	(xrf0) =	vadd.scan.msk.s32 $0xffff, v3;
	v3 =	vsel vm6, $0x0, v2  }
0xaf: {  	[tilespmem:$0x1FC40] =	vst v5;
	v5 =	vsel vm15, $0xFFFFFFFF, v41;
	vm15 =	veq.s32 v1, $0x5;
	(xrf0) =	vadd.scan.msk.s32 $0xffff, v3  }
0xb0: {  	v3 =	vsel vm15, $0x1, v0  }
0xb1: {  	(xrf0) =	vadd.scan.msk.s32 $0xffff, v3;
	_ =	sdelay $0x1  }
0xb2: {  	v3, _, _ =	vpop (xrf0)  }
0xb3: {  	v53, _, _ =	vpop (xrf0)  }
0xb4: {  	[tilespmem:$0x1FC20] =	vst v3;
	v3, _, _ =	vpop (xrf0)  }
0xb5: {  	[tilespmem:$0x1FC50] =	vst v3;
	v3 =	vbroadcast v53, $0xF  }
0xb6: {  	v45, _, _ =	vpop (xrf0)  }
0xb7: {  	v42 =	vimm.s32 $0x0;
	v43 =	vbroadcast v45, $0xF;
	v3 =	vnsel vm5, $0x0, v3  }
0xb8: {  	v44 =	vimm.s32 $0x0;
	[tilespmem:$0x1FC90] =	vst v5;
	v4 =	vsel vm15, $0xFFFFFFFF, v42;
	v2 =	vadd.s32 v3, v2  }
0xb9: {  	[tilespmem:$0x1FCE0] =	vst v4;
	v4 =	vnsel vm0, $0x0, v43;
	vm0 =	veq.s32 v1, $0x6;
	v3 =	vsel vm3, $0x0, v2  }
0xba: {  	v5 =	vsel vm0, $0xFFFFFFFF, v44;
	v2 =	vadd.s32 v4, v2;
	(xrf0) =	vadd.scan.msk.s32 $0xffff, v3;
	v3 =	vsel vm0, $0x1, v0  }
0xbb: {  	vm0 =	veq.s32 v1, $0x7;
	v1 =	vimm.s32 $0x0;
	(xrf0) =	vadd.scan.msk.s32 $0xffff, v3;
	v3 =	vsel vm14, $0x0, v2  }
0xbc: {  	v1 =	vsel vm0, $0xFFFFFFFF, v1;
	(xrf0) =	vadd.scan.msk.s32 $0xffff, v3  }
0xbd: {  	[tilespmem:$0x1FDC0] =	vst v1;
	v1 =	vsel vm0, $0x1, v0  }
0xbe: {  	(xrf0) =	vadd.scan.msk.s32 $0xffff, v1;
	_ =	sdelay $0x1  }
0xbf: {  	v1, _, _ =	vpop (xrf0)  }
0xc0: {  	v49, _, _ =	vpop (xrf0)  }
0xc1: {  	[tilespmem:$0x1FCA0] =	vst v1;
	v1 =	vld [tilespmem:$0x10030];
	v3, _, _ =	vpop (xrf0)  }
0xc2: {  	[tilespmem:$0x1FCC0] =	vst v3;
	v3 =	vbroadcast v49, $0xF  }
0xc3: {  	v33, _, _ =	vpop (xrf0)  }
0xc4: {  	v47 =	vbroadcast v33, $0xF;
	v3 =	vnsel vm13, $0x0, v3  }
0xc5: {  	vm0 =	vcmask $0x1F1C;
	v2 =	vadd.s32 v3, v2  }
0xc6: {  	v4 =	vnsel vm0, $0x0, v47;
	v3 =	vsel vm1, $0x0, v2;
	vm1 =	veq.s32 v1, $0x0  }
0xc7: {  	v2 =	vadd.s32 v4, v2;
	(xrf0) =	vadd.scan.msk.s32 $0xffff, v3;
	v3 =	vsel vm1, $0x1, v0  }
0xc8: {  	v50 =	vimm.s32 $0x0;
	(xrf0) =	vadd.scan.msk.s32 $0xffff, v3;
	v3 =	vnsel vm2, $0x0, v2  }
0xc9: {  	[tilespmem:$0x1FD10] =	vst v5;
	v5 =	vsel vm1, $0xFFFFFFFF, v50;
	vm1 =	veq.s32 v1, $0x1;
	(xrf0) =	vadd.scan.msk.s32 $0xffff, v3  }
0xca: {  	v3 =	vsel vm1, $0x1, v0  }
0xcb: {  	(xrf0) =	vadd.scan.msk.s32 $0xffff, v3;
	_ =	sdelay $0x1  }
0xcc: {  	v3, _, _ =	vpop (xrf0)  }
0xcd: {  	v63, _, _ =	vpop (xrf0)  }
0xce: {  	[tilespmem:$0x1FD60] =	vst v3;
	v3, _, _ =	vpop (xrf0)  }
0xcf: {  	[tilespmem:$0x1FCB0] =	vst v3;
	v3 =	vbroadcast v63, $0xF  }
0xd0: {  	v60, _, _ =	vpop (xrf0)  }
0xd1: {  	v52 =	vimm.s32 $0x0;
	v55 =	vbroadcast v60, $0xF;
	v3 =	vnsel vm2, $0x0, v3  }
0xd2: {  	v4 =	vsel vm1, $0xFFFFFFFF, v52;
	v2 =	vadd.s32 v3, v2  }
0xd3: {  	[tilespmem:$0x1FD20] =	vst v4;
	vm1 =	veq.s32 v1, $0x2;
	v4 =	vnsel vm12, $0x0, v55;
	v3 =	vsel vm11, $0x0, v2  }
0xd4: {  	v2 =	vadd.s32 v4, v2;
	(xrf0) =	vadd.scan.msk.s32 $0xffff, v3;
	v3 =	vsel vm1, $0x1, v0  }
0xd5: {  	v56 =	vimm.s32 $0x0;
	(xrf0) =	vadd.scan.msk.s32 $0xffff, v3;
	v3 =	vsel vm10, $0x0, v2  }
0xd6: {  	[tilespmem:$0x1FCF0] =	vst v5;
	v5 =	vsel vm1, $0xFFFFFFFF, v56;
	vm1 =	veq.s32 v1, $0x3;
	(xrf0) =	vadd.scan.msk.s32 $0xffff, v3  }
0xd7: {  	v3 =	vsel vm1, $0x1, v0  }
0xd8: {  	(xrf0) =	vadd.scan.msk.s32 $0xffff, v3;
	_ =	sdelay $0x1  }
0xd9: {  	v3, _, _ =	vpop (xrf0)  }
0xda: {  	v8, _, _ =	vpop (xrf0)  }
0xdb: {  	[tilespmem:$0x1FCD0] =	vst v3;
	v3, _, _ =	vpop (xrf0)  }
0xdc: {  	[tilespmem:$0x1FD00] =	vst v3;
	v3 =	vbroadcast v8, $0xF  }
0xdd: {  	[tilespmem:$0x1FD30] =	vst v5;
	v5, _, _ =	vpop (xrf0)  }
0xde: {  	v57 =	vimm.s32 $0x0;
	v59 =	vbroadcast v5, $0xF;
	v3 =	vnsel vm9, $0x0, v3  }
0xdf: {  	v4 =	vsel vm1, $0xFFFFFFFF, v57;
	v2 =	vadd.s32 v3, v2  }
0xe0: {  	[tilespmem:$0x1FD40] =	vst v4;
	vm1 =	veq.s32 v1, $0x4;
	v4 =	vnsel vm8, $0x0, v59;
	v3 =	vsel vm7, $0x0, v2  }
0xe1: {  	v6 =	vimm.s32 $0x0;
	v2 =	vadd.s32 v4, v2;
	(xrf0) =	vadd.scan.msk.s32 $0xffff, v3;
	v3 =	vsel vm1, $0x1, v0  }
0xe2: {  	v6 =	vsel vm1, $0xFFFFFFFF, v6;
	vm1 =	veq.s32 v1, $0x5;
	(xrf0) =	vadd.scan.msk.s32 $0xffff, v3;
	v3 =	vsel vm6, $0x0, v2  }
0xe3: {  	(xrf0) =	vadd.scan.msk.s32 $0xffff, v3;
	v3 =	vsel vm1, $0x1, v0  }
0xe4: {  	(xrf0) =	vadd.scan.msk.s32 $0xffff, v3;
	_ =	sdelay $0x2  }
0xe5: {  	v30, _, _ =	vpop (xrf0)  }
0xe6: {  	v25, _, _ =	vpop (xrf0)  }
0xe7: {  	v36, _, _ =	vpop (xrf0)  }
0xe8: {  	v61 =	vimm.s32 $0x0;
	v3 =	vbroadcast v25, $0xF;
	v57, _, _ =	vpop (xrf0)  }
0xe9: {  	v13 =	vimm.s32 $0x0;
	vm15 =	vmmov vm13;
	v62 =	vbroadcast v57, $0xF  }
0xea: {  	v4 =	vsel vm1, $0xFFFFFFFF, v61;
	vm1 =	vcmask $0x1714;
	v3 =	vnsel vm5, $0x0, v3  }
0xeb: {  	vm13 =	veq.s32 v1, $0x6;
	[tilespmem:$0x1FDD0] =	vst v4;
	v2 =	vadd.s32 v3, v2;
	v4 =	vnsel vm1, $0x0, v62  }
0xec: {  	[tilespmem:$0x1FD80] =	vst v6;
	v6 =	vsel vm13, $0xFFFFFFFF, v13;
	v3 =	vsel vm3, $0x0, v2;
	v2 =	vadd.s32 v4, v2  }
0xed: {  	(xrf0) =	vadd.scan.msk.s32 $0xffff, v3;
	v3 =	vsel vm13, $0x1, v0;
	vm13 =	veq.s32 v1, $0x7;
	v1 =	vimm.s32 $0x0  }
0xee: {  	(xrf0) =	vadd.scan.msk.s32 $0xffff, v3;
	v3 =	vsel vm14, $0x0, v2;
	v1 =	vsel vm13, $0xFFFFFFFF, v1  }
0xef: {  	[tilespmem:$0x1FF10] =	vst v1;
	(xrf0) =	vadd.scan.msk.s32 $0xffff, v3;
	v1 =	vsel vm13, $0x1, v0  }
0xf0: {  	(xrf0) =	vadd.scan.msk.s32 $0xffff, v1;
	_ =	sdelay $0x2  }
0xf1: {  	v1, _, _ =	vpop (xrf0)  }
0xf2: {  	v4, _, _ =	vpop (xrf0)  }
0xf3: {  	v3 =	vld [tilespmem:$0x10040];
	[tilespmem:$0x1FD70] =	vst v1;
	v1, _, _ =	vpop (xrf0)  }
0xf4: {  	[tilespmem:$0x1FD90] =	vst v1;
	v1 =	vbroadcast v4, $0xF;
	v14, _, _ =	vpop (xrf0)  }
0xf5: {  	[tilespmem:$0x1FDE0] =	vst v6;
	v6 =	vbroadcast v14, $0xF  }
0xf6: {  	vm13 =	vmmov vm0;
	v1 =	vnsel vm15, $0x0, v1  }
0xf7: {  	v1 =	vadd.s32 v1, v2;
	v2 =	vnsel vm0, $0x0, v6;
	vm0 =	vcmask $0x1B20  }
0xf8: {  	v15 =	vsel vm0, $0x0, v1;
	vm0 =	veq.s32 v3, $0x0  }
0xf9: {  	v1 =	vadd.s32 v2, v1;
	(xrf0) =	vadd.scan.msk.s32 $0xffff, v15;
	v2 =	vsel vm0, $0x1, v0  }
0xfa: {  	v7 =	vimm.s32 $0x0;
	(xrf0) =	vadd.scan.msk.s32 $0xffff, v2;
	v2 =	vnsel vm2, $0x0, v1  }
0xfb: {  	v7 =	vsel vm0, $0xFFFFFFFF, v7;
	vm0 =	veq.s32 v3, $0x1;
	(xrf0) =	vadd.scan.msk.s32 $0xffff, v2  }
0xfc: {  	v2 =	vsel vm0, $0x1, v0  }
0xfd: {  	v27 =	vimm.s32 $0x0;
	(xrf0) =	vadd.scan.msk.s32 $0xffff, v2;
	_ =	sdelay $0x1  }
0xfe: {  	v2, _, _ =	vpop (xrf0)  }
0xff: {  	v6 =	vsel vm0, $0xFFFFFFFF, v27;
	v27, _, _ =	vpop (xrf0)  }
0x100: {  	[tilespmem:$0x1FEC0] =	vst v2;
	v2, _, _ =	vpop (xrf0)  }
0x101: {  	[tilespmem:$0x1FDA0] =	vst v2;
	v2 =	vbroadcast v27, $0xF  }
0x102: {  	v10, _, _ =	vpop (xrf0)  }
0x103: {  	v29 =	vbroadcast v10, $0xF;
	v2 =	vnsel vm2, $0x0, v2  }
0x104: {  	v1 =	vadd.s32 v2, v1  }
0x105: {  	v2 =	vnsel vm12, $0x0, v29;
	vm12 =	veq.s32 v3, $0x2;
	v34 =	vsel vm11, $0x0, v1  }
0x106: {  	v1 =	vadd.s32 v2, v1;
	v2 =	vsel vm12, $0x1, v0;
	(xrf0) =	vadd.scan.msk.s32 $0xffff, v34  }
0x107: {  	vm0 =	veq.s32 v3, $0x3;
	(xrf0) =	vadd.scan.msk.s32 $0xffff, v2;
	v2 =	vsel vm10, $0x0, v1  }
0x108: {  	(xrf0) =	vadd.scan.msk.s32 $0xffff, v2;
	v2 =	vsel vm0, $0x1, v0  }
0x109: {  	(xrf0) =	vadd.scan.msk.s32 $0xffff, v2  }
0x10a: {  	v35 =	vimm.s32 $0x0;
	_ =	sdelay $0x1  }
0x10b: {  	v13, _, _ =	vpop (xrf0)  }
0x10c: {  	[tilespmem:$0x1FDF0] =	vst v7;
	v7 =	vsel vm12, $0xFFFFFFFF, v35;
	v35, _, _ =	vpop (xrf0)  }
0x10d: {  	v15, _, _ =	vpop (xrf0);
	v2 =	vbroadcast v35, $0xF  }
0x10e: {  	v9, _, _ =	vpop (xrf0)  }
0x10f: {  	v2 =	vnsel vm9, $0x0, v2;
	v42 =	vbroadcast v9, $0xF  }
0x110: {  	v44 =	vimm.s32 $0x0;
	vm12 =	vmmov vm7;
	v1 =	vadd.s32 v2, v1  }
0x111: {  	[tilespmem:$0x1FE10] =	vst v7;
	v2 =	vnsel vm8, $0x0, v42;
	v43 =	vsel vm7, $0x0, v1;
	vm7 =	veq.s32 v3, $0x4  }
0x112: {  	v7 =	vsel vm7, $0xFFFFFFFF, v44;
	(xrf0) =	vadd.scan.msk.s32 $0xffff, v43;
	v47 =	vadd.s32 v2, v1;
	v1 =	vsel vm7, $0x1, v0  }
0x113: {  	vm7 =	vmmov vm6;
	(xrf0) =	vadd.scan.msk.s32 $0xffff, v1;
	v1 =	vsel vm6, $0x0, v47;
	vm6 =	veq.s32 v3, $0x5  }
0x114: {  	(xrf0) =	vadd.scan.msk.s32 $0xffff, v1;
	v1 =	vsel vm6, $0x1, v0  }
0x115: {  	(xrf0) =	vadd.scan.msk.s32 $0xffff, v1  }
0x116: {  	v2 =	vimm.s32 $0x0  }
0x117: {  	[tilespmem:$0x1FF00] =	vst v14;
	v2 =	vsel vm6, $0xFFFFFFFF, v2  }
0x118: {  	[tilespmem:$0x1FE00] =	vst v6;
	v1, _, _ =	vpop (xrf0)  }
0x119: {  	[tilespmem:$0x1FE20] =	vst v1;
	v1, _, _ =	vpop (xrf0)  }
0x11a: {  	v41 =	vimm.s32 $0x0;
	[tilespmem:$0x1FEA0] =	vst v2;
	v2, _, _ =	vpop (xrf0);
	v50 =	vbroadcast v1, $0xF  }
0x11b: {  	v6 =	vsel vm0, $0xFFFFFFFF, v41;
	v29 =	vimm.s32 $0x0;
	[tilespmem:$0x1FE40] =	vst v2;
	v2, _, _ =	vpop (xrf0)  }
0x11c: {  	[tilespmem:$0x1FE70] =	vst v7;
	vm6 =	veq.s32 v3, $0x6;
	v7 =	vnsel vm5, $0x0, v50;
	v14 =	vbroadcast v2, $0xF  }
0x11d: {  	[tilespmem:$0x1FE50] =	vst v6;
	v29 =	vsel vm6, $0xFFFFFFFF, v29;
	v6 =	vadd.s32 v7, v47  }
0x11e: {  	v56 =	vsel vm6, $0x1, v0;
	v52 =	vnsel vm1, $0x0, v14;
	v55 =	vsel vm3, $0x0, v6  }
0x11f: {  	vm6 =	veq.s32 v3, $0x7;
	v3 =	vimm.s32 $0x0;
	(xrf0) =	vadd.scan.msk.s32 $0xffff, v55;
	v6 =	vadd.s32 v52, v6  }
0x120: {  	v3 =	vsel vm6, $0xFFFFFFFF, v3;
	(xrf0) =	vadd.scan.msk.s32 $0xffff, v56;
	v59 =	vsel vm14, $0x0, v6  }
0x121: {  	[tilespmem:$0x1FF20] =	vst v3;
	v3 =	vsel vm6, $0x1, v0;
	(xrf0) =	vadd.scan.msk.s32 $0xffff, v59  }
0x122: {  	(xrf0) =	vadd.scan.msk.s32 $0xffff, v3;
	_ =	sdelay $0x2  }
0x123: {  	v14, _, _ =	vpop (xrf0)  }
0x124: {  	v42 =	vld [tilespmem:$0x10050];
	v3, _, _ =	vpop (xrf0)  }
0x125: {  	v7, _, _ =	vpop (xrf0);
	v61 =	vbroadcast v3, $0xF  }
0x126: {  	v56, _, _ =	vpop (xrf0)  }
0x127: {  	[tilespmem:$0x1FE90] =	vst v7;
	v7 =	vnsel vm15, $0x0, v61;
	v43 =	vbroadcast v56, $0xF  }
0x128: {  	vm9 =	vmmov vm13;
	vm6 =	vcmask $0x1B20;
	v6 =	vadd.s32 v7, v6  }
0x129: {  	[tilespmem:$0x1FEE0] =	vst v29;
	v62 =	vnsel vm13, $0x0, v43;
	v34 =	vsel vm6, $0x0, v6;
	vm13 =	veq.s32 v42, $0x0  }
0x12a: {  	v47 =	vimm.s32 $0x0;
	(xrf0) =	vadd.scan.msk.s32 $0xffff, v34;
	v6 =	vadd.s32 v62, v6;
	v50 =	vsel vm13, $0x1, v0  }
0x12b: {  	v29 =	vsel vm13, $0xFFFFFFFF, v47;
	vm13 =	veq.s32 v42, $0x1;
	(xrf0) =	vadd.scan.msk.s32 $0xffff, v50;
	v52 =	vnsel vm2, $0x0, v6  }
0x12c: {  	v59 =	vsel vm13, $0x1, v0;
	(xrf0) =	vadd.scan.msk.s32 $0xffff, v52  }
0x12d: {  	(xrf0) =	vadd.scan.msk.s32 $0xffff, v59  }
0x12e: {  	v55 =	vimm.s32 $0x0;
	_ =	sdelay $0x1  }
0x12f: {  	v61, _, _ =	vpop (xrf0)  }
0x130: {  	[tilespmem:$0x1FE30] =	vst v29;
	v29 =	vsel vm13, $0xFFFFFFFF, v55;
	v55, _, _ =	vpop (xrf0)  }
0x131: {  	v50, _, _ =	vpop (xrf0);
	v62 =	vbroadcast v55, $0xF  }
0x132: {  	v59, _, _ =	vpop (xrf0)  }
0x133: {  	[tilespmem:$0x1FE60] =	vst v29;
	v7 =	vnsel vm2, $0x0, v62;
	v29 =	vbroadcast v59, $0xF  }
0x134: {  	vm13 =	vcmask $0x704;
	v52 =	vimm.s32 $0x0;
	v6 =	vadd.s32 v7, v6  }
0x135: {  	v34 =	vnsel vm13, $0x0, v29;
	v47 =	vsel vm11, $0x0, v6;
	vm11 =	veq.s32 v42, $0x2  }
0x136: {  	[tilespmem:$0x1FED0] =	vst v61;
	(xrf0) =	vadd.scan.msk.s32 $0xffff, v47;
	v6 =	vadd.s32 v34, v6;
	v61 =	vsel vm11, $0x1, v0  }
0x137: {  	v29 =	vsel vm11, $0xFFFFFFFF, v52;
	vm11 =	veq.s32 v42, $0x3;
	(xrf0) =	vadd.scan.msk.s32 $0xffff, v61;
	v62 =	vsel vm10, $0x0, v6  }
0x138: {  	v41 =	vsel vm11, $0x1, v0;
	(xrf0) =	vadd.scan.msk.s32 $0xffff, v62  }
0x139: {  	(xrf0) =	vadd.scan.msk.s32 $0xffff, v41;
	_ =	sdelay $0x2  }
0x13a: {  	v44, _, _ =	vpop (xrf0)  }
0x13b: {  	v52, _, _ =	vpop (xrf0)  }
0x13c: {  	v34 =	vimm.s32 $0x0;
	v47, _, _ =	vpop (xrf0)  }
0x13d: {  	[tilespmem:$0x1FE80] =	vst v29;
	v29 =	vsel vm11, $0xFFFFFFFF, v34;
	v43 =	vbroadcast v52, $0xF;
	v61, _, _ =	vpop (xrf0)  }
0x13e: {  	vm11 =	vcmask $0xB08;
	[tilespmem:$0x1FEB0] =	vst v29;
	v29 =	vbroadcast v61, $0xF  }
0x13f: {  	v62 =	vimm.s32 $0x0;
	v7 =	vnsel vm11, $0x0, v43  }
0x140: {  	v6 =	vadd.s32 v7, v6;
	v7 =	vnsel vm8, $0x0, v29;
	vm8 =	veq.s32 v42, $0x4  }
0x141: {  	v34 =	vsel vm12, $0x0, v6;
	v29 =	vsel vm8, $0xFFFFFFFF, v62  }
0x142: {  	(xrf0) =	vadd.scan.msk.s32 $0xffff, v34;
	v34 =	vadd.s32 v7, v6;
	[tilespmem:$0x1FEF0] =	vst v29;
	v29 =	vsel vm8, $0x1, v0  }
0x143: {  	vm12 =	veq.s32 v42, $0x5;
	v41 =	vsel vm7, $0x0, v34;
	(xrf0) =	vadd.scan.msk.s32 $0xffff, v29  }
0x144: {  	v62 =	vsel vm12, $0x1, v0;
	(xrf0) =	vadd.scan.msk.s32 $0xffff, v41  }
0x145: {  	(xrf0) =	vadd.scan.msk.s32 $0xffff, v62  }
0x146: {  	v43 =	vimm.s32 $0x0  }
0x147: {  	v7 =	vsel vm12, $0xFFFFFFFF, v43  }
0x148: {  	v6, _, _ =	vpop (xrf0)  }
0x149: {  	v62, _, _ =	vpop (xrf0)  }
0x14a: {  	[tilespmem:$0x1FF30] =	vst v7;
	v7, _, _ =	vpop (xrf0);
	v41 =	vbroadcast v62, $0xF  }
0x14b: {  	v43, _, _ =	vpop (xrf0)  }
0x14c: {  	vm0 =	vmmov vm1;
	v41 =	vnsel vm5, $0x0, v41;
	v29 =	vbroadcast v43, $0xF  }
0x14d: {  	vm12 =	veq.s32 v42, $0x6;
	vm8 =	veq.s32 v42, $0x7;
	v34 =	vadd.s32 v41, v34  }
0x14e: {  	v42 =	vimm.s32 $0x0;
	v29 =	vnsel vm0, $0x0, v29;
	v41 =	vsel vm3, $0x0, v34  }
0x14f: {  	(xrf0) =	vadd.scan.msk.s32 $0xffff, v41;
	v29 =	vadd.s32 v29, v34;
	v34 =	vadd.s32 $0xFFFFFFFF, v12;
	v12 =	vsel vm12, $0x1, v0  }
0x150: {  	(xrf0) =	vadd.scan.msk.s32 $0xffff, v12;
	v12 =	vsel vm8, $0xFFFFFFFF, v42  }
0x151: {  	v22 =	vadd.s32 $0xFFFFFFFF, v22;
	v41 =	vsel vm14, $0x0, v29;
	[tilespmem:$0x1FF40] =	vst v12;
	v12 =	vadd.s32 $0xFFFFFFFF, v28;
	v28 =	vld [tilespmem:$0x1FA50]  }
0x152: {  	(xrf0) =	vadd.scan.msk.s32 $0xffff, v41;
	v41 =	vbroadcast v22, $0xF;
	v22 =	vld [tilespmem:$0x1FA70];
	_ =	sdelay $0x2  }
0x153: {  	v42 =	vsel vm8, $0x1, v0  }
0x154: {  	(xrf0) =	vadd.scan.msk.s32 $0xffff, v42;
	v42 =	vld [tilespmem:$0x1FA60]  }
0x155: {  	vm8 =	vnez.u8 v28;
	v28 =	vadd.s32 $0xFFFFFFFF, v22;
	v22 =	vld [tilespmem:$0x1FA80];
	_ =	sdelay $0x1  }
0x156: {  	v34 =	vbroadcast v34, $0xF;
	_ =	sdelay $0x1  }
0x157: {  	v19 =	vadd.s32 v19, v34;
	v34 =	vbroadcast v12, $0xF;
	v12 =	vadd.s32 $0xFFFFFFFF, v42;
	v42 =	vld [tilespmem:$0x1FA90]  }
0x158: {  	v19 =	vnsel vm8, $0x0, v19;
	vm8 =	vnez.u8 v22;
	v22 =	vld [tilespmem:$0x1FAB0];
	_ =	sdelay $0x2  }
0x159: {  	v18 =	vadd.s32 v18, v34;
	v34 =	vbroadcast v12, $0xF  }
0x15a: {  	v18 =	vsel vm8, v18, v19;
	v19 =	vadd.s32 v23, v41;
	vm8 =	vnez.u8 v42  }
0x15b: {  	v34 =	vadd.s32 v21, v34;
	v21 =	vld [tilespmem:$0x1FAA0];
	v18 =	vsel vm8, v19, v18;
	vm8 =	vnez.u8 v22  }
0x15c: {  	v34 =	vsel vm8, v34, v18;
	v18 =	vld [tilespmem:$0x1FAC0]  }
0x15d: {  	v28 =	vbroadcast v28, $0xF;
	v23, _, _ =	vpop (xrf0)  }
0x15e: {  	v19, _, _ =	vpop (xrf0)  }
0x15f: {  	v42 =	vld [tilespmem:$0x10060];
	v41 =	vadd.s32 v46, v28;
	v28 =	vbroadcast v19, $0xF  }
0x160: {  	v46 =	vadd.s32 $0xFFFFFFFF, v21;
	v21, _, _ =	vpop (xrf0)  }
0x161: {  	v28 =	vnsel vm15, $0x0, v28;
	vm8 =	vnez.u8 v18;
	v18, _, _ =	vpop (xrf0)  }
0x162: {  	v22 =	vld [tilespmem:$0x1FAD0];
	v28 =	vadd.s32 v28, v29;
	v12 =	vbroadcast v18, $0xF  }
0x163: {  	v46 =	vbroadcast v46, $0xF;
	v29 =	vsel vm6, $0x0, v28  }
0x164: {  	v41 =	vnsel vm8, $0x0, v41;
	vm8 =	veq.s32 v42, $0x0;
	v12 =	vnsel vm9, $0x0, v12  }
0x165: {  	v26 =	vadd.s32 v26, v46;
	(xrf0) =	vadd.scan.msk.s32 $0xffff, v29;
	v46 =	vsel vm8, $0x1, v0;
	v12 =	vadd.s32 v12, v28  }
0x166: {  	(xrf0) =	vadd.scan.msk.s32 $0xffff, v46;
	v46 =	vnsel vm2, $0x0, v12  }
0x167: {  	v22 =	vadd.s32 $0xFFFFFFFF, v22;
	(xrf0) =	vadd.scan.msk.s32 $0xffff, v46;
	v46 =	vld [tilespmem:$0x1FB00]  }
0x168: {  	v22 =	vbroadcast v22, $0xF;
	_ =	sdelay $0x1  }
0x169: {  	v22 =	vadd.s32 v40, v22;
	v40 =	vld [tilespmem:$0x1FAE0];
	_ =	sdelay $0x1  }
0x16a: {  	vm9 =	vnez.u8 v46;
	v46 =	vld [tilespmem:$0x1FB10];
	_ =	sdelay $0x2  }
0x16b: {  	v28 =	vadd.s32 $0xFFFFFFFF, v40;
	v40 =	vld [tilespmem:$0x1FAF0];
	_ =	sdelay $0x1  }
0x16c: {  	v26 =	vsel vm9, v26, v34;
	vm9 =	vnez.u8 v46;
	v46 =	vld [tilespmem:$0x1FB40]  }
0x16d: {  	v22 =	vsel vm9, v22, v41;
	v41 =	vld [tilespmem:$0x1FB30]  }
0x16e: {  	vm7 =	veq.s32 v42, $0x1  }
0x16f: {  	v29 =	vadd.s32 $0xFFFFFFFF, v40;
	v40 =	vsel vm7, $0x1, v0  }
0x170: {  	(xrf0) =	vadd.scan.msk.s32 $0xffff, v40;
	v40 =	vld [tilespmem:$0x1FB20]  }
0x171: {  	vm9 =	vnez.u8 v46;
	v46 =	vld [tilespmem:$0x1FB50]  }
0x172: {  	v29 =	vbroadcast v29, $0xF;
	v34 =	vadd.s32 $0xFFFFFFFF, v41;
	v41 =	vld [tilespmem:$0x1FB70]  }
0x173: {  	v28 =	vbroadcast v28, $0xF  }
0x174: {  	v29 =	vadd.s32 v39, v29;
	v39 =	vld [tilespmem:$0x1FB60]  }
0x175: {  	v17 =	vadd.s32 v17, v28;
	v28 =	vadd.s32 $0xFFFFFFFF, v40;
	v34 =	vbroadcast v34, $0xF  }
0x176: {  	v28 =	vbroadcast v28, $0xF;
	v17 =	vsel vm9, v17, v26;
	vm9 =	vnez.u8 v46;
	v46 =	vld [tilespmem:$0x1FB80]  }
0x177: {  	v22 =	vsel vm9, v29, v22;
	v29 =	vadd.s32 v37, v34;
	v37 =	vadd.s32 $0xFFFFFFFF, v41;
	v41 =	vld [tilespmem:$0x1FB90]  }
0x178: {  	v26, _, _ =	vpop (xrf0)  }
0x179: {  	v40 =	vadd.s32 $0xFFFFFFFF, v39;
	v28 =	vadd.s32 v20, v28;
	v20, _, _ =	vpop (xrf0)  }
0x17a: {  	v34 =	vbroadcast v40, $0xF;
	v40 =	vbroadcast v20, $0xF  }
0x17b: {  	vm9 =	vnez.u8 v46  }
0x17c: {  	v46 =	vnsel vm2, $0x0, v40;
	v17 =	vsel vm9, v28, v17;
	vm9 =	vnez.u8 v41;
	v41 =	vld [tilespmem:$0x1FBB0]  }
0x17d: {  	v39, _, _ =	vpop (xrf0);
	v12 =	vadd.s32 v46, v12;
	v46 =	vld [tilespmem:$0x1FBC0]  }
0x17e: {  	v28 =	vbroadcast v37, $0xF;
	v37, _, _ =	vpop (xrf0);
	v22 =	vsel vm9, v29, v22;
	v29 =	vadd.s32 v58, v34;
	v58 =	vld [tilespmem:$0x1FBA0]  }
0x17f: {  	v40 =	vbroadcast v37, $0xF;
	_ =	sdelay $0x1  }
0x180: {  	vm6 =	veq.s32 v42, $0x2;
	v40 =	vnsel vm13, $0x0, v40;
	vm13 =	vcmask $0x308  }
0x181: {  	v28 =	vadd.s32 v38, v28;
	v40 =	vadd.s32 v40, v12;
	v12 =	vsel vm13, $0x0, v12  }
0x182: {  	v34 =	vadd.s32 $0xFFFFFFFF, v41;
	v38 =	vadd.s32 $0xFFFFFFFF, v46;
	v41 =	vld [tilespmem:$0x1FBD0];
	vm9 =	vnez.u8 v58  }
0x183: {  	(xrf0) =	vadd.scan.msk.s32 $0xffff, v12;
	v12 =	vbroadcast v34, $0xF;
	v34 =	vbroadcast v38, $0xF;
	v58 =	vsel vm6, $0x1, v0  }
0x184: {  	(xrf0) =	vadd.scan.msk.s32 $0xffff, v58;
	v58 =	vld [tilespmem:$0x1FBE0]  }
0x185: {  	v34 =	vadd.s32 v51, v34;
	v51 =	vld [tilespmem:$0x1FBF0];
	_ =	sdelay $0x1  }
0x186: {  	vm5 =	veq.s32 v42, $0x3;
	v46 =	vsel vm10, $0x0, v40;
	v38 =	vadd.s32 $0xFFFFFFFF, v41  }
0x187: {  	(xrf0) =	vadd.scan.msk.s32 $0xffff, v46;
	v41 =	vsel vm5, $0x1, v0;
	v38 =	vbroadcast v38, $0xF  }
0x188: {  	v29 =	vnsel vm9, $0x0, v29;
	(xrf0) =	vadd.scan.msk.s32 $0xffff, v41;
	v41 =	vld [tilespmem:$0x1FC20]  }
0x189: {  	vm9 =	vnez.u8 v58;
	vm13 =	vnez.u8 v51;
	v58 =	vadd.s32 v54, v38;
	v38 =	vld [tilespmem:$0x1FC10]  }
0x18a: {  	v22 =	vsel vm9, v28, v22;
	v28 =	vsel vm13, v34, v29;
	v34 =	vld [tilespmem:$0x1FC00]  }
0x18b: {  	v46 =	vld [tilespmem:$0x1FC30]  }
0x18c: {  	v51 =	vld [tilespmem:$0x1FC40];
	_ =	sdelay $0x1  }
0x18d: {  	v12 =	vadd.s32 v31, v12  }
0x18e: {  	v31 =	vadd.s32 $0xFFFFFFFF, v34;
	v34 =	vadd.s32 $0xFFFFFFFF, v38;
	v38 =	vadd.s32 $0xFFFFFFFF, v41  }
0x18f: {  	v54 =	vbroadcast v38, $0xF  }
0x190: {  	vm9 =	vnez.u8 v46;
	vm13 =	vnez.u8 v51  }
0x191: {  	v12 =	vsel vm9, v12, v22;
	v22 =	vsel vm13, v58, v28;
	v28 =	vadd.s32 v48, v54;
	v54 =	vld [tilespmem:$0x1FC60];
	_ =	sdelay $0x1  }
0x192: {  	v41 =	vld [tilespmem:$0x1FC50]  }
0x193: {  	v31 =	vbroadcast v31, $0xF;
	_ =	sdelay $0x1  }
0x194: {  	v58 =	vadd.s32 v24, v31;
	vm9 =	vnez.u8 v54  }
0x195: {  	v38, _, _ =	vpop (xrf0);
	v17 =	vsel vm9, v58, v17;
	v58 =	vld [tilespmem:$0x1FC70]  }
0x196: {  	v34 =	vbroadcast v34, $0xF;
	v24, _, _ =	vpop (xrf0);
	v46 =	vadd.s32 $0xFFFFFFFF, v41  }
0x197: {  	v51 =	vbroadcast v24, $0xF;
	v48 =	vbroadcast v46, $0xF;
	v46 =	vld [tilespmem:$0x1FC80]  }
0x198: {  	v31 =	vadd.s32 v32, v34;
	v54 =	vld [tilespmem:$0x1FC90]  }
0x199: {  	v51 =	vnsel vm11, $0x0, v51  }
0x19a: {  	v32, _, _ =	vpop (xrf0);
	vm13 =	vnez.u8 v58;
	v58 =	vadd.s32 v51, v40;
	v40 =	vld [tilespmem:$0x1FCA0]  }
0x19b: {  	v51 =	vld [tilespmem:$0x1FCC0];
	v12 =	vsel vm13, v31, v12;
	v31, _, _ =	vpop (xrf0)  }
0x19c: {  	v48 =	vadd.s32 v53, v48;
	vm9 =	vnez.u8 v46;
	v46 =	vld [tilespmem:$0x1FCB0];
	v53 =	vbroadcast v31, $0xF  }
0x19d: {  	v22 =	vsel vm9, v28, v22;
	vm9 =	vcmask $0xF0C;
	vm13 =	vnez.u8 v54  }
0x19e: {  	v22 =	vsel vm13, v48, v22;
	vm13 =	vcmask $0xB10;
	v34 =	vnsel vm9, $0x0, v53  }
0x19f: {  	v54 =	vld [tilespmem:$0x1FCD0];
	vm9 =	vcmask $0xF14;
	v29 =	vadd.s32 $0xFFFFFFFF, v40;
	v40 =	vsel vm13, $0x0, v58  }
0x1a0: {  	vm13 =	veq.s32 v42, $0x4;
	v28 =	vadd.s32 v34, v58;
	v58 =	vld [tilespmem:$0x1FCE0];
	(xrf0) =	vadd.scan.msk.s32 $0xffff, v40;
	v40 =	vadd.s32 $0xFFFFFFFF, v51  }
0x1a1: {  	v34 =	vadd.s32 $0xFFFFFFFF, v46;
	v46 =	vld [tilespmem:$0x1FCF0];
	v41 =	vsel vm13, $0x1, v0;
	v40 =	vbroadcast v40, $0xF  }
0x1a2: {  	vm0 =	vmmov vm3;
	v48 =	vsel vm9, $0x0, v28;
	(xrf0) =	vadd.scan.msk.s32 $0xffff, v41  }
0x1a3: {  	vm3 =	veq.s32 v42, $0x5;
	v29 =	vbroadcast v29, $0xF;
	(xrf0) =	vadd.scan.msk.s32 $0xffff, v48;
	v48 =	vadd.s32 v49, v40;
	v49 =	vld [tilespmem:$0x1FD00]  }
0x1a4: {  	v53 =	vsel vm3, $0x1, v0;
	v34 =	vbroadcast v34, $0xF  }
0x1a5: {  	v41 =	vadd.s32 $0xFFFFFFFF, v54;
	v29 =	vadd.s32 v45, v29;
	(xrf0) =	vadd.scan.msk.s32 $0xffff, v53;
	v53 =	vld [tilespmem:$0x1FD10];
	vm9 =	vnez.u8 v58  }
0x1a6: {  	v54 =	vld [tilespmem:$0x1FD20];
	v63 =	vadd.s32 v63, v34;
	v22 =	vsel vm9, v29, v22;
	vm9 =	vnez.u8 v46  }
0x1a7: {  	v29 =	vnsel vm9, $0x0, v63;
	v63 =	vld [tilespmem:$0x1FD30]  }
0x1a8: {  	v30 =	vadd.s32 $0xFFFFFFFF, v30;
	v45 =	vbroadcast v41, $0xF;
	v40 =	vadd.s32 $0xFFFFFFFF, v49;
	v49 =	vld [tilespmem:$0x1FD40]  }
0x1a9: {  	v36 =	vadd.s32 $0xFFFFFFFF, v36;
	v58 =	vbroadcast v30, $0xF  }
0x1aa: {  	v34 =	vadd.s32 v60, v45;
	vm9 =	vnez.u8 v53;
	v51 =	vbroadcast v40, $0xF  }
0x1ab: {  	v5 =	vadd.s32 v5, v58;
	v22 =	vsel vm9, v48, v22;
	vm9 =	vnez.u8 v54;
	v40, _, _ =	vpop (xrf0)  }
0x1ac: {  	v53 =	vld [tilespmem:$0x1FD50];
	v29 =	vsel vm9, v34, v29;
	v8 =	vadd.s32 v8, v51;
	vm9 =	vnez.u8 v63;
	v30, _, _ =	vpop (xrf0)  }
0x1ad: {  	v8 =	vsel vm9, v8, v29;
	v45, _, _ =	vpop (xrf0);
	v60 =	vbroadcast v30, $0xF;
	vm9 =	vnez.u8 v49  }
0x1ae: {  	v48 =	vbroadcast v36, $0xF;
	v36, _, _ =	vpop (xrf0);
	v5 =	vsel vm9, v5, v8;
	vm9 =	vcmask $0x1310  }
0x1af: {  	v8 =	vnsel vm9, $0x0, v60;
	v51 =	vbroadcast v36, $0xF;
	v60 =	vld [tilespmem:$0x1FD70]  }
0x1b0: {  	vm1 =	veq.s32 v42, $0x6;
	vm9 =	vcmask $0x1714;
	v8 =	vadd.s32 v8, v28  }
0x1b1: {  	v29 =	vadd.s32 $0xFFFFFFFF, v53;
	v28 =	vsel vm0, $0x0, v8;
	v34 =	vnsel vm9, $0x0, v51  }
0x1b2: {  	v54 =	vbroadcast v29, $0xF;
	(xrf0) =	vadd.scan.msk.s32 $0xffff, v28;
	v29 =	vadd.s32 v34, v8;
	v8 =	vsel vm1, $0x1, v0  }
0x1b3: {  	v58 =	vld [tilespmem:$0x1FD60];
	vm0 =	veq.s32 v42, $0x7;
	(xrf0) =	vadd.scan.msk.s32 $0xffff, v8;
	v8 =	vsel vm14, $0x0, v29  }
0x1b4: {  	v63 =	vld [tilespmem:$0x1FD80];
	v41 =	vadd.s32 $0xFFFFFFFF, v60;
	(xrf0) =	vadd.scan.msk.s32 $0xffff, v8;
	v8 =	vsel vm0, $0x1, v0  }
0x1b5: {  	v25 =	vadd.s32 v25, v48;
	v48 =	vld [tilespmem:$0x1FD90];
	(xrf0) =	vadd.scan.msk.s32 $0xffff, v8;
	v8 =	vbroadcast v41, $0xF  }
0x1b6: {  	v42 =	vadd.s32 v16, v54;
	v54 =	vld [tilespmem:$0x1FDD0]  }
0x1b7: {  	v51 =	vadd.s32 v57, v8;
	v8 =	vld [tilespmem:$0x1FDB0]  }
0x1b8: {  	v49 =	vld [tilespmem:$0x1FDA0]  }
0x1b9: {  	v34 =	vadd.s32 $0xFFFFFFFF, v58;
	vm14 =	vnez.u8 v63  }
0x1ba: {  	v34 =	vbroadcast v34, $0xF;
	v25 =	vsel vm14, v25, v5  }
0x1bb: {  	v53 =	vld [tilespmem:$0x1FDC0];
	v28 =	vadd.s32 $0xFFFFFFFF, v48  }
0x1bc: {  	v46 =	vadd.s32 v33, v34;
	vm14 =	vnez.u8 v54;
	vm9 =	vnez.u8 v8  }
0x1bd: {  	v33 =	vadd.s32 $0xFFFFFFFF, v49;
	v41 =	vld [tilespmem:$0x1FDE0];
	v8 =	vsel vm9, v42, v12;
	v12 =	vsel vm14, v51, v25;
	v25, _, _ =	vpop (xrf0)  }
0x1be: {  	v58 =	vadd.s32 $0xFFFFFFFF, v13;
	v28 =	vbroadcast v28, $0xF;
	v33 =	vbroadcast v33, $0xF;
	v42 =	vld [tilespmem:$0x1FDF0];
	v13, _, _ =	vpop (xrf0)  }
0x1bf: {  	v60 =	vadd.s32 $0xFFFFFFFF, v15;
	v49 =	vld [tilespmem:$0x1FE00];
	v63 =	vbroadcast v13, $0xF  }
0x1c0: {  	v4 =	vadd.s32 v4, v28;
	v57 =	vadd.s32 v27, v33;
	vm9 =	vnez.u8 v53  }
0x1c1: {  	v27 =	vbroadcast v58, $0xF;
	v5 =	vsel vm9, v46, v22;
	v46 =	vnsel vm15, $0x0, v63;
	v63 =	vld [tilespmem:$0x1FE10]  }
0x1c2: {  	v28 =	vbroadcast v60, $0xF;
	vm14 =	vnez.u8 v41;
	v15, _, _ =	vpop (xrf0)  }
0x1c3: {  	v10 =	vadd.s32 v10, v27;
	v12 =	vsel vm14, v4, v12;
	v4, _, _ =	vpop (xrf0);
	vm14 =	vnez.u8 v42  }
0x1c4: {  	v41 =	vld [tilespmem:$0x1FE20];
	v48 =	vbroadcast v4, $0xF;
	vm15 =	vnez.u8 v49;
	v22 =	vnsel vm14, $0x0, v57  }
0x1c5: {  	v10 =	vsel vm15, v10, v22;
	vm15 =	vcmask $0x1F1C  }
0x1c6: {  	v51 =	vadd.s32 v35, v28;
	v54 =	vnsel vm15, $0x0, v48;
	v48 =	vld [tilespmem:$0x1FE30];
	vm9 =	vnez.u8 v63  }
0x1c7: {  	v10 =	vsel vm9, v51, v10;
	v51 =	vld [tilespmem:$0x1FE50]  }
0x1c8: {  	v16 =	vld [tilespmem:$0x10070];
	v57 =	vadd.s32 $0xFFFFFFFF, v50  }
0x1c9: {  	v28 =	vbroadcast v57, $0xF;
	v22 =	vadd.s32 $0xFFFFFFFF, v41  }
0x1ca: {  	v27 =	vadd.s32 v46, v29;
	v22 =	vbroadcast v22, $0xF  }
0x1cb: {  	v49 =	vld [tilespmem:$0x1FE40];
	vm14 =	vcmask $0x1B20;
	v28 =	vadd.s32 v55, v28;
	vm9 =	vnez.u8 v48  }
0x1cc: {  	v22 =	vadd.s32 v9, v22;
	v28 =	vnsel vm9, $0x0, v28;
	vm9 =	vnez.u8 v51  }
0x1cd: {  	v53 =	vsel vm14, $0x0, v27;
	vm15 =	veq.s32 v16, $0x0;
	v22 =	vsel vm9, v22, v10;
	v10 =	vld [tilespmem:$0x1FE60]  }
0x1ce: {  	(xrf0) =	vadd.scan.msk.s32 $0xffff, v53;
	v27 =	vadd.s32 v54, v27;
	v58 =	vsel vm15, $0x1, v0;
	v54 =	vld [tilespmem:$0x1FE70]  }
0x1cf: {  	v46 =	vadd.s32 $0xFFFFFFFF, v44;
	(xrf0) =	vadd.scan.msk.s32 $0xffff, v58  }
0x1d0: {  	v29 =	vbroadcast v46, $0xF;
	vm14 =	veq.s32 v16, $0x1;
	v33 =	vadd.s32 $0xFFFFFFFF, v49  }
0x1d1: {  	v60 =	vnsel vm2, $0x0, v27;
	v33 =	vbroadcast v33, $0xF;
	v9 =	vadd.s32 $0xFFFFFFFF, v47  }
0x1d2: {  	v42 =	vsel vm14, $0x1, v0;
	v29 =	vadd.s32 v59, v29;
	(xrf0) =	vadd.scan.msk.s32 $0xffff, v60;
	vm9 =	vnez.u8 v10  }
0x1d3: {  	(xrf0) =	vadd.scan.msk.s32 $0xffff, v42;
	v1 =	vadd.s32 v1, v33;
	v28 =	vsel vm9, v29, v28;
	vm9 =	vnez.u8 v54  }
0x1d4: {  	v50 =	vbroadcast v9, $0xF;
	v9, _, _ =	vpop (xrf0);
	v22 =	vsel vm9, v1, v22;
	v1 =	vld [tilespmem:$0x1FE80]  }
0x1d5: {  	v10, _, _ =	vpop (xrf0)  }
0x1d6: {  	v53 =	vbroadcast v10, $0xF  }
0x1d7: {  	v14 =	vadd.s32 $0xFFFFFFFF, v14  }
0x1d8: {  	v14 =	vbroadcast v14, $0xF;
	v6 =	vadd.s32 $0xFFFFFFFF, v6;
	v33, _, _ =	vpop (xrf0);
	v57 =	vnsel vm2, $0x0, v53  }
0x1d9: {  	v52 =	vadd.s32 v52, v50;
	v27 =	vadd.s32 v57, v27;
	vm9 =	vnez.u8 v1;
	v1, _, _ =	vpop (xrf0)  }
0x1da: {  	v55 =	vld [tilespmem:$0x1FE90];
	v28 =	vsel vm9, v52, v28;
	v58 =	vbroadcast v1, $0xF;
	vm9 =	vcmask $0x308  }
0x1db: {  	v7 =	vadd.s32 $0xFFFFFFFF, v7;
	v29 =	vsel vm9, $0x0, v27;
	vm9 =	vcmask $0x704  }
0x1dc: {  	v6 =	vbroadcast v6, $0xF;
	v7 =	vbroadcast v7, $0xF;
	v63 =	vld [tilespmem:$0x1FEA0];
	v34 =	vnsel vm9, $0x0, v58  }
0x1dd: {  	v27 =	vadd.s32 v34, v27;
	v34 =	vld [tilespmem:$0x1FEB0]  }
0x1de: {  	v2 =	vadd.s32 v2, v14;
	v6 =	vadd.s32 v61, v6;
	v7 =	vadd.s32 v62, v7;
	v42 =	vld [tilespmem:$0x1FEE0]  }
0x1df: {  	v23 =	vadd.s32 $0xFFFFFFFF, v23;
	v21 =	vadd.s32 $0xFFFFFFFF, v21;
	v35 =	vld [tilespmem:$0x1FEC0];
	v14 =	vadd.s32 $0xFFFFFFFF, v55  }
0x1e0: {  	v21 =	vbroadcast v21, $0xF;
	v15 =	vadd.s32 $0xFFFFFFFF, v15;
	v14 =	vbroadcast v14, $0xF  }
0x1e1: {  	v26 =	vadd.s32 $0xFFFFFFFF, v26;
	v15 =	vbroadcast v15, $0xF;
	vm2 =	vnez.u8 v63  }
0x1e2: {  	v46 =	vld [tilespmem:$0x1FF00];
	v3 =	vadd.s32 v3, v14;
	v2 =	vsel vm2, v2, v22;
	vm2 =	vnez.u8 v34  }
0x1e3: {  	v41 =	vld [tilespmem:$0x1FED0];
	vm9 =	veq.s32 v16, $0x2;
	v6 =	vsel vm2, v6, v28;
	vm2 =	vnez.u8 v42  }
0x1e4: {  	v14 =	vadd.s32 $0xFFFFFFFF, v35;
	(xrf0) =	vadd.scan.msk.s32 $0xffff, v29;
	v59 =	vsel vm9, $0x1, v0;
	v2 =	vsel vm2, v3, v2;
	v3 =	vld [tilespmem:$0x1FEF0]  }
0x1e5: {  	v48 =	vld [tilespmem:$0x1FF10];
	v14 =	vbroadcast v14, $0xF;
	(xrf0) =	vadd.scan.msk.s32 $0xffff, v59;
	v60 =	vsel vm10, $0x0, v27;
	vm10 =	veq.s32 v16, $0x3  }
0x1e6: {  	v62 =	vadd.s32 $0xFFFFFFFF, v40;
	v44 =	vbroadcast v23, $0xF;
	v49 =	vld [tilespmem:$0x1FF20];
	(xrf0) =	vadd.scan.msk.s32 $0xffff, v60;
	v61 =	vsel vm10, $0x1, v0  }
0x1e7: {  	v13 =	vadd.s32 v13, v15;
	v50 =	vld [tilespmem:$0x1FF30];
	v51 =	vadd.s32 v19, v21;
	v14 =	vadd.s32 v46, v14;
	(xrf0) =	vadd.scan.msk.s32 $0xffff, v61  }
0x1e8: {  	v54 =	vadd.s32 $0xFFFFFFFF, v39;
	v46 =	vadd.s32 $0xFFFFFFFF, v33;
	v22 =	vadd.s32 $0xFFFFFFFF, v41  }
0x1e9: {  	v63 =	vadd.s32 $0xFFFFFFFF, v45;
	v22 =	vbroadcast v22, $0xF;
	vm2 =	vnez.u8 v3  }
0x1ea: {  	v3 =	vsel vm2, v7, v6;
	v7, _, _ =	vpop (xrf0);
	v6 =	vadd.s32 v43, v44;
	vm2 =	vnez.u8 v48  }
0x1eb: {  	v22 =	vadd.s32 v56, v22;
	v23, _, _ =	vpop (xrf0);
	v12 =	vsel vm2, v14, v12;
	vm2 =	vnez.u8 v49  }
0x1ec: {  	v28, _, _ =	vpop (xrf0);
	v47 =	vbroadcast v23, $0xF;
	v2 =	vsel vm2, v22, v2;
	vm2 =	vnez.u8 v50  }
0x1ed: {  	v60 =	vbroadcast v26, $0xF;
	v61 =	vadd.s32 $0xFFFFFFFF, v32;
	v3 =	vsel vm2, v6, v3;
	v6, _, _ =	vpop (xrf0)  }
0x1ee: {  	v52 =	vnsel vm11, $0x0, v47;
	v53 =	vbroadcast v6, $0xF;
	v3 =	vsel vm12, v51, v3  }
0x1ef: {  	vm12 =	vcmask $0xB10;
	vm11 =	vcmask $0xF0C;
	v19 =	vadd.s32 v52, v27  }
0x1f0: {  	v55 =	vsel vm12, $0x0, v19;
	v21 =	vnsel vm11, $0x0, v53;
	vm11 =	veq.s32 v16, $0x4  }
0x1f1: {  	v32 =	vld [tilespmem:$0x1FF40];
	vm12 =	vcmask $0xF14;
	(xrf0) =	vadd.scan.msk.s32 $0xffff, v55;
	v19 =	vadd.s32 v21, v19;
	v56 =	vsel vm11, $0x1, v0  }
0x1f2: {  	v14 =	vbroadcast v54, $0xF;
	(xrf0) =	vadd.scan.msk.s32 $0xffff, v56;
	v58 =	vsel vm12, $0x0, v19;
	vm12 =	veq.s32 v16, $0x5  }
0x1f3: {  	v15 =	vbroadcast v46, $0xF;
	v57 =	vadd.s32 $0xFFFFFFFF, v38;
	(xrf0) =	vadd.scan.msk.s32 $0xffff, v58;
	v59 =	vsel vm12, $0x1, v0  }
0x1f4: {  	v18 =	vadd.s32 v18, v60;
	v22 =	vbroadcast v57, $0xF;
	v14 =	vadd.s32 v20, v14;
	(xrf0) =	vadd.scan.msk.s32 $0xffff, v59  }
0x1f5: {  	v34 =	vbroadcast v63, $0xF;
	v20 =	vbroadcast v62, $0xF;
	v14 =	vnsel vm8, $0x0, v14  }
0x1f6: {  	v22 =	vadd.s32 v37, v22;
	vm8 =	vnez.u8 v32;
	v21 =	vbroadcast v61, $0xF  }
0x1f7: {  	v37 =	vadd.s32 $0xFFFFFFFF, v25;
	v14 =	vsel vm7, v22, v14;
	v3 =	vsel vm8, v18, v3;
	v29, _, _ =	vpop (xrf0)  }
0x1f8: {  	v20 =	vadd.s32 v31, v20;
	v40 =	vbroadcast v37, $0xF;
	v21 =	vadd.s32 v24, v21;
	v35, _, _ =	vpop (xrf0)  }
0x1f9: {  	v18 =	vadd.s32 v30, v34;
	v14 =	vsel vm6, v21, v14;
	v38, _, _ =	vpop (xrf0);
	v39 =	vbroadcast v35, $0xF  }
0x1fa: {  	vm8 =	vcmask $0x1310;
	v14 =	vsel vm5, v20, v14;
	v20 =	vadd.s32 v36, v40;
	v41, _, _ =	vpop (xrf0)  }
0x1fb: {  	v14 =	vsel vm13, v18, v14;
	v42 =	vnsel vm8, $0x0, v39;
	v43 =	vbroadcast v41, $0xF  }
0x1fc: {  	vm13 =	vcmask $0x1318;
	vm8 =	vcmask $0x1714;
	v18 =	vadd.s32 v42, v19  }
0x1fd: {  	v19 =	vsel vm13, $0x0, v18;
	v26 =	vnsel vm8, $0x0, v43;
	vm13 =	veq.s32 v16, $0x6  }
0x1fe: {  	vm5 =	vcmask $0x171C;
	(xrf0) =	vadd.scan.msk.s32 $0xffff, v19;
	v18 =	vadd.s32 v26, v18;
	v44 =	vsel vm13, $0x1, v0  }
0x1ff: {  	v14 =	vsel vm3, v20, v14;
	vm3 =	veq.s32 v16, $0x7;
	(xrf0) =	vadd.scan.msk.s32 $0xffff, v44;
	v45 =	vsel vm5, $0x0, v18  }
0x200: {  	v47 =	vsel vm3, $0x1, v0;
	vm5 =	vcmask $0x1B20;
	(xrf0) =	vadd.scan.msk.s32 $0xffff, v45  }
0x201: {  	v10 =	vadd.s32 v10, v15;
	v7 =	vadd.s32 $0xFFFFFFFF, v7;
	v48 =	vsel vm5, $0x0, v18;
	(xrf0) =	vadd.scan.msk.s32 $0xffff, v47  }
0x202: {  	v10 =	vnsel vm15, $0x0, v10;
	v7 =	vbroadcast v7, $0xF;
	v49 =	vadd.s32 $0xFFFFFFFF, v28;
	(xrf0) =	vadd.scan.msk.s32 $0xffff, v48  }
0x203: {  	v13 =	vsel vm1, v13, v14;
	v14 =	vbroadcast v49, $0xF  }
0x204: {  	v9 =	vadd.s32 $0xFFFFFFFF, v9;
	v1 =	vadd.s32 v1, v7;
	v50 =	vadd.s32 $0xFFFFFFFF, v29;
	v51, _, _ =	vpop (xrf0)  }
0x205: {  	v1 =	vsel vm14, v1, v10;
	v52 =	vbroadcast v50, $0xF;
	v14 =	vadd.s32 v23, v14;
	v10, _, _ =	vpop (xrf0)  }
0x206: {  	v59 =	vbroadcast v9, $0xF;
	v53 =	vadd.s32 $0xFFFFFFFF, v38;
	v1 =	vsel vm9, v14, v1;
	v54, _, _ =	vpop (xrf0)  }
0x207: {  	v6 =	vadd.s32 v6, v52;
	v55 =	vbroadcast v53, $0xF;
	v57 =	vadd.s32 $0xFFFFFFFF, v51;
	v56, _, _ =	vpop (xrf0)  }
0x208: {  	[tilespmem:$0x10090] =	vst v8;
	v1 =	vsel vm10, v6, v1;
	v8 =	vbroadcast v57, $0xF;
	v14 =	vadd.s32 $0xFFFFFFFF, v54;
	v58, _, _ =	vpop (xrf0)  }
0x209: {  	v7 =	vadd.s32 v35, v55;
	v9 =	vbroadcast v14, $0xF;
	v60 =	vadd.s32 $0xFFFFFFFF, v58  }
0x20a: {  	v1 =	vsel vm11, v7, v1;
	v61 =	vadd.s32 v41, v8;
	v8 =	vbroadcast v60, $0xF  }
0x20b: {  	v1 =	vsel vm12, v61, v1;
	v62 =	vadd.s32 v10, v9  }
0x20c: {  	[tilespmem:$0x100D0] =	vst v3;
	v1 =	vsel vm13, v62, v1;
	v3 =	vadd.s32 v56, v8  }
0x20d: {  	v1 =	vsel vm3, v3, v1  }
0x20e: {  	[tilespmem:$0x100F0] =	vst v1;
	v1 =	vld [tilespmem:$0x1FFC0];
	_ =	sdelay $0x2  }
0x20f: {  	[tilespmem:$0x10080] =	vst v17  }
0x210: {  	[tilespmem:$0x100A0] =	vst v5  }
0x211: {  	[tilespmem:$0x100C0] =	vst v2;
	v2 =	vadd.s32 v4, v59  }
0x212: {  	[tilespmem:$0x100B0] =	vst v12;
	v2 =	vsel vm0, v2, v13  }
0x213: {  	s1 =	simm.s32 $0x10080;
	[tilespmem:$0x100E0] =	vst v2  }
0x214: {  	v1 =	vld.idx.msk [tilespmem:v1+s1+$0x0], $0xffff;
	_ =	sdelay $0x4  }
0x215: {  	[tilespmem:$0x10100] =	vst v1;
	v1 =	vld [tilespmem:$0x1FF60];
	_ =	sdelay $0x7  }
0x216: {  	v1 =	vld.idx.msk [tilespmem:v1+s1+$0x0], $0xffff;
	_ =	sdelay $0x4  }
0x217: {  	[tilespmem:$0x10180] =	vst v1;
	v1 =	vld [tilespmem:$0x1FF70];
	_ =	sdelay $0x7  }
0x218: {  	v1 =	vld.idx.msk [tilespmem:v1+s1+$0x0], $0xffff;
	_ =	sdelay $0x4  }
0x219: {  	[tilespmem:$0x10110] =	vst v1;
	v1 =	vld [tilespmem:$0x1FF80];
	_ =	sdelay $0x7  }
0x21a: {  	v1 =	vld.idx.msk [tilespmem:v1+s1+$0x0], $0xffff;
	_ =	sdelay $0x4  }
0x21b: {  	[tilespmem:$0x10190] =	vst v1;
	v1 =	vld [tilespmem:$0x1FF90];
	_ =	sdelay $0x7  }
0x21c: {  	v1 =	vld.idx.msk [tilespmem:v1+s1+$0x0], $0xffff;
	_ =	sdelay $0x4  }
0x21d: {  	[tilespmem:$0x10120] =	vst v1;
	v1 =	vld [tilespmem:$0x1FFA0];
	_ =	sdelay $0x7  }
0x21e: {  	v1 =	vld.idx.msk [tilespmem:v1+s1+$0x0], $0xffff;
	_ =	sdelay $0x4  }
0x21f: {  	[tilespmem:$0x101A0] =	vst v1;
	v1 =	vld [tilespmem:$0x1FFB0];
	_ =	sdelay $0x7  }
0x220: {  	v1 =	vld.idx.msk [tilespmem:v1+s1+$0x0], $0xffff;
	_ =	sdelay $0x4  }
0x221: {  	[tilespmem:$0x10130] =	vst v1;
	v1 =	vld [tilespmem:$0x1FFD0];
	_ =	sdelay $0x7  }
0x222: {  	v1 =	vld.idx.msk [tilespmem:v1+s1+$0x0], $0xffff;
	_ =	sdelay $0x4  }
0x223: {  	[tilespmem:$0x101B0] =	vst v1  }
0x224: {  	_ =	swait.ge [sflag:s18], $0x10000  }
0x225: {  	[sflag:s18] =	ssyncset.done $0x0  }
0x226: {  	[sflag:s18] =	ssyncadd.s32 $0xFFFF0000  }
0x227: {  	v1 =	vld [tilespmem:$0x10100];
	_ =	sdelay $0x2  }
0x228: {  	v3 =	vld [tilespmem:$0x1FFE0];
	_ =	sdelay $0x1  }
0x229: {  	v2 =	vshll.u32 v1, $0x3  }
0x22a: {  	v1 =	vand.u32 $0x7, v1;
	v2 =	vand.u32 $0xFFFFFFC0, v2  }
0x22b: {  	v1 =	vor.u32 v1, v2  }
0x22c: {  	v2 =	vperm.xlane v1, v3;
	_ =	sdelay $0x1  }
0x22d: {  	v2 =	vadd.s32 v11, v2  }
0x22e: {  	v63 =	vld [tilespmem:$0x1FFF0];
	_ =	sdelay $0x2  }
0x22f: {  	s9 =	rddreg [dreg:$0xb]  }
0x230: {  	[hbm4b:s9+s2] =	stream.indirect_vreg.scatter [tilespmem:s2], [sflag:$0x1], $0x80, v2, vm4, $0xb8;
	[tilespmem:$0x10380] =	vst v63  }
0x231: {  	s17 =	simm.s32 $0x800;
	s10 =	rddreg [dreg:$0xc];
	v1 =	vperm.xlane v1, v63  }
0x232: {  	[hbm4b:s10+s2] =	stream.indirect_vreg.scatter [tilespmem:s17], [sflag:$0x1], $0x80, v2, vm4, $0xb8;
	[tilespmem:$0x10380] =	vst v63  }
0x233: {  	s11 =	rddreg [dreg:$0xd];
	v1 =	vadd.s32 v11, v1  }
0x234: {  	[hbm4b:s11+s2] =	stream.indirect_vreg.scatter [tilespmem:s20], [sflag:$0x1], $0x80, v2, vm4, $0xb8;
	[tilespmem:$0x10380] =	vst v63  }
0x235: {  	s0 =	rddreg [dreg:$0xe]  }
0x236: {  	[hbm4b:s0+s2] =	stream.indirect_vreg.scatter [tilespmem:s21], [sflag:$0x1], $0x80, v2, vm4, $0xb8;
	[tilespmem:$0x10380] =	vst v63  }
0x237: {  	_ = 	snop  }
0x238: {  	[hbm4b:s9+s2] =	stream.indirect_vreg.scatter [tilespmem:s22], [sflag:$0x1], $0x80, v1, vm4, $0xb8;
	[tilespmem:$0x10380] =	vst v63  }
0x239: {  	_ = 	snop  }
0x23a: {  	[hbm4b:s10+s2] =	stream.indirect_vreg.scatter [tilespmem:s23], [sflag:$0x1], $0x80, v1, vm4, $0xb8;
	[tilespmem:$0x10380] =	vst v63  }
0x23b: {  	_ = 	snop  }
0x23c: {  	[hbm4b:s11+s2] =	stream.indirect_vreg.scatter [tilespmem:s24], [sflag:$0x1], $0x80, v1, vm4, $0xb8;
	[tilespmem:$0x10380] =	vst v63  }
0x23d: {  	_ = 	snop  }
0x23e: {  	[hbm4b:s0+s2] =	stream.indirect_vreg.scatter [tilespmem:s25], [sflag:$0x1], $0x80, v1, vm4, $0xb8;
	[tilespmem:$0x10380] =	vst v63  }
0x23f: {  	v1 =	vld [tilespmem:$0x10110];
	_ =	sdelay $0x4  }
0x240: {  	v2 =	vshll.u32 v1, $0x3  }
0x241: {  	v1 =	vand.u32 $0x7, v1;
	v2 =	vand.u32 $0xFFFFFFC0, v2  }
0x242: {  	v1 =	vor.u32 v1, v2  }
0x243: {  	v2 =	vperm.xlane v1, v3;
	_ =	sdelay $0x1  }
0x244: {  	v2 =	vadd.s32 v11, v2;
	_ =	sdelay $0x3  }
0x245: {  	s6 =	simm.s32 $0x4000  }
0x246: {  	[hbm4b:s9+s2] =	stream.indirect_vreg.scatter [tilespmem:s6], [sflag:$0x1], $0x80, v2, vm4, $0xb8;
	[tilespmem:$0x10380] =	vst v63  }
0x247: {  	v1 =	vperm.xlane v1, v63  }
0x248: {  	[hbm4b:s10+s2] =	stream.indirect_vreg.scatter [tilespmem:s7], [sflag:$0x1], $0x80, v2, vm4, $0xb8;
	[tilespmem:$0x10380] =	vst v63  }
0x249: {  	v1 =	vadd.s32 v11, v1  }
0x24a: {  	[hbm4b:s11+s2] =	stream.indirect_vreg.scatter [tilespmem:s8], [sflag:$0x1], $0x80, v2, vm4, $0xb8;
	[tilespmem:$0x10380] =	vst v63  }
0x24b: {  	_ = 	snop  }
0x24c: {  	[hbm4b:s0+s2] =	stream.indirect_vreg.scatter [tilespmem:s26], [sflag:$0x1], $0x80, v2, vm4, $0xb8;
	[tilespmem:$0x10380] =	vst v63  }
0x24d: {  	_ = 	snop  }
0x24e: {  	[hbm4b:s9+s2] =	stream.indirect_vreg.scatter [tilespmem:s28], [sflag:$0x1], $0x80, v1, vm4, $0xb8;
	[tilespmem:$0x10380] =	vst v63  }
0x24f: {  	_ = 	snop  }
0x250: {  	[hbm4b:s10+s2] =	stream.indirect_vreg.scatter [tilespmem:s29], [sflag:$0x1], $0x80, v1, vm4, $0xb8;
	[tilespmem:$0x10380] =	vst v63  }
0x251: {  	_ = 	snop  }
0x252: {  	[hbm4b:s11+s2] =	stream.indirect_vreg.scatter [tilespmem:s12], [sflag:$0x1], $0x80, v1, vm4, $0xb8;
	[tilespmem:$0x10380] =	vst v63  }
0x253: {  	_ = 	snop  }
0x254: {  	[hbm4b:s0+s2] =	stream.indirect_vreg.scatter [tilespmem:s13], [sflag:$0x1], $0x80, v1, vm4, $0xb8;
	[tilespmem:$0x10380] =	vst v63  }
0x255: {  	v1 =	vld [tilespmem:$0x10120];
	_ =	sdelay $0x4  }
0x256: {  	v2 =	vshll.u32 v1, $0x3  }
0x257: {  	v1 =	vand.u32 $0x7, v1;
	v2 =	vand.u32 $0xFFFFFFC0, v2  }
0x258: {  	v1 =	vor.u32 v1, v2  }
0x259: {  	v2 =	vperm.xlane v1, v3;
	_ =	sdelay $0x1  }
0x25a: {  	v2 =	vadd.s32 v11, v2;
	_ =	sdelay $0x4  }
0x25b: {  	[hbm4b:s9+s2] =	stream.indirect_vreg.scatter [tilespmem:s15], [sflag:$0x1], $0x80, v2, vm4, $0xb8;
	[tilespmem:$0x10380] =	vst v63  }
0x25c: {  	v1 =	vperm.xlane v1, v63  }
0x25d: {  	[hbm4b:s10+s2] =	stream.indirect_vreg.scatter [tilespmem:s30], [sflag:$0x1], $0x80, v2, vm4, $0xb8;
	[tilespmem:$0x10380] =	vst v63  }
0x25e: {  	s31 =	simm.s32 $0x9000;
	v1 =	vadd.s32 v11, v1  }
0x25f: {  	[hbm4b:s11+s2] =	stream.indirect_vreg.scatter [tilespmem:s31], [sflag:$0x1], $0x80, v2, vm4, $0xb8;
	[tilespmem:$0x10380] =	vst v63  }
0x260: {  	s3 =	simm.s32 $0x9800  }
0x261: {  	[hbm4b:s0+s2] =	stream.indirect_vreg.scatter [tilespmem:s3], [sflag:$0x1], $0x80, v2, vm4, $0xb8;
	[tilespmem:$0x10380] =	vst v63  }
0x262: {  	s3 =	simm.s32 $0xA000  }
0x263: {  	[hbm4b:s9+s2] =	stream.indirect_vreg.scatter [tilespmem:s3], [sflag:$0x1], $0x80, v1, vm4, $0xb8;
	[tilespmem:$0x10380] =	vst v63  }
0x264: {  	s3 =	simm.s32 $0xA800  }
0x265: {  	[hbm4b:s10+s2] =	stream.indirect_vreg.scatter [tilespmem:s3], [sflag:$0x1], $0x80, v1, vm4, $0xb8;
	[tilespmem:$0x10380] =	vst v63  }
0x266: {  	_ = 	snop  }
0x267: {  	[hbm4b:s11+s2] =	stream.indirect_vreg.scatter [tilespmem:s5], [sflag:$0x1], $0x80, v1, vm4, $0xb8;
	[tilespmem:$0x10380] =	vst v63  }
0x268: {  	_ = 	snop  }
0x269: {  	[hbm4b:s0+s2] =	stream.indirect_vreg.scatter [tilespmem:s19], [sflag:$0x1], $0x80, v1, vm4, $0xb8;
	[tilespmem:$0x10380] =	vst v63  }
0x26a: {  	v1 =	vld [tilespmem:$0x10130];
	_ =	sdelay $0x4  }
0x26b: {  	v2 =	vshll.u32 v1, $0x3  }
0x26c: {  	v1 =	vand.u32 $0x7, v1;
	v2 =	vand.u32 $0xFFFFFFC0, v2  }
0x26d: {  	v1 =	vor.u32 v1, v2  }
0x26e: {  	v2 =	vperm.xlane v1, v3;
	_ =	sdelay $0x1  }
0x26f: {  	v2 =	vadd.s32 v11, v2;
	_ =	sdelay $0x4  }
0x270: {  	[hbm4b:s9+s2] =	stream.indirect_vreg.scatter [tilespmem:s14], [sflag:$0x1], $0x80, v2, vm4, $0xb8;
	[tilespmem:$0x10380] =	vst v63  }
0x271: {  	v1 =	vperm.xlane v1, v63  }
0x272: {  	[hbm4b:s10+s2] =	stream.indirect_vreg.scatter [tilespmem:s16], [sflag:$0x1], $0x80, v2, vm4, $0xb8;
	[tilespmem:$0x10380] =	vst v63  }
0x273: {  	v1 =	vadd.s32 v11, v1  }
0x274: {  	[hbm4b:s11+s2] =	stream.indirect_vreg.scatter [tilespmem:s4], [sflag:$0x1], $0x80, v2, vm4, $0xb8;
	[tilespmem:$0x10380] =	vst v63  }
0x275: {  	s1 =	simm.s32 $0xD800  }
0x276: {  	[hbm4b:s0+s2] =	stream.indirect_vreg.scatter [tilespmem:s1], [sflag:$0x1], $0x80, v2, vm4, $0xb8;
	[tilespmem:$0x10380] =	vst v63  }
0x277: {  	s1 =	simm.s32 $0xE000  }
0x278: {  	[hbm4b:s9+s2] =	stream.indirect_vreg.scatter [tilespmem:s1], [sflag:$0x1], $0x80, v1, vm4, $0xb8;
	[tilespmem:$0x10380] =	vst v63  }
0x279: {  	s1 =	simm.s32 $0xE800  }
0x27a: {  	[hbm4b:s10+s2] =	stream.indirect_vreg.scatter [tilespmem:s1], [sflag:$0x1], $0x80, v1, vm4, $0xb8;
	[tilespmem:$0x10380] =	vst v63  }
0x27b: {  	s1 =	simm.s32 $0xF000  }
0x27c: {  	[hbm4b:s11+s2] =	stream.indirect_vreg.scatter [tilespmem:s1], [sflag:$0x1], $0x80, v1, vm4, $0xb8;
	[tilespmem:$0x10380] =	vst v63  }
0x27d: {  	s1 =	simm.s32 $0xF800  }
0x27e: {  	[hbm4b:s0+s2] =	stream.indirect_vreg.scatter [tilespmem:s1], [sflag:$0x1], $0x80, v1, vm4, $0xb8;
	[tilespmem:$0x10380] =	vst v63  }
0x27f: {  	v1 =	vld [tilespmem:$0x10180];
	_ =	sdelay $0x4  }
0x280: {  	v2 =	vshll.u32 v1, $0x3  }
0x281: {  	v1 =	vand.u32 $0x7, v1;
	v2 =	vand.u32 $0xFFFFFFC0, v2  }
0x282: {  	v1 =	vor.u32 v1, v2  }
0x283: {  	v2 =	vperm.xlane v1, v3;
	_ =	sdelay $0x1  }
0x284: {  	v2 =	vadd.s32 v11, v2;
	_ =	sdelay $0x4  }
0x285: {  	[hbm4b:s9+s2] =	stream.indirect_vreg.scatter [tilespmem:s2], [sflag:$0x2], $0x80, v2, vm4, $0xb8;
	[tilespmem:$0x10380] =	vst v63  }
0x286: {  	v1 =	vperm.xlane v1, v63  }
0x287: {  	[hbm4b:s10+s2] =	stream.indirect_vreg.scatter [tilespmem:s17], [sflag:$0x2], $0x80, v2, vm4, $0xb8;
	[tilespmem:$0x10380] =	vst v63  }
0x288: {  	v1 =	vadd.s32 v11, v1  }
0x289: {  	[hbm4b:s11+s2] =	stream.indirect_vreg.scatter [tilespmem:s20], [sflag:$0x2], $0x80, v2, vm4, $0xb8;
	[tilespmem:$0x10380] =	vst v63  }
0x28a: {  	_ = 	snop  }
0x28b: {  	[hbm4b:s0+s2] =	stream.indirect_vreg.scatter [tilespmem:s21], [sflag:$0x2], $0x80, v2, vm4, $0xb8;
	[tilespmem:$0x10380] =	vst v63  }
0x28c: {  	_ = 	snop  }
0x28d: {  	[hbm4b:s9+s2] =	stream.indirect_vreg.scatter [tilespmem:s22], [sflag:$0x2], $0x80, v1, vm4, $0xb8;
	[tilespmem:$0x10380] =	vst v63  }
0x28e: {  	_ = 	snop  }
0x28f: {  	[hbm4b:s10+s2] =	stream.indirect_vreg.scatter [tilespmem:s23], [sflag:$0x2], $0x80, v1, vm4, $0xb8;
	[tilespmem:$0x10380] =	vst v63  }
0x290: {  	_ = 	snop  }
0x291: {  	[hbm4b:s11+s2] =	stream.indirect_vreg.scatter [tilespmem:s24], [sflag:$0x2], $0x80, v1, vm4, $0xb8;
	[tilespmem:$0x10380] =	vst v63  }
0x292: {  	_ = 	snop  }
0x293: {  	[hbm4b:s0+s2] =	stream.indirect_vreg.scatter [tilespmem:s25], [sflag:$0x2], $0x80, v1, vm4, $0xb8;
	[tilespmem:$0x10380] =	vst v63  }
0x294: {  	v1 =	vld [tilespmem:$0x10190];
	_ =	sdelay $0x4  }
0x295: {  	v2 =	vshll.u32 v1, $0x3  }
0x296: {  	v1 =	vand.u32 $0x7, v1;
	v2 =	vand.u32 $0xFFFFFFC0, v2  }
0x297: {  	v1 =	vor.u32 v1, v2  }
0x298: {  	v2 =	vperm.xlane v1, v3;
	_ =	sdelay $0x1  }
0x299: {  	v2 =	vadd.s32 v11, v2;
	_ =	sdelay $0x4  }
0x29a: {  	[hbm4b:s9+s2] =	stream.indirect_vreg.scatter [tilespmem:s6], [sflag:$0x2], $0x80, v2, vm4, $0xb8;
	[tilespmem:$0x10380] =	vst v63  }
0x29b: {  	v1 =	vperm.xlane v1, v63  }
0x29c: {  	[hbm4b:s10+s2] =	stream.indirect_vreg.scatter [tilespmem:s7], [sflag:$0x2], $0x80, v2, vm4, $0xb8;
	[tilespmem:$0x10380] =	vst v63  }
0x29d: {  	v1 =	vadd.s32 v11, v1  }
0x29e: {  	[hbm4b:s11+s2] =	stream.indirect_vreg.scatter [tilespmem:s8], [sflag:$0x2], $0x80, v2, vm4, $0xb8;
	[tilespmem:$0x10380] =	vst v63  }
0x29f: {  	_ = 	snop  }
0x2a0: {  	[hbm4b:s0+s2] =	stream.indirect_vreg.scatter [tilespmem:s26], [sflag:$0x2], $0x80, v2, vm4, $0xb8;
	[tilespmem:$0x10380] =	vst v63  }
0x2a1: {  	_ = 	snop  }
0x2a2: {  	[hbm4b:s9+s2] =	stream.indirect_vreg.scatter [tilespmem:s28], [sflag:$0x2], $0x80, v1, vm4, $0xb8;
	[tilespmem:$0x10380] =	vst v63  }
0x2a3: {  	_ = 	snop  }
0x2a4: {  	[hbm4b:s10+s2] =	stream.indirect_vreg.scatter [tilespmem:s29], [sflag:$0x2], $0x80, v1, vm4, $0xb8;
	[tilespmem:$0x10380] =	vst v63  }
0x2a5: {  	_ = 	snop  }
0x2a6: {  	[hbm4b:s11+s2] =	stream.indirect_vreg.scatter [tilespmem:s12], [sflag:$0x2], $0x80, v1, vm4, $0xb8;
	[tilespmem:$0x10380] =	vst v63  }
0x2a7: {  	_ = 	snop  }
0x2a8: {  	[hbm4b:s0+s2] =	stream.indirect_vreg.scatter [tilespmem:s13], [sflag:$0x2], $0x80, v1, vm4, $0xb8;
	[tilespmem:$0x10380] =	vst v63  }
0x2a9: {  	v1 =	vld [tilespmem:$0x101A0];
	_ =	sdelay $0x4  }
0x2aa: {  	v2 =	vshll.u32 v1, $0x3  }
0x2ab: {  	v1 =	vand.u32 $0x7, v1;
	v2 =	vand.u32 $0xFFFFFFC0, v2  }
0x2ac: {  	v1 =	vor.u32 v1, v2  }
0x2ad: {  	v2 =	vperm.xlane v1, v3;
	_ =	sdelay $0x1  }
0x2ae: {  	v2 =	vadd.s32 v11, v2;
	_ =	sdelay $0x4  }
0x2af: {  	[hbm4b:s9+s2] =	stream.indirect_vreg.scatter [tilespmem:s15], [sflag:$0x2], $0x80, v2, vm4, $0xb8;
	[tilespmem:$0x10380] =	vst v63  }
0x2b0: {  	v1 =	vperm.xlane v1, v63  }
0x2b1: {  	[hbm4b:s10+s2] =	stream.indirect_vreg.scatter [tilespmem:s30], [sflag:$0x2], $0x80, v2, vm4, $0xb8;
	[tilespmem:$0x10380] =	vst v63  }
0x2b2: {  	v1 =	vadd.s32 v11, v1  }
0x2b3: {  	[hbm4b:s11+s2] =	stream.indirect_vreg.scatter [tilespmem:s31], [sflag:$0x2], $0x80, v2, vm4, $0xb8;
	[tilespmem:$0x10380] =	vst v63  }
0x2b4: {  	s17 =	simm.s32 $0x9800  }
0x2b5: {  	[hbm4b:s0+s2] =	stream.indirect_vreg.scatter [tilespmem:s17], [sflag:$0x2], $0x80, v2, vm4, $0xb8;
	[tilespmem:$0x10380] =	vst v63  }
0x2b6: {  	s31 =	simm.s32 $0xA000  }
0x2b7: {  	[hbm4b:s9+s2] =	stream.indirect_vreg.scatter [tilespmem:s31], [sflag:$0x2], $0x80, v1, vm4, $0xb8;
	[tilespmem:$0x10380] =	vst v63  }
0x2b8: {  	_ = 	snop  }
0x2b9: {  	[hbm4b:s10+s2] =	stream.indirect_vreg.scatter [tilespmem:s3], [sflag:$0x2], $0x80, v1, vm4, $0xb8;
	[tilespmem:$0x10380] =	vst v63  }
0x2ba: {  	_ = 	snop  }
0x2bb: {  	[hbm4b:s11+s2] =	stream.indirect_vreg.scatter [tilespmem:s5], [sflag:$0x2], $0x80, v1, vm4, $0xb8;
	[tilespmem:$0x10380] =	vst v63  }
0x2bc: {  	_ = 	snop  }
0x2bd: {  	[hbm4b:s0+s2] =	stream.indirect_vreg.scatter [tilespmem:s19], [sflag:$0x2], $0x80, v1, vm4, $0xb8;
	[tilespmem:$0x10380] =	vst v63  }
0x2be: {  	v1 =	vld [tilespmem:$0x101B0];
	_ =	sdelay $0x4  }
0x2bf: {  	v2 =	vshll.u32 v1, $0x3  }
0x2c0: {  	v1 =	vand.u32 $0x7, v1;
	v2 =	vand.u32 $0xFFFFFFC0, v2  }
0x2c1: {  	v1 =	vor.u32 v1, v2  }
0x2c2: {  	v2 =	vperm.xlane v1, v3;
	_ =	sdelay $0x1  }
0x2c3: {  	v2 =	vadd.s32 v11, v2;
	_ =	sdelay $0x4  }
0x2c4: {  	[hbm4b:s9+s2] =	stream.indirect_vreg.scatter [tilespmem:s14], [sflag:$0x2], $0x80, v2, vm4, $0xb8;
	[tilespmem:$0x10380] =	vst v63  }
0x2c5: {  	v1 =	vperm.xlane v1, v63  }
0x2c6: {  	[hbm4b:s10+s2] =	stream.indirect_vreg.scatter [tilespmem:s16], [sflag:$0x2], $0x80, v2, vm4, $0xb8;
	[tilespmem:$0x10380] =	vst v63  }
0x2c7: {  	v1 =	vadd.s32 v11, v1  }
0x2c8: {  	[hbm4b:s11+s2] =	stream.indirect_vreg.scatter [tilespmem:s4], [sflag:$0x2], $0x80, v2, vm4, $0xb8;
	[tilespmem:$0x10380] =	vst v63  }
0x2c9: {  	s3 =	simm.s32 $0xD800  }
0x2ca: {  	[hbm4b:s0+s2] =	stream.indirect_vreg.scatter [tilespmem:s3], [sflag:$0x2], $0x80, v2, vm4, $0xb8;
	[tilespmem:$0x10380] =	vst v63  }
0x2cb: {  	s6 =	simm.s32 $0xE000  }
0x2cc: {  	[hbm4b:s9+s2] =	stream.indirect_vreg.scatter [tilespmem:s6], [sflag:$0x2], $0x80, v1, vm4, $0xb8;
	[tilespmem:$0x10380] =	vst v63  }
0x2cd: {  	s17 =	simm.s32 $0xE800  }
0x2ce: {  	[hbm4b:s10+s2] =	stream.indirect_vreg.scatter [tilespmem:s17], [sflag:$0x2], $0x80, v1, vm4, $0xb8;
	[tilespmem:$0x10380] =	vst v63  }
0x2cf: {  	s31 =	simm.s32 $0xF000  }
0x2d0: {  	[hbm4b:s11+s2] =	stream.indirect_vreg.scatter [tilespmem:s31], [sflag:$0x2], $0x80, v1, vm4, $0xb8;
	[tilespmem:$0x10380] =	vst v63  }
0x2d1: {  	s3 =	simm.s32 $0xF800  }
0x2d2: {  	[hbm4b:s0+s2] =	stream.indirect_vreg.scatter [tilespmem:s3], [sflag:$0x2], $0x80, v1, vm4, $0xb8;
	[tilespmem:$0x10380] =	vst v63  }
0x2d3: {  	s6 =	rddreg [dreg:$0x9];
	s9 =	simm.s32 $0x10100;
	s10 =	simm.s32 $0x3  }
0x2d4: {  	[hbm4b:s6+s2] =	stream.linear.scatter [tilespmem:s9], [sflag:$0x3], $0x40, $0x38;
	[tilespmem:$0x10380] =	vst v63  }
0x2d5: {  	_ =	swait.ge [sflag:s10], $0x40  }
0x2d6: {  	[sflag:s10] =	ssyncset.done $0x0  }
0x2d7: {  	s17 =	simm.s32 $0x10180;
	s11 =	rddreg [dreg:$0xa];
	[sflag:s10] =	ssyncadd.s32 $0xFFFFFFC0  }
0x2d8: {  	[hbm4b:s11+s2] =	stream.linear.scatter [tilespmem:s17], [sflag:$0x3], $0x40, $0x38;
	[tilespmem:$0x10380] =	vst v63  }
0x2d9: {  	_ =	swait.ge [sflag:s10], $0x40  }
0x2da: {  	[sflag:s10] =	ssyncset.done $0x0  }
0x2db: {  	s31 =	simm.s32 $0x1;
	[sflag:s10] =	ssyncadd.s32 $0xFFFFFFC0  }
0x2dc: {  	_ =	swait.ge [sflag:s31], $0x10000  }
.Ltmp2:
0x2dd: {  	[sflag:s31] =	ssyncset.done $0x0;
	(pc) =	sbr.rel @p0 .LBB2_3-.Ltmp2, $4  }
0x2de: {  	[sflag:s31] =	ssyncadd.s32 $0xFFFF0000  }
0x2df: {  	_ =	swait.ge [sflag:s18], $0x10000  }
0x2e0: {  	[sflag:s18] =	ssyncset.done $0x0  }
0x2e1: {  	[sflag:s18] =	ssyncadd.s32 $0xFFFF0000  }
0x2e2: {  	s31 =	rddreg [dreg:$0x4];
	s0 =	simm.s32 $0x10280;
	s11 =	simm.s32 $0x3  }
0x2e3: {  	[tilespmem:s0], [sflag:$0x3] =	stream.linear.gather [hbm4b:s31+s2], $0x80, $0x38;
	[tilespmem:$0x10380] =	vst v63  }
0x2e4: {  	_ =	swait.ge [sflag:s11], $0x80  }
0x2e5: {  	[sflag:s11] =	ssyncset.done $0x0  }
0x2e6: {  	v2 =	vld [tilespmem:$0x1FF50];
	[sflag:s11] =	ssyncadd.s32 $0xFFFFFF80  }
0x2e7: {  	v1 =	vld [tilespmem:$0x10280];
	_ =	sdelay $0x3  }
0x2e8: {  	vm1 =	vnez.u8 v2  }
0x2e9: {  	vm9 =	vcmask $0x308;
	v2 =	vnsel vm1, $0x0, v1  }
0x2ea: {  	vm10 =	vcmask $0x70C;
	(xrf0) =	vadd.scan.msk.s32 $0xffff, v2;
	v2 =	vsel vm9, $0x0, v1  }
0x2eb: {  	(xrf0) =	vadd.scan.msk.s32 $0xffff, v2;
	v2 =	vsel vm10, $0x0, v1  }
0x2ec: {  	vm11 =	vcmask $0xB10;
	(xrf0) =	vadd.scan.msk.s32 $0xffff, v2  }
0x2ed: {  	vm12 =	vcmask $0xF14;
	v2 =	vsel vm11, $0x0, v1  }
0x2ee: {  	vm13 =	vcmask $0x1318;
	(xrf0) =	vadd.scan.msk.s32 $0xffff, v2;
	v2 =	vsel vm12, $0x0, v1  }
0x2ef: {  	v4 =	vlaneseq.u32;
	vm14 =	vcmask $0x171C;
	(xrf0) =	vadd.scan.msk.s32 $0xffff, v2;
	v2 =	vsel vm13, $0x0, v1  }
0x2f0: {  	vm15 =	vcmask $0x1B20;
	v4 =	vmul.u32 $0x200, v4;
	v3, _, _ =	vpop (xrf0);
	(xrf0) =	vadd.scan.msk.s32 $0xffff, v2;
	v2 =	vsel vm14, $0x0, v1  }
0x2f1: {  	v1 =	vsel vm15, $0x0, v1;
	v3 =	vbroadcast v3, $0xF;
	v5, _, _ =	vpop (xrf0);
	(xrf0) =	vadd.scan.msk.s32 $0xffff, v2  }
0x2f2: {  	v2 =	vor.u32 $0x1, v4;
	v5 =	vbroadcast v5, $0xF;
	v6, _, _ =	vpop (xrf0);
	(xrf0) =	vadd.scan.msk.s32 $0xffff, v1  }
0x2f3: {  	vm8 =	vlt.s32 v3, v2;
	v1 =	vbroadcast v6, $0xF  }
0x2f4: {  	v42, _, _ =	vpop (xrf0);
	v7 =	vsel vm8, $0x1, v0;
	vm9 =	vlt.s32 v5, v2  }
0x2f5: {  	v8, _, _ =	vpop (xrf0);
	v6 =	vbroadcast v42, $0xF;
	v9 =	vsel vm9, $0x1, v0;
	vm10 =	vlt.s32 v1, v2  }
0x2f6: {  	v8 =	vbroadcast v8, $0xF;
	v10, _, _ =	vpop (xrf0);
	v7 =	vadd.s32 v9, v7;
	v9 =	vsel vm10, $0x1, v0  }
0x2f7: {  	vm11 =	vlt.s32 v6, v2;
	v12, _, _ =	vpop (xrf0);
	v7 =	vadd.s32 v9, v7;
	v9 =	vbroadcast v10, $0xF  }
0x2f8: {  	v10 =	vsel vm11, $0x1, v0;
	vm12 =	vlt.s32 v8, v2;
	v12 =	vbroadcast v12, $0xF;
	v13, _, _ =	vpop (xrf0)  }
0x2f9: {  	v14 =	vsel vm12, $0x1, v0;
	v7 =	vadd.s32 v10, v7;
	v13 =	vbroadcast v13, $0xF  }
0x2fa: {  	vm13 =	vlt.s32 v9, v2;
	v7 =	vadd.s32 v14, v7;
	vm14 =	vlt.s32 v12, v2  }
0x2fb: {  	v10 =	vsel vm13, $0x1, v0;
	v15 =	vsel vm14, $0x1, v0;
	vm15 =	vlt.s32 v13, v2  }
0x2fc: {  	v2 =	vor.u32 $0x2001, v4;
	v7 =	vadd.s32 v10, v7;
	v43 =	vsel vm15, $0x1, v0  }
0x2fd: {  	vm8 =	vlt.s32 v3, v2;
	vm9 =	vlt.s32 v5, v2;
	v7 =	vadd.s32 v15, v7  }
0x2fe: {  	vm10 =	vlt.s32 v1, v2;
	vm11 =	vlt.s32 v6, v2;
	vm12 =	vlt.s32 v8, v2  }
0x2ff: {  	vm13 =	vlt.s32 v9, v2;
	vm14 =	vlt.s32 v12, v2;
	vm15 =	vlt.s32 v13, v2  }
0x300: {  	v2 =	vor.u32 $0x4001, v4;
	v10 =	vsel vm8, $0x1, v0;
	v44 =	vsel vm9, $0x1, v0  }
0x301: {  	v7 =	vadd.s32 v43, v7;
	v45 =	vsel vm10, $0x1, v0;
	v46 =	vsel vm11, $0x1, v0  }
0x302: {  	v47 =	vsel vm12, $0x1, v0;
	v48 =	vsel vm13, $0x1, v0;
	v16 =	vsel vm14, $0x1, v0  }
0x303: {  	v49 =	vsel vm15, $0x1, v0;
	vm8 =	vlt.s32 v3, v2;
	vm9 =	vlt.s32 v5, v2  }
0x304: {  	vm10 =	vlt.s32 v1, v2;
	vm11 =	vlt.s32 v6, v2;
	vm12 =	vlt.s32 v8, v2  }
0x305: {  	vm13 =	vlt.s32 v9, v2;
	vm14 =	vlt.s32 v12, v2;
	vm15 =	vlt.s32 v13, v2  }
0x306: {  	v2 =	vor.u32 $0x6001, v4;
	v10 =	vadd.s32 v44, v10;
	v50 =	vsel vm8, $0x1, v0  }
0x307: {  	v51 =	vsel vm9, $0x1, v0;
	v52 =	vsel vm10, $0x1, v0;
	v53 =	vsel vm11, $0x1, v0  }
0x308: {  	v54 =	vsel vm12, $0x1, v0;
	v55 =	vsel vm13, $0x1, v0;
	v17 =	vsel vm14, $0x1, v0  }
0x309: {  	v57 =	vsel vm15, $0x1, v0;
	vm8 =	vlt.s32 v3, v2;
	vm9 =	vlt.s32 v5, v2  }
0x30a: {  	vm10 =	vlt.s32 v1, v2;
	vm11 =	vlt.s32 v6, v2;
	vm12 =	vlt.s32 v8, v2  }
0x30b: {  	vm13 =	vlt.s32 v9, v2;
	vm14 =	vlt.s32 v12, v2;
	vm15 =	vlt.s32 v13, v2  }
0x30c: {  	v10 =	vadd.s32 v45, v10;
	v15 =	vadd.s32 v51, v50;
	v58 =	vsel vm8, $0x1, v0  }
0x30d: {  	v5 =	vsel vm9, $0x1, v0;
	v59 =	vsel vm10, $0x1, v0;
	v60 =	vsel vm11, $0x1, v0  }
0x30e: {  	v61 =	vsel vm12, $0x1, v0;
	v62 =	vsel vm13, $0x1, v0;
	v63 =	vsel vm14, $0x1, v0  }
0x30f: {  	v10 =	vadd.s32 v46, v10;
	v14 =	vadd.s32 v52, v15;
	v1 =	vadd.s32 v5, v58  }
0x310: {  	v10 =	vadd.s32 v47, v10;
	v14 =	vadd.s32 v53, v14;
	v1 =	vadd.s32 v59, v1  }
0x311: {  	v10 =	vadd.s32 v48, v10;
	v56 =	vadd.s32 v54, v14;
	v1 =	vadd.s32 v60, v1  }
0x312: {  	v10 =	vadd.s32 v16, v10;
	v3 =	vadd.s32 v55, v56;
	v1 =	vadd.s32 v61, v1  }
0x313: {  	[tilespmem:$0x10300] =	vst v7;
	v10 =	vadd.s32 v49, v10;
	v3 =	vadd.s32 v17, v3;
	v1 =	vadd.s32 v62, v1  }
0x314: {  	[tilespmem:$0x10310] =	vst v10;
	v2 =	vadd.s32 v57, v3;
	v1 =	vadd.s32 v63, v1;
	v3 =	vsel vm15, $0x1, v0  }
0x315: {  	[tilespmem:$0x10320] =	vst v2;
	v1 =	vadd.s32 v3, v1  }
.Ltmp3:
0x316: {  	s1 =	simm.s32 $0x10300;
	s17 =	rddreg [dreg:$0x5];
	[tilespmem:$0x10330] =	vst v1;
	(pc) =	sbr.rel .LBB2_3-.Ltmp3, $4  }
0x317: {  	[hbm4b:s17+s2] =	stream.linear.scatter [tilespmem:s1], [sflag:$0x3], $0x80, $0x38;
	[tilespmem:$0x10380] =	vst v63  }
0x318: {  	_ =	swait.ge [sflag:s11], $0x80  }
0x319: {  	[sflag:s11] =	ssyncset.done $0x0  }
0x31a: {  	[sflag:s11] =	ssyncadd.s32 $0xFFFFFF80  }
.LBB2_4:
0x31b: {  	_ =	sfence.sel $0x180000  }
0x31c: {  	[bflag:$0x0] =	sbarrier.arrive $0xFFFF  }
0x31d: {  	_ =	strace $0x90000047  }
0x31e: {  	s0 =	stileid.u32;
	[bflag:$0x2] =	sbarrier.arrive $0xFFFF  }
0x31f: {  	p0 =	sne.s32 s0, $0x0;
	s0 =	rddreg [dreg:$0x3]  }
0x320: {  	s0 =	sadd.s32 @!p0 $0x100000, s0  }
0x321: {  	[sflag:s0] =	ssyncadd.tile.s32 @!p0 $0x1;
	_ =	shalt  }
.Lfunc_end2:
_tile_overlayer_lowered:
.L_overlay_start_2:
0x322: {  	(tag) =	ssettag $0x2  }
0x323: {  	s0 =	rddreg [dreg:$0x0];
	s2 =	stileid.u32  }
0x324: {  	s1 =	rddreg [dreg:$0x1];
	p0 =	sne.s32 s2, $0x0  }
0x325: {  	s3 =	rddreg [dreg:$0x2];
	[bflag:$0x3] =	sbarrier.arrive $0xFFFF;
	s2 =	simm.s32 @!p0 $0x1C03  }
0x326: {  	[timem:s3], [sflag:s2] =	dma.local @!p0 [hbm:s0], s1  }
0x327: {  	s0 =	simm.s32 @!p0 $0x3  }
0x328: {  	_ =	swait.ge @!p0 [sflag:s0], s1  }
0x329: {  	s1 =	ssub.s32 @!p0 $0x0, s1;
	[sflag:s0] =	ssyncset.done @!p0 $0x0  }
0x32a: {  	[sflag:s0] =	ssyncadd.s32 @!p0 s1  }
0x32b: {  	[bflag:$0x3] =	sbarrier.arrive $0xFFFF  }
0x32c: {  	_ =	shalt  }

</sc_bundles>
